<compile_context>
chip_gen: v7x
topology: tpu7x:2x2x1
jax: 0.10.2.dev20260603
libtpu: 0.0.44.dev20260713+nightly
codegen_flags: <defaults>
</compile_context>

<pallas_src>
import functools

import jax
import jax.numpy as jnp
from jax import lax
from jax.experimental import pallas as pl
from jax.experimental.pallas import tpu as pltpu
from jax.experimental.pallas import tpu_sc as plsc

N = 10000
NP = 10240
EP = 344064
B = 128
BW = 96
NBLK = 84
NBLK_CS = 224
NC, NS = 2, 16
NW = NC * NS
STRIPE = NP // NS
HALF = STRIPE // 2
DH = 64
BN_INV = float((1.0 + 1e-5) ** -0.5)

_MESH = plsc.VectorSubcoreMesh(core_axis_name="c", subcore_axis_name="s")


def _zero_fill(ref, nrows, ncols):
  z16 = jnp.zeros((16,), jnp.float32)
  def row(i, carry):
    for k in range(ncols // 16):
      ref[i, pl.ds(k * 16, 16)] = z16
    return carry
  lax.fori_loop(0, nrows, row, 0)



@functools.partial(
    pl.kernel,
    out_type=jax.ShapeDtypeStruct((NC, NP, DH), jnp.float32),
    mesh=_MESH,
    compiler_params=pltpu.CompilerParams(use_tc_tiling_on_sc=False),
    scratch_types=[
        pltpu.VMEM((NBLK_CS, BW), jnp.int32),
        pltpu.VMEM((NBLK_CS, BW), jnp.int32),
        [pltpu.VMEM((BW, DH), jnp.float32) for _ in range(4)],
        pltpu.VMEM((HALF, DH), jnp.float32),
        pltpu.VMEM_SHARED((NP, DH), jnp.float32),
        pltpu.SemaphoreType.DMA,
        pltpu.SemaphoreType.DMA,
    ],
)
def _agg128(table_l, table_r, srcb, dstb, out, src_v, dst_v, bufs,
            zbuf, acc, semg, sems):
  c = lax.axis_index("c")
  s = lax.axis_index("s")
  base = s * STRIPE

  _zero_fill(zbuf, HALF, DH)
  pltpu.sync_copy(zbuf, acc.at[pl.ds(base, HALF)])
  pltpu.sync_copy(zbuf, acc.at[pl.ds(base + HALF, HALF)])
  pltpu.sync_copy(srcb.at[s], src_v)
  pltpu.sync_copy(dstb.at[s], dst_v)
  plsc.subcore_barrier()

  def edge_loop(table):
    K = 2

    def drain_g(b):
      pltpu.make_async_copy(table.at[src_v.at[0]], bufs[b], semg).wait()

    def drain_s(b):
      pltpu.make_async_copy(bufs[b], acc.at[dst_v.at[0]], sems).wait()

    for b in range(K, 2 * K):
      _zero_fill(bufs[b], BW, DH)
    for b in range(K):
      pltpu.async_copy(table.at[src_v.at[b]], bufs[b], semg)
    for b in range(K, 2 * K):
      pltpu.async_copy(bufs[b], acc.at[dst_v.at[0]], sems, add=True)

    def body(it, carry):
      j0 = 2 * K * it
      for b in range(K):
        drain_g(b)
        pltpu.async_copy(bufs[b], acc.at[dst_v.at[j0 + b]], sems, add=True)
      for b in range(K):
        drain_s(K + b)
      for b in range(K):
        pltpu.async_copy(table.at[src_v.at[j0 + K + b]], bufs[K + b], semg)
      for b in range(K):
        drain_g(K + b)
        pltpu.async_copy(bufs[K + b], acc.at[dst_v.at[j0 + K + b]], sems,
                         add=True)
      for b in range(K):
        drain_s(b)
      for b in range(K):
        jn = jnp.minimum(j0 + 2 * K + b, NBLK_CS - 1)
        pltpu.async_copy(table.at[src_v.at[jn]], bufs[b], semg)
      return carry

    lax.fori_loop(0, NBLK_CS // (2 * K), body, 0)
    for b in range(K):
      drain_g(b)
      drain_s(K + b)

  @pl.when(c == 0)
  def _():
    edge_loop(table_l)

  @pl.when(c == 1)
  def _():
    edge_loop(table_r)

  plsc.subcore_barrier()

  pltpu.sync_copy(acc.at[pl.ds(base, HALF)], zbuf)
  pltpu.sync_copy(zbuf, out.at[c, pl.ds(base, HALF)])
  pltpu.sync_copy(acc.at[pl.ds(base + HALF, HALF)], zbuf)
  pltpu.sync_copy(zbuf, out.at[c, pl.ds(base + HALF, HALF)])


@functools.partial(
    pl.kernel,
    out_type=jax.ShapeDtypeStruct((NC, NP, 16), jnp.float32),
    mesh=_MESH,
    compiler_params=pltpu.CompilerParams(use_tc_tiling_on_sc=False),
    scratch_types=[
        pltpu.VMEM((NBLK, B), jnp.int32),
        pltpu.VMEM((NBLK, B), jnp.int32),
        [pltpu.VMEM((B, 16), jnp.float32) for _ in range(4)],
        pltpu.VMEM((HALF, 16), jnp.float32),
        pltpu.VMEM_SHARED((NP, 16), jnp.float32),
        pltpu.SemaphoreType.DMA,
        pltpu.SemaphoreType.DMA,
    ],
)
def _agg16(table, srcb, dstb, out, src_v, dst_v, bufs, zbuf, acc, semg,
           sems):
  c = lax.axis_index("c")
  s = lax.axis_index("s")
  wid = c * NS + s
  base = s * STRIPE

  _zero_fill(zbuf, HALF, 16)
  pltpu.sync_copy(zbuf, acc.at[pl.ds(base, HALF)])
  pltpu.sync_copy(zbuf, acc.at[pl.ds(base + HALF, HALF)])
  pltpu.sync_copy(srcb.at[wid], src_v)
  pltpu.sync_copy(dstb.at[wid], dst_v)
  plsc.subcore_barrier()

  K = 2

  def drain_g(b):
    pltpu.make_async_copy(table.at[src_v.at[0]], bufs[b], semg).wait()

  def drain_s(b):
    pltpu.make_async_copy(bufs[b], acc.at[dst_v.at[0]], sems).wait()

  for b in range(K, 2 * K):
    _zero_fill(bufs[b], B, 16)
  for b in range(K):
    pltpu.async_copy(table.at[src_v.at[b]], bufs[b], semg)
  for b in range(K, 2 * K):
    pltpu.async_copy(bufs[b], acc.at[dst_v.at[0]], sems, add=True)

  def body(it, carry):
    j0 = 2 * K * it
    for b in range(K):
      drain_g(b)
      pltpu.async_copy(bufs[b], acc.at[dst_v.at[j0 + b]], sems, add=True)
    for b in range(K):
      drain_s(K + b)
    for b in range(K):
      pltpu.async_copy(table.at[src_v.at[j0 + K + b]], bufs[K + b], semg)
    for b in range(K):
      drain_g(K + b)
      pltpu.async_copy(bufs[K + b], acc.at[dst_v.at[j0 + K + b]], sems,
                       add=True)
    for b in range(K):
      drain_s(b)
    for b in range(K):
      jn = jnp.minimum(j0 + 2 * K + b, NBLK - 1)
      pltpu.async_copy(table.at[src_v.at[jn]], bufs[b], semg)
    return carry

  lax.fori_loop(0, NBLK // (2 * K), body, 0)
  for b in range(K):
    drain_g(b)
    drain_s(K + b)
  plsc.subcore_barrier()

  pltpu.sync_copy(acc.at[pl.ds(base, HALF)], zbuf)
  pltpu.sync_copy(zbuf, out.at[c, pl.ds(base, HALF)])
  pltpu.sync_copy(acc.at[pl.ds(base + HALF, HALF)], zbuf)
  pltpu.sync_copy(zbuf, out.at[c, pl.ds(base + HALF, HALF)])


@functools.partial(
    pl.kernel,
    out_type=jax.ShapeDtypeStruct((NC, NP, 16), jnp.float32),
    mesh=_MESH,
    compiler_params=pltpu.CompilerParams(use_tc_tiling_on_sc=False),
    scratch_types=[
        pltpu.VMEM((NBLK, B), jnp.int32),
        pltpu.VMEM((B, 16), jnp.float32),
        pltpu.VMEM((HALF, 16), jnp.float32),
        pltpu.VMEM_SHARED((NP, 16), jnp.float32),
    ],
)
def _deg_kernel(dstb, out, dst_v, ones_v, zbuf, acc):
  c = lax.axis_index("c")
  s = lax.axis_index("s")
  wid = c * NS + s
  base = s * STRIPE

  one16 = jnp.ones((16,), jnp.float32)
  def orow(i, carry):
    ones_v[i, pl.ds(0, 16)] = one16
    return carry
  lax.fori_loop(0, B, orow, 0)

  _zero_fill(zbuf, HALF, 16)
  pltpu.sync_copy(zbuf, acc.at[pl.ds(base, HALF)])
  pltpu.sync_copy(zbuf, acc.at[pl.ds(base + HALF, HALF)])
  pltpu.sync_copy(dstb.at[wid], dst_v)
  plsc.subcore_barrier()

  def body(j, carry):
    pltpu.sync_copy(ones_v, acc.at[dst_v.at[j]], add=True)
    return carry

  lax.fori_loop(0, NBLK, body, 0)
  plsc.subcore_barrier()

  pltpu.sync_copy(acc.at[pl.ds(base, HALF)], zbuf)
  pltpu.sync_copy(zbuf, out.at[c, pl.ds(base, HALF)])
  pltpu.sync_copy(acc.at[pl.ds(base + HALF, HALF)], zbuf)
  pltpu.sync_copy(zbuf, out.at[c, pl.ds(base + HALF, HALF)])


def _tc1_body(degp_ref, xp_ref, dis_ref, xl_ref, xr_ref):
  deg = degp_ref[0, :, 0:1] + degp_ref[1, :, 0:1]
  rows = lax.broadcasted_iota(jnp.int32, (NP, 1), 0)
  dis = jnp.where(rows < N, lax.rsqrt(jnp.maximum(deg, 1.0)), 0.0)
  dis_ref[...] = dis
  xs = dis * xp_ref[...]
  xl_ref[...] = xs[:, :DH]
  xr_ref[...] = xs[:, DH:]


_tc1 = pl.pallas_call(
    _tc1_body,
    out_shape=[jax.ShapeDtypeStruct((NP, 1), jnp.float32),
               jax.ShapeDtypeStruct((NP, DH), jnp.float32),
               jax.ShapeDtypeStruct((NP, DH), jnp.float32)],
)


def _tc2_body(p_ref, dis_ref, w0_ref, b0_ref, h0_ref, hl_ref, hr_ref):
  dis = dis_ref[...]
  a = jnp.concatenate([p_ref[0], p_ref[1]], axis=1)
  h = jnp.dot(dis * a, w0_ref[...],
              preferred_element_type=jnp.float32) + b0_ref[...]
  h = jnp.maximum(h, 0.0)
  h0_ref[...] = h
  hs = dis * h
  hl_ref[...] = hs[:, :DH]
  hr_ref[...] = hs[:, DH:]


_tc2 = pl.pallas_call(
    _tc2_body,
    out_shape=[jax.ShapeDtypeStruct((NP, 128), jnp.float32),
               jax.ShapeDtypeStruct((NP, DH), jnp.float32),
               jax.ShapeDtypeStruct((NP, DH), jnp.float32)],
)


def _tc3_body(p_ref, dis_ref, w1_ref, g_ref, b1_ref, bt_ref, h0_ref, w2p_ref,
              y2s_ref):
  dis = dis_ref[...]
  a = dis * jnp.concatenate([p_ref[0], p_ref[1]], axis=1)
  g = g_ref[...] * BN_INV
  w1g = w1_ref[...] * g
  b1g = b1_ref[...] * g + bt_ref[...]
  h1 = jnp.dot(a, w1g, preferred_element_type=jnp.float32) + b1g
  h1 = jnp.maximum(h1, 0.0) + h0_ref[...]
  y2s_ref[...] = dis * jnp.dot(h1, w2p_ref[...],
                               preferred_element_type=jnp.float32)


_tc3 = pl.pallas_call(
    _tc3_body,
    out_shape=jax.ShapeDtypeStruct((NP, 16), jnp.float32),
)


def _tc4_body(p_ref, dis_ref, b2p_ref, out_ref):
  z = dis_ref[...] * (p_ref[0] + p_ref[1]) + b2p_ref[...]
  z0 = z[:, 0:1]
  z1 = z[:, 1:2]
  m = jnp.maximum(z0, z1)
  lse = m + jnp.log(jnp.exp(z0 - m) + jnp.exp(z1 - m))
  out_ref[...] = z - lse


_tc4 = pl.pallas_call(
    _tc4_body,
    out_shape=jax.ShapeDtypeStruct((NP, 16), jnp.float32),
)


def kernel(x, edge_index, W0, b0, W1, b1, W2, b2, gamma1, beta1):
  ei = edge_index.astype(jnp.int32)
  loops = jnp.arange(N, dtype=jnp.int32)
  pad_n = EP - (ei.shape[1] + N)
  pad_src = jnp.arange(pad_n, dtype=jnp.int32) % N
  src = jnp.concatenate([ei[0], loops, pad_src])
  pad_dst = N + (jnp.arange(pad_n, dtype=jnp.int32) % (NP - N))
  dst = jnp.concatenate([ei[1], loops, pad_dst])
  srcb_e = src.reshape(NW, NBLK, B)
  dstb_e = dst.reshape(NW, NBLK, B)
  srcb_c = src.reshape(NS, NBLK_CS, BW)
  dstb_c = dst.reshape(NS, NBLK_CS, BW)
  xpad = jnp.pad(x, ((0, NP - N), (0, 0)))

  degp = _deg_kernel(dstb_e)
  dis, xl, xr = _tc1(degp, xpad)
  p1 = _agg128(xl, xr, srcb_c, dstb_c)
  h0, hl, hr = _tc2(p1, dis, W0, b0.reshape(1, -1))
  p2 = _agg128(hl, hr, srcb_c, dstb_c)
  w2p = jnp.pad(W2, ((0, 0), (0, 14)))
  y2s = _tc3(p2, dis, W1, gamma1.reshape(1, -1), b1.reshape(1, -1),
             beta1.reshape(1, -1), h0, w2p)
  p3 = _agg16(y2s, srcb_e, dstb_e)
  b2p = jnp.pad(b2, (0, 14)).reshape(1, 16)
  res = _tc4(p3, dis, b2p)
  return res[:N, :2]

# --- scband reference (transcript-rebuilt; emitter-appended) ---
"""Pipeline reference for scband-gcnmodel-27719718928688 (READ-ONLY COPY).

The authoritative reference and input builder live on the scoring server;
editing this copy changes nothing except your own understanding.
"""

import jax, jax.numpy as jnp
import numpy as np

N_NODES = 10000
N_EDGES = 320000
D_IN = 128
D_HID = 128
D_OUT = 2
BN_EPS = 1e-5


def setup_inputs(seed: int = 0) -> dict:
    key = jax.random.key(seed)
    ks = jax.random.split(key, 8)
    x = jax.random.normal(ks[0], (N_NODES, D_IN), dtype=jnp.float32)
    edge_index = jax.random.randint(ks[1], (2, N_EDGES), 0, N_NODES, dtype=jnp.int64)
    s = 1.0 / np.sqrt(D_HID)
    W0 = jax.random.uniform(ks[2], (D_IN, D_HID), dtype=jnp.float32, minval=-s, maxval=s)
    b0 = jnp.zeros((D_HID,), dtype=jnp.float32)
    W1 = jax.random.uniform(ks[3], (D_HID, D_HID), dtype=jnp.float32, minval=-s, maxval=s)
    b1 = jnp.zeros((D_HID,), dtype=jnp.float32)
    W2 = jax.random.uniform(ks[4], (D_HID, D_OUT), dtype=jnp.float32, minval=-s, maxval=s)
    b2 = jnp.zeros((D_OUT,), dtype=jnp.float32)
    gamma1 = jnp.ones((D_HID,), dtype=jnp.float32)
    beta1 = jnp.zeros((D_HID,), dtype=jnp.float32)
    return {"x": x, "edge_index": edge_index, "W0": W0, "b0": b0, "W1": W1, "b1": b1, "W2": W2, "b2": b2, "gamma1": gamma1, "beta1": beta1}


def _gcn_conv(x, src, dst, deg_inv_sqrt, W, b, n):
    # GCNConv: x' = D^{-1/2} (A + I) D^{-1/2} X W + b
    xw = x @ W
    norm = deg_inv_sqrt[src] * deg_inv_sqrt[dst]
    msg = xw[src] * norm[:, None]
    out = jax.ops.segment_sum(msg, dst, num_segments=n)
    return out + b


def _prep_graph(edge_index, n):
    loops = jnp.arange(n, dtype=edge_index.dtype)
    src = jnp.concatenate([edge_index[0], loops])
    dst = jnp.concatenate([edge_index[1], loops])
    deg = jax.ops.segment_sum(jnp.ones(src.shape[0], dtype=jnp.float32), dst, num_segments=n)
    deg_inv_sqrt = jnp.where(deg > 0, 1.0 / jnp.sqrt(deg), 0.0)
    return src, dst, deg_inv_sqrt


def reference(x, edge_index, W0, b0, W1, b1, W2, b2, gamma1, beta1):
    n = x.shape[0]
    src, dst, dis = _prep_graph(edge_index, n)
    # layer 0
    h = _gcn_conv(x, src, dst, dis, W0, b0, n)
    h = jax.nn.relu(h)
    # dropout is identity in eval mode
    # layer 1 (middle) with BN (eval mode: running_mean=0, running_var=1), residual
    h_prev = h
    h = _gcn_conv(h, src, dst, dis, W1, b1, n)
    h = (h - 0.0) / jnp.sqrt(1.0 + BN_EPS) * gamma1 + beta1
    h = jax.nn.relu(h)
    h = h + h_prev
    # layer 2 (output)
    h = _gcn_conv(h, src, dst, dis, W2, b2, n)
    return jax.nn.log_softmax(h, axis=1)

if __name__ == "__main__":
    import jax
    _d = setup_inputs()
    print(jax.jit(kernel)(*tuple(_d.values())))

</pallas_src>

<mosaic_0001>
#map = affine_map<(d0, d1) -> (0, 0, 0)>
module attributes {stable_mosaic.version = 14 : i64} {
  func.func @_deg_kernel(%arg0: i32, %arg1: i32, %arg2: memref<32x84x128xi32, #tpu.memory_space<hbm>>, %arg3: memref<2x10240x16xf32, #tpu.memory_space<hbm>>, %arg4: memref<84x128xi32, #tpu.memory_space<vmem>>, %arg5: memref<128x16xf32, #tpu.memory_space<vmem>>, %arg6: memref<320x16xf32, #tpu.memory_space<vmem>>, %arg7: memref<10240x16xf32, #tpu.memory_space<vmem_shared>>) attributes {dimension_semantics = [#tpu.dimension_semantics<core_parallel>, #tpu.dimension_semantics<subcore_parallel>], iteration_bounds = array<i64: 2, 16>, scalar_prefetch = 0 : i64, scratch_operands = 4 : i64, tpu.core_type = #tpu.core_type<sc_vector_subcore>, window_params = [{transform_indices = #map}, {transform_indices = #map}]} {
    %mul3A = arith.constant 16 : i32
    %mul3A_0 = arith.muli %arg0, %mul3A : i32
    %add3A = arith.addi %mul3A_0, %arg1 : i32
    %mul3A_1 = arith.constant 640 : i32
    %mul3A_2 = arith.muli %arg1, %mul3A_1 : i32
    %broadcast_in_dim3A = arith.constant 1.000000e+00 : f32
    %broadcast_in_dim3A_3 = vector.broadcast %broadcast_in_dim3A : f32 to vector<16xf32>
    %scan3A = arith.constant 0 : i32
    %scan3A_4 = arith.constant 0 : i32
    %scan3A_5 = arith.constant 128 : i32
    %scan3A_6 = arith.addi %scan3A_4, %scan3A_5 : i32
    %scan3A_7 = arith.constant 1 : i32
    scf.for %scan3A_30 = %scan3A_4 to %scan3A_6 step %scan3A_7  : i32 {
      %swap3A = arith.index_cast %scan3A_30 : i32 to index
      %swap3A_31 = arith.constant 0 : index
      %swap3A_32 = tpu.vector_load %arg5[%swap3A, %swap3A_31] {strides = array<i32>} : memref<128x16xf32, #tpu.memory_space<vmem>>, vector<1x16xf32>,
      %swap3A_33 = vector.shape_cast %swap3A_32 : vector<1x16xf32> to vector<16xf32>
      %swap3A_34 = vector.shape_cast %broadcast_in_dim3A_3 : vector<16xf32> to vector<1x16xf32>
      tpu.vector_store %arg5[%swap3A, %swap3A_31], %swap3A_34 {strides = array<i32>} : memref<128x16xf32, #tpu.memory_space<vmem>>, vector<1x16xf32>,
    }
    %scan3A_8 = arith.constant 128 : i32
    %broadcast_in_dim3A_9 = arith.constant 0.000000e+00 : f32
    %broadcast_in_dim3A_10 = vector.broadcast %broadcast_in_dim3A_9 : f32 to vector<16xf32>
    %scan3A_11 = arith.constant 0 : i32
    %scan3A_12 = arith.constant 0 : i32
    %scan3A_13 = arith.constant 320 : i32
    %scan3A_14 = arith.addi %scan3A_12, %scan3A_13 : i32
    %scan3A_15 = arith.constant 1 : i32
    scf.for %scan3A_30 = %scan3A_12 to %scan3A_14 step %scan3A_15  : i32 {
      %swap3A = arith.index_cast %scan3A_30 : i32 to index
      %swap3A_31 = arith.constant 0 : index
      %swap3A_32 = tpu.vector_load %arg6[%swap3A, %swap3A_31] {strides = array<i32>} : memref<320x16xf32, #tpu.memory_space<vmem>>, vector<1x16xf32>,
      %swap3A_33 = vector.shape_cast %swap3A_32 : vector<1x16xf32> to vector<16xf32>
      %swap3A_34 = vector.shape_cast %broadcast_in_dim3A_10 : vector<16xf32> to vector<1x16xf32>
      tpu.vector_store %arg6[%swap3A, %swap3A_31], %swap3A_34 {strides = array<i32>} : memref<320x16xf32, #tpu.memory_space<vmem>>, vector<1x16xf32>,
    }
    %scan3A_16 = arith.constant 320 : i32
    "tpu.region"() ({
      %run_scoped3A = tpu.sem_alloc : memref<!tpu.dma_semaphore, #tpu.memory_space<semaphore_mem>>
      %dma_start3A = arith.constant 0 : i32
      %dma_start3A_30 = tpu.memref_slice %arg7[%mul3A_2, %dma_start3A] : memref<10240x16xf32, #tpu.memory_space<vmem_shared>> -> memref<320x16xf32, #tpu.memory_space<vmem_shared>>
      %dma_start3A_31 = arith.constant 0 : i32
      %dma_start3A_32 = tpu.memref_slice %arg7[%mul3A_2, %dma_start3A_31] : memref<10240x16xf32, #tpu.memory_space<vmem_shared>> -> memref<320x16xf32, #tpu.memory_space<vmem_shared>>
      tpu.enqueue_dma source(%arg6 : memref<320x16xf32, #tpu.memory_space<vmem>>) target(%dma_start3A_32 : memref<320x16xf32, #tpu.memory_space<vmem_shared>>) target_semaphore(%run_scoped3A : memref<!tpu.dma_semaphore, #tpu.memory_space<semaphore_mem>>)
      %dma_wait3A = arith.constant 0 : i32
      %dma_wait3A_33 = tpu.memref_slice %arg7[%mul3A_2, %dma_wait3A] : memref<10240x16xf32, #tpu.memory_space<vmem_shared>> -> memref<320x16xf32, #tpu.memory_space<vmem_shared>>
      %dma_wait3A_34 = arith.constant 0 : i32
      %dma_wait3A_35 = tpu.memref_slice %arg7[%mul3A_2, %dma_wait3A_34] : memref<10240x16xf32, #tpu.memory_space<vmem_shared>> -> memref<320x16xf32, #tpu.memory_space<vmem_shared>>
      tpu.wait_dma2 semaphore(%run_scoped3A : memref<!tpu.dma_semaphore, #tpu.memory_space<semaphore_mem>>) src(%arg6 : memref<320x16xf32, #tpu.memory_space<vmem>>) dst(%dma_wait3A_35 : memref<320x16xf32, #tpu.memory_space<vmem_shared>>)
      tpu.yield
    }) : () -> ()
    %add3A_17 = arith.constant 320 : i32
    %add3A_18 = arith.addi %mul3A_2, %add3A_17 : i32
    "tpu.region"() ({
      %run_scoped3A = tpu.sem_alloc : memref<!tpu.dma_semaphore, #tpu.memory_space<semaphore_mem>>
      %dma_start3A = arith.constant 0 : i32
      %dma_start3A_30 = tpu.memref_slice %arg7[%add3A_18, %dma_start3A] : memref<10240x16xf32, #tpu.memory_space<vmem_shared>> -> memref<320x16xf32, #tpu.memory_space<vmem_shared>>
      %dma_start3A_31 = arith.constant 0 : i32
      %dma_start3A_32 = tpu.memref_slice %arg7[%add3A_18, %dma_start3A_31] : memref<10240x16xf32, #tpu.memory_space<vmem_shared>> -> memref<320x16xf32, #tpu.memory_space<vmem_shared>>
      tpu.enqueue_dma source(%arg6 : memref<320x16xf32, #tpu.memory_space<vmem>>) target(%dma_start3A_32 : memref<320x16xf32, #tpu.memory_space<vmem_shared>>) target_semaphore(%run_scoped3A : memref<!tpu.dma_semaphore, #tpu.memory_space<semaphore_mem>>)
      %dma_wait3A = arith.constant 0 : i32
      %dma_wait3A_33 = tpu.memref_slice %arg7[%add3A_18, %dma_wait3A] : memref<10240x16xf32, #tpu.memory_space<vmem_shared>> -> memref<320x16xf32, #tpu.memory_space<vmem_shared>>
      %dma_wait3A_34 = arith.constant 0 : i32
      %dma_wait3A_35 = tpu.memref_slice %arg7[%add3A_18, %dma_wait3A_34] : memref<10240x16xf32, #tpu.memory_space<vmem_shared>> -> memref<320x16xf32, #tpu.memory_space<vmem_shared>>
      tpu.wait_dma2 semaphore(%run_scoped3A : memref<!tpu.dma_semaphore, #tpu.memory_space<semaphore_mem>>) src(%arg6 : memref<320x16xf32, #tpu.memory_space<vmem>>) dst(%dma_wait3A_35 : memref<320x16xf32, #tpu.memory_space<vmem_shared>>)
      tpu.yield
    }) : () -> ()
    "tpu.region"() ({
      %run_scoped3A = tpu.sem_alloc : memref<!tpu.dma_semaphore, #tpu.memory_space<semaphore_mem>>
      %dma_start3A = arith.constant 0 : i32
      %dma_start3A_30 = arith.constant 0 : i32
      %dma_start3A_31 = tpu.memref_slice %arg2[%add3A, %dma_start3A, %dma_start3A_30] : memref<32x84x128xi32, #tpu.memory_space<hbm>> -> memref<1x84x128xi32, #tpu.memory_space<hbm>>
      %dma_start3A_32 = tpu.memref_squeeze %dma_start3A_31 : memref<1x84x128xi32, #tpu.memory_space<hbm>> -> memref<84x128xi32, #tpu.memory_space<hbm>>
      %dma_start3A_33 = arith.constant 0 : i32
      %dma_start3A_34 = arith.constant 0 : i32
      %dma_start3A_35 = tpu.memref_slice %arg2[%add3A, %dma_start3A_33, %dma_start3A_34] : memref<32x84x128xi32, #tpu.memory_space<hbm>> -> memref<1x84x128xi32, #tpu.memory_space<hbm>>
      %dma_start3A_36 = tpu.memref_squeeze %dma_start3A_35 : memref<1x84x128xi32, #tpu.memory_space<hbm>> -> memref<84x128xi32, #tpu.memory_space<hbm>>
      tpu.enqueue_dma source(%dma_start3A_36 : memref<84x128xi32, #tpu.memory_space<hbm>>) target(%arg4 : memref<84x128xi32, #tpu.memory_space<vmem>>) target_semaphore(%run_scoped3A : memref<!tpu.dma_semaphore, #tpu.memory_space<semaphore_mem>>)
      %dma_wait3A = arith.constant 0 : i32
      %dma_wait3A_37 = arith.constant 0 : i32
      %dma_wait3A_38 = tpu.memref_slice %arg2[%add3A, %dma_wait3A, %dma_wait3A_37] : memref<32x84x128xi32, #tpu.memory_space<hbm>> -> memref<1x84x128xi32, #tpu.memory_space<hbm>>
      %dma_wait3A_39 = tpu.memref_squeeze %dma_wait3A_38 : memref<1x84x128xi32, #tpu.memory_space<hbm>> -> memref<84x128xi32, #tpu.memory_space<hbm>>
      %dma_wait3A_40 = arith.constant 0 : i32
      %dma_wait3A_41 = arith.constant 0 : i32
      %dma_wait3A_42 = tpu.memref_slice %arg2[%add3A, %dma_wait3A_40, %dma_wait3A_41] : memref<32x84x128xi32, #tpu.memory_space<hbm>> -> memref<1x84x128xi32, #tpu.memory_space<hbm>>
      %dma_wait3A_43 = tpu.memref_squeeze %dma_wait3A_42 : memref<1x84x128xi32, #tpu.memory_space<hbm>> -> memref<84x128xi32, #tpu.memory_space<hbm>>
      tpu.wait_dma2 semaphore(%run_scoped3A : memref<!tpu.dma_semaphore, #tpu.memory_space<semaphore_mem>>) src(%dma_wait3A_43 : memref<84x128xi32, #tpu.memory_space<hbm>>) dst(%arg4 : memref<84x128xi32, #tpu.memory_space<vmem>>)
      tpu.yield
    }) : () -> ()
    %barrier3A = arith.constant 0 : index
    tpu.barrier barrier_id(%barrier3A)
    %scan3A_19 = arith.constant 0 : i32
    %scan3A_20 = arith.constant 0 : i32
    %scan3A_21 = arith.constant 84 : i32
    %scan3A_22 = arith.addi %scan3A_20, %scan3A_21 : i32
    %scan3A_23 = arith.constant 1 : i32
    scf.for %scan3A_30 = %scan3A_20 to %scan3A_22 step %scan3A_23  : i32 {
      "tpu.region"() ({
        %run_scoped3A = tpu.sem_alloc : memref<!tpu.dma_semaphore, #tpu.memory_space<semaphore_mem>>
        %dma_start3A = arith.constant 0 : i32
        %dma_start3A_31 = tpu.memref_slice %arg4[%scan3A_30, %dma_start3A] : memref<84x128xi32, #tpu.memory_space<vmem>> -> memref<1x128xi32, #tpu.memory_space<vmem>>
        %dma_start3A_32 = tpu.memref_squeeze %dma_start3A_31 : memref<1x128xi32, #tpu.memory_space<vmem>> -> memref<128xi32, #tpu.memory_space<vmem>>
        %dma_start3A_33 = arith.constant 0 : i32
        %dma_start3A_34 = arith.constant 0 : i32
        %dma_start3A_35 = tpu.memref_slice %arg7[%dma_start3A_33, %dma_start3A_34] : memref<10240x16xf32, #tpu.memory_space<vmem_shared>> -> memref<10240x16xf32, #tpu.memory_space<vmem_shared>>
        tpu.enqueue_indirect_dma source(%arg5 : memref<128x16xf32, #tpu.memory_space<vmem>>) target(%dma_start3A_35 : memref<10240x16xf32, #tpu.memory_space<vmem_shared>>) offsets(%dma_start3A_32 : memref<128xi32, #tpu.memory_space<vmem>>) semaphore(%run_scoped3A : memref<!tpu.dma_semaphore, #tpu.memory_space<semaphore_mem>>) {add = true}
        %dma_wait3A = arith.constant 0 : i32
        %dma_wait3A_36 = tpu.memref_slice %arg4[%scan3A_30, %dma_wait3A] : memref<84x128xi32, #tpu.memory_space<vmem>> -> memref<1x128xi32, #tpu.memory_space<vmem>>
        %dma_wait3A_37 = tpu.memref_squeeze %dma_wait3A_36 : memref<1x128xi32, #tpu.memory_space<vmem>> -> memref<128xi32, #tpu.memory_space<vmem>>
        %dma_wait3A_38 = arith.constant 0 : i32
        %dma_wait3A_39 = arith.constant 0 : i32
        %dma_wait3A_40 = tpu.memref_slice %arg7[%dma_wait3A_38, %dma_wait3A_39] : memref<10240x16xf32, #tpu.memory_space<vmem_shared>> -> memref<10240x16xf32, #tpu.memory_space<vmem_shared>>
        tpu.wait_indirect_dma semaphore(%run_scoped3A : memref<!tpu.dma_semaphore, #tpu.memory_space<semaphore_mem>>) src(%arg5 : memref<128x16xf32, #tpu.memory_space<vmem>>) dst(%dma_wait3A_40 : memref<10240x16xf32, #tpu.memory_space<vmem_shared>>)
        tpu.yield
      }) : () -> ()
    }
    %scan3A_24 = arith.constant 84 : i32
    %barrier3A_25 = arith.constant 0 : index
    tpu.barrier barrier_id(%barrier3A_25)
    "tpu.region"() ({
      %run_scoped3A = tpu.sem_alloc : memref<!tpu.dma_semaphore, #tpu.memory_space<semaphore_mem>>
      %dma_start3A = arith.constant 0 : i32
      %dma_start3A_30 = tpu.memref_slice %arg7[%mul3A_2, %dma_start3A] : memref<10240x16xf32, #tpu.memory_space<vmem_shared>> -> memref<320x16xf32, #tpu.memory_space<vmem_shared>>
      %dma_start3A_31 = arith.constant 0 : i32
      %dma_start3A_32 = tpu.memref_slice %arg7[%mul3A_2, %dma_start3A_31] : memref<10240x16xf32, #tpu.memory_space<vmem_shared>> -> memref<320x16xf32, #tpu.memory_space<vmem_shared>>
      tpu.enqueue_dma source(%dma_start3A_32 : memref<320x16xf32, #tpu.memory_space<vmem_shared>>) target(%arg6 : memref<320x16xf32, #tpu.memory_space<vmem>>) target_semaphore(%run_scoped3A : memref<!tpu.dma_semaphore, #tpu.memory_space<semaphore_mem>>)
      %dma_wait3A = arith.constant 0 : i32
      %dma_wait3A_33 = tpu.memref_slice %arg7[%mul3A_2, %dma_wait3A] : memref<10240x16xf32, #tpu.memory_space<vmem_shared>> -> memref<320x16xf32, #tpu.memory_space<vmem_shared>>
      %dma_wait3A_34 = arith.constant 0 : i32
      %dma_wait3A_35 = tpu.memref_slice %arg7[%mul3A_2, %dma_wait3A_34] : memref<10240x16xf32, #tpu.memory_space<vmem_shared>> -> memref<320x16xf32, #tpu.memory_space<vmem_shared>>
      tpu.wait_dma2 semaphore(%run_scoped3A : memref<!tpu.dma_semaphore, #tpu.memory_space<semaphore_mem>>) src(%dma_wait3A_35 : memref<320x16xf32, #tpu.memory_space<vmem_shared>>) dst(%arg6 : memref<320x16xf32, #tpu.memory_space<vmem>>)
      tpu.yield
    }) : () -> ()
    "tpu.region"() ({
      %run_scoped3A = tpu.sem_alloc : memref<!tpu.dma_semaphore, #tpu.memory_space<semaphore_mem>>
      %dma_start3A = arith.constant 0 : i32
      %dma_start3A_30 = tpu.memref_slice %arg3[%arg0, %mul3A_2, %dma_start3A] : memref<2x10240x16xf32, #tpu.memory_space<hbm>> -> memref<1x320x16xf32, #tpu.memory_space<hbm>>
      %dma_start3A_31 = tpu.memref_squeeze %dma_start3A_30 : memref<1x320x16xf32, #tpu.memory_space<hbm>> -> memref<320x16xf32, #tpu.memory_space<hbm>>
      %dma_start3A_32 = arith.constant 0 : i32
      %dma_start3A_33 = tpu.memref_slice %arg3[%arg0, %mul3A_2, %dma_start3A_32] : memref<2x10240x16xf32, #tpu.memory_space<hbm>> -> memref<1x320x16xf32, #tpu.memory_space<hbm>>
      %dma_start3A_34 = tpu.memref_squeeze %dma_start3A_33 : memref<1x320x16xf32, #tpu.memory_space<hbm>> -> memref<320x16xf32, #tpu.memory_space<hbm>>
      tpu.enqueue_dma source(%arg6 : memref<320x16xf32, #tpu.memory_space<vmem>>) target(%dma_start3A_34 : memref<320x16xf32, #tpu.memory_space<hbm>>) target_semaphore(%run_scoped3A : memref<!tpu.dma_semaphore, #tpu.memory_space<semaphore_mem>>)
      %dma_wait3A = arith.constant 0 : i32
      %dma_wait3A_35 = tpu.memref_slice %arg3[%arg0, %mul3A_2, %dma_wait3A] : memref<2x10240x16xf32, #tpu.memory_space<hbm>> -> memref<1x320x16xf32, #tpu.memory_space<hbm>>
      %dma_wait3A_36 = tpu.memref_squeeze %dma_wait3A_35 : memref<1x320x16xf32, #tpu.memory_space<hbm>> -> memref<320x16xf32, #tpu.memory_space<hbm>>
      %dma_wait3A_37 = arith.constant 0 : i32
      %dma_wait3A_38 = tpu.memref_slice %arg3[%arg0, %mul3A_2, %dma_wait3A_37] : memref<2x10240x16xf32, #tpu.memory_space<hbm>> -> memref<1x320x16xf32, #tpu.memory_space<hbm>>
      %dma_wait3A_39 = tpu.memref_squeeze %dma_wait3A_38 : memref<1x320x16xf32, #tpu.memory_space<hbm>> -> memref<320x16xf32, #tpu.memory_space<hbm>>
      tpu.wait_dma2 semaphore(%run_scoped3A : memref<!tpu.dma_semaphore, #tpu.memory_space<semaphore_mem>>) src(%arg6 : memref<320x16xf32, #tpu.memory_space<vmem>>) dst(%dma_wait3A_39 : memref<320x16xf32, #tpu.memory_space<hbm>>)
      tpu.yield
    }) : () -> ()
    %add3A_26 = arith.constant 320 : i32
    %add3A_27 = arith.addi %mul3A_2, %add3A_26 : i32
    "tpu.region"() ({
      %run_scoped3A = tpu.sem_alloc : memref<!tpu.dma_semaphore, #tpu.memory_space<semaphore_mem>>
      %dma_start3A = arith.constant 0 : i32
      %dma_start3A_30 = tpu.memref_slice %arg7[%add3A_27, %dma_start3A] : memref<10240x16xf32, #tpu.memory_space<vmem_shared>> -> memref<320x16xf32, #tpu.memory_space<vmem_shared>>
      %dma_start3A_31 = arith.constant 0 : i32
      %dma_start3A_32 = tpu.memref_slice %arg7[%add3A_27, %dma_start3A_31] : memref<10240x16xf32, #tpu.memory_space<vmem_shared>> -> memref<320x16xf32, #tpu.memory_space<vmem_shared>>
      tpu.enqueue_dma source(%dma_start3A_32 : memref<320x16xf32, #tpu.memory_space<vmem_shared>>) target(%arg6 : memref<320x16xf32, #tpu.memory_space<vmem>>) target_semaphore(%run_scoped3A : memref<!tpu.dma_semaphore, #tpu.memory_space<semaphore_mem>>)
      %dma_wait3A = arith.constant 0 : i32
      %dma_wait3A_33 = tpu.memref_slice %arg7[%add3A_27, %dma_wait3A] : memref<10240x16xf32, #tpu.memory_space<vmem_shared>> -> memref<320x16xf32, #tpu.memory_space<vmem_shared>>
      %dma_wait3A_34 = arith.constant 0 : i32
      %dma_wait3A_35 = tpu.memref_slice %arg7[%add3A_27, %dma_wait3A_34] : memref<10240x16xf32, #tpu.memory_space<vmem_shared>> -> memref<320x16xf32, #tpu.memory_space<vmem_shared>>
      tpu.wait_dma2 semaphore(%run_scoped3A : memref<!tpu.dma_semaphore, #tpu.memory_space<semaphore_mem>>) src(%dma_wait3A_35 : memref<320x16xf32, #tpu.memory_space<vmem_shared>>) dst(%arg6 : memref<320x16xf32, #tpu.memory_space<vmem>>)
      tpu.yield
    }) : () -> ()
    %add3A_28 = arith.constant 320 : i32
    %add3A_29 = arith.addi %mul3A_2, %add3A_28 : i32
    "tpu.region"() ({
      %run_scoped3A = tpu.sem_alloc : memref<!tpu.dma_semaphore, #tpu.memory_space<semaphore_mem>>
      %dma_start3A = arith.constant 0 : i32
      %dma_start3A_30 = tpu.memref_slice %arg3[%arg0, %add3A_29, %dma_start3A] : memref<2x10240x16xf32, #tpu.memory_space<hbm>> -> memref<1x320x16xf32, #tpu.memory_space<hbm>>
      %dma_start3A_31 = tpu.memref_squeeze %dma_start3A_30 : memref<1x320x16xf32, #tpu.memory_space<hbm>> -> memref<320x16xf32, #tpu.memory_space<hbm>>
      %dma_start3A_32 = arith.constant 0 : i32
      %dma_start3A_33 = tpu.memref_slice %arg3[%arg0, %add3A_29, %dma_start3A_32] : memref<2x10240x16xf32, #tpu.memory_space<hbm>> -> memref<1x320x16xf32, #tpu.memory_space<hbm>>
      %dma_start3A_34 = tpu.memref_squeeze %dma_start3A_33 : memref<1x320x16xf32, #tpu.memory_space<hbm>> -> memref<320x16xf32, #tpu.memory_space<hbm>>
      tpu.enqueue_dma source(%arg6 : memref<320x16xf32, #tpu.memory_space<vmem>>) target(%dma_start3A_34 : memref<320x16xf32, #tpu.memory_space<hbm>>) target_semaphore(%run_scoped3A : memref<!tpu.dma_semaphore, #tpu.memory_space<semaphore_mem>>)
      %dma_wait3A = arith.constant 0 : i32
      %dma_wait3A_35 = tpu.memref_slice %arg3[%arg0, %add3A_29, %dma_wait3A] : memref<2x10240x16xf32, #tpu.memory_space<hbm>> -> memref<1x320x16xf32, #tpu.memory_space<hbm>>
      %dma_wait3A_36 = tpu.memref_squeeze %dma_wait3A_35 : memref<1x320x16xf32, #tpu.memory_space<hbm>> -> memref<320x16xf32, #tpu.memory_space<hbm>>
      %dma_wait3A_37 = arith.constant 0 : i32
      %dma_wait3A_38 = tpu.memref_slice %arg3[%arg0, %add3A_29, %dma_wait3A_37] : memref<2x10240x16xf32, #tpu.memory_space<hbm>> -> memref<1x320x16xf32, #tpu.memory_space<hbm>>
      %dma_wait3A_39 = tpu.memref_squeeze %dma_wait3A_38 : memref<1x320x16xf32, #tpu.memory_space<hbm>> -> memref<320x16xf32, #tpu.memory_space<hbm>>
      tpu.wait_dma2 semaphore(%run_scoped3A : memref<!tpu.dma_semaphore, #tpu.memory_space<semaphore_mem>>) src(%arg6 : memref<320x16xf32, #tpu.memory_space<vmem>>) dst(%dma_wait3A_39 : memref<320x16xf32, #tpu.memory_space<hbm>>)
      tpu.yield
    }) : () -> ()
    return
  }
}

#map = affine_map<(d0, d1) -> (0, 0)>
#map1 = affine_map<(d0, d1) -> (0, 0, 0)>
module attributes {stable_mosaic.version = 14 : i64} {
  func.func @_agg128(%arg0: i32, %arg1: i32, %arg2: memref<10240x64xf32, #tpu.memory_space<hbm>>, %arg3: memref<10240x64xf32, #tpu.memory_space<hbm>>, %arg4: memref<16x224x96xi32, #tpu.memory_space<hbm>>, %arg5: memref<16x224x96xi32, #tpu.memory_space<hbm>>, %arg6: memref<2x10240x64xf32, #tpu.memory_space<hbm>>, %arg7: memref<224x96xi32, #tpu.memory_space<vmem>>, %arg8: memref<224x96xi32, #tpu.memory_space<vmem>>, %arg9: memref<96x64xf32, #tpu.memory_space<vmem>>, %arg10: memref<96x64xf32, #tpu.memory_space<vmem>>, %arg11: memref<96x64xf32, #tpu.memory_space<vmem>>, %arg12: memref<96x64xf32, #tpu.memory_space<vmem>>, %arg13: memref<320x64xf32, #tpu.memory_space<vmem>>, %arg14: memref<10240x64xf32, #tpu.memory_space<vmem_shared>>, %arg15: memref<!tpu.dma_semaphore, #tpu.memory_space<semaphore_mem>>, %arg16: memref<!tpu.dma_semaphore, #tpu.memory_space<semaphore_mem>>) attributes {dimension_semantics = [#tpu.dimension_semantics<core_parallel>, #tpu.dimension_semantics<subcore_parallel>], iteration_bounds = array<i64: 2, 16>, scalar_prefetch = 0 : i64, scratch_operands = 10 : i64, tpu.core_type = #tpu.core_type<sc_vector_subcore>, window_params = [{transform_indices = #map}, {transform_indices = #map}, {transform_indices = #map1}, {transform_indices = #map1}, {transform_indices = #map1}]} {
    %mul3A = arith.constant 640 : i32
    %mul3A_0 = arith.muli %arg1, %mul3A : i32
    %broadcast_in_dim3A = arith.constant 0.000000e+00 : f32
    %broadcast_in_dim3A_1 = vector.broadcast %broadcast_in_dim3A : f32 to vector<16xf32>
    %scan3A = arith.constant 0 : i32
    %scan3A_2 = arith.constant 0 : i32
    %scan3A_3 = arith.constant 320 : i32
    %scan3A_4 = arith.addi %scan3A_2, %scan3A_3 : i32
    %scan3A_5 = arith.constant 1 : i32
    scf.for %scan3A_20 = %scan3A_2 to %scan3A_4 step %scan3A_5  : i32 {
      %swap3A = arith.index_cast %scan3A_20 : i32 to index
      %swap3A_21 = arith.constant 0 : index
      %swap3A_22 = tpu.vector_load %arg13[%swap3A, %swap3A_21] {strides = array<i32>} : memref<320x64xf32, #tpu.memory_space<vmem>>, vector<1x16xf32>,
      %swap3A_23 = vector.shape_cast %swap3A_22 : vector<1x16xf32> to vector<16xf32>
      %swap3A_24 = vector.shape_cast %broadcast_in_dim3A_1 : vector<16xf32> to vector<1x16xf32>
      tpu.vector_store %arg13[%swap3A, %swap3A_21], %swap3A_24 {strides = array<i32>} : memref<320x64xf32, #tpu.memory_space<vmem>>, vector<1x16xf32>,
      %swap3A_25 = arith.index_cast %scan3A_20 : i32 to index
      %swap3A_26 = arith.constant 16 : index
      %swap3A_27 = tpu.vector_load %arg13[%swap3A_25, %swap3A_26] {strides = array<i32>} : memref<320x64xf32, #tpu.memory_space<vmem>>, vector<1x16xf32>,
      %swap3A_28 = vector.shape_cast %swap3A_27 : vector<1x16xf32> to vector<16xf32>
      %swap3A_29 = vector.shape_cast %broadcast_in_dim3A_1 : vector<16xf32> to vector<1x16xf32>
      tpu.vector_store %arg13[%swap3A_25, %swap3A_26], %swap3A_29 {strides = array<i32>} : memref<320x64xf32, #tpu.memory_space<vmem>>, vector<1x16xf32>,
      %swap3A_30 = arith.index_cast %scan3A_20 : i32 to index
      %swap3A_31 = arith.constant 32 : index
      %swap3A_32 = tpu.vector_load %arg13[%swap3A_30, %swap3A_31] {strides = array<i32>} : memref<320x64xf32, #tpu.memory_space<vmem>>, vector<1x16xf32>,
      %swap3A_33 = vector.shape_cast %swap3A_32 : vector<1x16xf32> to vector<16xf32>
      %swap3A_34 = vector.shape_cast %broadcast_in_dim3A_1 : vector<16xf32> to vector<1x16xf32>
      tpu.vector_store %arg13[%swap3A_30, %swap3A_31], %swap3A_34 {strides = array<i32>} : memref<320x64xf32, #tpu.memory_space<vmem>>, vector<1x16xf32>,
      %swap3A_35 = arith.index_cast %scan3A_20 : i32 to index
      %swap3A_36 = arith.constant 48 : index
      %swap3A_37 = tpu.vector_load %arg13[%swap3A_35, %swap3A_36] {strides = array<i32>} : memref<320x64xf32, #tpu.memory_space<vmem>>, vector<1x16xf32>,
      %swap3A_38 = vector.shape_cast %swap3A_37 : vector<1x16xf32> to vector<16xf32>
      %swap3A_39 = vector.shape_cast %broadcast_in_dim3A_1 : vector<16xf32> to vector<1x16xf32>
      tpu.vector_store %arg13[%swap3A_35, %swap3A_36], %swap3A_39 {strides = array<i32>} : memref<320x64xf32, #tpu.memory_space<vmem>>, vector<1x16xf32>,
    }
    %scan3A_6 = arith.constant 320 : i32
    "tpu.region"() ({
      %run_scoped3A = tpu.sem_alloc : memref<!tpu.dma_semaphore, #tpu.memory_space<semaphore_mem>>
      %dma_start3A = arith.constant 0 : i32
      %dma_start3A_20 = tpu.memref_slice %arg14[%mul3A_0, %dma_start3A] : memref<10240x64xf32, #tpu.memory_space<vmem_shared>> -> memref<320x64xf32, #tpu.memory_space<vmem_shared>>
      %dma_start3A_21 = arith.constant 0 : i32
      %dma_start3A_22 = tpu.memref_slice %arg14[%mul3A_0, %dma_start3A_21] : memref<10240x64xf32, #tpu.memory_space<vmem_shared>> -> memref<320x64xf32, #tpu.memory_space<vmem_shared>>
      tpu.enqueue_dma source(%arg13 : memref<320x64xf32, #tpu.memory_space<vmem>>) target(%dma_start3A_22 : memref<320x64xf32, #tpu.memory_space<vmem_shared>>) target_semaphore(%run_scoped3A : memref<!tpu.dma_semaphore, #tpu.memory_space<semaphore_mem>>)
      %dma_wait3A = arith.constant 0 : i32
      %dma_wait3A_23 = tpu.memref_slice %arg14[%mul3A_0, %dma_wait3A] : memref<10240x64xf32, #tpu.memory_space<vmem_shared>> -> memref<320x64xf32, #tpu.memory_space<vmem_shared>>
      %dma_wait3A_24 = arith.constant 0 : i32
      %dma_wait3A_25 = tpu.memref_slice %arg14[%mul3A_0, %dma_wait3A_24] : memref<10240x64xf32, #tpu.memory_space<vmem_shared>> -> memref<320x64xf32, #tpu.memory_space<vmem_shared>>
      tpu.wait_dma2 semaphore(%run_scoped3A : memref<!tpu.dma_semaphore, #tpu.memory_space<semaphore_mem>>) src(%arg13 : memref<320x64xf32, #tpu.memory_space<vmem>>) dst(%dma_wait3A_25 : memref<320x64xf32, #tpu.memory_space<vmem_shared>>)
      tpu.yield
    }) : () -> ()
    %add3A = arith.constant 320 : i32
    %add3A_7 = arith.addi %mul3A_0, %add3A : i32
    "tpu.region"() ({
      %run_scoped3A = tpu.sem_alloc : memref<!tpu.dma_semaphore, #tpu.memory_space<semaphore_mem>>
      %dma_start3A = arith.constant 0 : i32
      %dma_start3A_20 = tpu.memref_slice %arg14[%add3A_7, %dma_start3A] : memref<10240x64xf32, #tpu.memory_space<vmem_shared>> -> memref<320x64xf32, #tpu.memory_space<vmem_shared>>
      %dma_start3A_21 = arith.constant 0 : i32
      %dma_start3A_22 = tpu.memref_slice %arg14[%add3A_7, %dma_start3A_21] : memref<10240x64xf32, #tpu.memory_space<vmem_shared>> -> memref<320x64xf32, #tpu.memory_space<vmem_shared>>
      tpu.enqueue_dma source(%arg13 : memref<320x64xf32, #tpu.memory_space<vmem>>) target(%dma_start3A_22 : memref<320x64xf32, #tpu.memory_space<vmem_shared>>) target_semaphore(%run_scoped3A : memref<!tpu.dma_semaphore, #tpu.memory_space<semaphore_mem>>)
      %dma_wait3A = arith.constant 0 : i32
      %dma_wait3A_23 = tpu.memref_slice %arg14[%add3A_7, %dma_wait3A] : memref<10240x64xf32, #tpu.memory_space<vmem_shared>> -> memref<320x64xf32, #tpu.memory_space<vmem_shared>>
      %dma_wait3A_24 = arith.constant 0 : i32
      %dma_wait3A_25 = tpu.memref_slice %arg14[%add3A_7, %dma_wait3A_24] : memref<10240x64xf32, #tpu.memory_space<vmem_shared>> -> memref<320x64xf32, #tpu.memory_space<vmem_shared>>
      tpu.wait_dma2 semaphore(%run_scoped3A : memref<!tpu.dma_semaphore, #tpu.memory_space<semaphore_mem>>) src(%arg13 : memref<320x64xf32, #tpu.memory_space<vmem>>) dst(%dma_wait3A_25 : memref<320x64xf32, #tpu.memory_space<vmem_shared>>)
      tpu.yield
    }) : () -> ()
    "tpu.region"() ({
      %run_scoped3A = tpu.sem_alloc : memref<!tpu.dma_semaphore, #tpu.memory_space<semaphore_mem>>
      %dma_start3A = arith.constant 0 : i32
      %dma_start3A_20 = arith.constant 0 : i32
      %dma_start3A_21 = tpu.memref_slice %arg4[%arg1, %dma_start3A, %dma_start3A_20] : memref<16x224x96xi32, #tpu.memory_space<hbm>> -> memref<1x224x96xi32, #tpu.memory_space<hbm>>
      %dma_start3A_22 = tpu.memref_squeeze %dma_start3A_21 : memref<1x224x96xi32, #tpu.memory_space<hbm>> -> memref<224x96xi32, #tpu.memory_space<hbm>>
      %dma_start3A_23 = arith.constant 0 : i32
      %dma_start3A_24 = arith.constant 0 : i32
      %dma_start3A_25 = tpu.memref_slice %arg4[%arg1, %dma_start3A_23, %dma_start3A_24] : memref<16x224x96xi32, #tpu.memory_space<hbm>> -> memref<1x224x96xi32, #tpu.memory_space<hbm>>
      %dma_start3A_26 = tpu.memref_squeeze %dma_start3A_25 : memref<1x224x96xi32, #tpu.memory_space<hbm>> -> memref<224x96xi32, #tpu.memory_space<hbm>>
      tpu.enqueue_dma source(%dma_start3A_26 : memref<224x96xi32, #tpu.memory_space<hbm>>) target(%arg7 : memref<224x96xi32, #tpu.memory_space<vmem>>) target_semaphore(%run_scoped3A : memref<!tpu.dma_semaphore, #tpu.memory_space<semaphore_mem>>)
      %dma_wait3A = arith.constant 0 : i32
      %dma_wait3A_27 = arith.constant 0 : i32
      %dma_wait3A_28 = tpu.memref_slice %arg4[%arg1, %dma_wait3A, %dma_wait3A_27] : memref<16x224x96xi32, #tpu.memory_space<hbm>> -> memref<1x224x96xi32, #tpu.memory_space<hbm>>
      %dma_wait3A_29 = tpu.memref_squeeze %dma_wait3A_28 : memref<1x224x96xi32, #tpu.memory_space<hbm>> -> memref<224x96xi32, #tpu.memory_space<hbm>>
      %dma_wait3A_30 = arith.constant 0 : i32
      %dma_wait3A_31 = arith.constant 0 : i32
      %dma_wait3A_32 = tpu.memref_slice %arg4[%arg1, %dma_wait3A_30, %dma_wait3A_31] : memref<16x224x96xi32, #tpu.memory_space<hbm>> -> memref<1x224x96xi32, #tpu.memory_space<hbm>>
      %dma_wait3A_33 = tpu.memref_squeeze %dma_wait3A_32 : memref<1x224x96xi32, #tpu.memory_space<hbm>> -> memref<224x96xi32, #tpu.memory_space<hbm>>
      tpu.wait_dma2 semaphore(%run_scoped3A : memref<!tpu.dma_semaphore, #tpu.memory_space<semaphore_mem>>) src(%dma_wait3A_33 : memref<224x96xi32, #tpu.memory_space<hbm>>) dst(%arg7 : memref<224x96xi32, #tpu.memory_space<vmem>>)
      tpu.yield
    }) : () -> ()
    "tpu.region"() ({
      %run_scoped3A = tpu.sem_alloc : memref<!tpu.dma_semaphore, #tpu.memory_space<semaphore_mem>>
      %dma_start3A = arith.constant 0 : i32
      %dma_start3A_20 = arith.constant 0 : i32
      %dma_start3A_21 = tpu.memref_slice %arg5[%arg1, %dma_start3A, %dma_start3A_20] : memref<16x224x96xi32, #tpu.memory_space<hbm>> -> memref<1x224x96xi32, #tpu.memory_space<hbm>>
      %dma_start3A_22 = tpu.memref_squeeze %dma_start3A_21 : memref<1x224x96xi32, #tpu.memory_space<hbm>> -> memref<224x96xi32, #tpu.memory_space<hbm>>
      %dma_start3A_23 = arith.constant 0 : i32
      %dma_start3A_24 = arith.constant 0 : i32
      %dma_start3A_25 = tpu.memref_slice %arg5[%arg1, %dma_start3A_23, %dma_start3A_24] : memref<16x224x96xi32, #tpu.memory_space<hbm>> -> memref<1x224x96xi32, #tpu.memory_space<hbm>>
      %dma_start3A_26 = tpu.memref_squeeze %dma_start3A_25 : memref<1x224x96xi32, #tpu.memory_space<hbm>> -> memref<224x96xi32, #tpu.memory_space<hbm>>
      tpu.enqueue_dma source(%dma_start3A_26 : memref<224x96xi32, #tpu.memory_space<hbm>>) target(%arg8 : memref<224x96xi32, #tpu.memory_space<vmem>>) target_semaphore(%run_scoped3A : memref<!tpu.dma_semaphore, #tpu.memory_space<semaphore_mem>>)
      %dma_wait3A = arith.constant 0 : i32
      %dma_wait3A_27 = arith.constant 0 : i32
      %dma_wait3A_28 = tpu.memref_slice %arg5[%arg1, %dma_wait3A, %dma_wait3A_27] : memref<16x224x96xi32, #tpu.memory_space<hbm>> -> memref<1x224x96xi32, #tpu.memory_space<hbm>>
      %dma_wait3A_29 = tpu.memref_squeeze %dma_wait3A_28 : memref<1x224x96xi32, #tpu.memory_space<hbm>> -> memref<224x96xi32, #tpu.memory_space<hbm>>
      %dma_wait3A_30 = arith.constant 0 : i32
      %dma_wait3A_31 = arith.constant 0 : i32
      %dma_wait3A_32 = tpu.memref_slice %arg5[%arg1, %dma_wait3A_30, %dma_wait3A_31] : memref<16x224x96xi32, #tpu.memory_space<hbm>> -> memref<1x224x96xi32, #tpu.memory_space<hbm>>
      %dma_wait3A_33 = tpu.memref_squeeze %dma_wait3A_32 : memref<1x224x96xi32, #tpu.memory_space<hbm>> -> memref<224x96xi32, #tpu.memory_space<hbm>>
      tpu.wait_dma2 semaphore(%run_scoped3A : memref<!tpu.dma_semaphore, #tpu.memory_space<semaphore_mem>>) src(%dma_wait3A_33 : memref<224x96xi32, #tpu.memory_space<hbm>>) dst(%arg8 : memref<224x96xi32, #tpu.memory_space<vmem>>)
      tpu.yield
    }) : () -> ()
    %barrier3A = arith.constant 0 : index
    tpu.barrier barrier_id(%barrier3A)
    %eq3A = arith.constant 0 : i32
    %eq3A_8 = arith.cmpi eq, %arg0, %eq3A : i32
    %convert_element_type3A = arith.extui %eq3A_8 : i1 to i32
    %cond3A = arith.constant 0 : i32
    %cond3A_9 = arith.cmpi ne, %convert_element_type3A, %cond3A : i32
    scf.if %cond3A_9 {
      %broadcast_in_dim3A_20 = arith.constant 0.000000e+00 : f32
      %broadcast_in_dim3A_21 = vector.broadcast %broadcast_in_dim3A_20 : f32 to vector<16xf32>
      %scan3A_22 = arith.constant 0 : i32
      %scan3A_23 = arith.constant 0 : i32
      %scan3A_24 = arith.constant 96 : i32
      %scan3A_25 = arith.addi %scan3A_23, %scan3A_24 : i32
      %scan3A_26 = arith.constant 1 : i32
      scf.for %scan3A_96 = %scan3A_23 to %scan3A_25 step %scan3A_26  : i32 {
        %swap3A = arith.index_cast %scan3A_96 : i32 to index
        %swap3A_97 = arith.constant 0 : index
        %swap3A_98 = tpu.vector_load %arg11[%swap3A, %swap3A_97] {strides = array<i32>} : memref<96x64xf32, #tpu.memory_space<vmem>>, vector<1x16xf32>,
        %swap3A_99 = vector.shape_cast %swap3A_98 : vector<1x16xf32> to vector<16xf32>
        %swap3A_100 = vector.shape_cast %broadcast_in_dim3A_21 : vector<16xf32> to vector<1x16xf32>
        tpu.vector_store %arg11[%swap3A, %swap3A_97], %swap3A_100 {strides = array<i32>} : memref<96x64xf32, #tpu.memory_space<vmem>>, vector<1x16xf32>,
        %swap3A_101 = arith.index_cast %scan3A_96 : i32 to index
        %swap3A_102 = arith.constant 16 : index
        %swap3A_103 = tpu.vector_load %arg11[%swap3A_101, %swap3A_102] {strides = array<i32>} : memref<96x64xf32, #tpu.memory_space<vmem>>, vector<1x16xf32>,
        %swap3A_104 = vector.shape_cast %swap3A_103 : vector<1x16xf32> to vector<16xf32>
        %swap3A_105 = vector.shape_cast %broadcast_in_dim3A_21 : vector<16xf32> to vector<1x16xf32>
        tpu.vector_store %arg11[%swap3A_101, %swap3A_102], %swap3A_105 {strides = array<i32>} : memref<96x64xf32, #tpu.memory_space<vmem>>, vector<1x16xf32>,
        %swap3A_106 = arith.index_cast %scan3A_96 : i32 to index
        %swap3A_107 = arith.constant 32 : index
        %swap3A_108 = tpu.vector_load %arg11[%swap3A_106, %swap3A_107] {strides = array<i32>} : memref<96x64xf32, #tpu.memory_space<vmem>>, vector<1x16xf32>,
        %swap3A_109 = vector.shape_cast %swap3A_108 : vector<1x16xf32> to vector<16xf32>
        %swap3A_110 = vector.shape_cast %broadcast_in_dim3A_21 : vector<16xf32> to vector<1x16xf32>
        tpu.vector_store %arg11[%swap3A_106, %swap3A_107], %swap3A_110 {strides = array<i32>} : memref<96x64xf32, #tpu.memory_space<vmem>>, vector<1x16xf32>,
        %swap3A_111 = arith.index_cast %scan3A_96 : i32 to index
        %swap3A_112 = arith.constant 48 : index
        %swap3A_113 = tpu.vector_load %arg11[%swap3A_111, %swap3A_112] {strides = array<i32>} : memref<96x64xf32, #tpu.memory_space<vmem>>, vector<1x16xf32>,
        %swap3A_114 = vector.shape_cast %swap3A_113 : vector<1x16xf32> to vector<16xf32>
        %swap3A_115 = vector.shape_cast %broadcast_in_dim3A_21 : vector<16xf32> to vector<1x16xf32>
        tpu.vector_store %arg11[%swap3A_111, %swap3A_112], %swap3A_115 {strides = array<i32>} : memref<96x64xf32, #tpu.memory_space<vmem>>, vector<1x16xf32>,
      }
      %scan3A_27 = arith.constant 96 : i32
      %broadcast_in_dim3A_28 = arith.constant 0.000000e+00 : f32
      %broadcast_in_dim3A_29 = vector.broadcast %broadcast_in_dim3A_28 : f32 to vector<16xf32>
      %scan3A_30 = arith.constant 0 : i32
      %scan3A_31 = arith.constant 0 : i32
      %scan3A_32 = arith.constant 96 : i32
      %scan3A_33 = arith.addi %scan3A_31, %scan3A_32 : i32
      %scan3A_34 = arith.constant 1 : i32
      scf.for %scan3A_96 = %scan3A_31 to %scan3A_33 step %scan3A_34  : i32 {
        %swap3A = arith.index_cast %scan3A_96 : i32 to index
        %swap3A_97 = arith.constant 0 : index
        %swap3A_98 = tpu.vector_load %arg12[%swap3A, %swap3A_97] {strides = array<i32>} : memref<96x64xf32, #tpu.memory_space<vmem>>, vector<1x16xf32>,
        %swap3A_99 = vector.shape_cast %swap3A_98 : vector<1x16xf32> to vector<16xf32>
        %swap3A_100 = vector.shape_cast %broadcast_in_dim3A_29 : vector<16xf32> to vector<1x16xf32>
        tpu.vector_store %arg12[%swap3A, %swap3A_97], %swap3A_100 {strides = array<i32>} : memref<96x64xf32, #tpu.memory_space<vmem>>, vector<1x16xf32>,
        %swap3A_101 = arith.index_cast %scan3A_96 : i32 to index
        %swap3A_102 = arith.constant 16 : index
        %swap3A_103 = tpu.vector_load %arg12[%swap3A_101, %swap3A_102] {strides = array<i32>} : memref<96x64xf32, #tpu.memory_space<vmem>>, vector<1x16xf32>,
        %swap3A_104 = vector.shape_cast %swap3A_103 : vector<1x16xf32> to vector<16xf32>
        %swap3A_105 = vector.shape_cast %broadcast_in_dim3A_29 : vector<16xf32> to vector<1x16xf32>
        tpu.vector_store %arg12[%swap3A_101, %swap3A_102], %swap3A_105 {strides = array<i32>} : memref<96x64xf32, #tpu.memory_space<vmem>>, vector<1x16xf32>,
        %swap3A_106 = arith.index_cast %scan3A_96 : i32 to index
        %swap3A_107 = arith.constant 32 : index
        %swap3A_108 = tpu.vector_load %arg12[%swap3A_106, %swap3A_107] {strides = array<i32>} : memref<96x64xf32, #tpu.memory_space<vmem>>, vector<1x16xf32>,
        %swap3A_109 = vector.shape_cast %swap3A_108 : vector<1x16xf32> to vector<16xf32>
        %swap3A_110 = vector.shape_cast %broadcast_in_dim3A_29 : vector<16xf32> to vector<1x16xf32>
        tpu.vector_store %arg12[%swap3A_106, %swap3A_107], %swap3A_110 {strides = array<i32>} : memref<96x64xf32, #tpu.memory_space<vmem>>, vector<1x16xf32>,
        %swap3A_111 = arith.index_cast %scan3A_96 : i32 to index
        %swap3A_112 = arith.constant 48 : index
        %swap3A_113 = tpu.vector_load %arg12[%swap3A_111, %swap3A_112] {strides = array<i32>} : memref<96x64xf32, #tpu.memory_space<vmem>>, vector<1x16xf32>,
        %swap3A_114 = vector.shape_cast %swap3A_113 : vector<1x16xf32> to vector<16xf32>
        %swap3A_115 = vector.shape_cast %broadcast_in_dim3A_29 : vector<16xf32> to vector<1x16xf32>
        tpu.vector_store %arg12[%swap3A_111, %swap3A_112], %swap3A_115 {strides = array<i32>} : memref<96x64xf32, #tpu.memory_space<vmem>>, vector<1x16xf32>,
      }
      %scan3A_35 = arith.constant 96 : i32
      %dma_start3A = arith.constant 0 : i32
      %dma_start3A_36 = arith.constant 0 : i32
      %dma_start3A_37 = tpu.memref_slice %arg7[%dma_start3A, %dma_start3A_36] : memref<224x96xi32, #tpu.memory_space<vmem>> -> memref<1x96xi32, #tpu.memory_space<vmem>>
      %dma_start3A_38 = tpu.memref_squeeze %dma_start3A_37 : memref<1x96xi32, #tpu.memory_space<vmem>> -> memref<96xi32, #tpu.memory_space<vmem>>
      %dma_start3A_39 = arith.constant 0 : i32
      %dma_start3A_40 = arith.constant 0 : i32
      %dma_start3A_41 = tpu.memref_slice %arg2[%dma_start3A_39, %dma_start3A_40] : memref<10240x64xf32, #tpu.memory_space<hbm>> -> memref<10240x64xf32, #tpu.memory_space<hbm>>
      tpu.enqueue_indirect_dma source(%dma_start3A_41 : memref<10240x64xf32, #tpu.memory_space<hbm>>) target(%arg9 : memref<96x64xf32, #tpu.memory_space<vmem>>) offsets(%dma_start3A_38 : memref<96xi32, #tpu.memory_space<vmem>>) semaphore(%arg15 : memref<!tpu.dma_semaphore, #tpu.memory_space<semaphore_mem>>)
      %dma_start3A_42 = arith.constant 1 : i32
      %dma_start3A_43 = arith.constant 0 : i32
      %dma_start3A_44 = tpu.memref_slice %arg7[%dma_start3A_42, %dma_start3A_43] : memref<224x96xi32, #tpu.memory_space<vmem>> -> memref<1x96xi32, #tpu.memory_space<vmem>>
      %dma_start3A_45 = tpu.memref_squeeze %dma_start3A_44 : memref<1x96xi32, #tpu.memory_space<vmem>> -> memref<96xi32, #tpu.memory_space<vmem>>
      %dma_start3A_46 = arith.constant 0 : i32
      %dma_start3A_47 = arith.constant 0 : i32
      %dma_start3A_48 = tpu.memref_slice %arg2[%dma_start3A_46, %dma_start3A_47] : memref<10240x64xf32, #tpu.memory_space<hbm>> -> memref<10240x64xf32, #tpu.memory_space<hbm>>
      tpu.enqueue_indirect_dma source(%dma_start3A_48 : memref<10240x64xf32, #tpu.memory_space<hbm>>) target(%arg10 : memref<96x64xf32, #tpu.memory_space<vmem>>) offsets(%dma_start3A_45 : memref<96xi32, #tpu.memory_space<vmem>>) semaphore(%arg15 : memref<!tpu.dma_semaphore, #tpu.memory_space<semaphore_mem>>)
      %dma_start3A_49 = arith.constant 0 : i32
      %dma_start3A_50 = arith.constant 0 : i32
      %dma_start3A_51 = tpu.memref_slice %arg8[%dma_start3A_49, %dma_start3A_50] : memref<224x96xi32, #tpu.memory_space<vmem>> -> memref<1x96xi32, #tpu.memory_space<vmem>>
      %dma_start3A_52 = tpu.memref_squeeze %dma_start3A_51 : memref<1x96xi32, #tpu.memory_space<vmem>> -> memref<96xi32, #tpu.memory_space<vmem>>
      %dma_start3A_53 = arith.constant 0 : i32
      %dma_start3A_54 = arith.constant 0 : i32
      %dma_start3A_55 = tpu.memref_slice %arg14[%dma_start3A_53, %dma_start3A_54] : memref<10240x64xf32, #tpu.memory_space<vmem_shared>> -> memref<10240x64xf32, #tpu.memory_space<vmem_shared>>
      tpu.enqueue_indirect_dma source(%arg11 : memref<96x64xf32, #tpu.memory_space<vmem>>) target(%dma_start3A_55 : memref<10240x64xf32, #tpu.memory_space<vmem_shared>>) offsets(%dma_start3A_52 : memref<96xi32, #tpu.memory_space<vmem>>) semaphore(%arg16 : memref<!tpu.dma_semaphore, #tpu.memory_space<semaphore_mem>>) {add = true}
      %dma_start3A_56 = arith.constant 0 : i32
      %dma_start3A_57 = arith.constant 0 : i32
      %dma_start3A_58 = tpu.memref_slice %arg8[%dma_start3A_56, %dma_start3A_57] : memref<224x96xi32, #tpu.memory_space<vmem>> -> memref<1x96xi32, #tpu.memory_space<vmem>>
      %dma_start3A_59 = tpu.memref_squeeze %dma_start3A_58 : memref<1x96xi32, #tpu.memory_space<vmem>> -> memref<96xi32, #tpu.memory_space<vmem>>
      %dma_start3A_60 = arith.constant 0 : i32
      %dma_start3A_61 = arith.constant 0 : i32
      %dma_start3A_62 = tpu.memref_slice %arg14[%dma_start3A_60, %dma_start3A_61] : memref<10240x64xf32, #tpu.memory_space<vmem_shared>> -> memref<10240x64xf32, #tpu.memory_space<vmem_shared>>
      tpu.enqueue_indirect_dma source(%arg12 : memref<96x64xf32, #tpu.memory_space<vmem>>) target(%dma_start3A_62 : memref<10240x64xf32, #tpu.memory_space<vmem_shared>>) offsets(%dma_start3A_59 : memref<96xi32, #tpu.memory_space<vmem>>) semaphore(%arg16 : memref<!tpu.dma_semaphore, #tpu.memory_space<semaphore_mem>>) {add = true}
      %scan3A_63 = arith.constant 0 : i32
      %scan3A_64 = arith.constant 0 : i32
      %scan3A_65 = arith.constant 56 : i32
      %scan3A_66 = arith.addi %scan3A_64, %scan3A_65 : i32
      %scan3A_67 = arith.constant 1 : i32
      scf.for %scan3A_96 = %scan3A_64 to %scan3A_66 step %scan3A_67  : i32 {
        %mul3A_97 = arith.constant 4 : i32
        %mul3A_98 = arith.muli %mul3A_97, %scan3A_96 : i32
        %dma_wait3A_99 = arith.constant 0 : i32
        %dma_wait3A_100 = arith.constant 0 : i32
        %dma_wait3A_101 = tpu.memref_slice %arg7[%dma_wait3A_99, %dma_wait3A_100] : memref<224x96xi32, #tpu.memory_space<vmem>> -> memref<1x96xi32, #tpu.memory_space<vmem>>
        %dma_wait3A_102 = tpu.memref_squeeze %dma_wait3A_101 : memref<1x96xi32, #tpu.memory_space<vmem>> -> memref<96xi32, #tpu.memory_space<vmem>>
        %dma_wait3A_103 = arith.constant 0 : i32
        %dma_wait3A_104 = arith.constant 0 : i32
        %dma_wait3A_105 = tpu.memref_slice %arg2[%dma_wait3A_103, %dma_wait3A_104] : memref<10240x64xf32, #tpu.memory_space<hbm>> -> memref<10240x64xf32, #tpu.memory_space<hbm>>
        tpu.wait_indirect_dma semaphore(%arg15 : memref<!tpu.dma_semaphore, #tpu.memory_space<semaphore_mem>>) src(%dma_wait3A_105 : memref<10240x64xf32, #tpu.memory_space<hbm>>) dst(%arg9 : memref<96x64xf32, #tpu.memory_space<vmem>>)
        %add3A_106 = arith.constant 0 : i32
        %add3A_107 = arith.addi %mul3A_98, %add3A_106 : i32
        %dma_start3A_108 = arith.constant 0 : i32
        %dma_start3A_109 = tpu.memref_slice %arg8[%add3A_107, %dma_start3A_108] : memref<224x96xi32, #tpu.memory_space<vmem>> -> memref<1x96xi32, #tpu.memory_space<vmem>>
        %dma_start3A_110 = tpu.memref_squeeze %dma_start3A_109 : memref<1x96xi32, #tpu.memory_space<vmem>> -> memref<96xi32, #tpu.memory_space<vmem>>
        %dma_start3A_111 = arith.constant 0 : i32
        %dma_start3A_112 = arith.constant 0 : i32
        %dma_start3A_113 = tpu.memref_slice %arg14[%dma_start3A_111, %dma_start3A_112] : memref<10240x64xf32, #tpu.memory_space<vmem_shared>> -> memref<10240x64xf32, #tpu.memory_space<vmem_shared>>
        tpu.enqueue_indirect_dma source(%arg9 : memref<96x64xf32, #tpu.memory_space<vmem>>) target(%dma_start3A_113 : memref<10240x64xf32, #tpu.memory_space<vmem_shared>>) offsets(%dma_start3A_110 : memref<96xi32, #tpu.memory_space<vmem>>) semaphore(%arg16 : memref<!tpu.dma_semaphore, #tpu.memory_space<semaphore_mem>>) {add = true}
        %dma_wait3A_114 = arith.constant 0 : i32
        %dma_wait3A_115 = arith.constant 0 : i32
        %dma_wait3A_116 = tpu.memref_slice %arg7[%dma_wait3A_114, %dma_wait3A_115] : memref<224x96xi32, #tpu.memory_space<vmem>> -> memref<1x96xi32, #tpu.memory_space<vmem>>
        %dma_wait3A_117 = tpu.memref_squeeze %dma_wait3A_116 : memref<1x96xi32, #tpu.memory_space<vmem>> -> memref<96xi32, #tpu.memory_space<vmem>>
        %dma_wait3A_118 = arith.constant 0 : i32
        %dma_wait3A_119 = arith.constant 0 : i32
        %dma_wait3A_120 = tpu.memref_slice %arg2[%dma_wait3A_118, %dma_wait3A_119] : memref<10240x64xf32, #tpu.memory_space<hbm>> -> memref<10240x64xf32, #tpu.memory_space<hbm>>
        tpu.wait_indirect_dma semaphore(%arg15 : memref<!tpu.dma_semaphore, #tpu.memory_space<semaphore_mem>>) src(%dma_wait3A_120 : memref<10240x64xf32, #tpu.memory_space<hbm>>) dst(%arg10 : memref<96x64xf32, #tpu.memory_space<vmem>>)
        %add3A_121 = arith.constant 1 : i32
        %add3A_122 = arith.addi %mul3A_98, %add3A_121 : i32
        %dma_start3A_123 = arith.constant 0 : i32
        %dma_start3A_124 = tpu.memref_slice %arg8[%add3A_122, %dma_start3A_123] : memref<224x96xi32, #tpu.memory_space<vmem>> -> memref<1x96xi32, #tpu.memory_space<vmem>>
        %dma_start3A_125 = tpu.memref_squeeze %dma_start3A_124 : memref<1x96xi32, #tpu.memory_space<vmem>> -> memref<96xi32, #tpu.memory_space<vmem>>
        %dma_start3A_126 = arith.constant 0 : i32
        %dma_start3A_127 = arith.constant 0 : i32
        %dma_start3A_128 = tpu.memref_slice %arg14[%dma_start3A_126, %dma_start3A_127] : memref<10240x64xf32, #tpu.memory_space<vmem_shared>> -> memref<10240x64xf32, #tpu.memory_space<vmem_shared>>
        tpu.enqueue_indirect_dma source(%arg10 : memref<96x64xf32, #tpu.memory_space<vmem>>) target(%dma_start3A_128 : memref<10240x64xf32, #tpu.memory_space<vmem_shared>>) offsets(%dma_start3A_125 : memref<96xi32, #tpu.memory_space<vmem>>) semaphore(%arg16 : memref<!tpu.dma_semaphore, #tpu.memory_space<semaphore_mem>>) {add = true}
        %dma_wait3A_129 = arith.constant 0 : i32
        %dma_wait3A_130 = arith.constant 0 : i32
        %dma_wait3A_131 = tpu.memref_slice %arg8[%dma_wait3A_129, %dma_wait3A_130] : memref<224x96xi32, #tpu.memory_space<vmem>> -> memref<1x96xi32, #tpu.memory_space<vmem>>
        %dma_wait3A_132 = tpu.memref_squeeze %dma_wait3A_131 : memref<1x96xi32, #tpu.memory_space<vmem>> -> memref<96xi32, #tpu.memory_space<vmem>>
        %dma_wait3A_133 = arith.constant 0 : i32
        %dma_wait3A_134 = arith.constant 0 : i32
        %dma_wait3A_135 = tpu.memref_slice %arg14[%dma_wait3A_133, %dma_wait3A_134] : memref<10240x64xf32, #tpu.memory_space<vmem_shared>> -> memref<10240x64xf32, #tpu.memory_space<vmem_shared>>
        tpu.wait_indirect_dma semaphore(%arg16 : memref<!tpu.dma_semaphore, #tpu.memory_space<semaphore_mem>>) src(%arg11 : memref<96x64xf32, #tpu.memory_space<vmem>>) dst(%dma_wait3A_135 : memref<10240x64xf32, #tpu.memory_space<vmem_shared>>)
        %dma_wait3A_136 = arith.constant 0 : i32
        %dma_wait3A_137 = arith.constant 0 : i32
        %dma_wait3A_138 = tpu.memref_slice %arg8[%dma_wait3A_136, %dma_wait3A_137] : memref<224x96xi32, #tpu.memory_space<vmem>> -> memref<1x96xi32, #tpu.memory_space<vmem>>
        %dma_wait3A_139 = tpu.memref_squeeze %dma_wait3A_138 : memref<1x96xi32, #tpu.memory_space<vmem>> -> memref<96xi32, #tpu.memory_space<vmem>>
        %dma_wait3A_140 = arith.constant 0 : i32
        %dma_wait3A_141 = arith.constant 0 : i32
        %dma_wait3A_142 = tpu.memref_slice %arg14[%dma_wait3A_140, %dma_wait3A_141] : memref<10240x64xf32, #tpu.memory_space<vmem_shared>> -> memref<10240x64xf32, #tpu.memory_space<vmem_shared>>
        tpu.wait_indirect_dma semaphore(%arg16 : memref<!tpu.dma_semaphore, #tpu.memory_space<semaphore_mem>>) src(%arg12 : memref<96x64xf32, #tpu.memory_space<vmem>>) dst(%dma_wait3A_142 : memref<10240x64xf32, #tpu.memory_space<vmem_shared>>)
        %add3A_143 = arith.constant 2 : i32
        %add3A_144 = arith.addi %mul3A_98, %add3A_143 : i32
        %add3A_145 = arith.constant 0 : i32
        %add3A_146 = arith.addi %add3A_144, %add3A_145 : i32
        %dma_start3A_147 = arith.constant 0 : i32
        %dma_start3A_148 = tpu.memref_slice %arg7[%add3A_146, %dma_start3A_147] : memref<224x96xi32, #tpu.memory_space<vmem>> -> memref<1x96xi32, #tpu.memory_space<vmem>>
        %dma_start3A_149 = tpu.memref_squeeze %dma_start3A_148 : memref<1x96xi32, #tpu.memory_space<vmem>> -> memref<96xi32, #tpu.memory_space<vmem>>
        %dma_start3A_150 = arith.constant 0 : i32
        %dma_start3A_151 = arith.constant 0 : i32
        %dma_start3A_152 = tpu.memref_slice %arg2[%dma_start3A_150, %dma_start3A_151] : memref<10240x64xf32, #tpu.memory_space<hbm>> -> memref<10240x64xf32, #tpu.memory_space<hbm>>
        tpu.enqueue_indirect_dma source(%dma_start3A_152 : memref<10240x64xf32, #tpu.memory_space<hbm>>) target(%arg11 : memref<96x64xf32, #tpu.memory_space<vmem>>) offsets(%dma_start3A_149 : memref<96xi32, #tpu.memory_space<vmem>>) semaphore(%arg15 : memref<!tpu.dma_semaphore, #tpu.memory_space<semaphore_mem>>)
        %add3A_153 = arith.constant 2 : i32
        %add3A_154 = arith.addi %mul3A_98, %add3A_153 : i32
        %add3A_155 = arith.constant 1 : i32
        %add3A_156 = arith.addi %add3A_154, %add3A_155 : i32
        %dma_start3A_157 = arith.constant 0 : i32
        %dma_start3A_158 = tpu.memref_slice %arg7[%add3A_156, %dma_start3A_157] : memref<224x96xi32, #tpu.memory_space<vmem>> -> memref<1x96xi32, #tpu.memory_space<vmem>>
        %dma_start3A_159 = tpu.memref_squeeze %dma_start3A_158 : memref<1x96xi32, #tpu.memory_space<vmem>> -> memref<96xi32, #tpu.memory_space<vmem>>
        %dma_start3A_160 = arith.constant 0 : i32
        %dma_start3A_161 = arith.constant 0 : i32
        %dma_start3A_162 = tpu.memref_slice %arg2[%dma_start3A_160, %dma_start3A_161] : memref<10240x64xf32, #tpu.memory_space<hbm>> -> memref<10240x64xf32, #tpu.memory_space<hbm>>
        tpu.enqueue_indirect_dma source(%dma_start3A_162 : memref<10240x64xf32, #tpu.memory_space<hbm>>) target(%arg12 : memref<96x64xf32, #tpu.memory_space<vmem>>) offsets(%dma_start3A_159 : memref<96xi32, #tpu.memory_space<vmem>>) semaphore(%arg15 : memref<!tpu.dma_semaphore, #tpu.memory_space<semaphore_mem>>)
        %dma_wait3A_163 = arith.constant 0 : i32
        %dma_wait3A_164 = arith.constant 0 : i32
        %dma_wait3A_165 = tpu.memref_slice %arg7[%dma_wait3A_163, %dma_wait3A_164] : memref<224x96xi32, #tpu.memory_space<vmem>> -> memref<1x96xi32, #tpu.memory_space<vmem>>
        %dma_wait3A_166 = tpu.memref_squeeze %dma_wait3A_165 : memref<1x96xi32, #tpu.memory_space<vmem>> -> memref<96xi32, #tpu.memory_space<vmem>>
        %dma_wait3A_167 = arith.constant 0 : i32
        %dma_wait3A_168 = arith.constant 0 : i32
        %dma_wait3A_169 = tpu.memref_slice %arg2[%dma_wait3A_167, %dma_wait3A_168] : memref<10240x64xf32, #tpu.memory_space<hbm>> -> memref<10240x64xf32, #tpu.memory_space<hbm>>
        tpu.wait_indirect_dma semaphore(%arg15 : memref<!tpu.dma_semaphore, #tpu.memory_space<semaphore_mem>>) src(%dma_wait3A_169 : memref<10240x64xf32, #tpu.memory_space<hbm>>) dst(%arg11 : memref<96x64xf32, #tpu.memory_space<vmem>>)
        %add3A_170 = arith.constant 2 : i32
        %add3A_171 = arith.addi %mul3A_98, %add3A_170 : i32
        %add3A_172 = arith.constant 0 : i32
        %add3A_173 = arith.addi %add3A_171, %add3A_172 : i32
        %dma_start3A_174 = arith.constant 0 : i32
        %dma_start3A_175 = tpu.memref_slice %arg8[%add3A_173, %dma_start3A_174] : memref<224x96xi32, #tpu.memory_space<vmem>> -> memref<1x96xi32, #tpu.memory_space<vmem>>
        %dma_start3A_176 = tpu.memref_squeeze %dma_start3A_175 : memref<1x96xi32, #tpu.memory_space<vmem>> -> memref<96xi32, #tpu.memory_space<vmem>>
        %dma_start3A_177 = arith.constant 0 : i32
        %dma_start3A_178 = arith.constant 0 : i32
        %dma_start3A_179 = tpu.memref_slice %arg14[%dma_start3A_177, %dma_start3A_178] : memref<10240x64xf32, #tpu.memory_space<vmem_shared>> -> memref<10240x64xf32, #tpu.memory_space<vmem_shared>>
        tpu.enqueue_indirect_dma source(%arg11 : memref<96x64xf32, #tpu.memory_space<vmem>>) target(%dma_start3A_179 : memref<10240x64xf32, #tpu.memory_space<vmem_shared>>) offsets(%dma_start3A_176 : memref<96xi32, #tpu.memory_space<vmem>>) semaphore(%arg16 : memref<!tpu.dma_semaphore, #tpu.memory_space<semaphore_mem>>) {add = true}
        %dma_wait3A_180 = arith.constant 0 : i32
        %dma_wait3A_181 = arith.constant 0 : i32
        %dma_wait3A_182 = tpu.memref_slice %arg7[%dma_wait3A_180, %dma_wait3A_181] : memref<224x96xi32, #tpu.memory_space<vmem>> -> memref<1x96xi32, #tpu.memory_space<vmem>>
        %dma_wait3A_183 = tpu.memref_squeeze %dma_wait3A_182 : memref<1x96xi32, #tpu.memory_space<vmem>> -> memref<96xi32, #tpu.memory_space<vmem>>
        %dma_wait3A_184 = arith.constant 0 : i32
        %dma_wait3A_185 = arith.constant 0 : i32
        %dma_wait3A_186 = tpu.memref_slice %arg2[%dma_wait3A_184, %dma_wait3A_185] : memref<10240x64xf32, #tpu.memory_space<hbm>> -> memref<10240x64xf32, #tpu.memory_space<hbm>>
        tpu.wait_indirect_dma semaphore(%arg15 : memref<!tpu.dma_semaphore, #tpu.memory_space<semaphore_mem>>) src(%dma_wait3A_186 : memref<10240x64xf32, #tpu.memory_space<hbm>>) dst(%arg12 : memref<96x64xf32, #tpu.memory_space<vmem>>)
        %add3A_187 = arith.constant 2 : i32
        %add3A_188 = arith.addi %mul3A_98, %add3A_187 : i32
        %add3A_189 = arith.constant 1 : i32
        %add3A_190 = arith.addi %add3A_188, %add3A_189 : i32
        %dma_start3A_191 = arith.constant 0 : i32
        %dma_start3A_192 = tpu.memref_slice %arg8[%add3A_190, %dma_start3A_191] : memref<224x96xi32, #tpu.memory_space<vmem>> -> memref<1x96xi32, #tpu.memory_space<vmem>>
        %dma_start3A_193 = tpu.memref_squeeze %dma_start3A_192 : memref<1x96xi32, #tpu.memory_space<vmem>> -> memref<96xi32, #tpu.memory_space<vmem>>
        %dma_start3A_194 = arith.constant 0 : i32
        %dma_start3A_195 = arith.constant 0 : i32
        %dma_start3A_196 = tpu.memref_slice %arg14[%dma_start3A_194, %dma_start3A_195] : memref<10240x64xf32, #tpu.memory_space<vmem_shared>> -> memref<10240x64xf32, #tpu.memory_space<vmem_shared>>
        tpu.enqueue_indirect_dma source(%arg12 : memref<96x64xf32, #tpu.memory_space<vmem>>) target(%dma_start3A_196 : memref<10240x64xf32, #tpu.memory_space<vmem_shared>>) offsets(%dma_start3A_193 : memref<96xi32, #tpu.memory_space<vmem>>) semaphore(%arg16 : memref<!tpu.dma_semaphore, #tpu.memory_space<semaphore_mem>>) {add = true}
        %dma_wait3A_197 = arith.constant 0 : i32
        %dma_wait3A_198 = arith.constant 0 : i32
        %dma_wait3A_199 = tpu.memref_slice %arg8[%dma_wait3A_197, %dma_wait3A_198] : memref<224x96xi32, #tpu.memory_space<vmem>> -> memref<1x96xi32, #tpu.memory_space<vmem>>
        %dma_wait3A_200 = tpu.memref_squeeze %dma_wait3A_199 : memref<1x96xi32, #tpu.memory_space<vmem>> -> memref<96xi32, #tpu.memory_space<vmem>>
        %dma_wait3A_201 = arith.constant 0 : i32
        %dma_wait3A_202 = arith.constant 0 : i32
        %dma_wait3A_203 = tpu.memref_slice %arg14[%dma_wait3A_201, %dma_wait3A_202] : memref<10240x64xf32, #tpu.memory_space<vmem_shared>> -> memref<10240x64xf32, #tpu.memory_space<vmem_shared>>
        tpu.wait_indirect_dma semaphore(%arg16 : memref<!tpu.dma_semaphore, #tpu.memory_space<semaphore_mem>>) src(%arg9 : memref<96x64xf32, #tpu.memory_space<vmem>>) dst(%dma_wait3A_203 : memref<10240x64xf32, #tpu.memory_space<vmem_shared>>)
        %dma_wait3A_204 = arith.constant 0 : i32
        %dma_wait3A_205 = arith.constant 0 : i32
        %dma_wait3A_206 = tpu.memref_slice %arg8[%dma_wait3A_204, %dma_wait3A_205] : memref<224x96xi32, #tpu.memory_space<vmem>> -> memref<1x96xi32, #tpu.memory_space<vmem>>
        %dma_wait3A_207 = tpu.memref_squeeze %dma_wait3A_206 : memref<1x96xi32, #tpu.memory_space<vmem>> -> memref<96xi32, #tpu.memory_space<vmem>>
        %dma_wait3A_208 = arith.constant 0 : i32
        %dma_wait3A_209 = arith.constant 0 : i32
        %dma_wait3A_210 = tpu.memref_slice %arg14[%dma_wait3A_208, %dma_wait3A_209] : memref<10240x64xf32, #tpu.memory_space<vmem_shared>> -> memref<10240x64xf32, #tpu.memory_space<vmem_shared>>
        tpu.wait_indirect_dma semaphore(%arg16 : memref<!tpu.dma_semaphore, #tpu.memory_space<semaphore_mem>>) src(%arg10 : memref<96x64xf32, #tpu.memory_space<vmem>>) dst(%dma_wait3A_210 : memref<10240x64xf32, #tpu.memory_space<vmem_shared>>)
        %add3A_211 = arith.constant 4 : i32
        %add3A_212 = arith.addi %mul3A_98, %add3A_211 : i32
        %add3A_213 = arith.constant 0 : i32
        %add3A_214 = arith.addi %add3A_212, %add3A_213 : i32
        %min3A = arith.constant 223 : i32
        %min3A_215 = arith.minsi %add3A_214, %min3A : i32
        %dma_start3A_216 = arith.constant 0 : i32
        %dma_start3A_217 = tpu.memref_slice %arg7[%min3A_215, %dma_start3A_216] : memref<224x96xi32, #tpu.memory_space<vmem>> -> memref<1x96xi32, #tpu.memory_space<vmem>>
        %dma_start3A_218 = tpu.memref_squeeze %dma_start3A_217 : memref<1x96xi32, #tpu.memory_space<vmem>> -> memref<96xi32, #tpu.memory_space<vmem>>
        %dma_start3A_219 = arith.constant 0 : i32
        %dma_start3A_220 = arith.constant 0 : i32
        %dma_start3A_221 = tpu.memref_slice %arg2[%dma_start3A_219, %dma_start3A_220] : memref<10240x64xf32, #tpu.memory_space<hbm>> -> memref<10240x64xf32, #tpu.memory_space<hbm>>
        tpu.enqueue_indirect_dma source(%dma_start3A_221 : memref<10240x64xf32, #tpu.memory_space<hbm>>) target(%arg9 : memref<96x64xf32, #tpu.memory_space<vmem>>) offsets(%dma_start3A_218 : memref<96xi32, #tpu.memory_space<vmem>>) semaphore(%arg15 : memref<!tpu.dma_semaphore, #tpu.memory_space<semaphore_mem>>)
        %add3A_222 = arith.constant 4 : i32
        %add3A_223 = arith.addi %mul3A_98, %add3A_222 : i32
        %add3A_224 = arith.constant 1 : i32
        %add3A_225 = arith.addi %add3A_223, %add3A_224 : i32
        %min3A_226 = arith.constant 223 : i32
        %min3A_227 = arith.minsi %add3A_225, %min3A_226 : i32
        %dma_start3A_228 = arith.constant 0 : i32
        %dma_start3A_229 = tpu.memref_slice %arg7[%min3A_227, %dma_start3A_228] : memref<224x96xi32, #tpu.memory_space<vmem>> -> memref<1x96xi32, #tpu.memory_space<vmem>>
        %dma_start3A_230 = tpu.memref_squeeze %dma_start3A_229 : memref<1x96xi32, #tpu.memory_space<vmem>> -> memref<96xi32, #tpu.memory_space<vmem>>
        %dma_start3A_231 = arith.constant 0 : i32
        %dma_start3A_232 = arith.constant 0 : i32
        %dma_start3A_233 = tpu.memref_slice %arg2[%dma_start3A_231, %dma_start3A_232] : memref<10240x64xf32, #tpu.memory_space<hbm>> -> memref<10240x64xf32, #tpu.memory_space<hbm>>
        tpu.enqueue_indirect_dma source(%dma_start3A_233 : memref<10240x64xf32, #tpu.memory_space<hbm>>) target(%arg10 : memref<96x64xf32, #tpu.memory_space<vmem>>) offsets(%dma_start3A_230 : memref<96xi32, #tpu.memory_space<vmem>>) semaphore(%arg15 : memref<!tpu.dma_semaphore, #tpu.memory_space<semaphore_mem>>)
      }
      %scan3A_68 = arith.constant 56 : i32
      %dma_wait3A = arith.constant 0 : i32
      %dma_wait3A_69 = arith.constant 0 : i32
      %dma_wait3A_70 = tpu.memref_slice %arg7[%dma_wait3A, %dma_wait3A_69] : memref<224x96xi32, #tpu.memory_space<vmem>> -> memref<1x96xi32, #tpu.memory_space<vmem>>
      %dma_wait3A_71 = tpu.memref_squeeze %dma_wait3A_70 : memref<1x96xi32, #tpu.memory_space<vmem>> -> memref<96xi32, #tpu.memory_space<vmem>>
      %dma_wait3A_72 = arith.constant 0 : i32
      %dma_wait3A_73 = arith.constant 0 : i32
      %dma_wait3A_74 = tpu.memref_slice %arg2[%dma_wait3A_72, %dma_wait3A_73] : memref<10240x64xf32, #tpu.memory_space<hbm>> -> memref<10240x64xf32, #tpu.memory_space<hbm>>
      tpu.wait_indirect_dma semaphore(%arg15 : memref<!tpu.dma_semaphore, #tpu.memory_space<semaphore_mem>>) src(%dma_wait3A_74 : memref<10240x64xf32, #tpu.memory_space<hbm>>) dst(%arg9 : memref<96x64xf32, #tpu.memory_space<vmem>>)
      %dma_wait3A_75 = arith.constant 0 : i32
      %dma_wait3A_76 = arith.constant 0 : i32
      %dma_wait3A_77 = tpu.memref_slice %arg8[%dma_wait3A_75, %dma_wait3A_76] : memref<224x96xi32, #tpu.memory_space<vmem>> -> memref<1x96xi32, #tpu.memory_space<vmem>>
      %dma_wait3A_78 = tpu.memref_squeeze %dma_wait3A_77 : memref<1x96xi32, #tpu.memory_space<vmem>> -> memref<96xi32, #tpu.memory_space<vmem>>
      %dma_wait3A_79 = arith.constant 0 : i32
      %dma_wait3A_80 = arith.constant 0 : i32
      %dma_wait3A_81 = tpu.memref_slice %arg14[%dma_wait3A_79, %dma_wait3A_80] : memref<10240x64xf32, #tpu.memory_space<vmem_shared>> -> memref<10240x64xf32, #tpu.memory_space<vmem_shared>>
      tpu.wait_indirect_dma semaphore(%arg16 : memref<!tpu.dma_semaphore, #tpu.memory_space<semaphore_mem>>) src(%arg11 : memref<96x64xf32, #tpu.memory_space<vmem>>) dst(%dma_wait3A_81 : memref<10240x64xf32, #tpu.memory_space<vmem_shared>>)
      %dma_wait3A_82 = arith.constant 0 : i32
      %dma_wait3A_83 = arith.constant 0 : i32
      %dma_wait3A_84 = tpu.memref_slice %arg7[%dma_wait3A_82, %dma_wait3A_83] : memref<224x96xi32, #tpu.memory_space<vmem>> -> memref<1x96xi32, #tpu.memory_space<vmem>>
      %dma_wait3A_85 = tpu.memref_squeeze %dma_wait3A_84 : memref<1x96xi32, #tpu.memory_space<vmem>> -> memref<96xi32, #tpu.memory_space<vmem>>
      %dma_wait3A_86 = arith.constant 0 : i32
      %dma_wait3A_87 = arith.constant 0 : i32
      %dma_wait3A_88 = tpu.memref_slice %arg2[%dma_wait3A_86, %dma_wait3A_87] : memref<10240x64xf32, #tpu.memory_space<hbm>> -> memref<10240x64xf32, #tpu.memory_space<hbm>>
      tpu.wait_indirect_dma semaphore(%arg15 : memref<!tpu.dma_semaphore, #tpu.memory_space<semaphore_mem>>) src(%dma_wait3A_88 : memref<10240x64xf32, #tpu.memory_space<hbm>>) dst(%arg10 : memref<96x64xf32, #tpu.memory_space<vmem>>)
      %dma_wait3A_89 = arith.constant 0 : i32
      %dma_wait3A_90 = arith.constant 0 : i32
      %dma_wait3A_91 = tpu.memref_slice %arg8[%dma_wait3A_89, %dma_wait3A_90] : memref<224x96xi32, #tpu.memory_space<vmem>> -> memref<1x96xi32, #tpu.memory_space<vmem>>
      %dma_wait3A_92 = tpu.memref_squeeze %dma_wait3A_91 : memref<1x96xi32, #tpu.memory_space<vmem>> -> memref<96xi32, #tpu.memory_space<vmem>>
      %dma_wait3A_93 = arith.constant 0 : i32
      %dma_wait3A_94 = arith.constant 0 : i32
      %dma_wait3A_95 = tpu.memref_slice %arg14[%dma_wait3A_93, %dma_wait3A_94] : memref<10240x64xf32, #tpu.memory_space<vmem_shared>> -> memref<10240x64xf32, #tpu.memory_space<vmem_shared>>
      tpu.wait_indirect_dma semaphore(%arg16 : memref<!tpu.dma_semaphore, #tpu.memory_space<semaphore_mem>>) src(%arg12 : memref<96x64xf32, #tpu.memory_space<vmem>>) dst(%dma_wait3A_95 : memref<10240x64xf32, #tpu.memory_space<vmem_shared>>)
    } else {
    }
    %eq3A_10 = arith.constant 1 : i32
    %eq3A_11 = arith.cmpi eq, %arg0, %eq3A_10 : i32
    %convert_element_type3A_12 = arith.extui %eq3A_11 : i1 to i32
    %cond3A_13 = arith.constant 0 : i32
    %cond3A_14 = arith.cmpi ne, %convert_element_type3A_12, %cond3A_13 : i32
    scf.if %cond3A_14 {
      %broadcast_in_dim3A_20 = arith.constant 0.000000e+00 : f32
      %broadcast_in_dim3A_21 = vector.broadcast %broadcast_in_dim3A_20 : f32 to vector<16xf32>
      %scan3A_22 = arith.constant 0 : i32
      %scan3A_23 = arith.constant 0 : i32
      %scan3A_24 = arith.constant 96 : i32
      %scan3A_25 = arith.addi %scan3A_23, %scan3A_24 : i32
      %scan3A_26 = arith.constant 1 : i32
      scf.for %scan3A_96 = %scan3A_23 to %scan3A_25 step %scan3A_26  : i32 {
        %swap3A = arith.index_cast %scan3A_96 : i32 to index
        %swap3A_97 = arith.constant 0 : index
        %swap3A_98 = tpu.vector_load %arg11[%swap3A, %swap3A_97] {strides = array<i32>} : memref<96x64xf32, #tpu.memory_space<vmem>>, vector<1x16xf32>,
        %swap3A_99 = vector.shape_cast %swap3A_98 : vector<1x16xf32> to vector<16xf32>
        %swap3A_100 = vector.shape_cast %broadcast_in_dim3A_21 : vector<16xf32> to vector<1x16xf32>
        tpu.vector_store %arg11[%swap3A, %swap3A_97], %swap3A_100 {strides = array<i32>} : memref<96x64xf32, #tpu.memory_space<vmem>>, vector<1x16xf32>,
        %swap3A_101 = arith.index_cast %scan3A_96 : i32 to index
        %swap3A_102 = arith.constant 16 : index
        %swap3A_103 = tpu.vector_load %arg11[%swap3A_101, %swap3A_102] {strides = array<i32>} : memref<96x64xf32, #tpu.memory_space<vmem>>, vector<1x16xf32>,
        %swap3A_104 = vector.shape_cast %swap3A_103 : vector<1x16xf32> to vector<16xf32>
        %swap3A_105 = vector.shape_cast %broadcast_in_dim3A_21 : vector<16xf32> to vector<1x16xf32>
        tpu.vector_store %arg11[%swap3A_101, %swap3A_102], %swap3A_105 {strides = array<i32>} : memref<96x64xf32, #tpu.memory_space<vmem>>, vector<1x16xf32>,
        %swap3A_106 = arith.index_cast %scan3A_96 : i32 to index
        %swap3A_107 = arith.constant 32 : index
        %swap3A_108 = tpu.vector_load %arg11[%swap3A_106, %swap3A_107] {strides = array<i32>} : memref<96x64xf32, #tpu.memory_space<vmem>>, vector<1x16xf32>,
        %swap3A_109 = vector.shape_cast %swap3A_108 : vector<1x16xf32> to vector<16xf32>
        %swap3A_110 = vector.shape_cast %broadcast_in_dim3A_21 : vector<16xf32> to vector<1x16xf32>
        tpu.vector_store %arg11[%swap3A_106, %swap3A_107], %swap3A_110 {strides = array<i32>} : memref<96x64xf32, #tpu.memory_space<vmem>>, vector<1x16xf32>,
        %swap3A_111 = arith.index_cast %scan3A_96 : i32 to index
        %swap3A_112 = arith.constant 48 : index
        %swap3A_113 = tpu.vector_load %arg11[%swap3A_111, %swap3A_112] {strides = array<i32>} : memref<96x64xf32, #tpu.memory_space<vmem>>, vector<1x16xf32>,
        %swap3A_114 = vector.shape_cast %swap3A_113 : vector<1x16xf32> to vector<16xf32>
        %swap3A_115 = vector.shape_cast %broadcast_in_dim3A_21 : vector<16xf32> to vector<1x16xf32>
        tpu.vector_store %arg11[%swap3A_111, %swap3A_112], %swap3A_115 {strides = array<i32>} : memref<96x64xf32, #tpu.memory_space<vmem>>, vector<1x16xf32>,
      }
      %scan3A_27 = arith.constant 96 : i32
      %broadcast_in_dim3A_28 = arith.constant 0.000000e+00 : f32
      %broadcast_in_dim3A_29 = vector.broadcast %broadcast_in_dim3A_28 : f32 to vector<16xf32>
      %scan3A_30 = arith.constant 0 : i32
      %scan3A_31 = arith.constant 0 : i32
      %scan3A_32 = arith.constant 96 : i32
      %scan3A_33 = arith.addi %scan3A_31, %scan3A_32 : i32
      %scan3A_34 = arith.constant 1 : i32
      scf.for %scan3A_96 = %scan3A_31 to %scan3A_33 step %scan3A_34  : i32 {
        %swap3A = arith.index_cast %scan3A_96 : i32 to index
        %swap3A_97 = arith.constant 0 : index
        %swap3A_98 = tpu.vector_load %arg12[%swap3A, %swap3A_97] {strides = array<i32>} : memref<96x64xf32, #tpu.memory_space<vmem>>, vector<1x16xf32>,
        %swap3A_99 = vector.shape_cast %swap3A_98 : vector<1x16xf32> to vector<16xf32>
        %swap3A_100 = vector.shape_cast %broadcast_in_dim3A_29 : vector<16xf32> to vector<1x16xf32>
        tpu.vector_store %arg12[%swap3A, %swap3A_97], %swap3A_100 {strides = array<i32>} : memref<96x64xf32, #tpu.memory_space<vmem>>, vector<1x16xf32>,
        %swap3A_101 = arith.index_cast %scan3A_96 : i32 to index
        %swap3A_102 = arith.constant 16 : index
        %swap3A_103 = tpu.vector_load %arg12[%swap3A_101, %swap3A_102] {strides = array<i32>} : memref<96x64xf32, #tpu.memory_space<vmem>>, vector<1x16xf32>,
        %swap3A_104 = vector.shape_cast %swap3A_103 : vector<1x16xf32> to vector<16xf32>
        %swap3A_105 = vector.shape_cast %broadcast_in_dim3A_29 : vector<16xf32> to vector<1x16xf32>
        tpu.vector_store %arg12[%swap3A_101, %swap3A_102], %swap3A_105 {strides = array<i32>} : memref<96x64xf32, #tpu.memory_space<vmem>>, vector<1x16xf32>,
        %swap3A_106 = arith.index_cast %scan3A_96 : i32 to index
        %swap3A_107 = arith.constant 32 : index
        %swap3A_108 = tpu.vector_load %arg12[%swap3A_106, %swap3A_107] {strides = array<i32>} : memref<96x64xf32, #tpu.memory_space<vmem>>, vector<1x16xf32>,
        %swap3A_109 = vector.shape_cast %swap3A_108 : vector<1x16xf32> to vector<16xf32>
        %swap3A_110 = vector.shape_cast %broadcast_in_dim3A_29 : vector<16xf32> to vector<1x16xf32>
        tpu.vector_store %arg12[%swap3A_106, %swap3A_107], %swap3A_110 {strides = array<i32>} : memref<96x64xf32, #tpu.memory_space<vmem>>, vector<1x16xf32>,
        %swap3A_111 = arith.index_cast %scan3A_96 : i32 to index
        %swap3A_112 = arith.constant 48 : index
        %swap3A_113 = tpu.vector_load %arg12[%swap3A_111, %swap3A_112] {strides = array<i32>} : memref<96x64xf32, #tpu.memory_space<vmem>>, vector<1x16xf32>,
        %swap3A_114 = vector.shape_cast %swap3A_113 : vector<1x16xf32> to vector<16xf32>
        %swap3A_115 = vector.shape_cast %broadcast_in_dim3A_29 : vector<16xf32> to vector<1x16xf32>
        tpu.vector_store %arg12[%swap3A_111, %swap3A_112], %swap3A_115 {strides = array<i32>} : memref<96x64xf32, #tpu.memory_space<vmem>>, vector<1x16xf32>,
      }
      %scan3A_35 = arith.constant 96 : i32
      %dma_start3A = arith.constant 0 : i32
      %dma_start3A_36 = arith.constant 0 : i32
      %dma_start3A_37 = tpu.memref_slice %arg7[%dma_start3A, %dma_start3A_36] : memref<224x96xi32, #tpu.memory_space<vmem>> -> memref<1x96xi32, #tpu.memory_space<vmem>>
      %dma_start3A_38 = tpu.memref_squeeze %dma_start3A_37 : memref<1x96xi32, #tpu.memory_space<vmem>> -> memref<96xi32, #tpu.memory_space<vmem>>
      %dma_start3A_39 = arith.constant 0 : i32
      %dma_start3A_40 = arith.constant 0 : i32
      %dma_start3A_41 = tpu.memref_slice %arg3[%dma_start3A_39, %dma_start3A_40] : memref<10240x64xf32, #tpu.memory_space<hbm>> -> memref<10240x64xf32, #tpu.memory_space<hbm>>
      tpu.enqueue_indirect_dma source(%dma_start3A_41 : memref<10240x64xf32, #tpu.memory_space<hbm>>) target(%arg9 : memref<96x64xf32, #tpu.memory_space<vmem>>) offsets(%dma_start3A_38 : memref<96xi32, #tpu.memory_space<vmem>>) semaphore(%arg15 : memref<!tpu.dma_semaphore, #tpu.memory_space<semaphore_mem>>)
      %dma_start3A_42 = arith.constant 1 : i32
      %dma_start3A_43 = arith.constant 0 : i32
      %dma_start3A_44 = tpu.memref_slice %arg7[%dma_start3A_42, %dma_start3A_43] : memref<224x96xi32, #tpu.memory_space<vmem>> -> memref<1x96xi32, #tpu.memory_space<vmem>>
      %dma_start3A_45 = tpu.memref_squeeze %dma_start3A_44 : memref<1x96xi32, #tpu.memory_space<vmem>> -> memref<96xi32, #tpu.memory_space<vmem>>
      %dma_start3A_46 = arith.constant 0 : i32
      %dma_start3A_47 = arith.constant 0 : i32
      %dma_start3A_48 = tpu.memref_slice %arg3[%dma_start3A_46, %dma_start3A_47] : memref<10240x64xf32, #tpu.memory_space<hbm>> -> memref<10240x64xf32, #tpu.memory_space<hbm>>
      tpu.enqueue_indirect_dma source(%dma_start3A_48 : memref<10240x64xf32, #tpu.memory_space<hbm>>) target(%arg10 : memref<96x64xf32, #tpu.memory_space<vmem>>) offsets(%dma_start3A_45 : memref<96xi32, #tpu.memory_space<vmem>>) semaphore(%arg15 : memref<!tpu.dma_semaphore, #tpu.memory_space<semaphore_mem>>)
      %dma_start3A_49 = arith.constant 0 : i32
      %dma_start3A_50 = arith.constant 0 : i32
      %dma_start3A_51 = tpu.memref_slice %arg8[%dma_start3A_49, %dma_start3A_50] : memref<224x96xi32, #tpu.memory_space<vmem>> -> memref<1x96xi32, #tpu.memory_space<vmem>>
      %dma_start3A_52 = tpu.memref_squeeze %dma_start3A_51 : memref<1x96xi32, #tpu.memory_space<vmem>> -> memref<96xi32, #tpu.memory_space<vmem>>
      %dma_start3A_53 = arith.constant 0 : i32
      %dma_start3A_54 = arith.constant 0 : i32
      %dma_start3A_55 = tpu.memref_slice %arg14[%dma_start3A_53, %dma_start3A_54] : memref<10240x64xf32, #tpu.memory_space<vmem_shared>> -> memref<10240x64xf32, #tpu.memory_space<vmem_shared>>
      tpu.enqueue_indirect_dma source(%arg11 : memref<96x64xf32, #tpu.memory_space<vmem>>) target(%dma_start3A_55 : memref<10240x64xf32, #tpu.memory_space<vmem_shared>>) offsets(%dma_start3A_52 : memref<96xi32, #tpu.memory_space<vmem>>) semaphore(%arg16 : memref<!tpu.dma_semaphore, #tpu.memory_space<semaphore_mem>>) {add = true}
      %dma_start3A_56 = arith.constant 0 : i32
      %dma_start3A_57 = arith.constant 0 : i32
      %dma_start3A_58 = tpu.memref_slice %arg8[%dma_start3A_56, %dma_start3A_57] : memref<224x96xi32, #tpu.memory_space<vmem>> -> memref<1x96xi32, #tpu.memory_space<vmem>>
      %dma_start3A_59 = tpu.memref_squeeze %dma_start3A_58 : memref<1x96xi32, #tpu.memory_space<vmem>> -> memref<96xi32, #tpu.memory_space<vmem>>
      %dma_start3A_60 = arith.constant 0 : i32
      %dma_start3A_61 = arith.constant 0 : i32
      %dma_start3A_62 = tpu.memref_slice %arg14[%dma_start3A_60, %dma_start3A_61] : memref<10240x64xf32, #tpu.memory_space<vmem_shared>> -> memref<10240x64xf32, #tpu.memory_space<vmem_shared>>
      tpu.enqueue_indirect_dma source(%arg12 : memref<96x64xf32, #tpu.memory_space<vmem>>) target(%dma_start3A_62 : memref<10240x64xf32, #tpu.memory_space<vmem_shared>>) offsets(%dma_start3A_59 : memref<96xi32, #tpu.memory_space<vmem>>) semaphore(%arg16 : memref<!tpu.dma_semaphore, #tpu.memory_space<semaphore_mem>>) {add = true}
      %scan3A_63 = arith.constant 0 : i32
      %scan3A_64 = arith.constant 0 : i32
      %scan3A_65 = arith.constant 56 : i32
      %scan3A_66 = arith.addi %scan3A_64, %scan3A_65 : i32
      %scan3A_67 = arith.constant 1 : i32
      scf.for %scan3A_96 = %scan3A_64 to %scan3A_66 step %scan3A_67  : i32 {
        %mul3A_97 = arith.constant 4 : i32
        %mul3A_98 = arith.muli %mul3A_97, %scan3A_96 : i32
        %dma_wait3A_99 = arith.constant 0 : i32
        %dma_wait3A_100 = arith.constant 0 : i32
        %dma_wait3A_101 = tpu.memref_slice %arg7[%dma_wait3A_99, %dma_wait3A_100] : memref<224x96xi32, #tpu.memory_space<vmem>> -> memref<1x96xi32, #tpu.memory_space<vmem>>
        %dma_wait3A_102 = tpu.memref_squeeze %dma_wait3A_101 : memref<1x96xi32, #tpu.memory_space<vmem>> -> memref<96xi32, #tpu.memory_space<vmem>>
        %dma_wait3A_103 = arith.constant 0 : i32
        %dma_wait3A_104 = arith.constant 0 : i32
        %dma_wait3A_105 = tpu.memref_slice %arg3[%dma_wait3A_103, %dma_wait3A_104] : memref<10240x64xf32, #tpu.memory_space<hbm>> -> memref<10240x64xf32, #tpu.memory_space<hbm>>
        tpu.wait_indirect_dma semaphore(%arg15 : memref<!tpu.dma_semaphore, #tpu.memory_space<semaphore_mem>>) src(%dma_wait3A_105 : memref<10240x64xf32, #tpu.memory_space<hbm>>) dst(%arg9 : memref<96x64xf32, #tpu.memory_space<vmem>>)
        %add3A_106 = arith.constant 0 : i32
        %add3A_107 = arith.addi %mul3A_98, %add3A_106 : i32
        %dma_start3A_108 = arith.constant 0 : i32
        %dma_start3A_109 = tpu.memref_slice %arg8[%add3A_107, %dma_start3A_108] : memref<224x96xi32, #tpu.memory_space<vmem>> -> memref<1x96xi32, #tpu.memory_space<vmem>>
        %dma_start3A_110 = tpu.memref_squeeze %dma_start3A_109 : memref<1x96xi32, #tpu.memory_space<vmem>> -> memref<96xi32, #tpu.memory_space<vmem>>
        %dma_start3A_111 = arith.constant 0 : i32
        %dma_start3A_112 = arith.constant 0 : i32
        %dma_start3A_113 = tpu.memref_slice %arg14[%dma_start3A_111, %dma_start3A_112] : memref<10240x64xf32, #tpu.memory_space<vmem_shared>> -> memref<10240x64xf32, #tpu.memory_space<vmem_shared>>
        tpu.enqueue_indirect_dma source(%arg9 : memref<96x64xf32, #tpu.memory_space<vmem>>) target(%dma_start3A_113 : memref<10240x64xf32, #tpu.memory_space<vmem_shared>>) offsets(%dma_start3A_110 : memref<96xi32, #tpu.memory_space<vmem>>) semaphore(%arg16 : memref<!tpu.dma_semaphore, #tpu.memory_space<semaphore_mem>>) {add = true}
        %dma_wait3A_114 = arith.constant 0 : i32
        %dma_wait3A_115 = arith.constant 0 : i32
        %dma_wait3A_116 = tpu.memref_slice %arg7[%dma_wait3A_114, %dma_wait3A_115] : memref<224x96xi32, #tpu.memory_space<vmem>> -> memref<1x96xi32, #tpu.memory_space<vmem>>
        %dma_wait3A_117 = tpu.memref_squeeze %dma_wait3A_116 : memref<1x96xi32, #tpu.memory_space<vmem>> -> memref<96xi32, #tpu.memory_space<vmem>>
        %dma_wait3A_118 = arith.constant 0 : i32
        %dma_wait3A_119 = arith.constant 0 : i32
        %dma_wait3A_120 = tpu.memref_slice %arg3[%dma_wait3A_118, %dma_wait3A_119] : memref<10240x64xf32, #tpu.memory_space<hbm>> -> memref<10240x64xf32, #tpu.memory_space<hbm>>
        tpu.wait_indirect_dma semaphore(%arg15 : memref<!tpu.dma_semaphore, #tpu.memory_space<semaphore_mem>>) src(%dma_wait3A_120 : memref<10240x64xf32, #tpu.memory_space<hbm>>) dst(%arg10 : memref<96x64xf32, #tpu.memory_space<vmem>>)
        %add3A_121 = arith.constant 1 : i32
        %add3A_122 = arith.addi %mul3A_98, %add3A_121 : i32
        %dma_start3A_123 = arith.constant 0 : i32
        %dma_start3A_124 = tpu.memref_slice %arg8[%add3A_122, %dma_start3A_123] : memref<224x96xi32, #tpu.memory_space<vmem>> -> memref<1x96xi32, #tpu.memory_space<vmem>>
        %dma_start3A_125 = tpu.memref_squeeze %dma_start3A_124 : memref<1x96xi32, #tpu.memory_space<vmem>> -> memref<96xi32, #tpu.memory_space<vmem>>
        %dma_start3A_126 = arith.constant 0 : i32
        %dma_start3A_127 = arith.constant 0 : i32
        %dma_start3A_128 = tpu.memref_slice %arg14[%dma_start3A_126, %dma_start3A_127] : memref<10240x64xf32, #tpu.memory_space<vmem_shared>> -> memref<10240x64xf32, #tpu.memory_space<vmem_shared>>
        tpu.enqueue_indirect_dma source(%arg10 : memref<96x64xf32, #tpu.memory_space<vmem>>) target(%dma_start3A_128 : memref<10240x64xf32, #tpu.memory_space<vmem_shared>>) offsets(%dma_start3A_125 : memref<96xi32, #tpu.memory_space<vmem>>) semaphore(%arg16 : memref<!tpu.dma_semaphore, #tpu.memory_space<semaphore_mem>>) {add = true}
        %dma_wait3A_129 = arith.constant 0 : i32
        %dma_wait3A_130 = arith.constant 0 : i32
        %dma_wait3A_131 = tpu.memref_slice %arg8[%dma_wait3A_129, %dma_wait3A_130] : memref<224x96xi32, #tpu.memory_space<vmem>> -> memref<1x96xi32, #tpu.memory_space<vmem>>
        %dma_wait3A_132 = tpu.memref_squeeze %dma_wait3A_131 : memref<1x96xi32, #tpu.memory_space<vmem>> -> memref<96xi32, #tpu.memory_space<vmem>>
        %dma_wait3A_133 = arith.constant 0 : i32
        %dma_wait3A_134 = arith.constant 0 : i32
        %dma_wait3A_135 = tpu.memref_slice %arg14[%dma_wait3A_133, %dma_wait3A_134] : memref<10240x64xf32, #tpu.memory_space<vmem_shared>> -> memref<10240x64xf32, #tpu.memory_space<vmem_shared>>
        tpu.wait_indirect_dma semaphore(%arg16 : memref<!tpu.dma_semaphore, #tpu.memory_space<semaphore_mem>>) src(%arg11 : memref<96x64xf32, #tpu.memory_space<vmem>>) dst(%dma_wait3A_135 : memref<10240x64xf32, #tpu.memory_space<vmem_shared>>)
        %dma_wait3A_136 = arith.constant 0 : i32
        %dma_wait3A_137 = arith.constant 0 : i32
        %dma_wait3A_138 = tpu.memref_slice %arg8[%dma_wait3A_136, %dma_wait3A_137] : memref<224x96xi32, #tpu.memory_space<vmem>> -> memref<1x96xi32, #tpu.memory_space<vmem>>
        %dma_wait3A_139 = tpu.memref_squeeze %dma_wait3A_138 : memref<1x96xi32, #tpu.memory_space<vmem>> -> memref<96xi32, #tpu.memory_space<vmem>>
        %dma_wait3A_140 = arith.constant 0 : i32
        %dma_wait3A_141 = arith.constant 0 : i32
        %dma_wait3A_142 = tpu.memref_slice %arg14[%dma_wait3A_140, %dma_wait3A_141] : memref<10240x64xf32, #tpu.memory_space<vmem_shared>> -> memref<10240x64xf32, #tpu.memory_space<vmem_shared>>
        tpu.wait_indirect_dma semaphore(%arg16 : memref<!tpu.dma_semaphore, #tpu.memory_space<semaphore_mem>>) src(%arg12 : memref<96x64xf32, #tpu.memory_space<vmem>>) dst(%dma_wait3A_142 : memref<10240x64xf32, #tpu.memory_space<vmem_shared>>)
        %add3A_143 = arith.constant 2 : i32
        %add3A_144 = arith.addi %mul3A_98, %add3A_143 : i32
        %add3A_145 = arith.constant 0 : i32
        %add3A_146 = arith.addi %add3A_144, %add3A_145 : i32
        %dma_start3A_147 = arith.constant 0 : i32
        %dma_start3A_148 = tpu.memref_slice %arg7[%add3A_146, %dma_start3A_147] : memref<224x96xi32, #tpu.memory_space<vmem>> -> memref<1x96xi32, #tpu.memory_space<vmem>>
        %dma_start3A_149 = tpu.memref_squeeze %dma_start3A_148 : memref<1x96xi32, #tpu.memory_space<vmem>> -> memref<96xi32, #tpu.memory_space<vmem>>
        %dma_start3A_150 = arith.constant 0 : i32
        %dma_start3A_151 = arith.constant 0 : i32
        %dma_start3A_152 = tpu.memref_slice %arg3[%dma_start3A_150, %dma_start3A_151] : memref<10240x64xf32, #tpu.memory_space<hbm>> -> memref<10240x64xf32, #tpu.memory_space<hbm>>
        tpu.enqueue_indirect_dma source(%dma_start3A_152 : memref<10240x64xf32, #tpu.memory_space<hbm>>) target(%arg11 : memref<96x64xf32, #tpu.memory_space<vmem>>) offsets(%dma_start3A_149 : memref<96xi32, #tpu.memory_space<vmem>>) semaphore(%arg15 : memref<!tpu.dma_semaphore, #tpu.memory_space<semaphore_mem>>)
        %add3A_153 = arith.constant 2 : i32
        %add3A_154 = arith.addi %mul3A_98, %add3A_153 : i32
        %add3A_155 = arith.constant 1 : i32
        %add3A_156 = arith.addi %add3A_154, %add3A_155 : i32
        %dma_start3A_157 = arith.constant 0 : i32
        %dma_start3A_158 = tpu.memref_slice %arg7[%add3A_156, %dma_start3A_157] : memref<224x96xi32, #tpu.memory_space<vmem>> -> memref<1x96xi32, #tpu.memory_space<vmem>>
        %dma_start3A_159 = tpu.memref_squeeze %dma_start3A_158 : memref<1x96xi32, #tpu.memory_space<vmem>> -> memref<96xi32, #tpu.memory_space<vmem>>
        %dma_start3A_160 = arith.constant 0 : i32
        %dma_start3A_161 = arith.constant 0 : i32
        %dma_start3A_162 = tpu.memref_slice %arg3[%dma_start3A_160, %dma_start3A_161] : memref<10240x64xf32, #tpu.memory_space<hbm>> -> memref<10240x64xf32, #tpu.memory_space<hbm>>
        tpu.enqueue_indirect_dma source(%dma_start3A_162 : memref<10240x64xf32, #tpu.memory_space<hbm>>) target(%arg12 : memref<96x64xf32, #tpu.memory_space<vmem>>) offsets(%dma_start3A_159 : memref<96xi32, #tpu.memory_space<vmem>>) semaphore(%arg15 : memref<!tpu.dma_semaphore, #tpu.memory_space<semaphore_mem>>)
        %dma_wait3A_163 = arith.constant 0 : i32
        %dma_wait3A_164 = arith.constant 0 : i32
        %dma_wait3A_165 = tpu.memref_slice %arg7[%dma_wait3A_163, %dma_wait3A_164] : memref<224x96xi32, #tpu.memory_space<vmem>> -> memref<1x96xi32, #tpu.memory_space<vmem>>
        %dma_wait3A_166 = tpu.memref_squeeze %dma_wait3A_165 : memref<1x96xi32, #tpu.memory_space<vmem>> -> memref<96xi32, #tpu.memory_space<vmem>>
        %dma_wait3A_167 = arith.constant 0 : i32
        %dma_wait3A_168 = arith.constant 0 : i32
        %dma_wait3A_169 = tpu.memref_slice %arg3[%dma_wait3A_167, %dma_wait3A_168] : memref<10240x64xf32, #tpu.memory_space<hbm>> -> memref<10240x64xf32, #tpu.memory_space<hbm>>
        tpu.wait_indirect_dma semaphore(%arg15 : memref<!tpu.dma_semaphore, #tpu.memory_space<semaphore_mem>>) src(%dma_wait3A_169 : memref<10240x64xf32, #tpu.memory_space<hbm>>) dst(%arg11 : memref<96x64xf32, #tpu.memory_space<vmem>>)
        %add3A_170 = arith.constant 2 : i32
        %add3A_171 = arith.addi %mul3A_98, %add3A_170 : i32
        %add3A_172 = arith.constant 0 : i32
        %add3A_173 = arith.addi %add3A_171, %add3A_172 : i32
        %dma_start3A_174 = arith.constant 0 : i32
        %dma_start3A_175 = tpu.memref_slice %arg8[%add3A_173, %dma_start3A_174] : memref<224x96xi32, #tpu.memory_space<vmem>> -> memref<1x96xi32, #tpu.memory_space<vmem>>
        %dma_start3A_176 = tpu.memref_squeeze %dma_start3A_175 : memref<1x96xi32, #tpu.memory_space<vmem>> -> memref<96xi32, #tpu.memory_space<vmem>>
        %dma_start3A_177 = arith.constant 0 : i32
        %dma_start3A_178 = arith.constant 0 : i32
        %dma_start3A_179 = tpu.memref_slice %arg14[%dma_start3A_177, %dma_start3A_178] : memref<10240x64xf32, #tpu.memory_space<vmem_shared>> -> memref<10240x64xf32, #tpu.memory_space<vmem_shared>>
        tpu.enqueue_indirect_dma source(%arg11 : memref<96x64xf32, #tpu.memory_space<vmem>>) target(%dma_start3A_179 : memref<10240x64xf32, #tpu.memory_space<vmem_shared>>) offsets(%dma_start3A_176 : memref<96xi32, #tpu.memory_space<vmem>>) semaphore(%arg16 : memref<!tpu.dma_semaphore, #tpu.memory_space<semaphore_mem>>) {add = true}
        %dma_wait3A_180 = arith.constant 0 : i32
        %dma_wait3A_181 = arith.constant 0 : i32
        %dma_wait3A_182 = tpu.memref_slice %arg7[%dma_wait3A_180, %dma_wait3A_181] : memref<224x96xi32, #tpu.memory_space<vmem>> -> memref<1x96xi32, #tpu.memory_space<vmem>>
        %dma_wait3A_183 = tpu.memref_squeeze %dma_wait3A_182 : memref<1x96xi32, #tpu.memory_space<vmem>> -> memref<96xi32, #tpu.memory_space<vmem>>
        %dma_wait3A_184 = arith.constant 0 : i32
        %dma_wait3A_185 = arith.constant 0 : i32
        %dma_wait3A_186 = tpu.memref_slice %arg3[%dma_wait3A_184, %dma_wait3A_185] : memref<10240x64xf32, #tpu.memory_space<hbm>> -> memref<10240x64xf32, #tpu.memory_space<hbm>>
        tpu.wait_indirect_dma semaphore(%arg15 : memref<!tpu.dma_semaphore, #tpu.memory_space<semaphore_mem>>) src(%dma_wait3A_186 : memref<10240x64xf32, #tpu.memory_space<hbm>>) dst(%arg12 : memref<96x64xf32, #tpu.memory_space<vmem>>)
        %add3A_187 = arith.constant 2 : i32
        %add3A_188 = arith.addi %mul3A_98, %add3A_187 : i32
        %add3A_189 = arith.constant 1 : i32
        %add3A_190 = arith.addi %add3A_188, %add3A_189 : i32
        %dma_start3A_191 = arith.constant 0 : i32
        %dma_start3A_192 = tpu.memref_slice %arg8[%add3A_190, %dma_start3A_191] : memref<224x96xi32, #tpu.memory_space<vmem>> -> memref<1x96xi32, #tpu.memory_space<vmem>>
        %dma_start3A_193 = tpu.memref_squeeze %dma_start3A_192 : memref<1x96xi32, #tpu.memory_space<vmem>> -> memref<96xi32, #tpu.memory_space<vmem>>
        %dma_start3A_194 = arith.constant 0 : i32
        %dma_start3A_195 = arith.constant 0 : i32
        %dma_start3A_196 = tpu.memref_slice %arg14[%dma_start3A_194, %dma_start3A_195] : memref<10240x64xf32, #tpu.memory_space<vmem_shared>> -> memref<10240x64xf32, #tpu.memory_space<vmem_shared>>
        tpu.enqueue_indirect_dma source(%arg12 : memref<96x64xf32, #tpu.memory_space<vmem>>) target(%dma_start3A_196 : memref<10240x64xf32, #tpu.memory_space<vmem_shared>>) offsets(%dma_start3A_193 : memref<96xi32, #tpu.memory_space<vmem>>) semaphore(%arg16 : memref<!tpu.dma_semaphore, #tpu.memory_space<semaphore_mem>>) {add = true}
        %dma_wait3A_197 = arith.constant 0 : i32
        %dma_wait3A_198 = arith.constant 0 : i32
        %dma_wait3A_199 = tpu.memref_slice %arg8[%dma_wait3A_197, %dma_wait3A_198] : memref<224x96xi32, #tpu.memory_space<vmem>> -> memref<1x96xi32, #tpu.memory_space<vmem>>
        %dma_wait3A_200 = tpu.memref_squeeze %dma_wait3A_199 : memref<1x96xi32, #tpu.memory_space<vmem>> -> memref<96xi32, #tpu.memory_space<vmem>>
        %dma_wait3A_201 = arith.constant 0 : i32
        %dma_wait3A_202 = arith.constant 0 : i32
        %dma_wait3A_203 = tpu.memref_slice %arg14[%dma_wait3A_201, %dma_wait3A_202] : memref<10240x64xf32, #tpu.memory_space<vmem_shared>> -> memref<10240x64xf32, #tpu.memory_space<vmem_shared>>
        tpu.wait_indirect_dma semaphore(%arg16 : memref<!tpu.dma_semaphore, #tpu.memory_space<semaphore_mem>>) src(%arg9 : memref<96x64xf32, #tpu.memory_space<vmem>>) dst(%dma_wait3A_203 : memref<10240x64xf32, #tpu.memory_space<vmem_shared>>)
        %dma_wait3A_204 = arith.constant 0 : i32
        %dma_wait3A_205 = arith.constant 0 : i32
        %dma_wait3A_206 = tpu.memref_slice %arg8[%dma_wait3A_204, %dma_wait3A_205] : memref<224x96xi32, #tpu.memory_space<vmem>> -> memref<1x96xi32, #tpu.memory_space<vmem>>
        %dma_wait3A_207 = tpu.memref_squeeze %dma_wait3A_206 : memref<1x96xi32, #tpu.memory_space<vmem>> -> memref<96xi32, #tpu.memory_space<vmem>>
        %dma_wait3A_208 = arith.constant 0 : i32
        %dma_wait3A_209 = arith.constant 0 : i32
        %dma_wait3A_210 = tpu.memref_slice %arg14[%dma_wait3A_208, %dma_wait3A_209] : memref<10240x64xf32, #tpu.memory_space<vmem_shared>> -> memref<10240x64xf32, #tpu.memory_space<vmem_shared>>
        tpu.wait_indirect_dma semaphore(%arg16 : memref<!tpu.dma_semaphore, #tpu.memory_space<semaphore_mem>>) src(%arg10 : memref<96x64xf32, #tpu.memory_space<vmem>>) dst(%dma_wait3A_210 : memref<10240x64xf32, #tpu.memory_space<vmem_shared>>)
        %add3A_211 = arith.constant 4 : i32
        %add3A_212 = arith.addi %mul3A_98, %add3A_211 : i32
        %add3A_213 = arith.constant 0 : i32
        %add3A_214 = arith.addi %add3A_212, %add3A_213 : i32
        %min3A = arith.constant 223 : i32
        %min3A_215 = arith.minsi %add3A_214, %min3A : i32
        %dma_start3A_216 = arith.constant 0 : i32
        %dma_start3A_217 = tpu.memref_slice %arg7[%min3A_215, %dma_start3A_216] : memref<224x96xi32, #tpu.memory_space<vmem>> -> memref<1x96xi32, #tpu.memory_space<vmem>>
        %dma_start3A_218 = tpu.memref_squeeze %dma_start3A_217 : memref<1x96xi32, #tpu.memory_space<vmem>> -> memref<96xi32, #tpu.memory_space<vmem>>
        %dma_start3A_219 = arith.constant 0 : i32
        %dma_start3A_220 = arith.constant 0 : i32
        %dma_start3A_221 = tpu.memref_slice %arg3[%dma_start3A_219, %dma_start3A_220] : memref<10240x64xf32, #tpu.memory_space<hbm>> -> memref<10240x64xf32, #tpu.memory_space<hbm>>
        tpu.enqueue_indirect_dma source(%dma_start3A_221 : memref<10240x64xf32, #tpu.memory_space<hbm>>) target(%arg9 : memref<96x64xf32, #tpu.memory_space<vmem>>) offsets(%dma_start3A_218 : memref<96xi32, #tpu.memory_space<vmem>>) semaphore(%arg15 : memref<!tpu.dma_semaphore, #tpu.memory_space<semaphore_mem>>)
        %add3A_222 = arith.constant 4 : i32
        %add3A_223 = arith.addi %mul3A_98, %add3A_222 : i32
        %add3A_224 = arith.constant 1 : i32
        %add3A_225 = arith.addi %add3A_223, %add3A_224 : i32
        %min3A_226 = arith.constant 223 : i32
        %min3A_227 = arith.minsi %add3A_225, %min3A_226 : i32
        %dma_start3A_228 = arith.constant 0 : i32
        %dma_start3A_229 = tpu.memref_slice %arg7[%min3A_227, %dma_start3A_228] : memref<224x96xi32, #tpu.memory_space<vmem>> -> memref<1x96xi32, #tpu.memory_space<vmem>>
        %dma_start3A_230 = tpu.memref_squeeze %dma_start3A_229 : memref<1x96xi32, #tpu.memory_space<vmem>> -> memref<96xi32, #tpu.memory_space<vmem>>
        %dma_start3A_231 = arith.constant 0 : i32
        %dma_start3A_232 = arith.constant 0 : i32
        %dma_start3A_233 = tpu.memref_slice %arg3[%dma_start3A_231, %dma_start3A_232] : memref<10240x64xf32, #tpu.memory_space<hbm>> -> memref<10240x64xf32, #tpu.memory_space<hbm>>
        tpu.enqueue_indirect_dma source(%dma_start3A_233 : memref<10240x64xf32, #tpu.memory_space<hbm>>) target(%arg10 : memref<96x64xf32, #tpu.memory_space<vmem>>) offsets(%dma_start3A_230 : memref<96xi32, #tpu.memory_space<vmem>>) semaphore(%arg15 : memref<!tpu.dma_semaphore, #tpu.memory_space<semaphore_mem>>)
      }
      %scan3A_68 = arith.constant 56 : i32
      %dma_wait3A = arith.constant 0 : i32
      %dma_wait3A_69 = arith.constant 0 : i32
      %dma_wait3A_70 = tpu.memref_slice %arg7[%dma_wait3A, %dma_wait3A_69] : memref<224x96xi32, #tpu.memory_space<vmem>> -> memref<1x96xi32, #tpu.memory_space<vmem>>
      %dma_wait3A_71 = tpu.memref_squeeze %dma_wait3A_70 : memref<1x96xi32, #tpu.memory_space<vmem>> -> memref<96xi32, #tpu.memory_space<vmem>>
      %dma_wait3A_72 = arith.constant 0 : i32
      %dma_wait3A_73 = arith.constant 0 : i32
      %dma_wait3A_74 = tpu.memref_slice %arg3[%dma_wait3A_72, %dma_wait3A_73] : memref<10240x64xf32, #tpu.memory_space<hbm>> -> memref<10240x64xf32, #tpu.memory_space<hbm>>
      tpu.wait_indirect_dma semaphore(%arg15 : memref<!tpu.dma_semaphore, #tpu.memory_space<semaphore_mem>>) src(%dma_wait3A_74 : memref<10240x64xf32, #tpu.memory_space<hbm>>) dst(%arg9 : memref<96x64xf32, #tpu.memory_space<vmem>>)
      %dma_wait3A_75 = arith.constant 0 : i32
      %dma_wait3A_76 = arith.constant 0 : i32
      %dma_wait3A_77 = tpu.memref_slice %arg8[%dma_wait3A_75, %dma_wait3A_76] : memref<224x96xi32, #tpu.memory_space<vmem>> -> memref<1x96xi32, #tpu.memory_space<vmem>>
      %dma_wait3A_78 = tpu.memref_squeeze %dma_wait3A_77 : memref<1x96xi32, #tpu.memory_space<vmem>> -> memref<96xi32, #tpu.memory_space<vmem>>
      %dma_wait3A_79 = arith.constant 0 : i32
      %dma_wait3A_80 = arith.constant 0 : i32
      %dma_wait3A_81 = tpu.memref_slice %arg14[%dma_wait3A_79, %dma_wait3A_80] : memref<10240x64xf32, #tpu.memory_space<vmem_shared>> -> memref<10240x64xf32, #tpu.memory_space<vmem_shared>>
      tpu.wait_indirect_dma semaphore(%arg16 : memref<!tpu.dma_semaphore, #tpu.memory_space<semaphore_mem>>) src(%arg11 : memref<96x64xf32, #tpu.memory_space<vmem>>) dst(%dma_wait3A_81 : memref<10240x64xf32, #tpu.memory_space<vmem_shared>>)
      %dma_wait3A_82 = arith.constant 0 : i32
      %dma_wait3A_83 = arith.constant 0 : i32
      %dma_wait3A_84 = tpu.memref_slice %arg7[%dma_wait3A_82, %dma_wait3A_83] : memref<224x96xi32, #tpu.memory_space<vmem>> -> memref<1x96xi32, #tpu.memory_space<vmem>>
      %dma_wait3A_85 = tpu.memref_squeeze %dma_wait3A_84 : memref<1x96xi32, #tpu.memory_space<vmem>> -> memref<96xi32, #tpu.memory_space<vmem>>
      %dma_wait3A_86 = arith.constant 0 : i32
      %dma_wait3A_87 = arith.constant 0 : i32
      %dma_wait3A_88 = tpu.memref_slice %arg3[%dma_wait3A_86, %dma_wait3A_87] : memref<10240x64xf32, #tpu.memory_space<hbm>> -> memref<10240x64xf32, #tpu.memory_space<hbm>>
      tpu.wait_indirect_dma semaphore(%arg15 : memref<!tpu.dma_semaphore, #tpu.memory_space<semaphore_mem>>) src(%dma_wait3A_88 : memref<10240x64xf32, #tpu.memory_space<hbm>>) dst(%arg10 : memref<96x64xf32, #tpu.memory_space<vmem>>)
      %dma_wait3A_89 = arith.constant 0 : i32
      %dma_wait3A_90 = arith.constant 0 : i32
      %dma_wait3A_91 = tpu.memref_slice %arg8[%dma_wait3A_89, %dma_wait3A_90] : memref<224x96xi32, #tpu.memory_space<vmem>> -> memref<1x96xi32, #tpu.memory_space<vmem>>
      %dma_wait3A_92 = tpu.memref_squeeze %dma_wait3A_91 : memref<1x96xi32, #tpu.memory_space<vmem>> -> memref<96xi32, #tpu.memory_space<vmem>>
      %dma_wait3A_93 = arith.constant 0 : i32
      %dma_wait3A_94 = arith.constant 0 : i32
      %dma_wait3A_95 = tpu.memref_slice %arg14[%dma_wait3A_93, %dma_wait3A_94] : memref<10240x64xf32, #tpu.memory_space<vmem_shared>> -> memref<10240x64xf32, #tpu.memory_space<vmem_shared>>
      tpu.wait_indirect_dma semaphore(%arg16 : memref<!tpu.dma_semaphore, #tpu.memory_space<semaphore_mem>>) src(%arg12 : memref<96x64xf32, #tpu.memory_space<vmem>>) dst(%dma_wait3A_95 : memref<10240x64xf32, #tpu.memory_space<vmem_shared>>)
    } else {
    }
    %barrier3A_15 = arith.constant 0 : index
    tpu.barrier barrier_id(%barrier3A_15)
    "tpu.region"() ({
      %run_scoped3A = tpu.sem_alloc : memref<!tpu.dma_semaphore, #tpu.memory_space<semaphore_mem>>
      %dma_start3A = arith.constant 0 : i32
      %dma_start3A_20 = tpu.memref_slice %arg14[%mul3A_0, %dma_start3A] : memref<10240x64xf32, #tpu.memory_space<vmem_shared>> -> memref<320x64xf32, #tpu.memory_space<vmem_shared>>
      %dma_start3A_21 = arith.constant 0 : i32
      %dma_start3A_22 = tpu.memref_slice %arg14[%mul3A_0, %dma_start3A_21] : memref<10240x64xf32, #tpu.memory_space<vmem_shared>> -> memref<320x64xf32, #tpu.memory_space<vmem_shared>>
      tpu.enqueue_dma source(%dma_start3A_22 : memref<320x64xf32, #tpu.memory_space<vmem_shared>>) target(%arg13 : memref<320x64xf32, #tpu.memory_space<vmem>>) target_semaphore(%run_scoped3A : memref<!tpu.dma_semaphore, #tpu.memory_space<semaphore_mem>>)
      %dma_wait3A = arith.constant 0 : i32
      %dma_wait3A_23 = tpu.memref_slice %arg14[%mul3A_0, %dma_wait3A] : memref<10240x64xf32, #tpu.memory_space<vmem_shared>> -> memref<320x64xf32, #tpu.memory_space<vmem_shared>>
      %dma_wait3A_24 = arith.constant 0 : i32
      %dma_wait3A_25 = tpu.memref_slice %arg14[%mul3A_0, %dma_wait3A_24] : memref<10240x64xf32, #tpu.memory_space<vmem_shared>> -> memref<320x64xf32, #tpu.memory_space<vmem_shared>>
      tpu.wait_dma2 semaphore(%run_scoped3A : memref<!tpu.dma_semaphore, #tpu.memory_space<semaphore_mem>>) src(%dma_wait3A_25 : memref<320x64xf32, #tpu.memory_space<vmem_shared>>) dst(%arg13 : memref<320x64xf32, #tpu.memory_space<vmem>>)
      tpu.yield
    }) : () -> ()
    "tpu.region"() ({
      %run_scoped3A = tpu.sem_alloc : memref<!tpu.dma_semaphore, #tpu.memory_space<semaphore_mem>>
      %dma_start3A = arith.constant 0 : i32
      %dma_start3A_20 = tpu.memref_slice %arg6[%arg0, %mul3A_0, %dma_start3A] : memref<2x10240x64xf32, #tpu.memory_space<hbm>> -> memref<1x320x64xf32, #tpu.memory_space<hbm>>
      %dma_start3A_21 = tpu.memref_squeeze %dma_start3A_20 : memref<1x320x64xf32, #tpu.memory_space<hbm>> -> memref<320x64xf32, #tpu.memory_space<hbm>>
      %dma_start3A_22 = arith.constant 0 : i32
      %dma_start3A_23 = tpu.memref_slice %arg6[%arg0, %mul3A_0, %dma_start3A_22] : memref<2x10240x64xf32, #tpu.memory_space<hbm>> -> memref<1x320x64xf32, #tpu.memory_space<hbm>>
      %dma_start3A_24 = tpu.memref_squeeze %dma_start3A_23 : memref<1x320x64xf32, #tpu.memory_space<hbm>> -> memref<320x64xf32, #tpu.memory_space<hbm>>
      tpu.enqueue_dma source(%arg13 : memref<320x64xf32, #tpu.memory_space<vmem>>) target(%dma_start3A_24 : memref<320x64xf32, #tpu.memory_space<hbm>>) target_semaphore(%run_scoped3A : memref<!tpu.dma_semaphore, #tpu.memory_space<semaphore_mem>>)
      %dma_wait3A = arith.constant 0 : i32
      %dma_wait3A_25 = tpu.memref_slice %arg6[%arg0, %mul3A_0, %dma_wait3A] : memref<2x10240x64xf32, #tpu.memory_space<hbm>> -> memref<1x320x64xf32, #tpu.memory_space<hbm>>
      %dma_wait3A_26 = tpu.memref_squeeze %dma_wait3A_25 : memref<1x320x64xf32, #tpu.memory_space<hbm>> -> memref<320x64xf32, #tpu.memory_space<hbm>>
      %dma_wait3A_27 = arith.constant 0 : i32
      %dma_wait3A_28 = tpu.memref_slice %arg6[%arg0, %mul3A_0, %dma_wait3A_27] : memref<2x10240x64xf32, #tpu.memory_space<hbm>> -> memref<1x320x64xf32, #tpu.memory_space<hbm>>
      %dma_wait3A_29 = tpu.memref_squeeze %dma_wait3A_28 : memref<1x320x64xf32, #tpu.memory_space<hbm>> -> memref<320x64xf32, #tpu.memory_space<hbm>>
      tpu.wait_dma2 semaphore(%run_scoped3A : memref<!tpu.dma_semaphore, #tpu.memory_space<semaphore_mem>>) src(%arg13 : memref<320x64xf32, #tpu.memory_space<vmem>>) dst(%dma_wait3A_29 : memref<320x64xf32, #tpu.memory_space<hbm>>)
      tpu.yield
    }) : () -> ()
    %add3A_16 = arith.constant 320 : i32
    %add3A_17 = arith.addi %mul3A_0, %add3A_16 : i32
    "tpu.region"() ({
      %run_scoped3A = tpu.sem_alloc : memref<!tpu.dma_semaphore, #tpu.memory_space<semaphore_mem>>
      %dma_start3A = arith.constant 0 : i32
      %dma_start3A_20 = tpu.memref_slice %arg14[%add3A_17, %dma_start3A] : memref<10240x64xf32, #tpu.memory_space<vmem_shared>> -> memref<320x64xf32, #tpu.memory_space<vmem_shared>>
      %dma_start3A_21 = arith.constant 0 : i32
      %dma_start3A_22 = tpu.memref_slice %arg14[%add3A_17, %dma_start3A_21] : memref<10240x64xf32, #tpu.memory_space<vmem_shared>> -> memref<320x64xf32, #tpu.memory_space<vmem_shared>>
      tpu.enqueue_dma source(%dma_start3A_22 : memref<320x64xf32, #tpu.memory_space<vmem_shared>>) target(%arg13 : memref<320x64xf32, #tpu.memory_space<vmem>>) target_semaphore(%run_scoped3A : memref<!tpu.dma_semaphore, #tpu.memory_space<semaphore_mem>>)
      %dma_wait3A = arith.constant 0 : i32
      %dma_wait3A_23 = tpu.memref_slice %arg14[%add3A_17, %dma_wait3A] : memref<10240x64xf32, #tpu.memory_space<vmem_shared>> -> memref<320x64xf32, #tpu.memory_space<vmem_shared>>
      %dma_wait3A_24 = arith.constant 0 : i32
      %dma_wait3A_25 = tpu.memref_slice %arg14[%add3A_17, %dma_wait3A_24] : memref<10240x64xf32, #tpu.memory_space<vmem_shared>> -> memref<320x64xf32, #tpu.memory_space<vmem_shared>>
      tpu.wait_dma2 semaphore(%run_scoped3A : memref<!tpu.dma_semaphore, #tpu.memory_space<semaphore_mem>>) src(%dma_wait3A_25 : memref<320x64xf32, #tpu.memory_space<vmem_shared>>) dst(%arg13 : memref<320x64xf32, #tpu.memory_space<vmem>>)
      tpu.yield
    }) : () -> ()
    %add3A_18 = arith.constant 320 : i32
    %add3A_19 = arith.addi %mul3A_0, %add3A_18 : i32
    "tpu.region"() ({
      %run_scoped3A = tpu.sem_alloc : memref<!tpu.dma_semaphore, #tpu.memory_space<semaphore_mem>>
      %dma_start3A = arith.constant 0 : i32
      %dma_start3A_20 = tpu.memref_slice %arg6[%arg0, %add3A_19, %dma_start3A] : memref<2x10240x64xf32, #tpu.memory_space<hbm>> -> memref<1x320x64xf32, #tpu.memory_space<hbm>>
      %dma_start3A_21 = tpu.memref_squeeze %dma_start3A_20 : memref<1x320x64xf32, #tpu.memory_space<hbm>> -> memref<320x64xf32, #tpu.memory_space<hbm>>
      %dma_start3A_22 = arith.constant 0 : i32
      %dma_start3A_23 = tpu.memref_slice %arg6[%arg0, %add3A_19, %dma_start3A_22] : memref<2x10240x64xf32, #tpu.memory_space<hbm>> -> memref<1x320x64xf32, #tpu.memory_space<hbm>>
      %dma_start3A_24 = tpu.memref_squeeze %dma_start3A_23 : memref<1x320x64xf32, #tpu.memory_space<hbm>> -> memref<320x64xf32, #tpu.memory_space<hbm>>
      tpu.enqueue_dma source(%arg13 : memref<320x64xf32, #tpu.memory_space<vmem>>) target(%dma_start3A_24 : memref<320x64xf32, #tpu.memory_space<hbm>>) target_semaphore(%run_scoped3A : memref<!tpu.dma_semaphore, #tpu.memory_space<semaphore_mem>>)
      %dma_wait3A = arith.constant 0 : i32
      %dma_wait3A_25 = tpu.memref_slice %arg6[%arg0, %add3A_19, %dma_wait3A] : memref<2x10240x64xf32, #tpu.memory_space<hbm>> -> memref<1x320x64xf32, #tpu.memory_space<hbm>>
      %dma_wait3A_26 = tpu.memref_squeeze %dma_wait3A_25 : memref<1x320x64xf32, #tpu.memory_space<hbm>> -> memref<320x64xf32, #tpu.memory_space<hbm>>
      %dma_wait3A_27 = arith.constant 0 : i32
      %dma_wait3A_28 = tpu.memref_slice %arg6[%arg0, %add3A_19, %dma_wait3A_27] : memref<2x10240x64xf32, #tpu.memory_space<hbm>> -> memref<1x320x64xf32, #tpu.memory_space<hbm>>
      %dma_wait3A_29 = tpu.memref_squeeze %dma_wait3A_28 : memref<1x320x64xf32, #tpu.memory_space<hbm>> -> memref<320x64xf32, #tpu.memory_space<hbm>>
      tpu.wait_dma2 semaphore(%run_scoped3A : memref<!tpu.dma_semaphore, #tpu.memory_space<semaphore_mem>>) src(%arg13 : memref<320x64xf32, #tpu.memory_space<vmem>>) dst(%dma_wait3A_29 : memref<320x64xf32, #tpu.memory_space<hbm>>)
      tpu.yield
    }) : () -> ()
    return
  }
}

#map = affine_map<(d0, d1) -> (0, 0)>
#map1 = affine_map<(d0, d1) -> (0, 0, 0)>
module attributes {stable_mosaic.version = 14 : i64} {
  func.func @_agg128(%arg0: i32, %arg1: i32, %arg2: memref<10240x64xf32, #tpu.memory_space<hbm>>, %arg3: memref<10240x64xf32, #tpu.memory_space<hbm>>, %arg4: memref<16x224x96xi32, #tpu.memory_space<hbm>>, %arg5: memref<16x224x96xi32, #tpu.memory_space<hbm>>, %arg6: memref<2x10240x64xf32, #tpu.memory_space<hbm>>, %arg7: memref<224x96xi32, #tpu.memory_space<vmem>>, %arg8: memref<224x96xi32, #tpu.memory_space<vmem>>, %arg9: memref<96x64xf32, #tpu.memory_space<vmem>>, %arg10: memref<96x64xf32, #tpu.memory_space<vmem>>, %arg11: memref<96x64xf32, #tpu.memory_space<vmem>>, %arg12: memref<96x64xf32, #tpu.memory_space<vmem>>, %arg13: memref<320x64xf32, #tpu.memory_space<vmem>>, %arg14: memref<10240x64xf32, #tpu.memory_space<vmem_shared>>, %arg15: memref<!tpu.dma_semaphore, #tpu.memory_space<semaphore_mem>>, %arg16: memref<!tpu.dma_semaphore, #tpu.memory_space<semaphore_mem>>) attributes {dimension_semantics = [#tpu.dimension_semantics<core_parallel>, #tpu.dimension_semantics<subcore_parallel>], iteration_bounds = array<i64: 2, 16>, scalar_prefetch = 0 : i64, scratch_operands = 10 : i64, tpu.core_type = #tpu.core_type<sc_vector_subcore>, window_params = [{transform_indices = #map}, {transform_indices = #map}, {transform_indices = #map1}, {transform_indices = #map1}, {transform_indices = #map1}]} {
    %mul3A = arith.constant 640 : i32
    %mul3A_0 = arith.muli %arg1, %mul3A : i32
    %broadcast_in_dim3A = arith.constant 0.000000e+00 : f32
    %broadcast_in_dim3A_1 = vector.broadcast %broadcast_in_dim3A : f32 to vector<16xf32>
    %scan3A = arith.constant 0 : i32
    %scan3A_2 = arith.constant 0 : i32
    %scan3A_3 = arith.constant 320 : i32
    %scan3A_4 = arith.addi %scan3A_2, %scan3A_3 : i32
    %scan3A_5 = arith.constant 1 : i32
    scf.for %scan3A_20 = %scan3A_2 to %scan3A_4 step %scan3A_5  : i32 {
      %swap3A = arith.index_cast %scan3A_20 : i32 to index
      %swap3A_21 = arith.constant 0 : index
      %swap3A_22 = tpu.vector_load %arg13[%swap3A, %swap3A_21] {strides = array<i32>} : memref<320x64xf32, #tpu.memory_space<vmem>>, vector<1x16xf32>,
      %swap3A_23 = vector.shape_cast %swap3A_22 : vector<1x16xf32> to vector<16xf32>
      %swap3A_24 = vector.shape_cast %broadcast_in_dim3A_1 : vector<16xf32> to vector<1x16xf32>
      tpu.vector_store %arg13[%swap3A, %swap3A_21], %swap3A_24 {strides = array<i32>} : memref<320x64xf32, #tpu.memory_space<vmem>>, vector<1x16xf32>,
      %swap3A_25 = arith.index_cast %scan3A_20 : i32 to index
      %swap3A_26 = arith.constant 16 : index
      %swap3A_27 = tpu.vector_load %arg13[%swap3A_25, %swap3A_26] {strides = array<i32>} : memref<320x64xf32, #tpu.memory_space<vmem>>, vector<1x16xf32>,
      %swap3A_28 = vector.shape_cast %swap3A_27 : vector<1x16xf32> to vector<16xf32>
      %swap3A_29 = vector.shape_cast %broadcast_in_dim3A_1 : vector<16xf32> to vector<1x16xf32>
      tpu.vector_store %arg13[%swap3A_25, %swap3A_26], %swap3A_29 {strides = array<i32>} : memref<320x64xf32, #tpu.memory_space<vmem>>, vector<1x16xf32>,
      %swap3A_30 = arith.index_cast %scan3A_20 : i32 to index
      %swap3A_31 = arith.constant 32 : index
      %swap3A_32 = tpu.vector_load %arg13[%swap3A_30, %swap3A_31] {strides = array<i32>} : memref<320x64xf32, #tpu.memory_space<vmem>>, vector<1x16xf32>,
      %swap3A_33 = vector.shape_cast %swap3A_32 : vector<1x16xf32> to vector<16xf32>
      %swap3A_34 = vector.shape_cast %broadcast_in_dim3A_1 : vector<16xf32> to vector<1x16xf32>
      tpu.vector_store %arg13[%swap3A_30, %swap3A_31], %swap3A_34 {strides = array<i32>} : memref<320x64xf32, #tpu.memory_space<vmem>>, vector<1x16xf32>,
      %swap3A_35 = arith.index_cast %scan3A_20 : i32 to index
      %swap3A_36 = arith.constant 48 : index
      %swap3A_37 = tpu.vector_load %arg13[%swap3A_35, %swap3A_36] {strides = array<i32>} : memref<320x64xf32, #tpu.memory_space<vmem>>, vector<1x16xf32>,
      %swap3A_38 = vector.shape_cast %swap3A_37 : vector<1x16xf32> to vector<16xf32>
      %swap3A_39 = vector.shape_cast %broadcast_in_dim3A_1 : vector<16xf32> to vector<1x16xf32>
      tpu.vector_store %arg13[%swap3A_35, %swap3A_36], %swap3A_39 {strides = array<i32>} : memref<320x64xf32, #tpu.memory_space<vmem>>, vector<1x16xf32>,
    }
    %scan3A_6 = arith.constant 320 : i32
    "tpu.region"() ({
      %run_scoped3A = tpu.sem_alloc : memref<!tpu.dma_semaphore, #tpu.memory_space<semaphore_mem>>
      %dma_start3A = arith.constant 0 : i32
      %dma_start3A_20 = tpu.memref_slice %arg14[%mul3A_0, %dma_start3A] : memref<10240x64xf32, #tpu.memory_space<vmem_shared>> -> memref<320x64xf32, #tpu.memory_space<vmem_shared>>
      %dma_start3A_21 = arith.constant 0 : i32
      %dma_start3A_22 = tpu.memref_slice %arg14[%mul3A_0, %dma_start3A_21] : memref<10240x64xf32, #tpu.memory_space<vmem_shared>> -> memref<320x64xf32, #tpu.memory_space<vmem_shared>>
      tpu.enqueue_dma source(%arg13 : memref<320x64xf32, #tpu.memory_space<vmem>>) target(%dma_start3A_22 : memref<320x64xf32, #tpu.memory_space<vmem_shared>>) target_semaphore(%run_scoped3A : memref<!tpu.dma_semaphore, #tpu.memory_space<semaphore_mem>>)
      %dma_wait3A = arith.constant 0 : i32
      %dma_wait3A_23 = tpu.memref_slice %arg14[%mul3A_0, %dma_wait3A] : memref<10240x64xf32, #tpu.memory_space<vmem_shared>> -> memref<320x64xf32, #tpu.memory_space<vmem_shared>>
      %dma_wait3A_24 = arith.constant 0 : i32
      %dma_wait3A_25 = tpu.memref_slice %arg14[%mul3A_0, %dma_wait3A_24] : memref<10240x64xf32, #tpu.memory_space<vmem_shared>> -> memref<320x64xf32, #tpu.memory_space<vmem_shared>>
      tpu.wait_dma2 semaphore(%run_scoped3A : memref<!tpu.dma_semaphore, #tpu.memory_space<semaphore_mem>>) src(%arg13 : memref<320x64xf32, #tpu.memory_space<vmem>>) dst(%dma_wait3A_25 : memref<320x64xf32, #tpu.memory_space<vmem_shared>>)
      tpu.yield
    }) : () -> ()
    %add3A = arith.constant 320 : i32
    %add3A_7 = arith.addi %mul3A_0, %add3A : i32
    "tpu.region"() ({
      %run_scoped3A = tpu.sem_alloc : memref<!tpu.dma_semaphore, #tpu.memory_space<semaphore_mem>>
      %dma_start3A = arith.constant 0 : i32
      %dma_start3A_20 = tpu.memref_slice %arg14[%add3A_7, %dma_start3A] : memref<10240x64xf32, #tpu.memory_space<vmem_shared>> -> memref<320x64xf32, #tpu.memory_space<vmem_shared>>
      %dma_start3A_21 = arith.constant 0 : i32
      %dma_start3A_22 = tpu.memref_slice %arg14[%add3A_7, %dma_start3A_21] : memref<10240x64xf32, #tpu.memory_space<vmem_shared>> -> memref<320x64xf32, #tpu.memory_space<vmem_shared>>
      tpu.enqueue_dma source(%arg13 : memref<320x64xf32, #tpu.memory_space<vmem>>) target(%dma_start3A_22 : memref<320x64xf32, #tpu.memory_space<vmem_shared>>) target_semaphore(%run_scoped3A : memref<!tpu.dma_semaphore, #tpu.memory_space<semaphore_mem>>)
      %dma_wait3A = arith.constant 0 : i32
      %dma_wait3A_23 = tpu.memref_slice %arg14[%add3A_7, %dma_wait3A] : memref<10240x64xf32, #tpu.memory_space<vmem_shared>> -> memref<320x64xf32, #tpu.memory_space<vmem_shared>>
      %dma_wait3A_24 = arith.constant 0 : i32
      %dma_wait3A_25 = tpu.memref_slice %arg14[%add3A_7, %dma_wait3A_24] : memref<10240x64xf32, #tpu.memory_space<vmem_shared>> -> memref<320x64xf32, #tpu.memory_space<vmem_shared>>
      tpu.wait_dma2 semaphore(%run_scoped3A : memref<!tpu.dma_semaphore, #tpu.memory_space<semaphore_mem>>) src(%arg13 : memref<320x64xf32, #tpu.memory_space<vmem>>) dst(%dma_wait3A_25 : memref<320x64xf32, #tpu.memory_space<vmem_shared>>)
      tpu.yield
    }) : () -> ()
    "tpu.region"() ({
      %run_scoped3A = tpu.sem_alloc : memref<!tpu.dma_semaphore, #tpu.memory_space<semaphore_mem>>
      %dma_start3A = arith.constant 0 : i32
      %dma_start3A_20 = arith.constant 0 : i32
      %dma_start3A_21 = tpu.memref_slice %arg4[%arg1, %dma_start3A, %dma_start3A_20] : memref<16x224x96xi32, #tpu.memory_space<hbm>> -> memref<1x224x96xi32, #tpu.memory_space<hbm>>
      %dma_start3A_22 = tpu.memref_squeeze %dma_start3A_21 : memref<1x224x96xi32, #tpu.memory_space<hbm>> -> memref<224x96xi32, #tpu.memory_space<hbm>>
      %dma_start3A_23 = arith.constant 0 : i32
      %dma_start3A_24 = arith.constant 0 : i32
      %dma_start3A_25 = tpu.memref_slice %arg4[%arg1, %dma_start3A_23, %dma_start3A_24] : memref<16x224x96xi32, #tpu.memory_space<hbm>> -> memref<1x224x96xi32, #tpu.memory_space<hbm>>
      %dma_start3A_26 = tpu.memref_squeeze %dma_start3A_25 : memref<1x224x96xi32, #tpu.memory_space<hbm>> -> memref<224x96xi32, #tpu.memory_space<hbm>>
      tpu.enqueue_dma source(%dma_start3A_26 : memref<224x96xi32, #tpu.memory_space<hbm>>) target(%arg7 : memref<224x96xi32, #tpu.memory_space<vmem>>) target_semaphore(%run_scoped3A : memref<!tpu.dma_semaphore, #tpu.memory_space<semaphore_mem>>)
      %dma_wait3A = arith.constant 0 : i32
      %dma_wait3A_27 = arith.constant 0 : i32
      %dma_wait3A_28 = tpu.memref_slice %arg4[%arg1, %dma_wait3A, %dma_wait3A_27] : memref<16x224x96xi32, #tpu.memory_space<hbm>> -> memref<1x224x96xi32, #tpu.memory_space<hbm>>
      %dma_wait3A_29 = tpu.memref_squeeze %dma_wait3A_28 : memref<1x224x96xi32, #tpu.memory_space<hbm>> -> memref<224x96xi32, #tpu.memory_space<hbm>>
      %dma_wait3A_30 = arith.constant 0 : i32
      %dma_wait3A_31 = arith.constant 0 : i32
      %dma_wait3A_32 = tpu.memref_slice %arg4[%arg1, %dma_wait3A_30, %dma_wait3A_31] : memref<16x224x96xi32, #tpu.memory_space<hbm>> -> memref<1x224x96xi32, #tpu.memory_space<hbm>>
      %dma_wait3A_33 = tpu.memref_squeeze %dma_wait3A_32 : memref<1x224x96xi32, #tpu.memory_space<hbm>> -> memref<224x96xi32, #tpu.memory_space<hbm>>
      tpu.wait_dma2 semaphore(%run_scoped3A : memref<!tpu.dma_semaphore, #tpu.memory_space<semaphore_mem>>) src(%dma_wait3A_33 : memref<224x96xi32, #tpu.memory_space<hbm>>) dst(%arg7 : memref<224x96xi32, #tpu.memory_space<vmem>>)
      tpu.yield
    }) : () -> ()
    "tpu.region"() ({
      %run_scoped3A = tpu.sem_alloc : memref<!tpu.dma_semaphore, #tpu.memory_space<semaphore_mem>>
      %dma_start3A = arith.constant 0 : i32
      %dma_start3A_20 = arith.constant 0 : i32
      %dma_start3A_21 = tpu.memref_slice %arg5[%arg1, %dma_start3A, %dma_start3A_20] : memref<16x224x96xi32, #tpu.memory_space<hbm>> -> memref<1x224x96xi32, #tpu.memory_space<hbm>>
      %dma_start3A_22 = tpu.memref_squeeze %dma_start3A_21 : memref<1x224x96xi32, #tpu.memory_space<hbm>> -> memref<224x96xi32, #tpu.memory_space<hbm>>
      %dma_start3A_23 = arith.constant 0 : i32
      %dma_start3A_24 = arith.constant 0 : i32
      %dma_start3A_25 = tpu.memref_slice %arg5[%arg1, %dma_start3A_23, %dma_start3A_24] : memref<16x224x96xi32, #tpu.memory_space<hbm>> -> memref<1x224x96xi32, #tpu.memory_space<hbm>>
      %dma_start3A_26 = tpu.memref_squeeze %dma_start3A_25 : memref<1x224x96xi32, #tpu.memory_space<hbm>> -> memref<224x96xi32, #tpu.memory_space<hbm>>
      tpu.enqueue_dma source(%dma_start3A_26 : memref<224x96xi32, #tpu.memory_space<hbm>>) target(%arg8 : memref<224x96xi32, #tpu.memory_space<vmem>>) target_semaphore(%run_scoped3A : memref<!tpu.dma_semaphore, #tpu.memory_space<semaphore_mem>>)
      %dma_wait3A = arith.constant 0 : i32
      %dma_wait3A_27 = arith.constant 0 : i32
      %dma_wait3A_28 = tpu.memref_slice %arg5[%arg1, %dma_wait3A, %dma_wait3A_27] : memref<16x224x96xi32, #tpu.memory_space<hbm>> -> memref<1x224x96xi32, #tpu.memory_space<hbm>>
      %dma_wait3A_29 = tpu.memref_squeeze %dma_wait3A_28 : memref<1x224x96xi32, #tpu.memory_space<hbm>> -> memref<224x96xi32, #tpu.memory_space<hbm>>
      %dma_wait3A_30 = arith.constant 0 : i32
      %dma_wait3A_31 = arith.constant 0 : i32
      %dma_wait3A_32 = tpu.memref_slice %arg5[%arg1, %dma_wait3A_30, %dma_wait3A_31] : memref<16x224x96xi32, #tpu.memory_space<hbm>> -> memref<1x224x96xi32, #tpu.memory_space<hbm>>
      %dma_wait3A_33 = tpu.memref_squeeze %dma_wait3A_32 : memref<1x224x96xi32, #tpu.memory_space<hbm>> -> memref<224x96xi32, #tpu.memory_space<hbm>>
      tpu.wait_dma2 semaphore(%run_scoped3A : memref<!tpu.dma_semaphore, #tpu.memory_space<semaphore_mem>>) src(%dma_wait3A_33 : memref<224x96xi32, #tpu.memory_space<hbm>>) dst(%arg8 : memref<224x96xi32, #tpu.memory_space<vmem>>)
      tpu.yield
    }) : () -> ()
    %barrier3A = arith.constant 0 : index
    tpu.barrier barrier_id(%barrier3A)
    %eq3A = arith.constant 0 : i32
    %eq3A_8 = arith.cmpi eq, %arg0, %eq3A : i32
    %convert_element_type3A = arith.extui %eq3A_8 : i1 to i32
    %cond3A = arith.constant 0 : i32
    %cond3A_9 = arith.cmpi ne, %convert_element_type3A, %cond3A : i32
    scf.if %cond3A_9 {
      %broadcast_in_dim3A_20 = arith.constant 0.000000e+00 : f32
      %broadcast_in_dim3A_21 = vector.broadcast %broadcast_in_dim3A_20 : f32 to vector<16xf32>
      %scan3A_22 = arith.constant 0 : i32
      %scan3A_23 = arith.constant 0 : i32
      %scan3A_24 = arith.constant 96 : i32
      %scan3A_25 = arith.addi %scan3A_23, %scan3A_24 : i32
      %scan3A_26 = arith.constant 1 : i32
      scf.for %scan3A_96 = %scan3A_23 to %scan3A_25 step %scan3A_26  : i32 {
        %swap3A = arith.index_cast %scan3A_96 : i32 to index
        %swap3A_97 = arith.constant 0 : index
        %swap3A_98 = tpu.vector_load %arg11[%swap3A, %swap3A_97] {strides = array<i32>} : memref<96x64xf32, #tpu.memory_space<vmem>>, vector<1x16xf32>,
        %swap3A_99 = vector.shape_cast %swap3A_98 : vector<1x16xf32> to vector<16xf32>
        %swap3A_100 = vector.shape_cast %broadcast_in_dim3A_21 : vector<16xf32> to vector<1x16xf32>
        tpu.vector_store %arg11[%swap3A, %swap3A_97], %swap3A_100 {strides = array<i32>} : memref<96x64xf32, #tpu.memory_space<vmem>>, vector<1x16xf32>,
        %swap3A_101 = arith.index_cast %scan3A_96 : i32 to index
        %swap3A_102 = arith.constant 16 : index
        %swap3A_103 = tpu.vector_load %arg11[%swap3A_101, %swap3A_102] {strides = array<i32>} : memref<96x64xf32, #tpu.memory_space<vmem>>, vector<1x16xf32>,
        %swap3A_104 = vector.shape_cast %swap3A_103 : vector<1x16xf32> to vector<16xf32>
        %swap3A_105 = vector.shape_cast %broadcast_in_dim3A_21 : vector<16xf32> to vector<1x16xf32>
        tpu.vector_store %arg11[%swap3A_101, %swap3A_102], %swap3A_105 {strides = array<i32>} : memref<96x64xf32, #tpu.memory_space<vmem>>, vector<1x16xf32>,
        %swap3A_106 = arith.index_cast %scan3A_96 : i32 to index
        %swap3A_107 = arith.constant 32 : index
        %swap3A_108 = tpu.vector_load %arg11[%swap3A_106, %swap3A_107] {strides = array<i32>} : memref<96x64xf32, #tpu.memory_space<vmem>>, vector<1x16xf32>,
        %swap3A_109 = vector.shape_cast %swap3A_108 : vector<1x16xf32> to vector<16xf32>
        %swap3A_110 = vector.shape_cast %broadcast_in_dim3A_21 : vector<16xf32> to vector<1x16xf32>
        tpu.vector_store %arg11[%swap3A_106, %swap3A_107], %swap3A_110 {strides = array<i32>} : memref<96x64xf32, #tpu.memory_space<vmem>>, vector<1x16xf32>,
        %swap3A_111 = arith.index_cast %scan3A_96 : i32 to index
        %swap3A_112 = arith.constant 48 : index
        %swap3A_113 = tpu.vector_load %arg11[%swap3A_111, %swap3A_112] {strides = array<i32>} : memref<96x64xf32, #tpu.memory_space<vmem>>, vector<1x16xf32>,
        %swap3A_114 = vector.shape_cast %swap3A_113 : vector<1x16xf32> to vector<16xf32>
        %swap3A_115 = vector.shape_cast %broadcast_in_dim3A_21 : vector<16xf32> to vector<1x16xf32>
        tpu.vector_store %arg11[%swap3A_111, %swap3A_112], %swap3A_115 {strides = array<i32>} : memref<96x64xf32, #tpu.memory_space<vmem>>, vector<1x16xf32>,
      }
      %scan3A_27 = arith.constant 96 : i32
      %broadcast_in_dim3A_28 = arith.constant 0.000000e+00 : f32
      %broadcast_in_dim3A_29 = vector.broadcast %broadcast_in_dim3A_28 : f32 to vector<16xf32>
      %scan3A_30 = arith.constant 0 : i32
      %scan3A_31 = arith.constant 0 : i32
      %scan3A_32 = arith.constant 96 : i32
      %scan3A_33 = arith.addi %scan3A_31, %scan3A_32 : i32
      %scan3A_34 = arith.constant 1 : i32
      scf.for %scan3A_96 = %scan3A_31 to %scan3A_33 step %scan3A_34  : i32 {
        %swap3A = arith.index_cast %scan3A_96 : i32 to index
        %swap3A_97 = arith.constant 0 : index
        %swap3A_98 = tpu.vector_load %arg12[%swap3A, %swap3A_97] {strides = array<i32>} : memref<96x64xf32, #tpu.memory_space<vmem>>, vector<1x16xf32>,
        %swap3A_99 = vector.shape_cast %swap3A_98 : vector<1x16xf32> to vector<16xf32>
        %swap3A_100 = vector.shape_cast %broadcast_in_dim3A_29 : vector<16xf32> to vector<1x16xf32>
        tpu.vector_store %arg12[%swap3A, %swap3A_97], %swap3A_100 {strides = array<i32>} : memref<96x64xf32, #tpu.memory_space<vmem>>, vector<1x16xf32>,
        %swap3A_101 = arith.index_cast %scan3A_96 : i32 to index
        %swap3A_102 = arith.constant 16 : index
        %swap3A_103 = tpu.vector_load %arg12[%swap3A_101, %swap3A_102] {strides = array<i32>} : memref<96x64xf32, #tpu.memory_space<vmem>>, vector<1x16xf32>,
        %swap3A_104 = vector.shape_cast %swap3A_103 : vector<1x16xf32> to vector<16xf32>
        %swap3A_105 = vector.shape_cast %broadcast_in_dim3A_29 : vector<16xf32> to vector<1x16xf32>
        tpu.vector_store %arg12[%swap3A_101, %swap3A_102], %swap3A_105 {strides = array<i32>} : memref<96x64xf32, #tpu.memory_space<vmem>>, vector<1x16xf32>,
        %swap3A_106 = arith.index_cast %scan3A_96 : i32 to index
        %swap3A_107 = arith.constant 32 : index
        %swap3A_108 = tpu.vector_load %arg12[%swap3A_106, %swap3A_107] {strides = array<i32>} : memref<96x64xf32, #tpu.memory_space<vmem>>, vector<1x16xf32>,
        %swap3A_109 = vector.shape_cast %swap3A_108 : vector<1x16xf32> to vector<16xf32>
        %swap3A_110 = vector.shape_cast %broadcast_in_dim3A_29 : vector<16xf32> to vector<1x16xf32>
        tpu.vector_store %arg12[%swap3A_106, %swap3A_107], %swap3A_110 {strides = array<i32>} : memref<96x64xf32, #tpu.memory_space<vmem>>, vector<1x16xf32>,
        %swap3A_111 = arith.index_cast %scan3A_96 : i32 to index
        %swap3A_112 = arith.constant 48 : index
        %swap3A_113 = tpu.vector_load %arg12[%swap3A_111, %swap3A_112] {strides = array<i32>} : memref<96x64xf32, #tpu.memory_space<vmem>>, vector<1x16xf32>,
        %swap3A_114 = vector.shape_cast %swap3A_113 : vector<1x16xf32> to vector<16xf32>
        %swap3A_115 = vector.shape_cast %broadcast_in_dim3A_29 : vector<16xf32> to vector<1x16xf32>
        tpu.vector_store %arg12[%swap3A_111, %swap3A_112], %swap3A_115 {strides = array<i32>} : memref<96x64xf32, #tpu.memory_space<vmem>>, vector<1x16xf32>,
      }
      %scan3A_35 = arith.constant 96 : i32
      %dma_start3A = arith.constant 0 : i32
      %dma_start3A_36 = arith.constant 0 : i32
      %dma_start3A_37 = tpu.memref_slice %arg7[%dma_start3A, %dma_start3A_36] : memref<224x96xi32, #tpu.memory_space<vmem>> -> memref<1x96xi32, #tpu.memory_space<vmem>>
      %dma_start3A_38 = tpu.memref_squeeze %dma_start3A_37 : memref<1x96xi32, #tpu.memory_space<vmem>> -> memref<96xi32, #tpu.memory_space<vmem>>
      %dma_start3A_39 = arith.constant 0 : i32
      %dma_start3A_40 = arith.constant 0 : i32
      %dma_start3A_41 = tpu.memref_slice %arg2[%dma_start3A_39, %dma_start3A_40] : memref<10240x64xf32, #tpu.memory_space<hbm>> -> memref<10240x64xf32, #tpu.memory_space<hbm>>
      tpu.enqueue_indirect_dma source(%dma_start3A_41 : memref<10240x64xf32, #tpu.memory_space<hbm>>) target(%arg9 : memref<96x64xf32, #tpu.memory_space<vmem>>) offsets(%dma_start3A_38 : memref<96xi32, #tpu.memory_space<vmem>>) semaphore(%arg15 : memref<!tpu.dma_semaphore, #tpu.memory_space<semaphore_mem>>)
      %dma_start3A_42 = arith.constant 1 : i32
      %dma_start3A_43 = arith.constant 0 : i32
      %dma_start3A_44 = tpu.memref_slice %arg7[%dma_start3A_42, %dma_start3A_43] : memref<224x96xi32, #tpu.memory_space<vmem>> -> memref<1x96xi32, #tpu.memory_space<vmem>>
      %dma_start3A_45 = tpu.memref_squeeze %dma_start3A_44 : memref<1x96xi32, #tpu.memory_space<vmem>> -> memref<96xi32, #tpu.memory_space<vmem>>
      %dma_start3A_46 = arith.constant 0 : i32
      %dma_start3A_47 = arith.constant 0 : i32
      %dma_start3A_48 = tpu.memref_slice %arg2[%dma_start3A_46, %dma_start3A_47] : memref<10240x64xf32, #tpu.memory_space<hbm>> -> memref<10240x64xf32, #tpu.memory_space<hbm>>
      tpu.enqueue_indirect_dma source(%dma_start3A_48 : memref<10240x64xf32, #tpu.memory_space<hbm>>) target(%arg10 : memref<96x64xf32, #tpu.memory_space<vmem>>) offsets(%dma_start3A_45 : memref<96xi32, #tpu.memory_space<vmem>>) semaphore(%arg15 : memref<!tpu.dma_semaphore, #tpu.memory_space<semaphore_mem>>)
      %dma_start3A_49 = arith.constant 0 : i32
      %dma_start3A_50 = arith.constant 0 : i32
      %dma_start3A_51 = tpu.memref_slice %arg8[%dma_start3A_49, %dma_start3A_50] : memref<224x96xi32, #tpu.memory_space<vmem>> -> memref<1x96xi32, #tpu.memory_space<vmem>>
      %dma_start3A_52 = tpu.memref_squeeze %dma_start3A_51 : memref<1x96xi32, #tpu.memory_space<vmem>> -> memref<96xi32, #tpu.memory_space<vmem>>
      %dma_start3A_53 = arith.constant 0 : i32
      %dma_start3A_54 = arith.constant 0 : i32
      %dma_start3A_55 = tpu.memref_slice %arg14[%dma_start3A_53, %dma_start3A_54] : memref<10240x64xf32, #tpu.memory_space<vmem_shared>> -> memref<10240x64xf32, #tpu.memory_space<vmem_shared>>
      tpu.enqueue_indirect_dma source(%arg11 : memref<96x64xf32, #tpu.memory_space<vmem>>) target(%dma_start3A_55 : memref<10240x64xf32, #tpu.memory_space<vmem_shared>>) offsets(%dma_start3A_52 : memref<96xi32, #tpu.memory_space<vmem>>) semaphore(%arg16 : memref<!tpu.dma_semaphore, #tpu.memory_space<semaphore_mem>>) {add = true}
      %dma_start3A_56 = arith.constant 0 : i32
      %dma_start3A_57 = arith.constant 0 : i32
      %dma_start3A_58 = tpu.memref_slice %arg8[%dma_start3A_56, %dma_start3A_57] : memref<224x96xi32, #tpu.memory_space<vmem>> -> memref<1x96xi32, #tpu.memory_space<vmem>>
      %dma_start3A_59 = tpu.memref_squeeze %dma_start3A_58 : memref<1x96xi32, #tpu.memory_space<vmem>> -> memref<96xi32, #tpu.memory_space<vmem>>
      %dma_start3A_60 = arith.constant 0 : i32
      %dma_start3A_61 = arith.constant 0 : i32
      %dma_start3A_62 = tpu.memref_slice %arg14[%dma_start3A_60, %dma_start3A_61] : memref<10240x64xf32, #tpu.memory_space<vmem_shared>> -> memref<10240x64xf32, #tpu.memory_space<vmem_shared>>
      tpu.enqueue_indirect_dma source(%arg12 : memref<96x64xf32, #tpu.memory_space<vmem>>) target(%dma_start3A_62 : memref<10240x64xf32, #tpu.memory_space<vmem_shared>>) offsets(%dma_start3A_59 : memref<96xi32, #tpu.memory_space<vmem>>) semaphore(%arg16 : memref<!tpu.dma_semaphore, #tpu.memory_space<semaphore_mem>>) {add = true}
      %scan3A_63 = arith.constant 0 : i32
      %scan3A_64 = arith.constant 0 : i32
      %scan3A_65 = arith.constant 56 : i32
      %scan3A_66 = arith.addi %scan3A_64, %scan3A_65 : i32
      %scan3A_67 = arith.constant 1 : i32
      scf.for %scan3A_96 = %scan3A_64 to %scan3A_66 step %scan3A_67  : i32 {
        %mul3A_97 = arith.constant 4 : i32
        %mul3A_98 = arith.muli %mul3A_97, %scan3A_96 : i32
        %dma_wait3A_99 = arith.constant 0 : i32
        %dma_wait3A_100 = arith.constant 0 : i32
        %dma_wait3A_101 = tpu.memref_slice %arg7[%dma_wait3A_99, %dma_wait3A_100] : memref<224x96xi32, #tpu.memory_space<vmem>> -> memref<1x96xi32, #tpu.memory_space<vmem>>
        %dma_wait3A_102 = tpu.memref_squeeze %dma_wait3A_101 : memref<1x96xi32, #tpu.memory_space<vmem>> -> memref<96xi32, #tpu.memory_space<vmem>>
        %dma_wait3A_103 = arith.constant 0 : i32
        %dma_wait3A_104 = arith.constant 0 : i32
        %dma_wait3A_105 = tpu.memref_slice %arg2[%dma_wait3A_103, %dma_wait3A_104] : memref<10240x64xf32, #tpu.memory_space<hbm>> -> memref<10240x64xf32, #tpu.memory_space<hbm>>
        tpu.wait_indirect_dma semaphore(%arg15 : memref<!tpu.dma_semaphore, #tpu.memory_space<semaphore_mem>>) src(%dma_wait3A_105 : memref<10240x64xf32, #tpu.memory_space<hbm>>) dst(%arg9 : memref<96x64xf32, #tpu.memory_space<vmem>>)
        %add3A_106 = arith.constant 0 : i32
        %add3A_107 = arith.addi %mul3A_98, %add3A_106 : i32
        %dma_start3A_108 = arith.constant 0 : i32
        %dma_start3A_109 = tpu.memref_slice %arg8[%add3A_107, %dma_start3A_108] : memref<224x96xi32, #tpu.memory_space<vmem>> -> memref<1x96xi32, #tpu.memory_space<vmem>>
        %dma_start3A_110 = tpu.memref_squeeze %dma_start3A_109 : memref<1x96xi32, #tpu.memory_space<vmem>> -> memref<96xi32, #tpu.memory_space<vmem>>
        %dma_start3A_111 = arith.constant 0 : i32
        %dma_start3A_112 = arith.constant 0 : i32
        %dma_start3A_113 = tpu.memref_slice %arg14[%dma_start3A_111, %dma_start3A_112] : memref<10240x64xf32, #tpu.memory_space<vmem_shared>> -> memref<10240x64xf32, #tpu.memory_space<vmem_shared>>
        tpu.enqueue_indirect_dma source(%arg9 : memref<96x64xf32, #tpu.memory_space<vmem>>) target(%dma_start3A_113 : memref<10240x64xf32, #tpu.memory_space<vmem_shared>>) offsets(%dma_start3A_110 : memref<96xi32, #tpu.memory_space<vmem>>) semaphore(%arg16 : memref<!tpu.dma_semaphore, #tpu.memory_space<semaphore_mem>>) {add = true}
        %dma_wait3A_114 = arith.constant 0 : i32
        %dma_wait3A_115 = arith.constant 0 : i32
        %dma_wait3A_116 = tpu.memref_slice %arg7[%dma_wait3A_114, %dma_wait3A_115] : memref<224x96xi32, #tpu.memory_space<vmem>> -> memref<1x96xi32, #tpu.memory_space<vmem>>
        %dma_wait3A_117 = tpu.memref_squeeze %dma_wait3A_116 : memref<1x96xi32, #tpu.memory_space<vmem>> -> memref<96xi32, #tpu.memory_space<vmem>>
        %dma_wait3A_118 = arith.constant 0 : i32
        %dma_wait3A_119 = arith.constant 0 : i32
        %dma_wait3A_120 = tpu.memref_slice %arg2[%dma_wait3A_118, %dma_wait3A_119] : memref<10240x64xf32, #tpu.memory_space<hbm>> -> memref<10240x64xf32, #tpu.memory_space<hbm>>
        tpu.wait_indirect_dma semaphore(%arg15 : memref<!tpu.dma_semaphore, #tpu.memory_space<semaphore_mem>>) src(%dma_wait3A_120 : memref<10240x64xf32, #tpu.memory_space<hbm>>) dst(%arg10 : memref<96x64xf32, #tpu.memory_space<vmem>>)
        %add3A_121 = arith.constant 1 : i32
        %add3A_122 = arith.addi %mul3A_98, %add3A_121 : i32
        %dma_start3A_123 = arith.constant 0 : i32
        %dma_start3A_124 = tpu.memref_slice %arg8[%add3A_122, %dma_start3A_123] : memref<224x96xi32, #tpu.memory_space<vmem>> -> memref<1x96xi32, #tpu.memory_space<vmem>>
        %dma_start3A_125 = tpu.memref_squeeze %dma_start3A_124 : memref<1x96xi32, #tpu.memory_space<vmem>> -> memref<96xi32, #tpu.memory_space<vmem>>
        %dma_start3A_126 = arith.constant 0 : i32
        %dma_start3A_127 = arith.constant 0 : i32
        %dma_start3A_128 = tpu.memref_slice %arg14[%dma_start3A_126, %dma_start3A_127] : memref<10240x64xf32, #tpu.memory_space<vmem_shared>> -> memref<10240x64xf32, #tpu.memory_space<vmem_shared>>
        tpu.enqueue_indirect_dma source(%arg10 : memref<96x64xf32, #tpu.memory_space<vmem>>) target(%dma_start3A_128 : memref<10240x64xf32, #tpu.memory_space<vmem_shared>>) offsets(%dma_start3A_125 : memref<96xi32, #tpu.memory_space<vmem>>) semaphore(%arg16 : memref<!tpu.dma_semaphore, #tpu.memory_space<semaphore_mem>>) {add = true}
        %dma_wait3A_129 = arith.constant 0 : i32
        %dma_wait3A_130 = arith.constant 0 : i32
        %dma_wait3A_131 = tpu.memref_slice %arg8[%dma_wait3A_129, %dma_wait3A_130] : memref<224x96xi32, #tpu.memory_space<vmem>> -> memref<1x96xi32, #tpu.memory_space<vmem>>
        %dma_wait3A_132 = tpu.memref_squeeze %dma_wait3A_131 : memref<1x96xi32, #tpu.memory_space<vmem>> -> memref<96xi32, #tpu.memory_space<vmem>>
        %dma_wait3A_133 = arith.constant 0 : i32
        %dma_wait3A_134 = arith.constant 0 : i32
        %dma_wait3A_135 = tpu.memref_slice %arg14[%dma_wait3A_133, %dma_wait3A_134] : memref<10240x64xf32, #tpu.memory_space<vmem_shared>> -> memref<10240x64xf32, #tpu.memory_space<vmem_shared>>
        tpu.wait_indirect_dma semaphore(%arg16 : memref<!tpu.dma_semaphore, #tpu.memory_space<semaphore_mem>>) src(%arg11 : memref<96x64xf32, #tpu.memory_space<vmem>>) dst(%dma_wait3A_135 : memref<10240x64xf32, #tpu.memory_space<vmem_shared>>)
        %dma_wait3A_136 = arith.constant 0 : i32
        %dma_wait3A_137 = arith.constant 0 : i32
        %dma_wait3A_138 = tpu.memref_slice %arg8[%dma_wait3A_136, %dma_wait3A_137] : memref<224x96xi32, #tpu.memory_space<vmem>> -> memref<1x96xi32, #tpu.memory_space<vmem>>
        %dma_wait3A_139 = tpu.memref_squeeze %dma_wait3A_138 : memref<1x96xi32, #tpu.memory_space<vmem>> -> memref<96xi32, #tpu.memory_space<vmem>>
        %dma_wait3A_140 = arith.constant 0 : i32
        %dma_wait3A_141 = arith.constant 0 : i32
        %dma_wait3A_142 = tpu.memref_slice %arg14[%dma_wait3A_140, %dma_wait3A_141] : memref<10240x64xf32, #tpu.memory_space<vmem_shared>> -> memref<10240x64xf32, #tpu.memory_space<vmem_shared>>
        tpu.wait_indirect_dma semaphore(%arg16 : memref<!tpu.dma_semaphore, #tpu.memory_space<semaphore_mem>>) src(%arg12 : memref<96x64xf32, #tpu.memory_space<vmem>>) dst(%dma_wait3A_142 : memref<10240x64xf32, #tpu.memory_space<vmem_shared>>)
        %add3A_143 = arith.constant 2 : i32
        %add3A_144 = arith.addi %mul3A_98, %add3A_143 : i32
        %add3A_145 = arith.constant 0 : i32
        %add3A_146 = arith.addi %add3A_144, %add3A_145 : i32
        %dma_start3A_147 = arith.constant 0 : i32
        %dma_start3A_148 = tpu.memref_slice %arg7[%add3A_146, %dma_start3A_147] : memref<224x96xi32, #tpu.memory_space<vmem>> -> memref<1x96xi32, #tpu.memory_space<vmem>>
        %dma_start3A_149 = tpu.memref_squeeze %dma_start3A_148 : memref<1x96xi32, #tpu.memory_space<vmem>> -> memref<96xi32, #tpu.memory_space<vmem>>
        %dma_start3A_150 = arith.constant 0 : i32
        %dma_start3A_151 = arith.constant 0 : i32
        %dma_start3A_152 = tpu.memref_slice %arg2[%dma_start3A_150, %dma_start3A_151] : memref<10240x64xf32, #tpu.memory_space<hbm>> -> memref<10240x64xf32, #tpu.memory_space<hbm>>
        tpu.enqueue_indirect_dma source(%dma_start3A_152 : memref<10240x64xf32, #tpu.memory_space<hbm>>) target(%arg11 : memref<96x64xf32, #tpu.memory_space<vmem>>) offsets(%dma_start3A_149 : memref<96xi32, #tpu.memory_space<vmem>>) semaphore(%arg15 : memref<!tpu.dma_semaphore, #tpu.memory_space<semaphore_mem>>)
        %add3A_153 = arith.constant 2 : i32
        %add3A_154 = arith.addi %mul3A_98, %add3A_153 : i32
        %add3A_155 = arith.constant 1 : i32
        %add3A_156 = arith.addi %add3A_154, %add3A_155 : i32
        %dma_start3A_157 = arith.constant 0 : i32
        %dma_start3A_158 = tpu.memref_slice %arg7[%add3A_156, %dma_start3A_157] : memref<224x96xi32, #tpu.memory_space<vmem>> -> memref<1x96xi32, #tpu.memory_space<vmem>>
        %dma_start3A_159 = tpu.memref_squeeze %dma_start3A_158 : memref<1x96xi32, #tpu.memory_space<vmem>> -> memref<96xi32, #tpu.memory_space<vmem>>
        %dma_start3A_160 = arith.constant 0 : i32
        %dma_start3A_161 = arith.constant 0 : i32
        %dma_start3A_162 = tpu.memref_slice %arg2[%dma_start3A_160, %dma_start3A_161] : memref<10240x64xf32, #tpu.memory_space<hbm>> -> memref<10240x64xf32, #tpu.memory_space<hbm>>
        tpu.enqueue_indirect_dma source(%dma_start3A_162 : memref<10240x64xf32, #tpu.memory_space<hbm>>) target(%arg12 : memref<96x64xf32, #tpu.memory_space<vmem>>) offsets(%dma_start3A_159 : memref<96xi32, #tpu.memory_space<vmem>>) semaphore(%arg15 : memref<!tpu.dma_semaphore, #tpu.memory_space<semaphore_mem>>)
        %dma_wait3A_163 = arith.constant 0 : i32
        %dma_wait3A_164 = arith.constant 0 : i32
        %dma_wait3A_165 = tpu.memref_slice %arg7[%dma_wait3A_163, %dma_wait3A_164] : memref<224x96xi32, #tpu.memory_space<vmem>> -> memref<1x96xi32, #tpu.memory_space<vmem>>
        %dma_wait3A_166 = tpu.memref_squeeze %dma_wait3A_165 : memref<1x96xi32, #tpu.memory_space<vmem>> -> memref<96xi32, #tpu.memory_space<vmem>>
        %dma_wait3A_167 = arith.constant 0 : i32
        %dma_wait3A_168 = arith.constant 0 : i32
        %dma_wait3A_169 = tpu.memref_slice %arg2[%dma_wait3A_167, %dma_wait3A_168] : memref<10240x64xf32, #tpu.memory_space<hbm>> -> memref<10240x64xf32, #tpu.memory_space<hbm>>
        tpu.wait_indirect_dma semaphore(%arg15 : memref<!tpu.dma_semaphore, #tpu.memory_space<semaphore_mem>>) src(%dma_wait3A_169 : memref<10240x64xf32, #tpu.memory_space<hbm>>) dst(%arg11 : memref<96x64xf32, #tpu.memory_space<vmem>>)
        %add3A_170 = arith.constant 2 : i32
        %add3A_171 = arith.addi %mul3A_98, %add3A_170 : i32
        %add3A_172 = arith.constant 0 : i32
        %add3A_173 = arith.addi %add3A_171, %add3A_172 : i32
        %dma_start3A_174 = arith.constant 0 : i32
        %dma_start3A_175 = tpu.memref_slice %arg8[%add3A_173, %dma_start3A_174] : memref<224x96xi32, #tpu.memory_space<vmem>> -> memref<1x96xi32, #tpu.memory_space<vmem>>
        %dma_start3A_176 = tpu.memref_squeeze %dma_start3A_175 : memref<1x96xi32, #tpu.memory_space<vmem>> -> memref<96xi32, #tpu.memory_space<vmem>>
        %dma_start3A_177 = arith.constant 0 : i32
        %dma_start3A_178 = arith.constant 0 : i32
        %dma_start3A_179 = tpu.memref_slice %arg14[%dma_start3A_177, %dma_start3A_178] : memref<10240x64xf32, #tpu.memory_space<vmem_shared>> -> memref<10240x64xf32, #tpu.memory_space<vmem_shared>>
        tpu.enqueue_indirect_dma source(%arg11 : memref<96x64xf32, #tpu.memory_space<vmem>>) target(%dma_start3A_179 : memref<10240x64xf32, #tpu.memory_space<vmem_shared>>) offsets(%dma_start3A_176 : memref<96xi32, #tpu.memory_space<vmem>>) semaphore(%arg16 : memref<!tpu.dma_semaphore, #tpu.memory_space<semaphore_mem>>) {add = true}
        %dma_wait3A_180 = arith.constant 0 : i32
        %dma_wait3A_181 = arith.constant 0 : i32
        %dma_wait3A_182 = tpu.memref_slice %arg7[%dma_wait3A_180, %dma_wait3A_181] : memref<224x96xi32, #tpu.memory_space<vmem>> -> memref<1x96xi32, #tpu.memory_space<vmem>>
        %dma_wait3A_183 = tpu.memref_squeeze %dma_wait3A_182 : memref<1x96xi32, #tpu.memory_space<vmem>> -> memref<96xi32, #tpu.memory_space<vmem>>
        %dma_wait3A_184 = arith.constant 0 : i32
        %dma_wait3A_185 = arith.constant 0 : i32
        %dma_wait3A_186 = tpu.memref_slice %arg2[%dma_wait3A_184, %dma_wait3A_185] : memref<10240x64xf32, #tpu.memory_space<hbm>> -> memref<10240x64xf32, #tpu.memory_space<hbm>>
        tpu.wait_indirect_dma semaphore(%arg15 : memref<!tpu.dma_semaphore, #tpu.memory_space<semaphore_mem>>) src(%dma_wait3A_186 : memref<10240x64xf32, #tpu.memory_space<hbm>>) dst(%arg12 : memref<96x64xf32, #tpu.memory_space<vmem>>)
        %add3A_187 = arith.constant 2 : i32
        %add3A_188 = arith.addi %mul3A_98, %add3A_187 : i32
        %add3A_189 = arith.constant 1 : i32
        %add3A_190 = arith.addi %add3A_188, %add3A_189 : i32
        %dma_start3A_191 = arith.constant 0 : i32
        %dma_start3A_192 = tpu.memref_slice %arg8[%add3A_190, %dma_start3A_191] : memref<224x96xi32, #tpu.memory_space<vmem>> -> memref<1x96xi32, #tpu.memory_space<vmem>>
        %dma_start3A_193 = tpu.memref_squeeze %dma_start3A_192 : memref<1x96xi32, #tpu.memory_space<vmem>> -> memref<96xi32, #tpu.memory_space<vmem>>
        %dma_start3A_194 = arith.constant 0 : i32
        %dma_start3A_195 = arith.constant 0 : i32
        %dma_start3A_196 = tpu.memref_slice %arg14[%dma_start3A_194, %dma_start3A_195] : memref<10240x64xf32, #tpu.memory_space<vmem_shared>> -> memref<10240x64xf32, #tpu.memory_space<vmem_shared>>
        tpu.enqueue_indirect_dma source(%arg12 : memref<96x64xf32, #tpu.memory_space<vmem>>) target(%dma_start3A_196 : memref<10240x64xf32, #tpu.memory_space<vmem_shared>>) offsets(%dma_start3A_193 : memref<96xi32, #tpu.memory_space<vmem>>) semaphore(%arg16 : memref<!tpu.dma_semaphore, #tpu.memory_space<semaphore_mem>>) {add = true}
        %dma_wait3A_197 = arith.constant 0 : i32
        %dma_wait3A_198 = arith.constant 0 : i32
        %dma_wait3A_199 = tpu.memref_slice %arg8[%dma_wait3A_197, %dma_wait3A_198] : memref<224x96xi32, #tpu.memory_space<vmem>> -> memref<1x96xi32, #tpu.memory_space<vmem>>
        %dma_wait3A_200 = tpu.memref_squeeze %dma_wait3A_199 : memref<1x96xi32, #tpu.memory_space<vmem>> -> memref<96xi32, #tpu.memory_space<vmem>>
        %dma_wait3A_201 = arith.constant 0 : i32
        %dma_wait3A_202 = arith.constant 0 : i32
        %dma_wait3A_203 = tpu.memref_slice %arg14[%dma_wait3A_201, %dma_wait3A_202] : memref<10240x64xf32, #tpu.memory_space<vmem_shared>> -> memref<10240x64xf32, #tpu.memory_space<vmem_shared>>
        tpu.wait_indirect_dma semaphore(%arg16 : memref<!tpu.dma_semaphore, #tpu.memory_space<semaphore_mem>>) src(%arg9 : memref<96x64xf32, #tpu.memory_space<vmem>>) dst(%dma_wait3A_203 : memref<10240x64xf32, #tpu.memory_space<vmem_shared>>)
        %dma_wait3A_204 = arith.constant 0 : i32
        %dma_wait3A_205 = arith.constant 0 : i32
        %dma_wait3A_206 = tpu.memref_slice %arg8[%dma_wait3A_204, %dma_wait3A_205] : memref<224x96xi32, #tpu.memory_space<vmem>> -> memref<1x96xi32, #tpu.memory_space<vmem>>
        %dma_wait3A_207 = tpu.memref_squeeze %dma_wait3A_206 : memref<1x96xi32, #tpu.memory_space<vmem>> -> memref<96xi32, #tpu.memory_space<vmem>>
        %dma_wait3A_208 = arith.constant 0 : i32
        %dma_wait3A_209 = arith.constant 0 : i32
        %dma_wait3A_210 = tpu.memref_slice %arg14[%dma_wait3A_208, %dma_wait3A_209] : memref<10240x64xf32, #tpu.memory_space<vmem_shared>> -> memref<10240x64xf32, #tpu.memory_space<vmem_shared>>
        tpu.wait_indirect_dma semaphore(%arg16 : memref<!tpu.dma_semaphore, #tpu.memory_space<semaphore_mem>>) src(%arg10 : memref<96x64xf32, #tpu.memory_space<vmem>>) dst(%dma_wait3A_210 : memref<10240x64xf32, #tpu.memory_space<vmem_shared>>)
        %add3A_211 = arith.constant 4 : i32
        %add3A_212 = arith.addi %mul3A_98, %add3A_211 : i32
        %add3A_213 = arith.constant 0 : i32
        %add3A_214 = arith.addi %add3A_212, %add3A_213 : i32
        %min3A = arith.constant 223 : i32
        %min3A_215 = arith.minsi %add3A_214, %min3A : i32
        %dma_start3A_216 = arith.constant 0 : i32
        %dma_start3A_217 = tpu.memref_slice %arg7[%min3A_215, %dma_start3A_216] : memref<224x96xi32, #tpu.memory_space<vmem>> -> memref<1x96xi32, #tpu.memory_space<vmem>>
        %dma_start3A_218 = tpu.memref_squeeze %dma_start3A_217 : memref<1x96xi32, #tpu.memory_space<vmem>> -> memref<96xi32, #tpu.memory_space<vmem>>
        %dma_start3A_219 = arith.constant 0 : i32
        %dma_start3A_220 = arith.constant 0 : i32
        %dma_start3A_221 = tpu.memref_slice %arg2[%dma_start3A_219, %dma_start3A_220] : memref<10240x64xf32, #tpu.memory_space<hbm>> -> memref<10240x64xf32, #tpu.memory_space<hbm>>
        tpu.enqueue_indirect_dma source(%dma_start3A_221 : memref<10240x64xf32, #tpu.memory_space<hbm>>) target(%arg9 : memref<96x64xf32, #tpu.memory_space<vmem>>) offsets(%dma_start3A_218 : memref<96xi32, #tpu.memory_space<vmem>>) semaphore(%arg15 : memref<!tpu.dma_semaphore, #tpu.memory_space<semaphore_mem>>)
        %add3A_222 = arith.constant 4 : i32
        %add3A_223 = arith.addi %mul3A_98, %add3A_222 : i32
        %add3A_224 = arith.constant 1 : i32
        %add3A_225 = arith.addi %add3A_223, %add3A_224 : i32
        %min3A_226 = arith.constant 223 : i32
        %min3A_227 = arith.minsi %add3A_225, %min3A_226 : i32
        %dma_start3A_228 = arith.constant 0 : i32
        %dma_start3A_229 = tpu.memref_slice %arg7[%min3A_227, %dma_start3A_228] : memref<224x96xi32, #tpu.memory_space<vmem>> -> memref<1x96xi32, #tpu.memory_space<vmem>>
        %dma_start3A_230 = tpu.memref_squeeze %dma_start3A_229 : memref<1x96xi32, #tpu.memory_space<vmem>> -> memref<96xi32, #tpu.memory_space<vmem>>
        %dma_start3A_231 = arith.constant 0 : i32
        %dma_start3A_232 = arith.constant 0 : i32
        %dma_start3A_233 = tpu.memref_slice %arg2[%dma_start3A_231, %dma_start3A_232] : memref<10240x64xf32, #tpu.memory_space<hbm>> -> memref<10240x64xf32, #tpu.memory_space<hbm>>
        tpu.enqueue_indirect_dma source(%dma_start3A_233 : memref<10240x64xf32, #tpu.memory_space<hbm>>) target(%arg10 : memref<96x64xf32, #tpu.memory_space<vmem>>) offsets(%dma_start3A_230 : memref<96xi32, #tpu.memory_space<vmem>>) semaphore(%arg15 : memref<!tpu.dma_semaphore, #tpu.memory_space<semaphore_mem>>)
      }
      %scan3A_68 = arith.constant 56 : i32
      %dma_wait3A = arith.constant 0 : i32
      %dma_wait3A_69 = arith.constant 0 : i32
      %dma_wait3A_70 = tpu.memref_slice %arg7[%dma_wait3A, %dma_wait3A_69] : memref<224x96xi32, #tpu.memory_space<vmem>> -> memref<1x96xi32, #tpu.memory_space<vmem>>
      %dma_wait3A_71 = tpu.memref_squeeze %dma_wait3A_70 : memref<1x96xi32, #tpu.memory_space<vmem>> -> memref<96xi32, #tpu.memory_space<vmem>>
      %dma_wait3A_72 = arith.constant 0 : i32
      %dma_wait3A_73 = arith.constant 0 : i32
      %dma_wait3A_74 = tpu.memref_slice %arg2[%dma_wait3A_72, %dma_wait3A_73] : memref<10240x64xf32, #tpu.memory_space<hbm>> -> memref<10240x64xf32, #tpu.memory_space<hbm>>
      tpu.wait_indirect_dma semaphore(%arg15 : memref<!tpu.dma_semaphore, #tpu.memory_space<semaphore_mem>>) src(%dma_wait3A_74 : memref<10240x64xf32, #tpu.memory_space<hbm>>) dst(%arg9 : memref<96x64xf32, #tpu.memory_space<vmem>>)
      %dma_wait3A_75 = arith.constant 0 : i32
      %dma_wait3A_76 = arith.constant 0 : i32
      %dma_wait3A_77 = tpu.memref_slice %arg8[%dma_wait3A_75, %dma_wait3A_76] : memref<224x96xi32, #tpu.memory_space<vmem>> -> memref<1x96xi32, #tpu.memory_space<vmem>>
      %dma_wait3A_78 = tpu.memref_squeeze %dma_wait3A_77 : memref<1x96xi32, #tpu.memory_space<vmem>> -> memref<96xi32, #tpu.memory_space<vmem>>
      %dma_wait3A_79 = arith.constant 0 : i32
      %dma_wait3A_80 = arith.constant 0 : i32
      %dma_wait3A_81 = tpu.memref_slice %arg14[%dma_wait3A_79, %dma_wait3A_80] : memref<10240x64xf32, #tpu.memory_space<vmem_shared>> -> memref<10240x64xf32, #tpu.memory_space<vmem_shared>>
      tpu.wait_indirect_dma semaphore(%arg16 : memref<!tpu.dma_semaphore, #tpu.memory_space<semaphore_mem>>) src(%arg11 : memref<96x64xf32, #tpu.memory_space<vmem>>) dst(%dma_wait3A_81 : memref<10240x64xf32, #tpu.memory_space<vmem_shared>>)
      %dma_wait3A_82 = arith.constant 0 : i32
      %dma_wait3A_83 = arith.constant 0 : i32
      %dma_wait3A_84 = tpu.memref_slice %arg7[%dma_wait3A_82, %dma_wait3A_83] : memref<224x96xi32, #tpu.memory_space<vmem>> -> memref<1x96xi32, #tpu.memory_space<vmem>>
      %dma_wait3A_85 = tpu.memref_squeeze %dma_wait3A_84 : memref<1x96xi32, #tpu.memory_space<vmem>> -> memref<96xi32, #tpu.memory_space<vmem>>
      %dma_wait3A_86 = arith.constant 0 : i32
      %dma_wait3A_87 = arith.constant 0 : i32
      %dma_wait3A_88 = tpu.memref_slice %arg2[%dma_wait3A_86, %dma_wait3A_87] : memref<10240x64xf32, #tpu.memory_space<hbm>> -> memref<10240x64xf32, #tpu.memory_space<hbm>>
      tpu.wait_indirect_dma semaphore(%arg15 : memref<!tpu.dma_semaphore, #tpu.memory_space<semaphore_mem>>) src(%dma_wait3A_88 : memref<10240x64xf32, #tpu.memory_space<hbm>>) dst(%arg10 : memref<96x64xf32, #tpu.memory_space<vmem>>)
      %dma_wait3A_89 = arith.constant 0 : i32
      %dma_wait3A_90 = arith.constant 0 : i32
      %dma_wait3A_91 = tpu.memref_slice %arg8[%dma_wait3A_89, %dma_wait3A_90] : memref<224x96xi32, #tpu.memory_space<vmem>> -> memref<1x96xi32, #tpu.memory_space<vmem>>
      %dma_wait3A_92 = tpu.memref_squeeze %dma_wait3A_91 : memref<1x96xi32, #tpu.memory_space<vmem>> -> memref<96xi32, #tpu.memory_space<vmem>>
      %dma_wait3A_93 = arith.constant 0 : i32
      %dma_wait3A_94 = arith.constant 0 : i32
      %dma_wait3A_95 = tpu.memref_slice %arg14[%dma_wait3A_93, %dma_wait3A_94] : memref<10240x64xf32, #tpu.memory_space<vmem_shared>> -> memref<10240x64xf32, #tpu.memory_space<vmem_shared>>
      tpu.wait_indirect_dma semaphore(%arg16 : memref<!tpu.dma_semaphore, #tpu.memory_space<semaphore_mem>>) src(%arg12 : memref<96x64xf32, #tpu.memory_space<vmem>>) dst(%dma_wait3A_95 : memref<10240x64xf32, #tpu.memory_space<vmem_shared>>)
    } else {
    }
    %eq3A_10 = arith.constant 1 : i32
    %eq3A_11 = arith.cmpi eq, %arg0, %eq3A_10 : i32
    %convert_element_type3A_12 = arith.extui %eq3A_11 : i1 to i32
    %cond3A_13 = arith.constant 0 : i32
    %cond3A_14 = arith.cmpi ne, %convert_element_type3A_12, %cond3A_13 : i32
    scf.if %cond3A_14 {
      %broadcast_in_dim3A_20 = arith.constant 0.000000e+00 : f32
      %broadcast_in_dim3A_21 = vector.broadcast %broadcast_in_dim3A_20 : f32 to vector<16xf32>
      %scan3A_22 = arith.constant 0 : i32
      %scan3A_23 = arith.constant 0 : i32
      %scan3A_24 = arith.constant 96 : i32
      %scan3A_25 = arith.addi %scan3A_23, %scan3A_24 : i32
      %scan3A_26 = arith.constant 1 : i32
      scf.for %scan3A_96 = %scan3A_23 to %scan3A_25 step %scan3A_26  : i32 {
        %swap3A = arith.index_cast %scan3A_96 : i32 to index
        %swap3A_97 = arith.constant 0 : index
        %swap3A_98 = tpu.vector_load %arg11[%swap3A, %swap3A_97] {strides = array<i32>} : memref<96x64xf32, #tpu.memory_space<vmem>>, vector<1x16xf32>,
        %swap3A_99 = vector.shape_cast %swap3A_98 : vector<1x16xf32> to vector<16xf32>
        %swap3A_100 = vector.shape_cast %broadcast_in_dim3A_21 : vector<16xf32> to vector<1x16xf32>
        tpu.vector_store %arg11[%swap3A, %swap3A_97], %swap3A_100 {strides = array<i32>} : memref<96x64xf32, #tpu.memory_space<vmem>>, vector<1x16xf32>,
        %swap3A_101 = arith.index_cast %scan3A_96 : i32 to index
        %swap3A_102 = arith.constant 16 : index
        %swap3A_103 = tpu.vector_load %arg11[%swap3A_101, %swap3A_102] {strides = array<i32>} : memref<96x64xf32, #tpu.memory_space<vmem>>, vector<1x16xf32>,
        %swap3A_104 = vector.shape_cast %swap3A_103 : vector<1x16xf32> to vector<16xf32>
        %swap3A_105 = vector.shape_cast %broadcast_in_dim3A_21 : vector<16xf32> to vector<1x16xf32>
        tpu.vector_store %arg11[%swap3A_101, %swap3A_102], %swap3A_105 {strides = array<i32>} : memref<96x64xf32, #tpu.memory_space<vmem>>, vector<1x16xf32>,
        %swap3A_106 = arith.index_cast %scan3A_96 : i32 to index
        %swap3A_107 = arith.constant 32 : index
        %swap3A_108 = tpu.vector_load %arg11[%swap3A_106, %swap3A_107] {strides = array<i32>} : memref<96x64xf32, #tpu.memory_space<vmem>>, vector<1x16xf32>,
        %swap3A_109 = vector.shape_cast %swap3A_108 : vector<1x16xf32> to vector<16xf32>
        %swap3A_110 = vector.shape_cast %broadcast_in_dim3A_21 : vector<16xf32> to vector<1x16xf32>
        tpu.vector_store %arg11[%swap3A_106, %swap3A_107], %swap3A_110 {strides = array<i32>} : memref<96x64xf32, #tpu.memory_space<vmem>>, vector<1x16xf32>,
        %swap3A_111 = arith.index_cast %scan3A_96 : i32 to index
        %swap3A_112 = arith.constant 48 : index
        %swap3A_113 = tpu.vector_load %arg11[%swap3A_111, %swap3A_112] {strides = array<i32>} : memref<96x64xf32, #tpu.memory_space<vmem>>, vector<1x16xf32>,
        %swap3A_114 = vector.shape_cast %swap3A_113 : vector<1x16xf32> to vector<16xf32>
        %swap3A_115 = vector.shape_cast %broadcast_in_dim3A_21 : vector<16xf32> to vector<1x16xf32>
        tpu.vector_store %arg11[%swap3A_111, %swap3A_112], %swap3A_115 {strides = array<i32>} : memref<96x64xf32, #tpu.memory_space<vmem>>, vector<1x16xf32>,
      }
      %scan3A_27 = arith.constant 96 : i32
      %broadcast_in_dim3A_28 = arith.constant 0.000000e+00 : f32
      %broadcast_in_dim3A_29 = vector.broadcast %broadcast_in_dim3A_28 : f32 to vector<16xf32>
      %scan3A_30 = arith.constant 0 : i32
      %scan3A_31 = arith.constant 0 : i32
      %scan3A_32 = arith.constant 96 : i32
      %scan3A_33 = arith.addi %scan3A_31, %scan3A_32 : i32
      %scan3A_34 = arith.constant 1 : i32
      scf.for %scan3A_96 = %scan3A_31 to %scan3A_33 step %scan3A_34  : i32 {
        %swap3A = arith.index_cast %scan3A_96 : i32 to index
        %swap3A_97 = arith.constant 0 : index
        %swap3A_98 = tpu.vector_load %arg12[%swap3A, %swap3A_97] {strides = array<i32>} : memref<96x64xf32, #tpu.memory_space<vmem>>, vector<1x16xf32>,
        %swap3A_99 = vector.shape_cast %swap3A_98 : vector<1x16xf32> to vector<16xf32>
        %swap3A_100 = vector.shape_cast %broadcast_in_dim3A_29 : vector<16xf32> to vector<1x16xf32>
        tpu.vector_store %arg12[%swap3A, %swap3A_97], %swap3A_100 {strides = array<i32>} : memref<96x64xf32, #tpu.memory_space<vmem>>, vector<1x16xf32>,
        %swap3A_101 = arith.index_cast %scan3A_96 : i32 to index
        %swap3A_102 = arith.constant 16 : index
        %swap3A_103 = tpu.vector_load %arg12[%swap3A_101, %swap3A_102] {strides = array<i32>} : memref<96x64xf32, #tpu.memory_space<vmem>>, vector<1x16xf32>,
        %swap3A_104 = vector.shape_cast %swap3A_103 : vector<1x16xf32> to vector<16xf32>
        %swap3A_105 = vector.shape_cast %broadcast_in_dim3A_29 : vector<16xf32> to vector<1x16xf32>
        tpu.vector_store %arg12[%swap3A_101, %swap3A_102], %swap3A_105 {strides = array<i32>} : memref<96x64xf32, #tpu.memory_space<vmem>>, vector<1x16xf32>,
        %swap3A_106 = arith.index_cast %scan3A_96 : i32 to index
        %swap3A_107 = arith.constant 32 : index
        %swap3A_108 = tpu.vector_load %arg12[%swap3A_106, %swap3A_107] {strides = array<i32>} : memref<96x64xf32, #tpu.memory_space<vmem>>, vector<1x16xf32>,
        %swap3A_109 = vector.shape_cast %swap3A_108 : vector<1x16xf32> to vector<16xf32>
        %swap3A_110 = vector.shape_cast %broadcast_in_dim3A_29 : vector<16xf32> to vector<1x16xf32>
        tpu.vector_store %arg12[%swap3A_106, %swap3A_107], %swap3A_110 {strides = array<i32>} : memref<96x64xf32, #tpu.memory_space<vmem>>, vector<1x16xf32>,
        %swap3A_111 = arith.index_cast %scan3A_96 : i32 to index
        %swap3A_112 = arith.constant 48 : index
        %swap3A_113 = tpu.vector_load %arg12[%swap3A_111, %swap3A_112] {strides = array<i32>} : memref<96x64xf32, #tpu.memory_space<vmem>>, vector<1x16xf32>,
        %swap3A_114 = vector.shape_cast %swap3A_113 : vector<1x16xf32> to vector<16xf32>
        %swap3A_115 = vector.shape_cast %broadcast_in_dim3A_29 : vector<16xf32> to vector<1x16xf32>
        tpu.vector_store %arg12[%swap3A_111, %swap3A_112], %swap3A_115 {strides = array<i32>} : memref<96x64xf32, #tpu.memory_space<vmem>>, vector<1x16xf32>,
      }
      %scan3A_35 = arith.constant 96 : i32
      %dma_start3A = arith.constant 0 : i32
      %dma_start3A_36 = arith.constant 0 : i32
      %dma_start3A_37 = tpu.memref_slice %arg7[%dma_start3A, %dma_start3A_36] : memref<224x96xi32, #tpu.memory_space<vmem>> -> memref<1x96xi32, #tpu.memory_space<vmem>>
      %dma_start3A_38 = tpu.memref_squeeze %dma_start3A_37 : memref<1x96xi32, #tpu.memory_space<vmem>> -> memref<96xi32, #tpu.memory_space<vmem>>
      %dma_start3A_39 = arith.constant 0 : i32
      %dma_start3A_40 = arith.constant 0 : i32
      %dma_start3A_41 = tpu.memref_slice %arg3[%dma_start3A_39, %dma_start3A_40] : memref<10240x64xf32, #tpu.memory_space<hbm>> -> memref<10240x64xf32, #tpu.memory_space<hbm>>
      tpu.enqueue_indirect_dma source(%dma_start3A_41 : memref<10240x64xf32, #tpu.memory_space<hbm>>) target(%arg9 : memref<96x64xf32, #tpu.memory_space<vmem>>) offsets(%dma_start3A_38 : memref<96xi32, #tpu.memory_space<vmem>>) semaphore(%arg15 : memref<!tpu.dma_semaphore, #tpu.memory_space<semaphore_mem>>)
      %dma_start3A_42 = arith.constant 1 : i32
      %dma_start3A_43 = arith.constant 0 : i32
      %dma_start3A_44 = tpu.memref_slice %arg7[%dma_start3A_42, %dma_start3A_43] : memref<224x96xi32, #tpu.memory_space<vmem>> -> memref<1x96xi32, #tpu.memory_space<vmem>>
      %dma_start3A_45 = tpu.memref_squeeze %dma_start3A_44 : memref<1x96xi32, #tpu.memory_space<vmem>> -> memref<96xi32, #tpu.memory_space<vmem>>
      %dma_start3A_46 = arith.constant 0 : i32
      %dma_start3A_47 = arith.constant 0 : i32
      %dma_start3A_48 = tpu.memref_slice %arg3[%dma_start3A_46, %dma_start3A_47] : memref<10240x64xf32, #tpu.memory_space<hbm>> -> memref<10240x64xf32, #tpu.memory_space<hbm>>
      tpu.enqueue_indirect_dma source(%dma_start3A_48 : memref<10240x64xf32, #tpu.memory_space<hbm>>) target(%arg10 : memref<96x64xf32, #tpu.memory_space<vmem>>) offsets(%dma_start3A_45 : memref<96xi32, #tpu.memory_space<vmem>>) semaphore(%arg15 : memref<!tpu.dma_semaphore, #tpu.memory_space<semaphore_mem>>)
      %dma_start3A_49 = arith.constant 0 : i32
      %dma_start3A_50 = arith.constant 0 : i32
      %dma_start3A_51 = tpu.memref_slice %arg8[%dma_start3A_49, %dma_start3A_50] : memref<224x96xi32, #tpu.memory_space<vmem>> -> memref<1x96xi32, #tpu.memory_space<vmem>>
      %dma_start3A_52 = tpu.memref_squeeze %dma_start3A_51 : memref<1x96xi32, #tpu.memory_space<vmem>> -> memref<96xi32, #tpu.memory_space<vmem>>
      %dma_start3A_53 = arith.constant 0 : i32
      %dma_start3A_54 = arith.constant 0 : i32
      %dma_start3A_55 = tpu.memref_slice %arg14[%dma_start3A_53, %dma_start3A_54] : memref<10240x64xf32, #tpu.memory_space<vmem_shared>> -> memref<10240x64xf32, #tpu.memory_space<vmem_shared>>
      tpu.enqueue_indirect_dma source(%arg11 : memref<96x64xf32, #tpu.memory_space<vmem>>) target(%dma_start3A_55 : memref<10240x64xf32, #tpu.memory_space<vmem_shared>>) offsets(%dma_start3A_52 : memref<96xi32, #tpu.memory_space<vmem>>) semaphore(%arg16 : memref<!tpu.dma_semaphore, #tpu.memory_space<semaphore_mem>>) {add = true}
      %dma_start3A_56 = arith.constant 0 : i32
      %dma_start3A_57 = arith.constant 0 : i32
      %dma_start3A_58 = tpu.memref_slice %arg8[%dma_start3A_56, %dma_start3A_57] : memref<224x96xi32, #tpu.memory_space<vmem>> -> memref<1x96xi32, #tpu.memory_space<vmem>>
      %dma_start3A_59 = tpu.memref_squeeze %dma_start3A_58 : memref<1x96xi32, #tpu.memory_space<vmem>> -> memref<96xi32, #tpu.memory_space<vmem>>
      %dma_start3A_60 = arith.constant 0 : i32
      %dma_start3A_61 = arith.constant 0 : i32
      %dma_start3A_62 = tpu.memref_slice %arg14[%dma_start3A_60, %dma_start3A_61] : memref<10240x64xf32, #tpu.memory_space<vmem_shared>> -> memref<10240x64xf32, #tpu.memory_space<vmem_shared>>
      tpu.enqueue_indirect_dma source(%arg12 : memref<96x64xf32, #tpu.memory_space<vmem>>) target(%dma_start3A_62 : memref<10240x64xf32, #tpu.memory_space<vmem_shared>>) offsets(%dma_start3A_59 : memref<96xi32, #tpu.memory_space<vmem>>) semaphore(%arg16 : memref<!tpu.dma_semaphore, #tpu.memory_space<semaphore_mem>>) {add = true}
      %scan3A_63 = arith.constant 0 : i32
      %scan3A_64 = arith.constant 0 : i32
      %scan3A_65 = arith.constant 56 : i32
      %scan3A_66 = arith.addi %scan3A_64, %scan3A_65 : i32
      %scan3A_67 = arith.constant 1 : i32
      scf.for %scan3A_96 = %scan3A_64 to %scan3A_66 step %scan3A_67  : i32 {
        %mul3A_97 = arith.constant 4 : i32
        %mul3A_98 = arith.muli %mul3A_97, %scan3A_96 : i32
        %dma_wait3A_99 = arith.constant 0 : i32
        %dma_wait3A_100 = arith.constant 0 : i32
        %dma_wait3A_101 = tpu.memref_slice %arg7[%dma_wait3A_99, %dma_wait3A_100] : memref<224x96xi32, #tpu.memory_space<vmem>> -> memref<1x96xi32, #tpu.memory_space<vmem>>
        %dma_wait3A_102 = tpu.memref_squeeze %dma_wait3A_101 : memref<1x96xi32, #tpu.memory_space<vmem>> -> memref<96xi32, #tpu.memory_space<vmem>>
        %dma_wait3A_103 = arith.constant 0 : i32
        %dma_wait3A_104 = arith.constant 0 : i32
        %dma_wait3A_105 = tpu.memref_slice %arg3[%dma_wait3A_103, %dma_wait3A_104] : memref<10240x64xf32, #tpu.memory_space<hbm>> -> memref<10240x64xf32, #tpu.memory_space<hbm>>
        tpu.wait_indirect_dma semaphore(%arg15 : memref<!tpu.dma_semaphore, #tpu.memory_space<semaphore_mem>>) src(%dma_wait3A_105 : memref<10240x64xf32, #tpu.memory_space<hbm>>) dst(%arg9 : memref<96x64xf32, #tpu.memory_space<vmem>>)
        %add3A_106 = arith.constant 0 : i32
        %add3A_107 = arith.addi %mul3A_98, %add3A_106 : i32
        %dma_start3A_108 = arith.constant 0 : i32
        %dma_start3A_109 = tpu.memref_slice %arg8[%add3A_107, %dma_start3A_108] : memref<224x96xi32, #tpu.memory_space<vmem>> -> memref<1x96xi32, #tpu.memory_space<vmem>>
        %dma_start3A_110 = tpu.memref_squeeze %dma_start3A_109 : memref<1x96xi32, #tpu.memory_space<vmem>> -> memref<96xi32, #tpu.memory_space<vmem>>
        %dma_start3A_111 = arith.constant 0 : i32
        %dma_start3A_112 = arith.constant 0 : i32
        %dma_start3A_113 = tpu.memref_slice %arg14[%dma_start3A_111, %dma_start3A_112] : memref<10240x64xf32, #tpu.memory_space<vmem_shared>> -> memref<10240x64xf32, #tpu.memory_space<vmem_shared>>
        tpu.enqueue_indirect_dma source(%arg9 : memref<96x64xf32, #tpu.memory_space<vmem>>) target(%dma_start3A_113 : memref<10240x64xf32, #tpu.memory_space<vmem_shared>>) offsets(%dma_start3A_110 : memref<96xi32, #tpu.memory_space<vmem>>) semaphore(%arg16 : memref<!tpu.dma_semaphore, #tpu.memory_space<semaphore_mem>>) {add = true}
        %dma_wait3A_114 = arith.constant 0 : i32
        %dma_wait3A_115 = arith.constant 0 : i32
        %dma_wait3A_116 = tpu.memref_slice %arg7[%dma_wait3A_114, %dma_wait3A_115] : memref<224x96xi32, #tpu.memory_space<vmem>> -> memref<1x96xi32, #tpu.memory_space<vmem>>
        %dma_wait3A_117 = tpu.memref_squeeze %dma_wait3A_116 : memref<1x96xi32, #tpu.memory_space<vmem>> -> memref<96xi32, #tpu.memory_space<vmem>>
        %dma_wait3A_118 = arith.constant 0 : i32
        %dma_wait3A_119 = arith.constant 0 : i32
        %dma_wait3A_120 = tpu.memref_slice %arg3[%dma_wait3A_118, %dma_wait3A_119] : memref<10240x64xf32, #tpu.memory_space<hbm>> -> memref<10240x64xf32, #tpu.memory_space<hbm>>
        tpu.wait_indirect_dma semaphore(%arg15 : memref<!tpu.dma_semaphore, #tpu.memory_space<semaphore_mem>>) src(%dma_wait3A_120 : memref<10240x64xf32, #tpu.memory_space<hbm>>) dst(%arg10 : memref<96x64xf32, #tpu.memory_space<vmem>>)
        %add3A_121 = arith.constant 1 : i32
        %add3A_122 = arith.addi %mul3A_98, %add3A_121 : i32
        %dma_start3A_123 = arith.constant 0 : i32
        %dma_start3A_124 = tpu.memref_slice %arg8[%add3A_122, %dma_start3A_123] : memref<224x96xi32, #tpu.memory_space<vmem>> -> memref<1x96xi32, #tpu.memory_space<vmem>>
        %dma_start3A_125 = tpu.memref_squeeze %dma_start3A_124 : memref<1x96xi32, #tpu.memory_space<vmem>> -> memref<96xi32, #tpu.memory_space<vmem>>
        %dma_start3A_126 = arith.constant 0 : i32
        %dma_start3A_127 = arith.constant 0 : i32
        %dma_start3A_128 = tpu.memref_slice %arg14[%dma_start3A_126, %dma_start3A_127] : memref<10240x64xf32, #tpu.memory_space<vmem_shared>> -> memref<10240x64xf32, #tpu.memory_space<vmem_shared>>
        tpu.enqueue_indirect_dma source(%arg10 : memref<96x64xf32, #tpu.memory_space<vmem>>) target(%dma_start3A_128 : memref<10240x64xf32, #tpu.memory_space<vmem_shared>>) offsets(%dma_start3A_125 : memref<96xi32, #tpu.memory_space<vmem>>) semaphore(%arg16 : memref<!tpu.dma_semaphore, #tpu.memory_space<semaphore_mem>>) {add = true}
        %dma_wait3A_129 = arith.constant 0 : i32
        %dma_wait3A_130 = arith.constant 0 : i32
        %dma_wait3A_131 = tpu.memref_slice %arg8[%dma_wait3A_129, %dma_wait3A_130] : memref<224x96xi32, #tpu.memory_space<vmem>> -> memref<1x96xi32, #tpu.memory_space<vmem>>
        %dma_wait3A_132 = tpu.memref_squeeze %dma_wait3A_131 : memref<1x96xi32, #tpu.memory_space<vmem>> -> memref<96xi32, #tpu.memory_space<vmem>>
        %dma_wait3A_133 = arith.constant 0 : i32
        %dma_wait3A_134 = arith.constant 0 : i32
        %dma_wait3A_135 = tpu.memref_slice %arg14[%dma_wait3A_133, %dma_wait3A_134] : memref<10240x64xf32, #tpu.memory_space<vmem_shared>> -> memref<10240x64xf32, #tpu.memory_space<vmem_shared>>
        tpu.wait_indirect_dma semaphore(%arg16 : memref<!tpu.dma_semaphore, #tpu.memory_space<semaphore_mem>>) src(%arg11 : memref<96x64xf32, #tpu.memory_space<vmem>>) dst(%dma_wait3A_135 : memref<10240x64xf32, #tpu.memory_space<vmem_shared>>)
        %dma_wait3A_136 = arith.constant 0 : i32
        %dma_wait3A_137 = arith.constant 0 : i32
        %dma_wait3A_138 = tpu.memref_slice %arg8[%dma_wait3A_136, %dma_wait3A_137] : memref<224x96xi32, #tpu.memory_space<vmem>> -> memref<1x96xi32, #tpu.memory_space<vmem>>
        %dma_wait3A_139 = tpu.memref_squeeze %dma_wait3A_138 : memref<1x96xi32, #tpu.memory_space<vmem>> -> memref<96xi32, #tpu.memory_space<vmem>>
        %dma_wait3A_140 = arith.constant 0 : i32
        %dma_wait3A_141 = arith.constant 0 : i32
        %dma_wait3A_142 = tpu.memref_slice %arg14[%dma_wait3A_140, %dma_wait3A_141] : memref<10240x64xf32, #tpu.memory_space<vmem_shared>> -> memref<10240x64xf32, #tpu.memory_space<vmem_shared>>
        tpu.wait_indirect_dma semaphore(%arg16 : memref<!tpu.dma_semaphore, #tpu.memory_space<semaphore_mem>>) src(%arg12 : memref<96x64xf32, #tpu.memory_space<vmem>>) dst(%dma_wait3A_142 : memref<10240x64xf32, #tpu.memory_space<vmem_shared>>)
        %add3A_143 = arith.constant 2 : i32
        %add3A_144 = arith.addi %mul3A_98, %add3A_143 : i32
        %add3A_145 = arith.constant 0 : i32
        %add3A_146 = arith.addi %add3A_144, %add3A_145 : i32
        %dma_start3A_147 = arith.constant 0 : i32
        %dma_start3A_148 = tpu.memref_slice %arg7[%add3A_146, %dma_start3A_147] : memref<224x96xi32, #tpu.memory_space<vmem>> -> memref<1x96xi32, #tpu.memory_space<vmem>>
        %dma_start3A_149 = tpu.memref_squeeze %dma_start3A_148 : memref<1x96xi32, #tpu.memory_space<vmem>> -> memref<96xi32, #tpu.memory_space<vmem>>
        %dma_start3A_150 = arith.constant 0 : i32
        %dma_start3A_151 = arith.constant 0 : i32
        %dma_start3A_152 = tpu.memref_slice %arg3[%dma_start3A_150, %dma_start3A_151] : memref<10240x64xf32, #tpu.memory_space<hbm>> -> memref<10240x64xf32, #tpu.memory_space<hbm>>
        tpu.enqueue_indirect_dma source(%dma_start3A_152 : memref<10240x64xf32, #tpu.memory_space<hbm>>) target(%arg11 : memref<96x64xf32, #tpu.memory_space<vmem>>) offsets(%dma_start3A_149 : memref<96xi32, #tpu.memory_space<vmem>>) semaphore(%arg15 : memref<!tpu.dma_semaphore, #tpu.memory_space<semaphore_mem>>)
        %add3A_153 = arith.constant 2 : i32
        %add3A_154 = arith.addi %mul3A_98, %add3A_153 : i32
        %add3A_155 = arith.constant 1 : i32
        %add3A_156 = arith.addi %add3A_154, %add3A_155 : i32
        %dma_start3A_157 = arith.constant 0 : i32
        %dma_start3A_158 = tpu.memref_slice %arg7[%add3A_156, %dma_start3A_157] : memref<224x96xi32, #tpu.memory_space<vmem>> -> memref<1x96xi32, #tpu.memory_space<vmem>>
        %dma_start3A_159 = tpu.memref_squeeze %dma_start3A_158 : memref<1x96xi32, #tpu.memory_space<vmem>> -> memref<96xi32, #tpu.memory_space<vmem>>
        %dma_start3A_160 = arith.constant 0 : i32
        %dma_start3A_161 = arith.constant 0 : i32
        %dma_start3A_162 = tpu.memref_slice %arg3[%dma_start3A_160, %dma_start3A_161] : memref<10240x64xf32, #tpu.memory_space<hbm>> -> memref<10240x64xf32, #tpu.memory_space<hbm>>
        tpu.enqueue_indirect_dma source(%dma_start3A_162 : memref<10240x64xf32, #tpu.memory_space<hbm>>) target(%arg12 : memref<96x64xf32, #tpu.memory_space<vmem>>) offsets(%dma_start3A_159 : memref<96xi32, #tpu.memory_space<vmem>>) semaphore(%arg15 : memref<!tpu.dma_semaphore, #tpu.memory_space<semaphore_mem>>)
        %dma_wait3A_163 = arith.constant 0 : i32
        %dma_wait3A_164 = arith.constant 0 : i32
        %dma_wait3A_165 = tpu.memref_slice %arg7[%dma_wait3A_163, %dma_wait3A_164] : memref<224x96xi32, #tpu.memory_space<vmem>> -> memref<1x96xi32, #tpu.memory_space<vmem>>
        %dma_wait3A_166 = tpu.memref_squeeze %dma_wait3A_165 : memref<1x96xi32, #tpu.memory_space<vmem>> -> memref<96xi32, #tpu.memory_space<vmem>>
        %dma_wait3A_167 = arith.constant 0 : i32
        %dma_wait3A_168 = arith.constant 0 : i32
        %dma_wait3A_169 = tpu.memref_slice %arg3[%dma_wait3A_167, %dma_wait3A_168] : memref<10240x64xf32, #tpu.memory_space<hbm>> -> memref<10240x64xf32, #tpu.memory_space<hbm>>
        tpu.wait_indirect_dma semaphore(%arg15 : memref<!tpu.dma_semaphore, #tpu.memory_space<semaphore_mem>>) src(%dma_wait3A_169 : memref<10240x64xf32, #tpu.memory_space<hbm>>) dst(%arg11 : memref<96x64xf32, #tpu.memory_space<vmem>>)
        %add3A_170 = arith.constant 2 : i32
        %add3A_171 = arith.addi %mul3A_98, %add3A_170 : i32
        %add3A_172 = arith.constant 0 : i32
        %add3A_173 = arith.addi %add3A_171, %add3A_172 : i32
        %dma_start3A_174 = arith.constant 0 : i32
        %dma_start3A_175 = tpu.memref_slice %arg8[%add3A_173, %dma_start3A_174] : memref<224x96xi32, #tpu.memory_space<vmem>> -> memref<1x96xi32, #tpu.memory_space<vmem>>
        %dma_start3A_176 = tpu.memref_squeeze %dma_start3A_175 : memref<1x96xi32, #tpu.memory_space<vmem>> -> memref<96xi32, #tpu.memory_space<vmem>>
        %dma_start3A_177 = arith.constant 0 : i32
        %dma_start3A_178 = arith.constant 0 : i32
        %dma_start3A_179 = tpu.memref_slice %arg14[%dma_start3A_177, %dma_start3A_178] : memref<10240x64xf32, #tpu.memory_space<vmem_shared>> -> memref<10240x64xf32, #tpu.memory_space<vmem_shared>>
        tpu.enqueue_indirect_dma source(%arg11 : memref<96x64xf32, #tpu.memory_space<vmem>>) target(%dma_start3A_179 : memref<10240x64xf32, #tpu.memory_space<vmem_shared>>) offsets(%dma_start3A_176 : memref<96xi32, #tpu.memory_space<vmem>>) semaphore(%arg16 : memref<!tpu.dma_semaphore, #tpu.memory_space<semaphore_mem>>) {add = true}
        %dma_wait3A_180 = arith.constant 0 : i32
        %dma_wait3A_181 = arith.constant 0 : i32
        %dma_wait3A_182 = tpu.memref_slice %arg7[%dma_wait3A_180, %dma_wait3A_181] : memref<224x96xi32, #tpu.memory_space<vmem>> -> memref<1x96xi32, #tpu.memory_space<vmem>>
        %dma_wait3A_183 = tpu.memref_squeeze %dma_wait3A_182 : memref<1x96xi32, #tpu.memory_space<vmem>> -> memref<96xi32, #tpu.memory_space<vmem>>
        %dma_wait3A_184 = arith.constant 0 : i32
        %dma_wait3A_185 = arith.constant 0 : i32
        %dma_wait3A_186 = tpu.memref_slice %arg3[%dma_wait3A_184, %dma_wait3A_185] : memref<10240x64xf32, #tpu.memory_space<hbm>> -> memref<10240x64xf32, #tpu.memory_space<hbm>>
        tpu.wait_indirect_dma semaphore(%arg15 : memref<!tpu.dma_semaphore, #tpu.memory_space<semaphore_mem>>) src(%dma_wait3A_186 : memref<10240x64xf32, #tpu.memory_space<hbm>>) dst(%arg12 : memref<96x64xf32, #tpu.memory_space<vmem>>)
        %add3A_187 = arith.constant 2 : i32
        %add3A_188 = arith.addi %mul3A_98, %add3A_187 : i32
        %add3A_189 = arith.constant 1 : i32
        %add3A_190 = arith.addi %add3A_188, %add3A_189 : i32
        %dma_start3A_191 = arith.constant 0 : i32
        %dma_start3A_192 = tpu.memref_slice %arg8[%add3A_190, %dma_start3A_191] : memref<224x96xi32, #tpu.memory_space<vmem>> -> memref<1x96xi32, #tpu.memory_space<vmem>>
        %dma_start3A_193 = tpu.memref_squeeze %dma_start3A_192 : memref<1x96xi32, #tpu.memory_space<vmem>> -> memref<96xi32, #tpu.memory_space<vmem>>
        %dma_start3A_194 = arith.constant 0 : i32
        %dma_start3A_195 = arith.constant 0 : i32
        %dma_start3A_196 = tpu.memref_slice %arg14[%dma_start3A_194, %dma_start3A_195] : memref<10240x64xf32, #tpu.memory_space<vmem_shared>> -> memref<10240x64xf32, #tpu.memory_space<vmem_shared>>
        tpu.enqueue_indirect_dma source(%arg12 : memref<96x64xf32, #tpu.memory_space<vmem>>) target(%dma_start3A_196 : memref<10240x64xf32, #tpu.memory_space<vmem_shared>>) offsets(%dma_start3A_193 : memref<96xi32, #tpu.memory_space<vmem>>) semaphore(%arg16 : memref<!tpu.dma_semaphore, #tpu.memory_space<semaphore_mem>>) {add = true}
        %dma_wait3A_197 = arith.constant 0 : i32
        %dma_wait3A_198 = arith.constant 0 : i32
        %dma_wait3A_199 = tpu.memref_slice %arg8[%dma_wait3A_197, %dma_wait3A_198] : memref<224x96xi32, #tpu.memory_space<vmem>> -> memref<1x96xi32, #tpu.memory_space<vmem>>
        %dma_wait3A_200 = tpu.memref_squeeze %dma_wait3A_199 : memref<1x96xi32, #tpu.memory_space<vmem>> -> memref<96xi32, #tpu.memory_space<vmem>>
        %dma_wait3A_201 = arith.constant 0 : i32
        %dma_wait3A_202 = arith.constant 0 : i32
        %dma_wait3A_203 = tpu.memref_slice %arg14[%dma_wait3A_201, %dma_wait3A_202] : memref<10240x64xf32, #tpu.memory_space<vmem_shared>> -> memref<10240x64xf32, #tpu.memory_space<vmem_shared>>
        tpu.wait_indirect_dma semaphore(%arg16 : memref<!tpu.dma_semaphore, #tpu.memory_space<semaphore_mem>>) src(%arg9 : memref<96x64xf32, #tpu.memory_space<vmem>>) dst(%dma_wait3A_203 : memref<10240x64xf32, #tpu.memory_space<vmem_shared>>)
        %dma_wait3A_204 = arith.constant 0 : i32
        %dma_wait3A_205 = arith.constant 0 : i32
        %dma_wait3A_206 = tpu.memref_slice %arg8[%dma_wait3A_204, %dma_wait3A_205] : memref<224x96xi32, #tpu.memory_space<vmem>> -> memref<1x96xi32, #tpu.memory_space<vmem>>
        %dma_wait3A_207 = tpu.memref_squeeze %dma_wait3A_206 : memref<1x96xi32, #tpu.memory_space<vmem>> -> memref<96xi32, #tpu.memory_space<vmem>>
        %dma_wait3A_208 = arith.constant 0 : i32
        %dma_wait3A_209 = arith.constant 0 : i32
        %dma_wait3A_210 = tpu.memref_slice %arg14[%dma_wait3A_208, %dma_wait3A_209] : memref<10240x64xf32, #tpu.memory_space<vmem_shared>> -> memref<10240x64xf32, #tpu.memory_space<vmem_shared>>
        tpu.wait_indirect_dma semaphore(%arg16 : memref<!tpu.dma_semaphore, #tpu.memory_space<semaphore_mem>>) src(%arg10 : memref<96x64xf32, #tpu.memory_space<vmem>>) dst(%dma_wait3A_210 : memref<10240x64xf32, #tpu.memory_space<vmem_shared>>)
        %add3A_211 = arith.constant 4 : i32
        %add3A_212 = arith.addi %mul3A_98, %add3A_211 : i32
        %add3A_213 = arith.constant 0 : i32
        %add3A_214 = arith.addi %add3A_212, %add3A_213 : i32
        %min3A = arith.constant 223 : i32
        %min3A_215 = arith.minsi %add3A_214, %min3A : i32
        %dma_start3A_216 = arith.constant 0 : i32
        %dma_start3A_217 = tpu.memref_slice %arg7[%min3A_215, %dma_start3A_216] : memref<224x96xi32, #tpu.memory_space<vmem>> -> memref<1x96xi32, #tpu.memory_space<vmem>>
        %dma_start3A_218 = tpu.memref_squeeze %dma_start3A_217 : memref<1x96xi32, #tpu.memory_space<vmem>> -> memref<96xi32, #tpu.memory_space<vmem>>
        %dma_start3A_219 = arith.constant 0 : i32
        %dma_start3A_220 = arith.constant 0 : i32
        %dma_start3A_221 = tpu.memref_slice %arg3[%dma_start3A_219, %dma_start3A_220] : memref<10240x64xf32, #tpu.memory_space<hbm>> -> memref<10240x64xf32, #tpu.memory_space<hbm>>
        tpu.enqueue_indirect_dma source(%dma_start3A_221 : memref<10240x64xf32, #tpu.memory_space<hbm>>) target(%arg9 : memref<96x64xf32, #tpu.memory_space<vmem>>) offsets(%dma_start3A_218 : memref<96xi32, #tpu.memory_space<vmem>>) semaphore(%arg15 : memref<!tpu.dma_semaphore, #tpu.memory_space<semaphore_mem>>)
        %add3A_222 = arith.constant 4 : i32
        %add3A_223 = arith.addi %mul3A_98, %add3A_222 : i32
        %add3A_224 = arith.constant 1 : i32
        %add3A_225 = arith.addi %add3A_223, %add3A_224 : i32
        %min3A_226 = arith.constant 223 : i32
        %min3A_227 = arith.minsi %add3A_225, %min3A_226 : i32
        %dma_start3A_228 = arith.constant 0 : i32
        %dma_start3A_229 = tpu.memref_slice %arg7[%min3A_227, %dma_start3A_228] : memref<224x96xi32, #tpu.memory_space<vmem>> -> memref<1x96xi32, #tpu.memory_space<vmem>>
        %dma_start3A_230 = tpu.memref_squeeze %dma_start3A_229 : memref<1x96xi32, #tpu.memory_space<vmem>> -> memref<96xi32, #tpu.memory_space<vmem>>
        %dma_start3A_231 = arith.constant 0 : i32
        %dma_start3A_232 = arith.constant 0 : i32
        %dma_start3A_233 = tpu.memref_slice %arg3[%dma_start3A_231, %dma_start3A_232] : memref<10240x64xf32, #tpu.memory_space<hbm>> -> memref<10240x64xf32, #tpu.memory_space<hbm>>
        tpu.enqueue_indirect_dma source(%dma_start3A_233 : memref<10240x64xf32, #tpu.memory_space<hbm>>) target(%arg10 : memref<96x64xf32, #tpu.memory_space<vmem>>) offsets(%dma_start3A_230 : memref<96xi32, #tpu.memory_space<vmem>>) semaphore(%arg15 : memref<!tpu.dma_semaphore, #tpu.memory_space<semaphore_mem>>)
      }
      %scan3A_68 = arith.constant 56 : i32
      %dma_wait3A = arith.constant 0 : i32
      %dma_wait3A_69 = arith.constant 0 : i32
      %dma_wait3A_70 = tpu.memref_slice %arg7[%dma_wait3A, %dma_wait3A_69] : memref<224x96xi32, #tpu.memory_space<vmem>> -> memref<1x96xi32, #tpu.memory_space<vmem>>
      %dma_wait3A_71 = tpu.memref_squeeze %dma_wait3A_70 : memref<1x96xi32, #tpu.memory_space<vmem>> -> memref<96xi32, #tpu.memory_space<vmem>>
      %dma_wait3A_72 = arith.constant 0 : i32
      %dma_wait3A_73 = arith.constant 0 : i32
      %dma_wait3A_74 = tpu.memref_slice %arg3[%dma_wait3A_72, %dma_wait3A_73] : memref<10240x64xf32, #tpu.memory_space<hbm>> -> memref<10240x64xf32, #tpu.memory_space<hbm>>
      tpu.wait_indirect_dma semaphore(%arg15 : memref<!tpu.dma_semaphore, #tpu.memory_space<semaphore_mem>>) src(%dma_wait3A_74 : memref<10240x64xf32, #tpu.memory_space<hbm>>) dst(%arg9 : memref<96x64xf32, #tpu.memory_space<vmem>>)
      %dma_wait3A_75 = arith.constant 0 : i32
      %dma_wait3A_76 = arith.constant 0 : i32
      %dma_wait3A_77 = tpu.memref_slice %arg8[%dma_wait3A_75, %dma_wait3A_76] : memref<224x96xi32, #tpu.memory_space<vmem>> -> memref<1x96xi32, #tpu.memory_space<vmem>>
      %dma_wait3A_78 = tpu.memref_squeeze %dma_wait3A_77 : memref<1x96xi32, #tpu.memory_space<vmem>> -> memref<96xi32, #tpu.memory_space<vmem>>
      %dma_wait3A_79 = arith.constant 0 : i32
      %dma_wait3A_80 = arith.constant 0 : i32
      %dma_wait3A_81 = tpu.memref_slice %arg14[%dma_wait3A_79, %dma_wait3A_80] : memref<10240x64xf32, #tpu.memory_space<vmem_shared>> -> memref<10240x64xf32, #tpu.memory_space<vmem_shared>>
      tpu.wait_indirect_dma semaphore(%arg16 : memref<!tpu.dma_semaphore, #tpu.memory_space<semaphore_mem>>) src(%arg11 : memref<96x64xf32, #tpu.memory_space<vmem>>) dst(%dma_wait3A_81 : memref<10240x64xf32, #tpu.memory_space<vmem_shared>>)
      %dma_wait3A_82 = arith.constant 0 : i32
      %dma_wait3A_83 = arith.constant 0 : i32
      %dma_wait3A_84 = tpu.memref_slice %arg7[%dma_wait3A_82, %dma_wait3A_83] : memref<224x96xi32, #tpu.memory_space<vmem>> -> memref<1x96xi32, #tpu.memory_space<vmem>>
      %dma_wait3A_85 = tpu.memref_squeeze %dma_wait3A_84 : memref<1x96xi32, #tpu.memory_space<vmem>> -> memref<96xi32, #tpu.memory_space<vmem>>
      %dma_wait3A_86 = arith.constant 0 : i32
      %dma_wait3A_87 = arith.constant 0 : i32
      %dma_wait3A_88 = tpu.memref_slice %arg3[%dma_wait3A_86, %dma_wait3A_87] : memref<10240x64xf32, #tpu.memory_space<hbm>> -> memref<10240x64xf32, #tpu.memory_space<hbm>>
      tpu.wait_indirect_dma semaphore(%arg15 : memref<!tpu.dma_semaphore, #tpu.memory_space<semaphore_mem>>) src(%dma_wait3A_88 : memref<10240x64xf32, #tpu.memory_space<hbm>>) dst(%arg10 : memref<96x64xf32, #tpu.memory_space<vmem>>)
      %dma_wait3A_89 = arith.constant 0 : i32
      %dma_wait3A_90 = arith.constant 0 : i32
      %dma_wait3A_91 = tpu.memref_slice %arg8[%dma_wait3A_89, %dma_wait3A_90] : memref<224x96xi32, #tpu.memory_space<vmem>> -> memref<1x96xi32, #tpu.memory_space<vmem>>
      %dma_wait3A_92 = tpu.memref_squeeze %dma_wait3A_91 : memref<1x96xi32, #tpu.memory_space<vmem>> -> memref<96xi32, #tpu.memory_space<vmem>>
      %dma_wait3A_93 = arith.constant 0 : i32
      %dma_wait3A_94 = arith.constant 0 : i32
      %dma_wait3A_95 = tpu.memref_slice %arg14[%dma_wait3A_93, %dma_wait3A_94] : memref<10240x64xf32, #tpu.memory_space<vmem_shared>> -> memref<10240x64xf32, #tpu.memory_space<vmem_shared>>
      tpu.wait_indirect_dma semaphore(%arg16 : memref<!tpu.dma_semaphore, #tpu.memory_space<semaphore_mem>>) src(%arg12 : memref<96x64xf32, #tpu.memory_space<vmem>>) dst(%dma_wait3A_95 : memref<10240x64xf32, #tpu.memory_space<vmem_shared>>)
    } else {
    }
    %barrier3A_15 = arith.constant 0 : index
    tpu.barrier barrier_id(%barrier3A_15)
    "tpu.region"() ({
      %run_scoped3A = tpu.sem_alloc : memref<!tpu.dma_semaphore, #tpu.memory_space<semaphore_mem>>
      %dma_start3A = arith.constant 0 : i32
      %dma_start3A_20 = tpu.memref_slice %arg14[%mul3A_0, %dma_start3A] : memref<10240x64xf32, #tpu.memory_space<vmem_shared>> -> memref<320x64xf32, #tpu.memory_space<vmem_shared>>
      %dma_start3A_21 = arith.constant 0 : i32
      %dma_start3A_22 = tpu.memref_slice %arg14[%mul3A_0, %dma_start3A_21] : memref<10240x64xf32, #tpu.memory_space<vmem_shared>> -> memref<320x64xf32, #tpu.memory_space<vmem_shared>>
      tpu.enqueue_dma source(%dma_start3A_22 : memref<320x64xf32, #tpu.memory_space<vmem_shared>>) target(%arg13 : memref<320x64xf32, #tpu.memory_space<vmem>>) target_semaphore(%run_scoped3A : memref<!tpu.dma_semaphore, #tpu.memory_space<semaphore_mem>>)
      %dma_wait3A = arith.constant 0 : i32
      %dma_wait3A_23 = tpu.memref_slice %arg14[%mul3A_0, %dma_wait3A] : memref<10240x64xf32, #tpu.memory_space<vmem_shared>> -> memref<320x64xf32, #tpu.memory_space<vmem_shared>>
      %dma_wait3A_24 = arith.constant 0 : i32
      %dma_wait3A_25 = tpu.memref_slice %arg14[%mul3A_0, %dma_wait3A_24] : memref<10240x64xf32, #tpu.memory_space<vmem_shared>> -> memref<320x64xf32, #tpu.memory_space<vmem_shared>>
      tpu.wait_dma2 semaphore(%run_scoped3A : memref<!tpu.dma_semaphore, #tpu.memory_space<semaphore_mem>>) src(%dma_wait3A_25 : memref<320x64xf32, #tpu.memory_space<vmem_shared>>) dst(%arg13 : memref<320x64xf32, #tpu.memory_space<vmem>>)
      tpu.yield
    }) : () -> ()
    "tpu.region"() ({
      %run_scoped3A = tpu.sem_alloc : memref<!tpu.dma_semaphore, #tpu.memory_space<semaphore_mem>>
      %dma_start3A = arith.constant 0 : i32
      %dma_start3A_20 = tpu.memref_slice %arg6[%arg0, %mul3A_0, %dma_start3A] : memref<2x10240x64xf32, #tpu.memory_space<hbm>> -> memref<1x320x64xf32, #tpu.memory_space<hbm>>
      %dma_start3A_21 = tpu.memref_squeeze %dma_start3A_20 : memref<1x320x64xf32, #tpu.memory_space<hbm>> -> memref<320x64xf32, #tpu.memory_space<hbm>>
      %dma_start3A_22 = arith.constant 0 : i32
      %dma_start3A_23 = tpu.memref_slice %arg6[%arg0, %mul3A_0, %dma_start3A_22] : memref<2x10240x64xf32, #tpu.memory_space<hbm>> -> memref<1x320x64xf32, #tpu.memory_space<hbm>>
      %dma_start3A_24 = tpu.memref_squeeze %dma_start3A_23 : memref<1x320x64xf32, #tpu.memory_space<hbm>> -> memref<320x64xf32, #tpu.memory_space<hbm>>
      tpu.enqueue_dma source(%arg13 : memref<320x64xf32, #tpu.memory_space<vmem>>) target(%dma_start3A_24 : memref<320x64xf32, #tpu.memory_space<hbm>>) target_semaphore(%run_scoped3A : memref<!tpu.dma_semaphore, #tpu.memory_space<semaphore_mem>>)
      %dma_wait3A = arith.constant 0 : i32
      %dma_wait3A_25 = tpu.memref_slice %arg6[%arg0, %mul3A_0, %dma_wait3A] : memref<2x10240x64xf32, #tpu.memory_space<hbm>> -> memref<1x320x64xf32, #tpu.memory_space<hbm>>
      %dma_wait3A_26 = tpu.memref_squeeze %dma_wait3A_25 : memref<1x320x64xf32, #tpu.memory_space<hbm>> -> memref<320x64xf32, #tpu.memory_space<hbm>>
      %dma_wait3A_27 = arith.constant 0 : i32
      %dma_wait3A_28 = tpu.memref_slice %arg6[%arg0, %mul3A_0, %dma_wait3A_27] : memref<2x10240x64xf32, #tpu.memory_space<hbm>> -> memref<1x320x64xf32, #tpu.memory_space<hbm>>
      %dma_wait3A_29 = tpu.memref_squeeze %dma_wait3A_28 : memref<1x320x64xf32, #tpu.memory_space<hbm>> -> memref<320x64xf32, #tpu.memory_space<hbm>>
      tpu.wait_dma2 semaphore(%run_scoped3A : memref<!tpu.dma_semaphore, #tpu.memory_space<semaphore_mem>>) src(%arg13 : memref<320x64xf32, #tpu.memory_space<vmem>>) dst(%dma_wait3A_29 : memref<320x64xf32, #tpu.memory_space<hbm>>)
      tpu.yield
    }) : () -> ()
    %add3A_16 = arith.constant 320 : i32
    %add3A_17 = arith.addi %mul3A_0, %add3A_16 : i32
    "tpu.region"() ({
      %run_scoped3A = tpu.sem_alloc : memref<!tpu.dma_semaphore, #tpu.memory_space<semaphore_mem>>
      %dma_start3A = arith.constant 0 : i32
      %dma_start3A_20 = tpu.memref_slice %arg14[%add3A_17, %dma_start3A] : memref<10240x64xf32, #tpu.memory_space<vmem_shared>> -> memref<320x64xf32, #tpu.memory_space<vmem_shared>>
      %dma_start3A_21 = arith.constant 0 : i32
      %dma_start3A_22 = tpu.memref_slice %arg14[%add3A_17, %dma_start3A_21] : memref<10240x64xf32, #tpu.memory_space<vmem_shared>> -> memref<320x64xf32, #tpu.memory_space<vmem_shared>>
      tpu.enqueue_dma source(%dma_start3A_22 : memref<320x64xf32, #tpu.memory_space<vmem_shared>>) target(%arg13 : memref<320x64xf32, #tpu.memory_space<vmem>>) target_semaphore(%run_scoped3A : memref<!tpu.dma_semaphore, #tpu.memory_space<semaphore_mem>>)
      %dma_wait3A = arith.constant 0 : i32
      %dma_wait3A_23 = tpu.memref_slice %arg14[%add3A_17, %dma_wait3A] : memref<10240x64xf32, #tpu.memory_space<vmem_shared>> -> memref<320x64xf32, #tpu.memory_space<vmem_shared>>
      %dma_wait3A_24 = arith.constant 0 : i32
      %dma_wait3A_25 = tpu.memref_slice %arg14[%add3A_17, %dma_wait3A_24] : memref<10240x64xf32, #tpu.memory_space<vmem_shared>> -> memref<320x64xf32, #tpu.memory_space<vmem_shared>>
      tpu.wait_dma2 semaphore(%run_scoped3A : memref<!tpu.dma_semaphore, #tpu.memory_space<semaphore_mem>>) src(%dma_wait3A_25 : memref<320x64xf32, #tpu.memory_space<vmem_shared>>) dst(%arg13 : memref<320x64xf32, #tpu.memory_space<vmem>>)
      tpu.yield
    }) : () -> ()
    %add3A_18 = arith.constant 320 : i32
    %add3A_19 = arith.addi %mul3A_0, %add3A_18 : i32
    "tpu.region"() ({
      %run_scoped3A = tpu.sem_alloc : memref<!tpu.dma_semaphore, #tpu.memory_space<semaphore_mem>>
      %dma_start3A = arith.constant 0 : i32
      %dma_start3A_20 = tpu.memref_slice %arg6[%arg0, %add3A_19, %dma_start3A] : memref<2x10240x64xf32, #tpu.memory_space<hbm>> -> memref<1x320x64xf32, #tpu.memory_space<hbm>>
      %dma_start3A_21 = tpu.memref_squeeze %dma_start3A_20 : memref<1x320x64xf32, #tpu.memory_space<hbm>> -> memref<320x64xf32, #tpu.memory_space<hbm>>
      %dma_start3A_22 = arith.constant 0 : i32
      %dma_start3A_23 = tpu.memref_slice %arg6[%arg0, %add3A_19, %dma_start3A_22] : memref<2x10240x64xf32, #tpu.memory_space<hbm>> -> memref<1x320x64xf32, #tpu.memory_space<hbm>>
      %dma_start3A_24 = tpu.memref_squeeze %dma_start3A_23 : memref<1x320x64xf32, #tpu.memory_space<hbm>> -> memref<320x64xf32, #tpu.memory_space<hbm>>
      tpu.enqueue_dma source(%arg13 : memref<320x64xf32, #tpu.memory_space<vmem>>) target(%dma_start3A_24 : memref<320x64xf32, #tpu.memory_space<hbm>>) target_semaphore(%run_scoped3A : memref<!tpu.dma_semaphore, #tpu.memory_space<semaphore_mem>>)
      %dma_wait3A = arith.constant 0 : i32
      %dma_wait3A_25 = tpu.memref_slice %arg6[%arg0, %add3A_19, %dma_wait3A] : memref<2x10240x64xf32, #tpu.memory_space<hbm>> -> memref<1x320x64xf32, #tpu.memory_space<hbm>>
      %dma_wait3A_26 = tpu.memref_squeeze %dma_wait3A_25 : memref<1x320x64xf32, #tpu.memory_space<hbm>> -> memref<320x64xf32, #tpu.memory_space<hbm>>
      %dma_wait3A_27 = arith.constant 0 : i32
      %dma_wait3A_28 = tpu.memref_slice %arg6[%arg0, %add3A_19, %dma_wait3A_27] : memref<2x10240x64xf32, #tpu.memory_space<hbm>> -> memref<1x320x64xf32, #tpu.memory_space<hbm>>
      %dma_wait3A_29 = tpu.memref_squeeze %dma_wait3A_28 : memref<1x320x64xf32, #tpu.memory_space<hbm>> -> memref<320x64xf32, #tpu.memory_space<hbm>>
      tpu.wait_dma2 semaphore(%run_scoped3A : memref<!tpu.dma_semaphore, #tpu.memory_space<semaphore_mem>>) src(%arg13 : memref<320x64xf32, #tpu.memory_space<vmem>>) dst(%dma_wait3A_29 : memref<320x64xf32, #tpu.memory_space<hbm>>)
      tpu.yield
    }) : () -> ()
    return
  }
}

#map = affine_map<(d0, d1) -> (0, 0)>
#map1 = affine_map<(d0, d1) -> (0, 0, 0)>
module attributes {stable_mosaic.version = 14 : i64} {
  func.func @_agg16(%arg0: i32, %arg1: i32, %arg2: memref<10240x16xf32, #tpu.memory_space<hbm>>, %arg3: memref<32x84x128xi32, #tpu.memory_space<hbm>>, %arg4: memref<32x84x128xi32, #tpu.memory_space<hbm>>, %arg5: memref<2x10240x16xf32, #tpu.memory_space<hbm>>, %arg6: memref<84x128xi32, #tpu.memory_space<vmem>>, %arg7: memref<84x128xi32, #tpu.memory_space<vmem>>, %arg8: memref<128x16xf32, #tpu.memory_space<vmem>>, %arg9: memref<128x16xf32, #tpu.memory_space<vmem>>, %arg10: memref<128x16xf32, #tpu.memory_space<vmem>>, %arg11: memref<128x16xf32, #tpu.memory_space<vmem>>, %arg12: memref<320x16xf32, #tpu.memory_space<vmem>>, %arg13: memref<10240x16xf32, #tpu.memory_space<vmem_shared>>, %arg14: memref<!tpu.dma_semaphore, #tpu.memory_space<semaphore_mem>>, %arg15: memref<!tpu.dma_semaphore, #tpu.memory_space<semaphore_mem>>) attributes {dimension_semantics = [#tpu.dimension_semantics<core_parallel>, #tpu.dimension_semantics<subcore_parallel>], iteration_bounds = array<i64: 2, 16>, scalar_prefetch = 0 : i64, scratch_operands = 10 : i64, tpu.core_type = #tpu.core_type<sc_vector_subcore>, window_params = [{transform_indices = #map}, {transform_indices = #map1}, {transform_indices = #map1}, {transform_indices = #map1}]} {
    %mul3A = arith.constant 16 : i32
    %mul3A_0 = arith.muli %arg0, %mul3A : i32
    %add3A = arith.addi %mul3A_0, %arg1 : i32
    %mul3A_1 = arith.constant 640 : i32
    %mul3A_2 = arith.muli %arg1, %mul3A_1 : i32
    %broadcast_in_dim3A = arith.constant 0.000000e+00 : f32
    %broadcast_in_dim3A_3 = vector.broadcast %broadcast_in_dim3A : f32 to vector<16xf32>
    %scan3A = arith.constant 0 : i32
    %scan3A_4 = arith.constant 0 : i32
    %scan3A_5 = arith.constant 320 : i32
    %scan3A_6 = arith.addi %scan3A_4, %scan3A_5 : i32
    %scan3A_7 = arith.constant 1 : i32
    scf.for %scan3A_92 = %scan3A_4 to %scan3A_6 step %scan3A_7  : i32 {
      %swap3A = arith.index_cast %scan3A_92 : i32 to index
      %swap3A_93 = arith.constant 0 : index
      %swap3A_94 = tpu.vector_load %arg12[%swap3A, %swap3A_93] {strides = array<i32>} : memref<320x16xf32, #tpu.memory_space<vmem>>, vector<1x16xf32>,
      %swap3A_95 = vector.shape_cast %swap3A_94 : vector<1x16xf32> to vector<16xf32>
      %swap3A_96 = vector.shape_cast %broadcast_in_dim3A_3 : vector<16xf32> to vector<1x16xf32>
      tpu.vector_store %arg12[%swap3A, %swap3A_93], %swap3A_96 {strides = array<i32>} : memref<320x16xf32, #tpu.memory_space<vmem>>, vector<1x16xf32>,
    }
    %scan3A_8 = arith.constant 320 : i32
    "tpu.region"() ({
      %run_scoped3A = tpu.sem_alloc : memref<!tpu.dma_semaphore, #tpu.memory_space<semaphore_mem>>
      %dma_start3A_92 = arith.constant 0 : i32
      %dma_start3A_93 = tpu.memref_slice %arg13[%mul3A_2, %dma_start3A_92] : memref<10240x16xf32, #tpu.memory_space<vmem_shared>> -> memref<320x16xf32, #tpu.memory_space<vmem_shared>>
      %dma_start3A_94 = arith.constant 0 : i32
      %dma_start3A_95 = tpu.memref_slice %arg13[%mul3A_2, %dma_start3A_94] : memref<10240x16xf32, #tpu.memory_space<vmem_shared>> -> memref<320x16xf32, #tpu.memory_space<vmem_shared>>
      tpu.enqueue_dma source(%arg12 : memref<320x16xf32, #tpu.memory_space<vmem>>) target(%dma_start3A_95 : memref<320x16xf32, #tpu.memory_space<vmem_shared>>) target_semaphore(%run_scoped3A : memref<!tpu.dma_semaphore, #tpu.memory_space<semaphore_mem>>)
      %dma_wait3A_96 = arith.constant 0 : i32
      %dma_wait3A_97 = tpu.memref_slice %arg13[%mul3A_2, %dma_wait3A_96] : memref<10240x16xf32, #tpu.memory_space<vmem_shared>> -> memref<320x16xf32, #tpu.memory_space<vmem_shared>>
      %dma_wait3A_98 = arith.constant 0 : i32
      %dma_wait3A_99 = tpu.memref_slice %arg13[%mul3A_2, %dma_wait3A_98] : memref<10240x16xf32, #tpu.memory_space<vmem_shared>> -> memref<320x16xf32, #tpu.memory_space<vmem_shared>>
      tpu.wait_dma2 semaphore(%run_scoped3A : memref<!tpu.dma_semaphore, #tpu.memory_space<semaphore_mem>>) src(%arg12 : memref<320x16xf32, #tpu.memory_space<vmem>>) dst(%dma_wait3A_99 : memref<320x16xf32, #tpu.memory_space<vmem_shared>>)
      tpu.yield
    }) : () -> ()
    %add3A_9 = arith.constant 320 : i32
    %add3A_10 = arith.addi %mul3A_2, %add3A_9 : i32
    "tpu.region"() ({
      %run_scoped3A = tpu.sem_alloc : memref<!tpu.dma_semaphore, #tpu.memory_space<semaphore_mem>>
      %dma_start3A_92 = arith.constant 0 : i32
      %dma_start3A_93 = tpu.memref_slice %arg13[%add3A_10, %dma_start3A_92] : memref<10240x16xf32, #tpu.memory_space<vmem_shared>> -> memref<320x16xf32, #tpu.memory_space<vmem_shared>>
      %dma_start3A_94 = arith.constant 0 : i32
      %dma_start3A_95 = tpu.memref_slice %arg13[%add3A_10, %dma_start3A_94] : memref<10240x16xf32, #tpu.memory_space<vmem_shared>> -> memref<320x16xf32, #tpu.memory_space<vmem_shared>>
      tpu.enqueue_dma source(%arg12 : memref<320x16xf32, #tpu.memory_space<vmem>>) target(%dma_start3A_95 : memref<320x16xf32, #tpu.memory_space<vmem_shared>>) target_semaphore(%run_scoped3A : memref<!tpu.dma_semaphore, #tpu.memory_space<semaphore_mem>>)
      %dma_wait3A_96 = arith.constant 0 : i32
      %dma_wait3A_97 = tpu.memref_slice %arg13[%add3A_10, %dma_wait3A_96] : memref<10240x16xf32, #tpu.memory_space<vmem_shared>> -> memref<320x16xf32, #tpu.memory_space<vmem_shared>>
      %dma_wait3A_98 = arith.constant 0 : i32
      %dma_wait3A_99 = tpu.memref_slice %arg13[%add3A_10, %dma_wait3A_98] : memref<10240x16xf32, #tpu.memory_space<vmem_shared>> -> memref<320x16xf32, #tpu.memory_space<vmem_shared>>
      tpu.wait_dma2 semaphore(%run_scoped3A : memref<!tpu.dma_semaphore, #tpu.memory_space<semaphore_mem>>) src(%arg12 : memref<320x16xf32, #tpu.memory_space<vmem>>) dst(%dma_wait3A_99 : memref<320x16xf32, #tpu.memory_space<vmem_shared>>)
      tpu.yield
    }) : () -> ()
    "tpu.region"() ({
      %run_scoped3A = tpu.sem_alloc : memref<!tpu.dma_semaphore, #tpu.memory_space<semaphore_mem>>
      %dma_start3A_92 = arith.constant 0 : i32
      %dma_start3A_93 = arith.constant 0 : i32
      %dma_start3A_94 = tpu.memref_slice %arg3[%add3A, %dma_start3A_92, %dma_start3A_93] : memref<32x84x128xi32, #tpu.memory_space<hbm>> -> memref<1x84x128xi32, #tpu.memory_space<hbm>>
      %dma_start3A_95 = tpu.memref_squeeze %dma_start3A_94 : memref<1x84x128xi32, #tpu.memory_space<hbm>> -> memref<84x128xi32, #tpu.memory_space<hbm>>
      %dma_start3A_96 = arith.constant 0 : i32
      %dma_start3A_97 = arith.constant 0 : i32
      %dma_start3A_98 = tpu.memref_slice %arg3[%add3A, %dma_start3A_96, %dma_start3A_97] : memref<32x84x128xi32, #tpu.memory_space<hbm>> -> memref<1x84x128xi32, #tpu.memory_space<hbm>>
      %dma_start3A_99 = tpu.memref_squeeze %dma_start3A_98 : memref<1x84x128xi32, #tpu.memory_space<hbm>> -> memref<84x128xi32, #tpu.memory_space<hbm>>
      tpu.enqueue_dma source(%dma_start3A_99 : memref<84x128xi32, #tpu.memory_space<hbm>>) target(%arg6 : memref<84x128xi32, #tpu.memory_space<vmem>>) target_semaphore(%run_scoped3A : memref<!tpu.dma_semaphore, #tpu.memory_space<semaphore_mem>>)
      %dma_wait3A_100 = arith.constant 0 : i32
      %dma_wait3A_101 = arith.constant 0 : i32
      %dma_wait3A_102 = tpu.memref_slice %arg3[%add3A, %dma_wait3A_100, %dma_wait3A_101] : memref<32x84x128xi32, #tpu.memory_space<hbm>> -> memref<1x84x128xi32, #tpu.memory_space<hbm>>
      %dma_wait3A_103 = tpu.memref_squeeze %dma_wait3A_102 : memref<1x84x128xi32, #tpu.memory_space<hbm>> -> memref<84x128xi32, #tpu.memory_space<hbm>>
      %dma_wait3A_104 = arith.constant 0 : i32
      %dma_wait3A_105 = arith.constant 0 : i32
      %dma_wait3A_106 = tpu.memref_slice %arg3[%add3A, %dma_wait3A_104, %dma_wait3A_105] : memref<32x84x128xi32, #tpu.memory_space<hbm>> -> memref<1x84x128xi32, #tpu.memory_space<hbm>>
      %dma_wait3A_107 = tpu.memref_squeeze %dma_wait3A_106 : memref<1x84x128xi32, #tpu.memory_space<hbm>> -> memref<84x128xi32, #tpu.memory_space<hbm>>
      tpu.wait_dma2 semaphore(%run_scoped3A : memref<!tpu.dma_semaphore, #tpu.memory_space<semaphore_mem>>) src(%dma_wait3A_107 : memref<84x128xi32, #tpu.memory_space<hbm>>) dst(%arg6 : memref<84x128xi32, #tpu.memory_space<vmem>>)
      tpu.yield
    }) : () -> ()
    "tpu.region"() ({
      %run_scoped3A = tpu.sem_alloc : memref<!tpu.dma_semaphore, #tpu.memory_space<semaphore_mem>>
      %dma_start3A_92 = arith.constant 0 : i32
      %dma_start3A_93 = arith.constant 0 : i32
      %dma_start3A_94 = tpu.memref_slice %arg4[%add3A, %dma_start3A_92, %dma_start3A_93] : memref<32x84x128xi32, #tpu.memory_space<hbm>> -> memref<1x84x128xi32, #tpu.memory_space<hbm>>
      %dma_start3A_95 = tpu.memref_squeeze %dma_start3A_94 : memref<1x84x128xi32, #tpu.memory_space<hbm>> -> memref<84x128xi32, #tpu.memory_space<hbm>>
      %dma_start3A_96 = arith.constant 0 : i32
      %dma_start3A_97 = arith.constant 0 : i32
      %dma_start3A_98 = tpu.memref_slice %arg4[%add3A, %dma_start3A_96, %dma_start3A_97] : memref<32x84x128xi32, #tpu.memory_space<hbm>> -> memref<1x84x128xi32, #tpu.memory_space<hbm>>
      %dma_start3A_99 = tpu.memref_squeeze %dma_start3A_98 : memref<1x84x128xi32, #tpu.memory_space<hbm>> -> memref<84x128xi32, #tpu.memory_space<hbm>>
      tpu.enqueue_dma source(%dma_start3A_99 : memref<84x128xi32, #tpu.memory_space<hbm>>) target(%arg7 : memref<84x128xi32, #tpu.memory_space<vmem>>) target_semaphore(%run_scoped3A : memref<!tpu.dma_semaphore, #tpu.memory_space<semaphore_mem>>)
      %dma_wait3A_100 = arith.constant 0 : i32
      %dma_wait3A_101 = arith.constant 0 : i32
      %dma_wait3A_102 = tpu.memref_slice %arg4[%add3A, %dma_wait3A_100, %dma_wait3A_101] : memref<32x84x128xi32, #tpu.memory_space<hbm>> -> memref<1x84x128xi32, #tpu.memory_space<hbm>>
      %dma_wait3A_103 = tpu.memref_squeeze %dma_wait3A_102 : memref<1x84x128xi32, #tpu.memory_space<hbm>> -> memref<84x128xi32, #tpu.memory_space<hbm>>
      %dma_wait3A_104 = arith.constant 0 : i32
      %dma_wait3A_105 = arith.constant 0 : i32
      %dma_wait3A_106 = tpu.memref_slice %arg4[%add3A, %dma_wait3A_104, %dma_wait3A_105] : memref<32x84x128xi32, #tpu.memory_space<hbm>> -> memref<1x84x128xi32, #tpu.memory_space<hbm>>
      %dma_wait3A_107 = tpu.memref_squeeze %dma_wait3A_106 : memref<1x84x128xi32, #tpu.memory_space<hbm>> -> memref<84x128xi32, #tpu.memory_space<hbm>>
      tpu.wait_dma2 semaphore(%run_scoped3A : memref<!tpu.dma_semaphore, #tpu.memory_space<semaphore_mem>>) src(%dma_wait3A_107 : memref<84x128xi32, #tpu.memory_space<hbm>>) dst(%arg7 : memref<84x128xi32, #tpu.memory_space<vmem>>)
      tpu.yield
    }) : () -> ()
    %barrier3A = arith.constant 0 : index
    tpu.barrier barrier_id(%barrier3A)
    %broadcast_in_dim3A_11 = arith.constant 0.000000e+00 : f32
    %broadcast_in_dim3A_12 = vector.broadcast %broadcast_in_dim3A_11 : f32 to vector<16xf32>
    %scan3A_13 = arith.constant 0 : i32
    %scan3A_14 = arith.constant 0 : i32
    %scan3A_15 = arith.constant 128 : i32
    %scan3A_16 = arith.addi %scan3A_14, %scan3A_15 : i32
    %scan3A_17 = arith.constant 1 : i32
    scf.for %scan3A_92 = %scan3A_14 to %scan3A_16 step %scan3A_17  : i32 {
      %swap3A = arith.index_cast %scan3A_92 : i32 to index
      %swap3A_93 = arith.constant 0 : index
      %swap3A_94 = tpu.vector_load %arg10[%swap3A, %swap3A_93] {strides = array<i32>} : memref<128x16xf32, #tpu.memory_space<vmem>>, vector<1x16xf32>,
      %swap3A_95 = vector.shape_cast %swap3A_94 : vector<1x16xf32> to vector<16xf32>
      %swap3A_96 = vector.shape_cast %broadcast_in_dim3A_12 : vector<16xf32> to vector<1x16xf32>
      tpu.vector_store %arg10[%swap3A, %swap3A_93], %swap3A_96 {strides = array<i32>} : memref<128x16xf32, #tpu.memory_space<vmem>>, vector<1x16xf32>,
    }
    %scan3A_18 = arith.constant 128 : i32
    %broadcast_in_dim3A_19 = arith.constant 0.000000e+00 : f32
    %broadcast_in_dim3A_20 = vector.broadcast %broadcast_in_dim3A_19 : f32 to vector<16xf32>
    %scan3A_21 = arith.constant 0 : i32
    %scan3A_22 = arith.constant 0 : i32
    %scan3A_23 = arith.constant 128 : i32
    %scan3A_24 = arith.addi %scan3A_22, %scan3A_23 : i32
    %scan3A_25 = arith.constant 1 : i32
    scf.for %scan3A_92 = %scan3A_22 to %scan3A_24 step %scan3A_25  : i32 {
      %swap3A = arith.index_cast %scan3A_92 : i32 to index
      %swap3A_93 = arith.constant 0 : index
      %swap3A_94 = tpu.vector_load %arg11[%swap3A, %swap3A_93] {strides = array<i32>} : memref<128x16xf32, #tpu.memory_space<vmem>>, vector<1x16xf32>,
      %swap3A_95 = vector.shape_cast %swap3A_94 : vector<1x16xf32> to vector<16xf32>
      %swap3A_96 = vector.shape_cast %broadcast_in_dim3A_20 : vector<16xf32> to vector<1x16xf32>
      tpu.vector_store %arg11[%swap3A, %swap3A_93], %swap3A_96 {strides = array<i32>} : memref<128x16xf32, #tpu.memory_space<vmem>>, vector<1x16xf32>,
    }
    %scan3A_26 = arith.constant 128 : i32
    %dma_start3A = arith.constant 0 : i32
    %dma_start3A_27 = arith.constant 0 : i32
    %dma_start3A_28 = tpu.memref_slice %arg6[%dma_start3A, %dma_start3A_27] : memref<84x128xi32, #tpu.memory_space<vmem>> -> memref<1x128xi32, #tpu.memory_space<vmem>>
    %dma_start3A_29 = tpu.memref_squeeze %dma_start3A_28 : memref<1x128xi32, #tpu.memory_space<vmem>> -> memref<128xi32, #tpu.memory_space<vmem>>
    %dma_start3A_30 = arith.constant 0 : i32
    %dma_start3A_31 = arith.constant 0 : i32
    %dma_start3A_32 = tpu.memref_slice %arg2[%dma_start3A_30, %dma_start3A_31] : memref<10240x16xf32, #tpu.memory_space<hbm>> -> memref<10240x16xf32, #tpu.memory_space<hbm>>
    tpu.enqueue_indirect_dma source(%dma_start3A_32 : memref<10240x16xf32, #tpu.memory_space<hbm>>) target(%arg8 : memref<128x16xf32, #tpu.memory_space<vmem>>) offsets(%dma_start3A_29 : memref<128xi32, #tpu.memory_space<vmem>>) semaphore(%arg14 : memref<!tpu.dma_semaphore, #tpu.memory_space<semaphore_mem>>)
    %dma_start3A_33 = arith.constant 1 : i32
    %dma_start3A_34 = arith.constant 0 : i32
    %dma_start3A_35 = tpu.memref_slice %arg6[%dma_start3A_33, %dma_start3A_34] : memref<84x128xi32, #tpu.memory_space<vmem>> -> memref<1x128xi32, #tpu.memory_space<vmem>>
    %dma_start3A_36 = tpu.memref_squeeze %dma_start3A_35 : memref<1x128xi32, #tpu.memory_space<vmem>> -> memref<128xi32, #tpu.memory_space<vmem>>
    %dma_start3A_37 = arith.constant 0 : i32
    %dma_start3A_38 = arith.constant 0 : i32
    %dma_start3A_39 = tpu.memref_slice %arg2[%dma_start3A_37, %dma_start3A_38] : memref<10240x16xf32, #tpu.memory_space<hbm>> -> memref<10240x16xf32, #tpu.memory_space<hbm>>
    tpu.enqueue_indirect_dma source(%dma_start3A_39 : memref<10240x16xf32, #tpu.memory_space<hbm>>) target(%arg9 : memref<128x16xf32, #tpu.memory_space<vmem>>) offsets(%dma_start3A_36 : memref<128xi32, #tpu.memory_space<vmem>>) semaphore(%arg14 : memref<!tpu.dma_semaphore, #tpu.memory_space<semaphore_mem>>)
    %dma_start3A_40 = arith.constant 0 : i32
    %dma_start3A_41 = arith.constant 0 : i32
    %dma_start3A_42 = tpu.memref_slice %arg7[%dma_start3A_40, %dma_start3A_41] : memref<84x128xi32, #tpu.memory_space<vmem>> -> memref<1x128xi32, #tpu.memory_space<vmem>>
    %dma_start3A_43 = tpu.memref_squeeze %dma_start3A_42 : memref<1x128xi32, #tpu.memory_space<vmem>> -> memref<128xi32, #tpu.memory_space<vmem>>
    %dma_start3A_44 = arith.constant 0 : i32
    %dma_start3A_45 = arith.constant 0 : i32
    %dma_start3A_46 = tpu.memref_slice %arg13[%dma_start3A_44, %dma_start3A_45] : memref<10240x16xf32, #tpu.memory_space<vmem_shared>> -> memref<10240x16xf32, #tpu.memory_space<vmem_shared>>
    tpu.enqueue_indirect_dma source(%arg10 : memref<128x16xf32, #tpu.memory_space<vmem>>) target(%dma_start3A_46 : memref<10240x16xf32, #tpu.memory_space<vmem_shared>>) offsets(%dma_start3A_43 : memref<128xi32, #tpu.memory_space<vmem>>) semaphore(%arg15 : memref<!tpu.dma_semaphore, #tpu.memory_space<semaphore_mem>>) {add = true}
    %dma_start3A_47 = arith.constant 0 : i32
    %dma_start3A_48 = arith.constant 0 : i32
    %dma_start3A_49 = tpu.memref_slice %arg7[%dma_start3A_47, %dma_start3A_48] : memref<84x128xi32, #tpu.memory_space<vmem>> -> memref<1x128xi32, #tpu.memory_space<vmem>>
    %dma_start3A_50 = tpu.memref_squeeze %dma_start3A_49 : memref<1x128xi32, #tpu.memory_space<vmem>> -> memref<128xi32, #tpu.memory_space<vmem>>
    %dma_start3A_51 = arith.constant 0 : i32
    %dma_start3A_52 = arith.constant 0 : i32
    %dma_start3A_53 = tpu.memref_slice %arg13[%dma_start3A_51, %dma_start3A_52] : memref<10240x16xf32, #tpu.memory_space<vmem_shared>> -> memref<10240x16xf32, #tpu.memory_space<vmem_shared>>
    tpu.enqueue_indirect_dma source(%arg11 : memref<128x16xf32, #tpu.memory_space<vmem>>) target(%dma_start3A_53 : memref<10240x16xf32, #tpu.memory_space<vmem_shared>>) offsets(%dma_start3A_50 : memref<128xi32, #tpu.memory_space<vmem>>) semaphore(%arg15 : memref<!tpu.dma_semaphore, #tpu.memory_space<semaphore_mem>>) {add = true}
    %scan3A_54 = arith.constant 0 : i32
    %scan3A_55 = arith.constant 0 : i32
    %scan3A_56 = arith.constant 21 : i32
    %scan3A_57 = arith.addi %scan3A_55, %scan3A_56 : i32
    %scan3A_58 = arith.constant 1 : i32
    scf.for %scan3A_92 = %scan3A_55 to %scan3A_57 step %scan3A_58  : i32 {
      %mul3A_93 = arith.constant 4 : i32
      %mul3A_94 = arith.muli %mul3A_93, %scan3A_92 : i32
      %dma_wait3A_95 = arith.constant 0 : i32
      %dma_wait3A_96 = arith.constant 0 : i32
      %dma_wait3A_97 = tpu.memref_slice %arg6[%dma_wait3A_95, %dma_wait3A_96] : memref<84x128xi32, #tpu.memory_space<vmem>> -> memref<1x128xi32, #tpu.memory_space<vmem>>
      %dma_wait3A_98 = tpu.memref_squeeze %dma_wait3A_97 : memref<1x128xi32, #tpu.memory_space<vmem>> -> memref<128xi32, #tpu.memory_space<vmem>>
      %dma_wait3A_99 = arith.constant 0 : i32
      %dma_wait3A_100 = arith.constant 0 : i32
      %dma_wait3A_101 = tpu.memref_slice %arg2[%dma_wait3A_99, %dma_wait3A_100] : memref<10240x16xf32, #tpu.memory_space<hbm>> -> memref<10240x16xf32, #tpu.memory_space<hbm>>
      tpu.wait_indirect_dma semaphore(%arg14 : memref<!tpu.dma_semaphore, #tpu.memory_space<semaphore_mem>>) src(%dma_wait3A_101 : memref<10240x16xf32, #tpu.memory_space<hbm>>) dst(%arg8 : memref<128x16xf32, #tpu.memory_space<vmem>>)
      %add3A_102 = arith.constant 0 : i32
      %add3A_103 = arith.addi %mul3A_94, %add3A_102 : i32
      %dma_start3A_104 = arith.constant 0 : i32
      %dma_start3A_105 = tpu.memref_slice %arg7[%add3A_103, %dma_start3A_104] : memref<84x128xi32, #tpu.memory_space<vmem>> -> memref<1x128xi32, #tpu.memory_space<vmem>>
      %dma_start3A_106 = tpu.memref_squeeze %dma_start3A_105 : memref<1x128xi32, #tpu.memory_space<vmem>> -> memref<128xi32, #tpu.memory_space<vmem>>
      %dma_start3A_107 = arith.constant 0 : i32
      %dma_start3A_108 = arith.constant 0 : i32
      %dma_start3A_109 = tpu.memref_slice %arg13[%dma_start3A_107, %dma_start3A_108] : memref<10240x16xf32, #tpu.memory_space<vmem_shared>> -> memref<10240x16xf32, #tpu.memory_space<vmem_shared>>
      tpu.enqueue_indirect_dma source(%arg8 : memref<128x16xf32, #tpu.memory_space<vmem>>) target(%dma_start3A_109 : memref<10240x16xf32, #tpu.memory_space<vmem_shared>>) offsets(%dma_start3A_106 : memref<128xi32, #tpu.memory_space<vmem>>) semaphore(%arg15 : memref<!tpu.dma_semaphore, #tpu.memory_space<semaphore_mem>>) {add = true}
      %dma_wait3A_110 = arith.constant 0 : i32
      %dma_wait3A_111 = arith.constant 0 : i32
      %dma_wait3A_112 = tpu.memref_slice %arg6[%dma_wait3A_110, %dma_wait3A_111] : memref<84x128xi32, #tpu.memory_space<vmem>> -> memref<1x128xi32, #tpu.memory_space<vmem>>
      %dma_wait3A_113 = tpu.memref_squeeze %dma_wait3A_112 : memref<1x128xi32, #tpu.memory_space<vmem>> -> memref<128xi32, #tpu.memory_space<vmem>>
      %dma_wait3A_114 = arith.constant 0 : i32
      %dma_wait3A_115 = arith.constant 0 : i32
      %dma_wait3A_116 = tpu.memref_slice %arg2[%dma_wait3A_114, %dma_wait3A_115] : memref<10240x16xf32, #tpu.memory_space<hbm>> -> memref<10240x16xf32, #tpu.memory_space<hbm>>
      tpu.wait_indirect_dma semaphore(%arg14 : memref<!tpu.dma_semaphore, #tpu.memory_space<semaphore_mem>>) src(%dma_wait3A_116 : memref<10240x16xf32, #tpu.memory_space<hbm>>) dst(%arg9 : memref<128x16xf32, #tpu.memory_space<vmem>>)
      %add3A_117 = arith.constant 1 : i32
      %add3A_118 = arith.addi %mul3A_94, %add3A_117 : i32
      %dma_start3A_119 = arith.constant 0 : i32
      %dma_start3A_120 = tpu.memref_slice %arg7[%add3A_118, %dma_start3A_119] : memref<84x128xi32, #tpu.memory_space<vmem>> -> memref<1x128xi32, #tpu.memory_space<vmem>>
      %dma_start3A_121 = tpu.memref_squeeze %dma_start3A_120 : memref<1x128xi32, #tpu.memory_space<vmem>> -> memref<128xi32, #tpu.memory_space<vmem>>
      %dma_start3A_122 = arith.constant 0 : i32
      %dma_start3A_123 = arith.constant 0 : i32
      %dma_start3A_124 = tpu.memref_slice %arg13[%dma_start3A_122, %dma_start3A_123] : memref<10240x16xf32, #tpu.memory_space<vmem_shared>> -> memref<10240x16xf32, #tpu.memory_space<vmem_shared>>
      tpu.enqueue_indirect_dma source(%arg9 : memref<128x16xf32, #tpu.memory_space<vmem>>) target(%dma_start3A_124 : memref<10240x16xf32, #tpu.memory_space<vmem_shared>>) offsets(%dma_start3A_121 : memref<128xi32, #tpu.memory_space<vmem>>) semaphore(%arg15 : memref<!tpu.dma_semaphore, #tpu.memory_space<semaphore_mem>>) {add = true}
      %dma_wait3A_125 = arith.constant 0 : i32
      %dma_wait3A_126 = arith.constant 0 : i32
      %dma_wait3A_127 = tpu.memref_slice %arg7[%dma_wait3A_125, %dma_wait3A_126] : memref<84x128xi32, #tpu.memory_space<vmem>> -> memref<1x128xi32, #tpu.memory_space<vmem>>
      %dma_wait3A_128 = tpu.memref_squeeze %dma_wait3A_127 : memref<1x128xi32, #tpu.memory_space<vmem>> -> memref<128xi32, #tpu.memory_space<vmem>>
      %dma_wait3A_129 = arith.constant 0 : i32
      %dma_wait3A_130 = arith.constant 0 : i32
      %dma_wait3A_131 = tpu.memref_slice %arg13[%dma_wait3A_129, %dma_wait3A_130] : memref<10240x16xf32, #tpu.memory_space<vmem_shared>> -> memref<10240x16xf32, #tpu.memory_space<vmem_shared>>
      tpu.wait_indirect_dma semaphore(%arg15 : memref<!tpu.dma_semaphore, #tpu.memory_space<semaphore_mem>>) src(%arg10 : memref<128x16xf32, #tpu.memory_space<vmem>>) dst(%dma_wait3A_131 : memref<10240x16xf32, #tpu.memory_space<vmem_shared>>)
      %dma_wait3A_132 = arith.constant 0 : i32
      %dma_wait3A_133 = arith.constant 0 : i32
      %dma_wait3A_134 = tpu.memref_slice %arg7[%dma_wait3A_132, %dma_wait3A_133] : memref<84x128xi32, #tpu.memory_space<vmem>> -> memref<1x128xi32, #tpu.memory_space<vmem>>
      %dma_wait3A_135 = tpu.memref_squeeze %dma_wait3A_134 : memref<1x128xi32, #tpu.memory_space<vmem>> -> memref<128xi32, #tpu.memory_space<vmem>>
      %dma_wait3A_136 = arith.constant 0 : i32
      %dma_wait3A_137 = arith.constant 0 : i32
      %dma_wait3A_138 = tpu.memref_slice %arg13[%dma_wait3A_136, %dma_wait3A_137] : memref<10240x16xf32, #tpu.memory_space<vmem_shared>> -> memref<10240x16xf32, #tpu.memory_space<vmem_shared>>
      tpu.wait_indirect_dma semaphore(%arg15 : memref<!tpu.dma_semaphore, #tpu.memory_space<semaphore_mem>>) src(%arg11 : memref<128x16xf32, #tpu.memory_space<vmem>>) dst(%dma_wait3A_138 : memref<10240x16xf32, #tpu.memory_space<vmem_shared>>)
      %add3A_139 = arith.constant 2 : i32
      %add3A_140 = arith.addi %mul3A_94, %add3A_139 : i32
      %add3A_141 = arith.constant 0 : i32
      %add3A_142 = arith.addi %add3A_140, %add3A_141 : i32
      %dma_start3A_143 = arith.constant 0 : i32
      %dma_start3A_144 = tpu.memref_slice %arg6[%add3A_142, %dma_start3A_143] : memref<84x128xi32, #tpu.memory_space<vmem>> -> memref<1x128xi32, #tpu.memory_space<vmem>>
      %dma_start3A_145 = tpu.memref_squeeze %dma_start3A_144 : memref<1x128xi32, #tpu.memory_space<vmem>> -> memref<128xi32, #tpu.memory_space<vmem>>
      %dma_start3A_146 = arith.constant 0 : i32
      %dma_start3A_147 = arith.constant 0 : i32
      %dma_start3A_148 = tpu.memref_slice %arg2[%dma_start3A_146, %dma_start3A_147] : memref<10240x16xf32, #tpu.memory_space<hbm>> -> memref<10240x16xf32, #tpu.memory_space<hbm>>
      tpu.enqueue_indirect_dma source(%dma_start3A_148 : memref<10240x16xf32, #tpu.memory_space<hbm>>) target(%arg10 : memref<128x16xf32, #tpu.memory_space<vmem>>) offsets(%dma_start3A_145 : memref<128xi32, #tpu.memory_space<vmem>>) semaphore(%arg14 : memref<!tpu.dma_semaphore, #tpu.memory_space<semaphore_mem>>)
      %add3A_149 = arith.constant 2 : i32
      %add3A_150 = arith.addi %mul3A_94, %add3A_149 : i32
      %add3A_151 = arith.constant 1 : i32
      %add3A_152 = arith.addi %add3A_150, %add3A_151 : i32
      %dma_start3A_153 = arith.constant 0 : i32
      %dma_start3A_154 = tpu.memref_slice %arg6[%add3A_152, %dma_start3A_153] : memref<84x128xi32, #tpu.memory_space<vmem>> -> memref<1x128xi32, #tpu.memory_space<vmem>>
      %dma_start3A_155 = tpu.memref_squeeze %dma_start3A_154 : memref<1x128xi32, #tpu.memory_space<vmem>> -> memref<128xi32, #tpu.memory_space<vmem>>
      %dma_start3A_156 = arith.constant 0 : i32
      %dma_start3A_157 = arith.constant 0 : i32
      %dma_start3A_158 = tpu.memref_slice %arg2[%dma_start3A_156, %dma_start3A_157] : memref<10240x16xf32, #tpu.memory_space<hbm>> -> memref<10240x16xf32, #tpu.memory_space<hbm>>
      tpu.enqueue_indirect_dma source(%dma_start3A_158 : memref<10240x16xf32, #tpu.memory_space<hbm>>) target(%arg11 : memref<128x16xf32, #tpu.memory_space<vmem>>) offsets(%dma_start3A_155 : memref<128xi32, #tpu.memory_space<vmem>>) semaphore(%arg14 : memref<!tpu.dma_semaphore, #tpu.memory_space<semaphore_mem>>)
      %dma_wait3A_159 = arith.constant 0 : i32
      %dma_wait3A_160 = arith.constant 0 : i32
      %dma_wait3A_161 = tpu.memref_slice %arg6[%dma_wait3A_159, %dma_wait3A_160] : memref<84x128xi32, #tpu.memory_space<vmem>> -> memref<1x128xi32, #tpu.memory_space<vmem>>
      %dma_wait3A_162 = tpu.memref_squeeze %dma_wait3A_161 : memref<1x128xi32, #tpu.memory_space<vmem>> -> memref<128xi32, #tpu.memory_space<vmem>>
      %dma_wait3A_163 = arith.constant 0 : i32
      %dma_wait3A_164 = arith.constant 0 : i32
      %dma_wait3A_165 = tpu.memref_slice %arg2[%dma_wait3A_163, %dma_wait3A_164] : memref<10240x16xf32, #tpu.memory_space<hbm>> -> memref<10240x16xf32, #tpu.memory_space<hbm>>
      tpu.wait_indirect_dma semaphore(%arg14 : memref<!tpu.dma_semaphore, #tpu.memory_space<semaphore_mem>>) src(%dma_wait3A_165 : memref<10240x16xf32, #tpu.memory_space<hbm>>) dst(%arg10 : memref<128x16xf32, #tpu.memory_space<vmem>>)
      %add3A_166 = arith.constant 2 : i32
      %add3A_167 = arith.addi %mul3A_94, %add3A_166 : i32
      %add3A_168 = arith.constant 0 : i32
      %add3A_169 = arith.addi %add3A_167, %add3A_168 : i32
      %dma_start3A_170 = arith.constant 0 : i32
      %dma_start3A_171 = tpu.memref_slice %arg7[%add3A_169, %dma_start3A_170] : memref<84x128xi32, #tpu.memory_space<vmem>> -> memref<1x128xi32, #tpu.memory_space<vmem>>
      %dma_start3A_172 = tpu.memref_squeeze %dma_start3A_171 : memref<1x128xi32, #tpu.memory_space<vmem>> -> memref<128xi32, #tpu.memory_space<vmem>>
      %dma_start3A_173 = arith.constant 0 : i32
      %dma_start3A_174 = arith.constant 0 : i32
      %dma_start3A_175 = tpu.memref_slice %arg13[%dma_start3A_173, %dma_start3A_174] : memref<10240x16xf32, #tpu.memory_space<vmem_shared>> -> memref<10240x16xf32, #tpu.memory_space<vmem_shared>>
      tpu.enqueue_indirect_dma source(%arg10 : memref<128x16xf32, #tpu.memory_space<vmem>>) target(%dma_start3A_175 : memref<10240x16xf32, #tpu.memory_space<vmem_shared>>) offsets(%dma_start3A_172 : memref<128xi32, #tpu.memory_space<vmem>>) semaphore(%arg15 : memref<!tpu.dma_semaphore, #tpu.memory_space<semaphore_mem>>) {add = true}
      %dma_wait3A_176 = arith.constant 0 : i32
      %dma_wait3A_177 = arith.constant 0 : i32
      %dma_wait3A_178 = tpu.memref_slice %arg6[%dma_wait3A_176, %dma_wait3A_177] : memref<84x128xi32, #tpu.memory_space<vmem>> -> memref<1x128xi32, #tpu.memory_space<vmem>>
      %dma_wait3A_179 = tpu.memref_squeeze %dma_wait3A_178 : memref<1x128xi32, #tpu.memory_space<vmem>> -> memref<128xi32, #tpu.memory_space<vmem>>
      %dma_wait3A_180 = arith.constant 0 : i32
      %dma_wait3A_181 = arith.constant 0 : i32
      %dma_wait3A_182 = tpu.memref_slice %arg2[%dma_wait3A_180, %dma_wait3A_181] : memref<10240x16xf32, #tpu.memory_space<hbm>> -> memref<10240x16xf32, #tpu.memory_space<hbm>>
      tpu.wait_indirect_dma semaphore(%arg14 : memref<!tpu.dma_semaphore, #tpu.memory_space<semaphore_mem>>) src(%dma_wait3A_182 : memref<10240x16xf32, #tpu.memory_space<hbm>>) dst(%arg11 : memref<128x16xf32, #tpu.memory_space<vmem>>)
      %add3A_183 = arith.constant 2 : i32
      %add3A_184 = arith.addi %mul3A_94, %add3A_183 : i32
      %add3A_185 = arith.constant 1 : i32
      %add3A_186 = arith.addi %add3A_184, %add3A_185 : i32
      %dma_start3A_187 = arith.constant 0 : i32
      %dma_start3A_188 = tpu.memref_slice %arg7[%add3A_186, %dma_start3A_187] : memref<84x128xi32, #tpu.memory_space<vmem>> -> memref<1x128xi32, #tpu.memory_space<vmem>>
      %dma_start3A_189 = tpu.memref_squeeze %dma_start3A_188 : memref<1x128xi32, #tpu.memory_space<vmem>> -> memref<128xi32, #tpu.memory_space<vmem>>
      %dma_start3A_190 = arith.constant 0 : i32
      %dma_start3A_191 = arith.constant 0 : i32
      %dma_start3A_192 = tpu.memref_slice %arg13[%dma_start3A_190, %dma_start3A_191] : memref<10240x16xf32, #tpu.memory_space<vmem_shared>> -> memref<10240x16xf32, #tpu.memory_space<vmem_shared>>
      tpu.enqueue_indirect_dma source(%arg11 : memref<128x16xf32, #tpu.memory_space<vmem>>) target(%dma_start3A_192 : memref<10240x16xf32, #tpu.memory_space<vmem_shared>>) offsets(%dma_start3A_189 : memref<128xi32, #tpu.memory_space<vmem>>) semaphore(%arg15 : memref<!tpu.dma_semaphore, #tpu.memory_space<semaphore_mem>>) {add = true}
      %dma_wait3A_193 = arith.constant 0 : i32
      %dma_wait3A_194 = arith.constant 0 : i32
      %dma_wait3A_195 = tpu.memref_slice %arg7[%dma_wait3A_193, %dma_wait3A_194] : memref<84x128xi32, #tpu.memory_space<vmem>> -> memref<1x128xi32, #tpu.memory_space<vmem>>
      %dma_wait3A_196 = tpu.memref_squeeze %dma_wait3A_195 : memref<1x128xi32, #tpu.memory_space<vmem>> -> memref<128xi32, #tpu.memory_space<vmem>>
      %dma_wait3A_197 = arith.constant 0 : i32
      %dma_wait3A_198 = arith.constant 0 : i32
      %dma_wait3A_199 = tpu.memref_slice %arg13[%dma_wait3A_197, %dma_wait3A_198] : memref<10240x16xf32, #tpu.memory_space<vmem_shared>> -> memref<10240x16xf32, #tpu.memory_space<vmem_shared>>
      tpu.wait_indirect_dma semaphore(%arg15 : memref<!tpu.dma_semaphore, #tpu.memory_space<semaphore_mem>>) src(%arg8 : memref<128x16xf32, #tpu.memory_space<vmem>>) dst(%dma_wait3A_199 : memref<10240x16xf32, #tpu.memory_space<vmem_shared>>)
      %dma_wait3A_200 = arith.constant 0 : i32
      %dma_wait3A_201 = arith.constant 0 : i32
      %dma_wait3A_202 = tpu.memref_slice %arg7[%dma_wait3A_200, %dma_wait3A_201] : memref<84x128xi32, #tpu.memory_space<vmem>> -> memref<1x128xi32, #tpu.memory_space<vmem>>
      %dma_wait3A_203 = tpu.memref_squeeze %dma_wait3A_202 : memref<1x128xi32, #tpu.memory_space<vmem>> -> memref<128xi32, #tpu.memory_space<vmem>>
      %dma_wait3A_204 = arith.constant 0 : i32
      %dma_wait3A_205 = arith.constant 0 : i32
      %dma_wait3A_206 = tpu.memref_slice %arg13[%dma_wait3A_204, %dma_wait3A_205] : memref<10240x16xf32, #tpu.memory_space<vmem_shared>> -> memref<10240x16xf32, #tpu.memory_space<vmem_shared>>
      tpu.wait_indirect_dma semaphore(%arg15 : memref<!tpu.dma_semaphore, #tpu.memory_space<semaphore_mem>>) src(%arg9 : memref<128x16xf32, #tpu.memory_space<vmem>>) dst(%dma_wait3A_206 : memref<10240x16xf32, #tpu.memory_space<vmem_shared>>)
      %add3A_207 = arith.constant 4 : i32
      %add3A_208 = arith.addi %mul3A_94, %add3A_207 : i32
      %add3A_209 = arith.constant 0 : i32
      %add3A_210 = arith.addi %add3A_208, %add3A_209 : i32
      %min3A = arith.constant 83 : i32
      %min3A_211 = arith.minsi %add3A_210, %min3A : i32
      %dma_start3A_212 = arith.constant 0 : i32
      %dma_start3A_213 = tpu.memref_slice %arg6[%min3A_211, %dma_start3A_212] : memref<84x128xi32, #tpu.memory_space<vmem>> -> memref<1x128xi32, #tpu.memory_space<vmem>>
      %dma_start3A_214 = tpu.memref_squeeze %dma_start3A_213 : memref<1x128xi32, #tpu.memory_space<vmem>> -> memref<128xi32, #tpu.memory_space<vmem>>
      %dma_start3A_215 = arith.constant 0 : i32
      %dma_start3A_216 = arith.constant 0 : i32
      %dma_start3A_217 = tpu.memref_slice %arg2[%dma_start3A_215, %dma_start3A_216] : memref<10240x16xf32, #tpu.memory_space<hbm>> -> memref<10240x16xf32, #tpu.memory_space<hbm>>
      tpu.enqueue_indirect_dma source(%dma_start3A_217 : memref<10240x16xf32, #tpu.memory_space<hbm>>) target(%arg8 : memref<128x16xf32, #tpu.memory_space<vmem>>) offsets(%dma_start3A_214 : memref<128xi32, #tpu.memory_space<vmem>>) semaphore(%arg14 : memref<!tpu.dma_semaphore, #tpu.memory_space<semaphore_mem>>)
      %add3A_218 = arith.constant 4 : i32
      %add3A_219 = arith.addi %mul3A_94, %add3A_218 : i32
      %add3A_220 = arith.constant 1 : i32
      %add3A_221 = arith.addi %add3A_219, %add3A_220 : i32
      %min3A_222 = arith.constant 83 : i32
      %min3A_223 = arith.minsi %add3A_221, %min3A_222 : i32
      %dma_start3A_224 = arith.constant 0 : i32
      %dma_start3A_225 = tpu.memref_slice %arg6[%min3A_223, %dma_start3A_224] : memref<84x128xi32, #tpu.memory_space<vmem>> -> memref<1x128xi32, #tpu.memory_space<vmem>>
      %dma_start3A_226 = tpu.memref_squeeze %dma_start3A_225 : memref<1x128xi32, #tpu.memory_space<vmem>> -> memref<128xi32, #tpu.memory_space<vmem>>
      %dma_start3A_227 = arith.constant 0 : i32
      %dma_start3A_228 = arith.constant 0 : i32
      %dma_start3A_229 = tpu.memref_slice %arg2[%dma_start3A_227, %dma_start3A_228] : memref<10240x16xf32, #tpu.memory_space<hbm>> -> memref<10240x16xf32, #tpu.memory_space<hbm>>
      tpu.enqueue_indirect_dma source(%dma_start3A_229 : memref<10240x16xf32, #tpu.memory_space<hbm>>) target(%arg9 : memref<128x16xf32, #tpu.memory_space<vmem>>) offsets(%dma_start3A_226 : memref<128xi32, #tpu.memory_space<vmem>>) semaphore(%arg14 : memref<!tpu.dma_semaphore, #tpu.memory_space<semaphore_mem>>)
    }
    %scan3A_59 = arith.constant 21 : i32
    %dma_wait3A = arith.constant 0 : i32
    %dma_wait3A_60 = arith.constant 0 : i32
    %dma_wait3A_61 = tpu.memref_slice %arg6[%dma_wait3A, %dma_wait3A_60] : memref<84x128xi32, #tpu.memory_space<vmem>> -> memref<1x128xi32, #tpu.memory_space<vmem>>
    %dma_wait3A_62 = tpu.memref_squeeze %dma_wait3A_61 : memref<1x128xi32, #tpu.memory_space<vmem>> -> memref<128xi32, #tpu.memory_space<vmem>>
    %dma_wait3A_63 = arith.constant 0 : i32
    %dma_wait3A_64 = arith.constant 0 : i32
    %dma_wait3A_65 = tpu.memref_slice %arg2[%dma_wait3A_63, %dma_wait3A_64] : memref<10240x16xf32, #tpu.memory_space<hbm>> -> memref<10240x16xf32, #tpu.memory_space<hbm>>
    tpu.wait_indirect_dma semaphore(%arg14 : memref<!tpu.dma_semaphore, #tpu.memory_space<semaphore_mem>>) src(%dma_wait3A_65 : memref<10240x16xf32, #tpu.memory_space<hbm>>) dst(%arg8 : memref<128x16xf32, #tpu.memory_space<vmem>>)
    %dma_wait3A_66 = arith.constant 0 : i32
    %dma_wait3A_67 = arith.constant 0 : i32
    %dma_wait3A_68 = tpu.memref_slice %arg7[%dma_wait3A_66, %dma_wait3A_67] : memref<84x128xi32, #tpu.memory_space<vmem>> -> memref<1x128xi32, #tpu.memory_space<vmem>>
    %dma_wait3A_69 = tpu.memref_squeeze %dma_wait3A_68 : memref<1x128xi32, #tpu.memory_space<vmem>> -> memref<128xi32, #tpu.memory_space<vmem>>
    %dma_wait3A_70 = arith.constant 0 : i32
    %dma_wait3A_71 = arith.constant 0 : i32
    %dma_wait3A_72 = tpu.memref_slice %arg13[%dma_wait3A_70, %dma_wait3A_71] : memref<10240x16xf32, #tpu.memory_space<vmem_shared>> -> memref<10240x16xf32, #tpu.memory_space<vmem_shared>>
    tpu.wait_indirect_dma semaphore(%arg15 : memref<!tpu.dma_semaphore, #tpu.memory_space<semaphore_mem>>) src(%arg10 : memref<128x16xf32, #tpu.memory_space<vmem>>) dst(%dma_wait3A_72 : memref<10240x16xf32, #tpu.memory_space<vmem_shared>>)
    %dma_wait3A_73 = arith.constant 0 : i32
    %dma_wait3A_74 = arith.constant 0 : i32
    %dma_wait3A_75 = tpu.memref_slice %arg6[%dma_wait3A_73, %dma_wait3A_74] : memref<84x128xi32, #tpu.memory_space<vmem>> -> memref<1x128xi32, #tpu.memory_space<vmem>>
    %dma_wait3A_76 = tpu.memref_squeeze %dma_wait3A_75 : memref<1x128xi32, #tpu.memory_space<vmem>> -> memref<128xi32, #tpu.memory_space<vmem>>
    %dma_wait3A_77 = arith.constant 0 : i32
    %dma_wait3A_78 = arith.constant 0 : i32
    %dma_wait3A_79 = tpu.memref_slice %arg2[%dma_wait3A_77, %dma_wait3A_78] : memref<10240x16xf32, #tpu.memory_space<hbm>> -> memref<10240x16xf32, #tpu.memory_space<hbm>>
    tpu.wait_indirect_dma semaphore(%arg14 : memref<!tpu.dma_semaphore, #tpu.memory_space<semaphore_mem>>) src(%dma_wait3A_79 : memref<10240x16xf32, #tpu.memory_space<hbm>>) dst(%arg9 : memref<128x16xf32, #tpu.memory_space<vmem>>)
    %dma_wait3A_80 = arith.constant 0 : i32
    %dma_wait3A_81 = arith.constant 0 : i32
    %dma_wait3A_82 = tpu.memref_slice %arg7[%dma_wait3A_80, %dma_wait3A_81] : memref<84x128xi32, #tpu.memory_space<vmem>> -> memref<1x128xi32, #tpu.memory_space<vmem>>
    %dma_wait3A_83 = tpu.memref_squeeze %dma_wait3A_82 : memref<1x128xi32, #tpu.memory_space<vmem>> -> memref<128xi32, #tpu.memory_space<vmem>>
    %dma_wait3A_84 = arith.constant 0 : i32
    %dma_wait3A_85 = arith.constant 0 : i32
    %dma_wait3A_86 = tpu.memref_slice %arg13[%dma_wait3A_84, %dma_wait3A_85] : memref<10240x16xf32, #tpu.memory_space<vmem_shared>> -> memref<10240x16xf32, #tpu.memory_space<vmem_shared>>
    tpu.wait_indirect_dma semaphore(%arg15 : memref<!tpu.dma_semaphore, #tpu.memory_space<semaphore_mem>>) src(%arg11 : memref<128x16xf32, #tpu.memory_space<vmem>>) dst(%dma_wait3A_86 : memref<10240x16xf32, #tpu.memory_space<vmem_shared>>)
    %barrier3A_87 = arith.constant 0 : index
    tpu.barrier barrier_id(%barrier3A_87)
    "tpu.region"() ({
      %run_scoped3A = tpu.sem_alloc : memref<!tpu.dma_semaphore, #tpu.memory_space<semaphore_mem>>
      %dma_start3A_92 = arith.constant 0 : i32
      %dma_start3A_93 = tpu.memref_slice %arg13[%mul3A_2, %dma_start3A_92] : memref<10240x16xf32, #tpu.memory_space<vmem_shared>> -> memref<320x16xf32, #tpu.memory_space<vmem_shared>>
      %dma_start3A_94 = arith.constant 0 : i32
      %dma_start3A_95 = tpu.memref_slice %arg13[%mul3A_2, %dma_start3A_94] : memref<10240x16xf32, #tpu.memory_space<vmem_shared>> -> memref<320x16xf32, #tpu.memory_space<vmem_shared>>
      tpu.enqueue_dma source(%dma_start3A_95 : memref<320x16xf32, #tpu.memory_space<vmem_shared>>) target(%arg12 : memref<320x16xf32, #tpu.memory_space<vmem>>) target_semaphore(%run_scoped3A : memref<!tpu.dma_semaphore, #tpu.memory_space<semaphore_mem>>)
      %dma_wait3A_96 = arith.constant 0 : i32
      %dma_wait3A_97 = tpu.memref_slice %arg13[%mul3A_2, %dma_wait3A_96] : memref<10240x16xf32, #tpu.memory_space<vmem_shared>> -> memref<320x16xf32, #tpu.memory_space<vmem_shared>>
      %dma_wait3A_98 = arith.constant 0 : i32
      %dma_wait3A_99 = tpu.memref_slice %arg13[%mul3A_2, %dma_wait3A_98] : memref<10240x16xf32, #tpu.memory_space<vmem_shared>> -> memref<320x16xf32, #tpu.memory_space<vmem_shared>>
      tpu.wait_dma2 semaphore(%run_scoped3A : memref<!tpu.dma_semaphore, #tpu.memory_space<semaphore_mem>>) src(%dma_wait3A_99 : memref<320x16xf32, #tpu.memory_space<vmem_shared>>) dst(%arg12 : memref<320x16xf32, #tpu.memory_space<vmem>>)
      tpu.yield
    }) : () -> ()
    "tpu.region"() ({
      %run_scoped3A = tpu.sem_alloc : memref<!tpu.dma_semaphore, #tpu.memory_space<semaphore_mem>>
      %dma_start3A_92 = arith.constant 0 : i32
      %dma_start3A_93 = tpu.memref_slice %arg5[%arg0, %mul3A_2, %dma_start3A_92] : memref<2x10240x16xf32, #tpu.memory_space<hbm>> -> memref<1x320x16xf32, #tpu.memory_space<hbm>>
      %dma_start3A_94 = tpu.memref_squeeze %dma_start3A_93 : memref<1x320x16xf32, #tpu.memory_space<hbm>> -> memref<320x16xf32, #tpu.memory_space<hbm>>
      %dma_start3A_95 = arith.constant 0 : i32
      %dma_start3A_96 = tpu.memref_slice %arg5[%arg0, %mul3A_2, %dma_start3A_95] : memref<2x10240x16xf32, #tpu.memory_space<hbm>> -> memref<1x320x16xf32, #tpu.memory_space<hbm>>
      %dma_start3A_97 = tpu.memref_squeeze %dma_start3A_96 : memref<1x320x16xf32, #tpu.memory_space<hbm>> -> memref<320x16xf32, #tpu.memory_space<hbm>>
      tpu.enqueue_dma source(%arg12 : memref<320x16xf32, #tpu.memory_space<vmem>>) target(%dma_start3A_97 : memref<320x16xf32, #tpu.memory_space<hbm>>) target_semaphore(%run_scoped3A : memref<!tpu.dma_semaphore, #tpu.memory_space<semaphore_mem>>)
      %dma_wait3A_98 = arith.constant 0 : i32
      %dma_wait3A_99 = tpu.memref_slice %arg5[%arg0, %mul3A_2, %dma_wait3A_98] : memref<2x10240x16xf32, #tpu.memory_space<hbm>> -> memref<1x320x16xf32, #tpu.memory_space<hbm>>
      %dma_wait3A_100 = tpu.memref_squeeze %dma_wait3A_99 : memref<1x320x16xf32, #tpu.memory_space<hbm>> -> memref<320x16xf32, #tpu.memory_space<hbm>>
      %dma_wait3A_101 = arith.constant 0 : i32
      %dma_wait3A_102 = tpu.memref_slice %arg5[%arg0, %mul3A_2, %dma_wait3A_101] : memref<2x10240x16xf32, #tpu.memory_space<hbm>> -> memref<1x320x16xf32, #tpu.memory_space<hbm>>
      %dma_wait3A_103 = tpu.memref_squeeze %dma_wait3A_102 : memref<1x320x16xf32, #tpu.memory_space<hbm>> -> memref<320x16xf32, #tpu.memory_space<hbm>>
      tpu.wait_dma2 semaphore(%run_scoped3A : memref<!tpu.dma_semaphore, #tpu.memory_space<semaphore_mem>>) src(%arg12 : memref<320x16xf32, #tpu.memory_space<vmem>>) dst(%dma_wait3A_103 : memref<320x16xf32, #tpu.memory_space<hbm>>)
      tpu.yield
    }) : () -> ()
    %add3A_88 = arith.constant 320 : i32
    %add3A_89 = arith.addi %mul3A_2, %add3A_88 : i32
    "tpu.region"() ({
      %run_scoped3A = tpu.sem_alloc : memref<!tpu.dma_semaphore, #tpu.memory_space<semaphore_mem>>
      %dma_start3A_92 = arith.constant 0 : i32
      %dma_start3A_93 = tpu.memref_slice %arg13[%add3A_89, %dma_start3A_92] : memref<10240x16xf32, #tpu.memory_space<vmem_shared>> -> memref<320x16xf32, #tpu.memory_space<vmem_shared>>
      %dma_start3A_94 = arith.constant 0 : i32
      %dma_start3A_95 = tpu.memref_slice %arg13[%add3A_89, %dma_start3A_94] : memref<10240x16xf32, #tpu.memory_space<vmem_shared>> -> memref<320x16xf32, #tpu.memory_space<vmem_shared>>
      tpu.enqueue_dma source(%dma_start3A_95 : memref<320x16xf32, #tpu.memory_space<vmem_shared>>) target(%arg12 : memref<320x16xf32, #tpu.memory_space<vmem>>) target_semaphore(%run_scoped3A : memref<!tpu.dma_semaphore, #tpu.memory_space<semaphore_mem>>)
      %dma_wait3A_96 = arith.constant 0 : i32
      %dma_wait3A_97 = tpu.memref_slice %arg13[%add3A_89, %dma_wait3A_96] : memref<10240x16xf32, #tpu.memory_space<vmem_shared>> -> memref<320x16xf32, #tpu.memory_space<vmem_shared>>
      %dma_wait3A_98 = arith.constant 0 : i32
      %dma_wait3A_99 = tpu.memref_slice %arg13[%add3A_89, %dma_wait3A_98] : memref<10240x16xf32, #tpu.memory_space<vmem_shared>> -> memref<320x16xf32, #tpu.memory_space<vmem_shared>>
      tpu.wait_dma2 semaphore(%run_scoped3A : memref<!tpu.dma_semaphore, #tpu.memory_space<semaphore_mem>>) src(%dma_wait3A_99 : memref<320x16xf32, #tpu.memory_space<vmem_shared>>) dst(%arg12 : memref<320x16xf32, #tpu.memory_space<vmem>>)
      tpu.yield
    }) : () -> ()
    %add3A_90 = arith.constant 320 : i32
    %add3A_91 = arith.addi %mul3A_2, %add3A_90 : i32
    "tpu.region"() ({
      %run_scoped3A = tpu.sem_alloc : memref<!tpu.dma_semaphore, #tpu.memory_space<semaphore_mem>>
      %dma_start3A_92 = arith.constant 0 : i32
      %dma_start3A_93 = tpu.memref_slice %arg5[%arg0, %add3A_91, %dma_start3A_92] : memref<2x10240x16xf32, #tpu.memory_space<hbm>> -> memref<1x320x16xf32, #tpu.memory_space<hbm>>
      %dma_start3A_94 = tpu.memref_squeeze %dma_start3A_93 : memref<1x320x16xf32, #tpu.memory_space<hbm>> -> memref<320x16xf32, #tpu.memory_space<hbm>>
      %dma_start3A_95 = arith.constant 0 : i32
      %dma_start3A_96 = tpu.memref_slice %arg5[%arg0, %add3A_91, %dma_start3A_95] : memref<2x10240x16xf32, #tpu.memory_space<hbm>> -> memref<1x320x16xf32, #tpu.memory_space<hbm>>
      %dma_start3A_97 = tpu.memref_squeeze %dma_start3A_96 : memref<1x320x16xf32, #tpu.memory_space<hbm>> -> memref<320x16xf32, #tpu.memory_space<hbm>>
      tpu.enqueue_dma source(%arg12 : memref<320x16xf32, #tpu.memory_space<vmem>>) target(%dma_start3A_97 : memref<320x16xf32, #tpu.memory_space<hbm>>) target_semaphore(%run_scoped3A : memref<!tpu.dma_semaphore, #tpu.memory_space<semaphore_mem>>)
      %dma_wait3A_98 = arith.constant 0 : i32
      %dma_wait3A_99 = tpu.memref_slice %arg5[%arg0, %add3A_91, %dma_wait3A_98] : memref<2x10240x16xf32, #tpu.memory_space<hbm>> -> memref<1x320x16xf32, #tpu.memory_space<hbm>>
      %dma_wait3A_100 = tpu.memref_squeeze %dma_wait3A_99 : memref<1x320x16xf32, #tpu.memory_space<hbm>> -> memref<320x16xf32, #tpu.memory_space<hbm>>
      %dma_wait3A_101 = arith.constant 0 : i32
      %dma_wait3A_102 = tpu.memref_slice %arg5[%arg0, %add3A_91, %dma_wait3A_101] : memref<2x10240x16xf32, #tpu.memory_space<hbm>> -> memref<1x320x16xf32, #tpu.memory_space<hbm>>
      %dma_wait3A_103 = tpu.memref_squeeze %dma_wait3A_102 : memref<1x320x16xf32, #tpu.memory_space<hbm>> -> memref<320x16xf32, #tpu.memory_space<hbm>>
      tpu.wait_dma2 semaphore(%run_scoped3A : memref<!tpu.dma_semaphore, #tpu.memory_space<semaphore_mem>>) src(%arg12 : memref<320x16xf32, #tpu.memory_space<vmem>>) dst(%dma_wait3A_103 : memref<320x16xf32, #tpu.memory_space<hbm>>)
      tpu.yield
    }) : () -> ()
    return
  }
}

module attributes {stable_mosaic.version = 14 : i64} {
  func.func @_tc1_body(%arg0: memref<2x10240x16xf32, #tpu.memory_space<vmem>>, %arg1: memref<10240x128xf32, #tpu.memory_space<vmem>>, %arg2: memref<10240x1xf32, #tpu.memory_space<vmem>>, %arg3: memref<10240x64xf32, #tpu.memory_space<vmem>>, %arg4: memref<10240x64xf32, #tpu.memory_space<vmem>>) attributes {dimension_semantics = [], scalar_prefetch = 0 : i64, scratch_operands = 0 : i64, tpu.core_type = #tpu.core_type<tc>} {
    %get3A = arith.constant 0 : index
    %get3A_0 = arith.constant 0 : index
    %get3A_1 = arith.constant 0 : index
    %get3A_2 = vector.load %arg0[%get3A, %get3A_0, %get3A_1] : memref<2x10240x16xf32, #tpu.memory_space<vmem>>, vector<1x10240x1xf32>
    %get3A_3 = vector.shape_cast %get3A_2 : vector<1x10240x1xf32> to vector<10240x1xf32>
    %get3A_4 = arith.constant 1 : index
    %get3A_5 = arith.constant 0 : index
    %get3A_6 = arith.constant 0 : index
    %get3A_7 = vector.load %arg0[%get3A_4, %get3A_5, %get3A_6] : memref<2x10240x16xf32, #tpu.memory_space<vmem>>, vector<1x10240x1xf32>
    %get3A_8 = vector.shape_cast %get3A_7 : vector<1x10240x1xf32> to vector<10240x1xf32>
    %add3A = arith.addf %get3A_3, %get3A_8 : vector<10240x1xf32>
    %iota3A = tpu.iota {dimensions = array<i32: 0>} : vector<10240x1xi32>
    %lt3A = arith.constant 10000 : i32
    %lt3A_9 = vector.broadcast %lt3A : i32 to vector<10240x1xi32>
    %lt3A_10 = arith.cmpi slt, %iota3A, %lt3A_9 : vector<10240x1xi32>
    %max3A = arith.constant 1.000000e+00 : f32
    %max3A_11 = vector.broadcast %max3A : f32 to vector<10240x1xf32>
    %max3A_12 = arith.maximumf %add3A, %max3A_11 : vector<10240x1xf32>
    %rsqrt3A = math.rsqrt %max3A_12 : vector<10240x1xf32>
    %jit3A = arith.constant 0.000000e+00 : f32
    %broadcast_in_dim3A = vector.broadcast %jit3A : f32 to vector<10240x1xf32>
    %select_n3A = arith.select %lt3A_10, %rsqrt3A, %broadcast_in_dim3A : vector<10240x1xi1>, vector<10240x1xf32>
    %swap3A = arith.constant 0 : index
    %swap3A_13 = arith.constant 0 : index
    %swap3A_14 = vector.load %arg2[%swap3A, %swap3A_13] : memref<10240x1xf32, #tpu.memory_space<vmem>>, vector<10240x1xf32>
    tpu.vector_store %arg2[%swap3A, %swap3A_13], %select_n3A {strides = array<i32>} : memref<10240x1xf32, #tpu.memory_space<vmem>>, vector<10240x1xf32>,
    %get3A_15 = arith.constant 0 : index
    %get3A_16 = arith.constant 0 : index
    %get3A_17 = vector.load %arg1[%get3A_15, %get3A_16] : memref<10240x128xf32, #tpu.memory_space<vmem>>, vector<10240x128xf32>
    %mul3A = vector.broadcast %select_n3A : vector<10240x1xf32> to vector<10240x128xf32>
    %mul3A_18 = arith.mulf %mul3A, %get3A_17 : vector<10240x128xf32>
    %slice3A = vector.extract_strided_slice %mul3A_18 {offsets = [0, 0], sizes = [10240, 64], strides = [1, 1]} : vector<10240x128xf32> to vector<10240x64xf32>
    %swap3A_19 = arith.constant 0 : index
    %swap3A_20 = arith.constant 0 : index
    %swap3A_21 = vector.load %arg3[%swap3A_19, %swap3A_20] : memref<10240x64xf32, #tpu.memory_space<vmem>>, vector<10240x64xf32>
    tpu.vector_store %arg3[%swap3A_19, %swap3A_20], %slice3A {strides = array<i32>} : memref<10240x64xf32, #tpu.memory_space<vmem>>, vector<10240x64xf32>,
    %slice3A_22 = vector.extract_strided_slice %mul3A_18 {offsets = [0, 64], sizes = [10240, 64], strides = [1, 1]} : vector<10240x128xf32> to vector<10240x64xf32>
    %swap3A_23 = arith.constant 0 : index
    %swap3A_24 = arith.constant 0 : index
    %swap3A_25 = vector.load %arg4[%swap3A_23, %swap3A_24] : memref<10240x64xf32, #tpu.memory_space<vmem>>, vector<10240x64xf32>
    tpu.vector_store %arg4[%swap3A_23, %swap3A_24], %slice3A_22 {strides = array<i32>} : memref<10240x64xf32, #tpu.memory_space<vmem>>, vector<10240x64xf32>,
    return
  }
}

module attributes {stable_mosaic.version = 14 : i64} {
  func.func @_tc2_body(%arg0: memref<2x10240x64xf32, #tpu.memory_space<vmem>>, %arg1: memref<10240x1xf32, #tpu.memory_space<vmem>>, %arg2: memref<128x128xf32, #tpu.memory_space<vmem>>, %arg3: memref<1x128xf32, #tpu.memory_space<vmem>>, %arg4: memref<10240x128xf32, #tpu.memory_space<vmem>>, %arg5: memref<10240x64xf32, #tpu.memory_space<vmem>>, %arg6: memref<10240x64xf32, #tpu.memory_space<vmem>>) attributes {dimension_semantics = [], scalar_prefetch = 0 : i64, scratch_operands = 0 : i64, tpu.core_type = #tpu.core_type<tc>} {
    %get3A = arith.constant 0 : index
    %get3A_0 = arith.constant 0 : index
    %get3A_1 = vector.load %arg1[%get3A, %get3A_0] : memref<10240x1xf32, #tpu.memory_space<vmem>>, vector<10240x1xf32>
    %get3A_2 = arith.constant 0 : index
    %get3A_3 = arith.constant 0 : index
    %get3A_4 = arith.constant 0 : index
    %get3A_5 = vector.load %arg0[%get3A_2, %get3A_3, %get3A_4] : memref<2x10240x64xf32, #tpu.memory_space<vmem>>, vector<1x10240x64xf32>
    %get3A_6 = vector.shape_cast %get3A_5 : vector<1x10240x64xf32> to vector<10240x64xf32>
    %get3A_7 = arith.constant 1 : index
    %get3A_8 = arith.constant 0 : index
    %get3A_9 = arith.constant 0 : index
    %get3A_10 = vector.load %arg0[%get3A_7, %get3A_8, %get3A_9] : memref<2x10240x64xf32, #tpu.memory_space<vmem>>, vector<1x10240x64xf32>
    %get3A_11 = vector.shape_cast %get3A_10 : vector<1x10240x64xf32> to vector<10240x64xf32>
    %concatenate3A = tpu.concatenate %get3A_6, %get3A_11 in 1 : vector<10240x64xf32>, vector<10240x64xf32> -> vector<10240x128xf32>
    %mul3A = vector.broadcast %get3A_1 : vector<10240x1xf32> to vector<10240x128xf32>
    %mul3A_12 = arith.mulf %mul3A, %concatenate3A : vector<10240x128xf32>
    %get3A_13 = arith.constant 0 : index
    %get3A_14 = arith.constant 0 : index
    %get3A_15 = vector.load %arg2[%get3A_13, %get3A_14] : memref<128x128xf32, #tpu.memory_space<vmem>>, vector<128x128xf32>
    %dot_general3A = arith.constant dense<0.000000e+00> : vector<10240x128xf32>
    %dot_general3A_16 = tpu.matmul %mul3A_12, %get3A_15, %dot_general3A {dimension_numbers = #tpu.dot_dimension_numbers<[1], [0], [0], [1], [0, 0, 1, 1], [], []>, transpose_lhs_hint = false} : vector<10240x128xf32>, vector<128x128xf32>, vector<10240x128xf32> -> vector<10240x128xf32>
    %get3A_17 = arith.constant 0 : index
    %get3A_18 = arith.constant 0 : index
    %get3A_19 = vector.load %arg3[%get3A_17, %get3A_18] : memref<1x128xf32, #tpu.memory_space<vmem>>, vector<1x128xf32>
    %add3A = vector.broadcast %get3A_19 : vector<1x128xf32> to vector<10240x128xf32>
    %add3A_20 = arith.addf %dot_general3A_16, %add3A : vector<10240x128xf32>
    %max3A = arith.constant 0.000000e+00 : f32
    %max3A_21 = vector.broadcast %max3A : f32 to vector<10240x128xf32>
    %max3A_22 = arith.maximumf %add3A_20, %max3A_21 : vector<10240x128xf32>
    %swap3A = arith.constant 0 : index
    %swap3A_23 = arith.constant 0 : index
    %swap3A_24 = vector.load %arg4[%swap3A, %swap3A_23] : memref<10240x128xf32, #tpu.memory_space<vmem>>, vector<10240x128xf32>
    tpu.vector_store %arg4[%swap3A, %swap3A_23], %max3A_22 {strides = array<i32>} : memref<10240x128xf32, #tpu.memory_space<vmem>>, vector<10240x128xf32>,
    %mul3A_25 = vector.broadcast %get3A_1 : vector<10240x1xf32> to vector<10240x128xf32>
    %mul3A_26 = arith.mulf %mul3A_25, %max3A_22 : vector<10240x128xf32>
    %slice3A = vector.extract_strided_slice %mul3A_26 {offsets = [0, 0], sizes = [10240, 64], strides = [1, 1]} : vector<10240x128xf32> to vector<10240x64xf32>
    %swap3A_27 = arith.constant 0 : index
    %swap3A_28 = arith.constant 0 : index
    %swap3A_29 = vector.load %arg5[%swap3A_27, %swap3A_28] : memref<10240x64xf32, #tpu.memory_space<vmem>>, vector<10240x64xf32>
    tpu.vector_store %arg5[%swap3A_27, %swap3A_28], %slice3A {strides = array<i32>} : memref<10240x64xf32, #tpu.memory_space<vmem>>, vector<10240x64xf32>,
    %slice3A_30 = vector.extract_strided_slice %mul3A_26 {offsets = [0, 64], sizes = [10240, 64], strides = [1, 1]} : vector<10240x128xf32> to vector<10240x64xf32>
    %swap3A_31 = arith.constant 0 : index
    %swap3A_32 = arith.constant 0 : index
    %swap3A_33 = vector.load %arg6[%swap3A_31, %swap3A_32] : memref<10240x64xf32, #tpu.memory_space<vmem>>, vector<10240x64xf32>
    tpu.vector_store %arg6[%swap3A_31, %swap3A_32], %slice3A_30 {strides = array<i32>} : memref<10240x64xf32, #tpu.memory_space<vmem>>, vector<10240x64xf32>,
    return
  }
}

module attributes {stable_mosaic.version = 14 : i64} {
  func.func @_tc3_body(%arg0: memref<2x10240x64xf32, #tpu.memory_space<vmem>>, %arg1: memref<10240x1xf32, #tpu.memory_space<vmem>>, %arg2: memref<128x128xf32, #tpu.memory_space<vmem>>, %arg3: memref<1x128xf32, #tpu.memory_space<vmem>>, %arg4: memref<1x128xf32, #tpu.memory_space<vmem>>, %arg5: memref<1x128xf32, #tpu.memory_space<vmem>>, %arg6: memref<10240x128xf32, #tpu.memory_space<vmem>>, %arg7: memref<128x16xf32, #tpu.memory_space<vmem>>, %arg8: memref<10240x16xf32, #tpu.memory_space<vmem>>) attributes {dimension_semantics = [], scalar_prefetch = 0 : i64, scratch_operands = 0 : i64, tpu.core_type = #tpu.core_type<tc>} {
    %get3A = arith.constant 0 : index
    %get3A_0 = arith.constant 0 : index
    %get3A_1 = vector.load %arg1[%get3A, %get3A_0] : memref<10240x1xf32, #tpu.memory_space<vmem>>, vector<10240x1xf32>
    %get3A_2 = arith.constant 0 : index
    %get3A_3 = arith.constant 0 : index
    %get3A_4 = arith.constant 0 : index
    %get3A_5 = vector.load %arg0[%get3A_2, %get3A_3, %get3A_4] : memref<2x10240x64xf32, #tpu.memory_space<vmem>>, vector<1x10240x64xf32>
    %get3A_6 = vector.shape_cast %get3A_5 : vector<1x10240x64xf32> to vector<10240x64xf32>
    %get3A_7 = arith.constant 1 : index
    %get3A_8 = arith.constant 0 : index
    %get3A_9 = arith.constant 0 : index
    %get3A_10 = vector.load %arg0[%get3A_7, %get3A_8, %get3A_9] : memref<2x10240x64xf32, #tpu.memory_space<vmem>>, vector<1x10240x64xf32>
    %get3A_11 = vector.shape_cast %get3A_10 : vector<1x10240x64xf32> to vector<10240x64xf32>
    %concatenate3A = tpu.concatenate %get3A_6, %get3A_11 in 1 : vector<10240x64xf32>, vector<10240x64xf32> -> vector<10240x128xf32>
    %mul3A = vector.broadcast %get3A_1 : vector<10240x1xf32> to vector<10240x128xf32>
    %mul3A_12 = arith.mulf %mul3A, %concatenate3A : vector<10240x128xf32>
    %get3A_13 = arith.constant 0 : index
    %get3A_14 = arith.constant 0 : index
    %get3A_15 = vector.load %arg3[%get3A_13, %get3A_14] : memref<1x128xf32, #tpu.memory_space<vmem>>, vector<1x128xf32>
    %mul3A_16 = arith.constant 0.999994993 : f32
    %mul3A_17 = vector.broadcast %mul3A_16 : f32 to vector<1x128xf32>
    %mul3A_18 = arith.mulf %get3A_15, %mul3A_17 : vector<1x128xf32>
    %get3A_19 = arith.constant 0 : index
    %get3A_20 = arith.constant 0 : index
    %get3A_21 = vector.load %arg2[%get3A_19, %get3A_20] : memref<128x128xf32, #tpu.memory_space<vmem>>, vector<128x128xf32>
    %mul3A_22 = vector.broadcast %mul3A_18 : vector<1x128xf32> to vector<128x128xf32>
    %mul3A_23 = arith.mulf %get3A_21, %mul3A_22 : vector<128x128xf32>
    %get3A_24 = arith.constant 0 : index
    %get3A_25 = arith.constant 0 : index
    %get3A_26 = vector.load %arg4[%get3A_24, %get3A_25] : memref<1x128xf32, #tpu.memory_space<vmem>>, vector<1x128xf32>
    %mul3A_27 = arith.mulf %get3A_26, %mul3A_18 : vector<1x128xf32>
    %get3A_28 = arith.constant 0 : index
    %get3A_29 = arith.constant 0 : index
    %get3A_30 = vector.load %arg5[%get3A_28, %get3A_29] : memref<1x128xf32, #tpu.memory_space<vmem>>, vector<1x128xf32>
    %add3A = arith.addf %mul3A_27, %get3A_30 : vector<1x128xf32>
    %dot_general3A = arith.constant dense<0.000000e+00> : vector<10240x128xf32>
    %dot_general3A_31 = tpu.matmul %mul3A_12, %mul3A_23, %dot_general3A {dimension_numbers = #tpu.dot_dimension_numbers<[1], [0], [0], [1], [0, 0, 1, 1], [], []>, transpose_lhs_hint = false} : vector<10240x128xf32>, vector<128x128xf32>, vector<10240x128xf32> -> vector<10240x128xf32>
    %add3A_32 = vector.broadcast %add3A : vector<1x128xf32> to vector<10240x128xf32>
    %add3A_33 = arith.addf %dot_general3A_31, %add3A_32 : vector<10240x128xf32>
    %max3A = arith.constant 0.000000e+00 : f32
    %max3A_34 = vector.broadcast %max3A : f32 to vector<10240x128xf32>
    %max3A_35 = arith.maximumf %add3A_33, %max3A_34 : vector<10240x128xf32>
    %get3A_36 = arith.constant 0 : index
    %get3A_37 = arith.constant 0 : index
    %get3A_38 = vector.load %arg6[%get3A_36, %get3A_37] : memref<10240x128xf32, #tpu.memory_space<vmem>>, vector<10240x128xf32>
    %add3A_39 = arith.addf %max3A_35, %get3A_38 : vector<10240x128xf32>
    %get3A_40 = arith.constant 0 : index
    %get3A_41 = arith.constant 0 : index
    %get3A_42 = vector.load %arg7[%get3A_40, %get3A_41] : memref<128x16xf32, #tpu.memory_space<vmem>>, vector<128x16xf32>
    %dot_general3A_43 = arith.constant dense<0.000000e+00> : vector<10240x16xf32>
    %dot_general3A_44 = tpu.matmul %add3A_39, %get3A_42, %dot_general3A_43 {dimension_numbers = #tpu.dot_dimension_numbers<[1], [0], [0], [1], [0, 0, 1, 1], [], []>, transpose_lhs_hint = false} : vector<10240x128xf32>, vector<128x16xf32>, vector<10240x16xf32> -> vector<10240x16xf32>
    %mul3A_45 = vector.broadcast %get3A_1 : vector<10240x1xf32> to vector<10240x16xf32>
    %mul3A_46 = arith.mulf %mul3A_45, %dot_general3A_44 : vector<10240x16xf32>
    %swap3A = arith.constant 0 : index
    %swap3A_47 = arith.constant 0 : index
    %swap3A_48 = vector.load %arg8[%swap3A, %swap3A_47] : memref<10240x16xf32, #tpu.memory_space<vmem>>, vector<10240x16xf32>
    tpu.vector_store %arg8[%swap3A, %swap3A_47], %mul3A_46 {strides = array<i32>} : memref<10240x16xf32, #tpu.memory_space<vmem>>, vector<10240x16xf32>,
    return
  }
}

module attributes {stable_mosaic.version = 14 : i64} {
  func.func @_tc4_body(%arg0: memref<2x10240x16xf32, #tpu.memory_space<vmem>>, %arg1: memref<10240x1xf32, #tpu.memory_space<vmem>>, %arg2: memref<1x16xf32, #tpu.memory_space<vmem>>, %arg3: memref<10240x16xf32, #tpu.memory_space<vmem>>) attributes {dimension_semantics = [], scalar_prefetch = 0 : i64, scratch_operands = 0 : i64, tpu.core_type = #tpu.core_type<tc>} {
    %get3A = arith.constant 0 : index
    %get3A_0 = arith.constant 0 : index
    %get3A_1 = vector.load %arg1[%get3A, %get3A_0] : memref<10240x1xf32, #tpu.memory_space<vmem>>, vector<10240x1xf32>
    %get3A_2 = arith.constant 0 : index
    %get3A_3 = arith.constant 0 : index
    %get3A_4 = arith.constant 0 : index
    %get3A_5 = vector.load %arg0[%get3A_2, %get3A_3, %get3A_4] : memref<2x10240x16xf32, #tpu.memory_space<vmem>>, vector<1x10240x16xf32>
    %get3A_6 = vector.shape_cast %get3A_5 : vector<1x10240x16xf32> to vector<10240x16xf32>
    %get3A_7 = arith.constant 1 : index
    %get3A_8 = arith.constant 0 : index
    %get3A_9 = arith.constant 0 : index
    %get3A_10 = vector.load %arg0[%get3A_7, %get3A_8, %get3A_9] : memref<2x10240x16xf32, #tpu.memory_space<vmem>>, vector<1x10240x16xf32>
    %get3A_11 = vector.shape_cast %get3A_10 : vector<1x10240x16xf32> to vector<10240x16xf32>
    %add3A = arith.addf %get3A_6, %get3A_11 : vector<10240x16xf32>
    %mul3A = vector.broadcast %get3A_1 : vector<10240x1xf32> to vector<10240x16xf32>
    %mul3A_12 = arith.mulf %mul3A, %add3A : vector<10240x16xf32>
    %get3A_13 = arith.constant 0 : index
    %get3A_14 = arith.constant 0 : index
    %get3A_15 = vector.load %arg2[%get3A_13, %get3A_14] : memref<1x16xf32, #tpu.memory_space<vmem>>, vector<1x16xf32>
    %add3A_16 = vector.broadcast %get3A_15 : vector<1x16xf32> to vector<10240x16xf32>
    %add3A_17 = arith.addf %mul3A_12, %add3A_16 : vector<10240x16xf32>
    %slice3A = vector.extract_strided_slice %add3A_17 {offsets = [0, 0], sizes = [10240, 1], strides = [1, 1]} : vector<10240x16xf32> to vector<10240x1xf32>
    %slice3A_18 = vector.extract_strided_slice %add3A_17 {offsets = [0, 1], sizes = [10240, 1], strides = [1, 1]} : vector<10240x16xf32> to vector<10240x1xf32>
    %max3A = arith.maximumf %slice3A, %slice3A_18 : vector<10240x1xf32>
    %sub3A = arith.subf %slice3A, %max3A : vector<10240x1xf32>
    %exp3A = math.exp %sub3A : vector<10240x1xf32>
    %sub3A_19 = arith.subf %slice3A_18, %max3A : vector<10240x1xf32>
    %exp3A_20 = math.exp %sub3A_19 : vector<10240x1xf32>
    %add3A_21 = arith.addf %exp3A, %exp3A_20 : vector<10240x1xf32>
    %log3A = math.log %add3A_21 : vector<10240x1xf32>
    %add3A_22 = arith.addf %max3A, %log3A : vector<10240x1xf32>
    %sub3A_23 = vector.broadcast %add3A_22 : vector<10240x1xf32> to vector<10240x16xf32>
    %sub3A_24 = arith.subf %add3A_17, %sub3A_23 : vector<10240x16xf32>
    %swap3A = arith.constant 0 : index
    %swap3A_25 = arith.constant 0 : index
    %swap3A_26 = vector.load %arg3[%swap3A, %swap3A_25] : memref<10240x16xf32, #tpu.memory_space<vmem>>, vector<10240x16xf32>
    tpu.vector_store %arg3[%swap3A, %swap3A_25], %sub3A_24 {strides = array<i32>} : memref<10240x16xf32, #tpu.memory_space<vmem>>, vector<10240x16xf32>,
    return
  }
}

</mosaic_0001>

<sc_bundles>
// kernel: kernel.10.cloned.1.call-start
scs
__scs_entry_jumppad:
0x0: {  	(pc) =	sbr.rel $0x88, $3  }
0x1: {  	(tag) =	ssettag $0x0;
	lr =	simm.s32 $0x1  }
0x2: {  	[smem:$0x3F97] =	sst lr;
	_ =	strace $0xD0000000  }
0x3: {  	_ = 	snop  }
0x4: {  	_ = 	snop  }
0x5: {  	_ = 	snop  }
0x6: {  	_ = 	snop  }
0x7: {  	_ = 	snop  }
__scs_overlays_trampoline_lowered:
0x8: {  	[smem:$0x3FA6] =	sst s0  }
0x9: {  	[smem:$0x3FA7] =	sst s1  }
0xa: {  	[smem:$0x3FA8] =	sst s2  }
0xb: {  	[smem:$0x3FA9] =	sst s3  }
0xc: {  	[smem:$0x3FAA] =	sst s4  }
0xd: {  	[smem:$0x3FAB] =	sst s5  }
0xe: {  	[smem:$0x3FAC] =	sst s6  }
0xf: {  	[smem:$0x3FAD] =	sst s7  }
0x10: {  	[smem:$0x3FAE] =	sst s8  }
0x11: {  	[smem:$0x3FAF] =	sst s9;
	s0 =	simm.s32 @!p0 $0x0  }
0x12: {  	s1 =	sld [smem:$0x3F95];
	s0 =	simm.s32 @p0 $0x1  }
0x13: {  	[smem:$0x3FB0] =	sst s0;
	s0 =	simm.s32 @!p1 $0x0  }
0x14: {  	s2 =	sld [smem:$0x3F94];
	s0 =	simm.s32 @p1 $0x1  }
0x15: {  	[smem:$0x3FB1] =	sst s0;
	s0 =	simm.s32 @!p2 $0x0  }
0x16: {  	s3 =	sld [smem:$0x3FDB];
	s0 =	simm.s32 @p2 $0x1  }
0x17: {  	s4 =	simm.s32 $0x1BF5;
	[smem:$0x3FB3] =	sst s0  }
0x18: {  	s0 =	sld [smem:$0x3F96];
	_ =	swait.ge [sflag:s4], $0x0  }
0x19: {  	s7 =	sld [smem:$0x3F97]  }
0x1a: {  	s8 =	sadd.s32 $0xFFFFE003, lr  }
0x1b: {  	s9 =	sadd.s32 $0xFFFFFEF7, lr;
	s5 =	simm.s32 $0xFFFFFFFF;
	p2 =	slt.u32 s8, $0xFFFFF086  }
0x1c: {  	p1 =	slt.u32 s9, $0xF7A;
	s5 =	simm.s32 @!p2 $0x0  }
0x1d: {  	s5 =	simm.s32 @p1 $0x1;
	p0 =	seq.s32 s7, s2  }
0x1e: {  	s7 =	smul.u32 @!p0 $0xF7A, s2;
	p2 =	seq.s32 @!p0 s5, $0x0  }
0x1f: {  	s9 =	smul.u32 $0xF7A, s1;
	s8 =	simm.s32 @!p0 $0x1BF5;
	p2 =	por !p2, p0  }
0x20: {  	[sflag:s8] =	ssyncset.s32 @!p0 $0xFFFFF086;
	s6 =	sadd.s32 @!p0 s3, s7;
	s7 =	simm.s32 @!p0 $0x108  }
0x21: {  	s3 =	sadd.s32 s3, s9;
	s6 =	sadd.s32 @!p0 $0x88, s6;
	s7 =	simm.s32 @p2 $0x1082  }
0x22: {  	[simem:s7], [sflag:s8] =	dma.local @!p0 [hbm:s6], $0xF7A  }
0x23: {  	s9 =	sor.u32 $0xD0000000, s2;
	s6 =	simm.s32 $0x108;
	_ =	swait.ge @!p0 [sflag:s8], $0x0  }
0x24: {  	s3 =	sadd.s32 $0x88, s3;
	s6 =	simm.s32 @!p1 $0x1082;
	[sflag:s4] =	ssyncset.s32 $0xFFFFF086  }
0x25: {  	[simem:s6], [sflag:s4] =	dma.local [hbm:s3], $0xF7A  }
0x26: {  	[smem:$0x3F97] =	sst s1;
	(tag) =	ssettag s2;
	_ =	strace s9  }
0x27: {  	s1 =	sld [smem:$0x3FA7]  }
0x28: {  	s2 =	sld [smem:$0x3FA8]  }
0x29: {  	s4 =	sld [smem:$0x3FAA]  }
0x2a: {  	p0 =	seq.s32 s5, $0x0;
	s5 =	sld [smem:$0x3FAB]  }
0x2b: {  	s6 =	sld [smem:$0x3FAC]  }
0x2c: {  	s7 =	sld [smem:$0x3FAD]  }
0x2d: {  	s3 =	simm.s32 $0x108;
	s8 =	sld [smem:$0x3FAE]  }
0x2e: {  	s3 =	simm.s32 @!p0 $0x1082;
	s9 =	sld [smem:$0x3FAF]  }
0x2f: {  	lr =	sadd.s32 s0, s3;
	s0 =	sld [smem:$0x3FA6]  }
0x30: {  	s3 =	sld [smem:$0x3FA9]  }
0x31: {  	[smem:$0x3FB2] =	sst s10  }
0x32: {  	s10 =	sld [smem:$0x3FB0];
	_ =	sdelay $0x3  }
0x33: {  	p0 =	seq.s32 s10, $0x1;
	s10 =	sld [smem:$0x3FB2];
	_ =	sdelay $0x3  }
0x34: {  	[smem:$0x3FB2] =	sst s10  }
0x35: {  	s10 =	sld [smem:$0x3FB1];
	_ =	sdelay $0x3  }
0x36: {  	p1 =	seq.s32 s10, $0x1;
	s10 =	sld [smem:$0x3FB2];
	_ =	sdelay $0x3  }
0x37: {  	[smem:$0x3FB2] =	sst s10  }
0x38: {  	s10 =	sld [smem:$0x3FB3]  }
0x39: {  	_ = 	snop;
	(pc) =	sbr.ind lr, $3  }
0x3a: {  	_ = 	snop  }
0x3b: {  	_ = 	snop  }
0x3c: {  	p2 =	seq.s32 s10, $0x1;
	s10 =	sld [smem:$0x3FB2]  }
0x3d: {  	_ =	shalt  }
0x3e: {  	_ =	shalt  }
0x3f: {  	_ =	shalt  }
0x40: {  	_ =	shalt  }
0x41: {  	_ =	shalt  }
0x42: {  	_ =	shalt  }
0x43: {  	_ =	shalt  }
0x44: {  	_ =	shalt  }
0x45: {  	_ =	shalt  }
0x46: {  	_ =	shalt  }
0x47: {  	_ =	shalt  }
0x48: {  	_ =	shalt  }
0x49: {  	_ =	shalt  }
0x4a: {  	_ =	shalt  }
0x4b: {  	_ =	shalt  }
0x4c: {  	_ =	shalt  }
0x4d: {  	_ =	shalt  }
0x4e: {  	_ =	shalt  }
0x4f: {  	_ =	shalt  }
0x50: {  	_ =	shalt  }
0x51: {  	_ =	shalt  }
0x52: {  	_ =	shalt  }
0x53: {  	_ =	shalt  }
0x54: {  	_ =	shalt  }
0x55: {  	_ =	shalt  }
0x56: {  	_ =	shalt  }
0x57: {  	_ =	shalt  }
0x58: {  	_ =	shalt  }
0x59: {  	_ =	shalt  }
0x5a: {  	_ =	shalt  }
0x5b: {  	_ =	shalt  }
0x5c: {  	_ =	shalt  }
0x5d: {  	_ =	shalt  }
0x5e: {  	_ =	shalt  }
0x5f: {  	_ =	shalt  }
0x60: {  	_ =	shalt  }
0x61: {  	_ =	shalt  }
0x62: {  	_ =	shalt  }
0x63: {  	_ =	shalt  }
0x64: {  	_ =	shalt  }
0x65: {  	_ =	shalt  }
0x66: {  	_ =	shalt  }
0x67: {  	_ =	shalt  }
0x68: {  	_ =	shalt  }
0x69: {  	_ =	shalt  }
0x6a: {  	_ =	shalt  }
0x6b: {  	_ =	shalt  }
0x6c: {  	_ =	shalt  }
0x6d: {  	_ =	shalt  }
0x6e: {  	_ =	shalt  }
0x6f: {  	_ =	shalt  }
0x70: {  	_ =	shalt  }
0x71: {  	_ =	shalt  }
0x72: {  	_ =	shalt  }
0x73: {  	_ =	shalt  }
0x74: {  	_ =	shalt  }
0x75: {  	_ =	shalt  }
0x76: {  	_ =	shalt  }
0x77: {  	_ =	shalt  }
0x78: {  	_ =	shalt  }
0x79: {  	_ =	shalt  }
0x7a: {  	_ =	shalt  }
0x7b: {  	_ =	shalt  }
0x7c: {  	_ =	shalt  }
0x7d: {  	_ =	shalt  }
0x7e: {  	_ =	shalt  }
0x7f: {  	_ =	shalt  }
0x80: {  	_ =	shalt  }
0x81: {  	_ =	shalt  }
0x82: {  	_ =	shalt  }
0x83: {  	_ =	shalt  }
0x84: {  	_ =	shalt  }
0x85: {  	_ =	shalt  }
0x86: {  	_ =	shalt  }
0x87: {  	_ =	shalt  }
.Lfunc_end0:
.L_simem_size_0:
called_computation_lowered:
.L_overlay_start_0:
0x88: {  	s2 =	sld [smem:$0x3FD9]  }
0x89: {  	s3 =	sld [smem:$0x3FFE];
	_ =	sdelay $0x1  }
0x8a: {  	s1 =	srdreg.scid  }
0x8b: {  	s0 =	sand.u32 $0x1, s1  }
0x8c: {  	s16 =	sshll.u32 s0, $0xA;
	s2 =	sadd.s32 s3, s2  }
0x8d: {  	s2 =	sadd.s32 s2, s16  }
0x8e: {  	[smem:$0x3FBE] =	sst s2  }
0x8f: {  	_ = 	snop  }
0x90: {  	(tm) =	ssettm $0x1  }
0x91: {  	s17 =	sld [smem:$0x3FFB];
	_ =	sdelay $0x3  }
0x92: {  	_ =	strace s17  }
0x93: {  	s2 =	sld [smem:$0x3FFC];
	_ =	sdelay $0x3  }
0x94: {  	_ =	strace s2  }
0x95: {  	s2 =	sld [smem:$0x3FFD];
	_ =	sdelay $0x3  }
0x96: {  	_ =	strace s2  }
0x97: {  	_ =	strace $0x8FFFFFFF  }
0x98: {  	s18 =	sld [smem:$0x3FDB];
	_ =	sdelay $0x1  }
0x99: {  	s19 =	simm.s32 $_scs_section_size  }
0x9a: {  	s4 =	simm.s32 $_size__tile_overlayer_lowered;
	s5 =	simm.s32 $_tile_overlayer_lowered  }
0x9b: {  	s22 =	simm.s32 $0x1BFF;
	s21 =	sshll.u32 s5, $0x1;
	s2 =	sadd.s32 s19, s18  }
0x9c: {  	s6 =	simm.s32 $0x0;
	s20 =	sshll.u32 s4, $0x1;
	s4 =	sadd.s32 s21, s2  }
0x9d: {  	[timem:s6], [sflag:s22] =	dma.local [hbm:s4], s20  }
0x9e: {  	_ =	swait.ge [sflag:s22], s20  }
0x9f: {  	s3 =	ssub.s32 $0x0, s20;
	[sflag:s22] =	ssyncset.done $0x0  }
0xa0: {  	[sflag:s22] =	ssyncadd.s32 s3;
	_ =	sdelay $0x1  }
0xa1: {  	s23 =	simm.s32 $0x1B8B  }
0xa2: {  	_ =	swait.ge [sflag:s23], $0x1  }
0xa3: {  	[sflag:s23] =	ssyncset.done $0x0  }
0xa4: {  	s25 =	simm.s32 $0x1B8E;
	s24 =	sld [smem:$0x3FFE];
	[sflag:s23] =	ssyncadd.s32 $0xFFFFFFFF  }
0xa5: {  	s26 =	simm.s32 $execute0_lowered;
	[smem:$0x3FD2] =	sst s25  }
0xa6: {  	s4 =	sshll.u32 s26, $0x1;
	_ =	strace $0x80000046;
	[dreg:$0x1] =	wrdreg $0xFFFFFFFF  }
0xa7: {  	s28 =	simm.s32 $_size_execute0_lowered;
	s2 =	sadd.s32 s2, s4;
	[dreg:$0x0] =	wrdreg $0x0  }
0xa8: {  	s4 =	sshll.u32 s28, $0x1;
	[dreg:$0x2] =	wrdreg s2  }
0xa9: {  	[dreg:$0x3] =	wrdreg s4  }
0xaa: {  	[dreg:$0x4] =	wrdreg $0xC0  }
0xab: {  	_ =	task [dreg:s6], $0x5FFFF  }
0xac: {  	[dreg:$0x1] =	wrdreg $0xFFFFFFFF  }
0xad: {  	[dreg:$0x0] =	wrdreg $0x60  }
0xae: {  	[dreg:$0x2] =	wrdreg s24  }
0xaf: {  	[dreg:$0x3] =	wrdreg $0x46000  }
0xb0: {  	[dreg:$0x4] =	wrdreg $0x9  }
0xb1: {  	_ =	task.clear_ibuf [dreg:s6], $0x5FFFF;
	_ =	strace $0x90000046  }
0xb2: {  	s29 =	simm.s32 $0x9;
	_ =	strace $0x80000048  }
0xb3: {  	_ =	swait.ge [sflag:s29], $0x1  }
0xb4: {  	[sflag:s29] =	ssyncadd.s32 $0xFFFFFFFF  }
0xb5: {  	_ =	strace $0x90000048  }
0xb6: {  	_ =	sfence  }
0xb7: {  	s30 =	sld [smem:$0x0];
	_ =	sdelay $0x2  }
0xb8: {  	s31 =	sshll.u32 s1, $0xD;
	s1 =	sshrl.u32 s1, $0x2  }
0xb9: {  	s3 =	sand.u32 $0x4000, s31;
	s1 =	sadd.s32 s1, s30  }
0xba: {  	s0 =	sor.u32 s3, s0;
	s1 =	sshll.u32 s1, $0x11  }
0xbb: {  	s0 =	sor.u32 s1, s0  }
0xbc: {  	s0 =	sadd.s32 $0x8F2B, s0  }
0xbd: {  	[sflag:s0] =	ssyncadd.remote.s32 $0x1  }
0xbe: {  	_ =	sfence.sel $0xFFFF  }
0xbf: {  	[dreg:$0x0] =	wrdreg $0xFFFFFFFF;
	(pc) =	sbr.abs _section_cstart, $3  }
0xc0: {  	[dreg:$0x1] =	wrdreg $0xFFFFFFFF  }
0xc1: {  	_ =	task.clear_ibuf [dreg:s6], $0x2FFFF;
	_ =	strace $0x9FFFFFFF  }
0xc2: {  	(tm) =	ssettm $0x7FFFFFFF  }
0xc3: {  	_ =	shalt  }
tec
execute0_lowered:
.L_overlay_start_1:
0x0: {  	(tag) =	ssettag $0x1  }
0x1: {  	s0 =	srdreg.scid;
	s4 =	rddreg [dreg:$0x0]  }
0x2: {  	s2 =	rddreg [dreg:$0x1];
	s1 =	stileid.u32;
	s3 =	simm.s32 $0x0  }
0x3: {  	s12 =	simm.s32 $0x80;
	s5 =	sand.u32 $0x1, s0;
	s0 =	rddreg [dreg:$0x2]  }
0x4: {  	s13 =	simm.s32 $0x2A00;
	s14 =	simm.s32 $0x0;
	[smem:$0x7FF] =	sst s3  }
0x5: {  	s8 =	smul.u32 $0x2800, s1;
	s10 =	sadd.s32 $0xCC00, s4;
	s6 =	sshll.u32 s5, $0x4  }
0x6: {  	_ =	strace $0x80000047;
	s7 =	ssub.s32 $0x2, s5;
	s5 =	smul.u32 $0x28000, s5  }
0x7: {  	s6 =	sor.u32 s1, s6;
	s9 =	sshrl.u32 s7, $0x1;
	s29 =	sadd.s32 $0x1400, s8  }
0x8: {  	s6 =	smul.u32 $0x540, s6;
	s9 =	ssub.s32 s7, s9;
	s11 =	sadd.s32 s5, s29  }
0x9: {  	s31 =	sshrl.u32 s11, $0x3;
	s9 =	smax.u32 s9, $0x1;
	s11 =	simm.s32 $0x1  }
0xa: {  	s6 =	sadd.s32 s6, s4;
	s4 =	sadd.s32 s8, s2;
	s8 =	sadd.s32 s8, s5  }
0xb: {  	s5 =	sadd.s32 s29, s2;
	s30 =	sshrl.u32 s8, $0x3;
	s6 =	sadd.s32 $0x2400, s6  }
0xc: {  	v0 =	vimm.f32 $1.000000000e+00;
	v1 =	vimm.f32 $0.0e+00;
	s8 =	sadd.s32 s10, s31;
	s7 =	sadd.s32 s10, s30;
	s10 =	simm.s32 $0x3200  }
.LBB2_1:
0xd: {  	s15 =	simm.s32 $0x0  }
.LBB2_2:
0xe: {  	p0 =	sne.s32 s15, $0x1FC0  }
.Ltmp0:
0xf: {  	_ = 	snop;
	(pc) =	sbr.rel @p0 .LBB2_2-.Ltmp0, $3  }
0x10: {  	_ =	sdelay $0x1  }
0x11: {  	s16 =	sshra.s32 s15, $0x2  }
0x12: {  	s15 =	sadd.s32 $0x40, s15;
	[tilespmem:s16+$0x2A00] =	vst v0  }
0x13: {  	s15 =	simm.s32 $0x40;
	s16 =	simm.s32 $0x0  }
.LBB2_4:
0x14: {  	p0 =	sne.s32 s15, $0x4FC0;
	[tilespmem:s16+$0x3200] =	vst v1;
	s16 =	smov.u32 s15;
	s15 =	sadd.s32 $0x40, s15  }
.Ltmp1:
0x15: {  	(pc) =	sbr.rel @p0 .LBB2_4-.Ltmp1, $2  }
0x16: {  	_ =	sdelay $0x2  }
0x17: {  	s16 =	sshra.s32 s16, $0x2  }
0x18: {  	[tilespmem:s16+$0x3200] =	vst v1  }
0x19: {  	[spmem:s4] =	stream.linear.scatter [tilespmem:s10], [sflag:$0x1], $0x1400, $0x38;
	[tilespmem:$0x6E00] =	vst v63  }
0x1a: {  	_ =	swait.ge [sflag:s11], $0x1400  }
0x1b: {  	[sflag:s11] =	ssyncset.done $0x0  }
0x1c: {  	[sflag:s11] =	ssyncadd.s32 $0xFFFFEC00  }
0x1d: {  	[spmem:s5] =	stream.linear.scatter [tilespmem:s10], [sflag:$0x1], $0x1400, $0x38;
	[tilespmem:$0x6E00] =	vst v63  }
0x1e: {  	_ =	swait.ge [sflag:s11], $0x1400  }
0x1f: {  	[sflag:s11] =	ssyncset.done $0x0  }
0x20: {  	s15 =	simm.s32 $0x0;
	[sflag:s11] =	ssyncadd.s32 $0xFFFFEC00  }
0x21: {  	[tilespmem:s15], [sflag:$0x1] =	stream.linear.gather [hbm4b:s6+s15], $0x2A00, $0x38;
	[tilespmem:$0x6E00] =	vst v63  }
0x22: {  	_ =	swait.ge [sflag:s11], $0x2A00  }
0x23: {  	[sflag:s11] =	ssyncset.done $0x0  }
0x24: {  	[sflag:s11] =	ssyncadd.s32 $0xFFFFD600  }
0x25: {  	s31 =	simm.s32 $0x0;
	[bflag:$0x0] =	sbarrier.arrive $0xFFFF  }
0x26: {  	[spmem:s2] =	stream.indirect.scatter.add.f32 [tilespmem:s13], [sflag:$0x1], $0x10, s31, s12, $0xb8;
	[tilespmem:$0x6E00] =	vst v63  }
0x27: {  	_ =	swait.ge [sflag:s11], $0x800  }
0x28: {  	s15 =	simm.s32 $0x200;
	[sflag:s11] =	ssyncset.done $0x0  }
.LBB2_6:
0x29: {  	s16 =	sshra.s32 s15, $0x2;
	[sflag:s11] =	ssyncadd.s32 $0xFFFFF800;
	p0 =	sne.s32 s15, $0xA600  }
0x2a: {  	[spmem:s2] =	stream.indirect.scatter.add.f32 [tilespmem:s13], [sflag:$0x1], $0x10, s16, s12, $0xb8;
	[tilespmem:$0x6E00] =	vst v63  }
.Ltmp2:
0x2b: {  	_ = 	snop;
	(pc) =	sbr.rel @p0 .LBB2_6-.Ltmp2, $4  }
0x2c: {  	_ = 	snop  }
0x2d: {  	s15 =	sadd.s32 $0x200, s15  }
0x2e: {  	_ =	swait.ge [sflag:s11], $0x800  }
0x2f: {  	[sflag:s11] =	ssyncset.done $0x0  }
0x30: {  	[sflag:s11] =	ssyncadd.s32 $0xFFFFF800  }
0x31: {  	[bflag:$0x0] =	sbarrier.arrive $0xFFFF  }
0x32: {  	[tilespmem:s10], [sflag:$0x1] =	stream.linear.gather [spmem:s4], $0x1400, $0x38;
	[tilespmem:$0x6E00] =	vst v63  }
0x33: {  	_ =	swait.ge [sflag:s11], $0x1400  }
0x34: {  	[sflag:s11] =	ssyncset.done $0x0  }
0x35: {  	[sflag:s11] =	ssyncadd.s32 $0xFFFFEC00  }
0x36: {  	[hbm4b:s7+s3] =	stream.linear.scatter [tilespmem:s10], [sflag:$0x1], $0x1400, $0x38;
	[tilespmem:$0x6E00] =	vst v63  }
0x37: {  	_ =	swait.ge [sflag:s11], $0x1400  }
0x38: {  	[sflag:s11] =	ssyncset.done $0x0  }
0x39: {  	[sflag:s11] =	ssyncadd.s32 $0xFFFFEC00  }
0x3a: {  	[tilespmem:s10], [sflag:$0x1] =	stream.linear.gather [spmem:s5], $0x1400, $0x38;
	[tilespmem:$0x6E00] =	vst v63  }
0x3b: {  	s14 =	sadd.s32 $0x1, s14;
	_ =	swait.ge [sflag:s11], $0x1400  }
0x3c: {  	p0 =	sne.s32 s14, s9;
	[sflag:s11] =	ssyncset.done $0x0  }
.Ltmp3:
0x3d: {  	[sflag:s11] =	ssyncadd.s32 $0xFFFFEC00;
	(pc) =	sbr.rel @p0 .LBB2_1-.Ltmp3, $4  }
0x3e: {  	[hbm4b:s8+s3] =	stream.linear.scatter [tilespmem:s10], [sflag:$0x1], $0x1400, $0x38;
	[tilespmem:$0x6E00] =	vst v63  }
0x3f: {  	_ =	swait.ge [sflag:s11], $0x1400  }
0x40: {  	[sflag:s11] =	ssyncset.done $0x0  }
0x41: {  	[sflag:s11] =	ssyncadd.s32 $0xFFFFEC00  }
0x42: {  	_ =	sfence.sel $0x180000  }
0x43: {  	[bflag:$0x0] =	sbarrier.arrive $0xFFFF  }
0x44: {  	p0 =	sne.s32 s1, $0x0;
	_ =	strace $0x90000047  }
0x45: {  	s0 =	sadd.s32 @!p0 $0x100000, s0;
	[bflag:$0x2] =	sbarrier.arrive $0xFFFF  }
0x46: {  	[sflag:s0] =	ssyncadd.tile.s32 @!p0 $0x1;
	_ =	shalt  }
.Lfunc_end2:
_tile_overlayer_lowered:
.L_overlay_start_2:
0x47: {  	(tag) =	ssettag $0x2  }
0x48: {  	s0 =	rddreg [dreg:$0x0];
	s2 =	stileid.u32  }
0x49: {  	s1 =	rddreg [dreg:$0x1];
	p0 =	sne.s32 s2, $0x0  }
0x4a: {  	s3 =	rddreg [dreg:$0x2];
	[bflag:$0x3] =	sbarrier.arrive $0xFFFF;
	s2 =	simm.s32 @!p0 $0x1C01  }
0x4b: {  	[timem:s3], [sflag:s2] =	dma.local @!p0 [hbm:s0], s1  }
0x4c: {  	s0 =	simm.s32 @!p0 $0x1  }
0x4d: {  	_ =	swait.ge @!p0 [sflag:s0], s1  }
0x4e: {  	s1 =	ssub.s32 @!p0 $0x0, s1;
	[sflag:s0] =	ssyncset.done @!p0 $0x0  }
0x4f: {  	[sflag:s0] =	ssyncadd.s32 @!p0 s1  }
0x50: {  	[bflag:$0x3] =	sbarrier.arrive $0xFFFF  }
0x51: {  	_ =	shalt  }

// kernel: kernel.13.cloned.1.call-start
scs
__scs_entry_jumppad:
0x0: {  	(pc) =	sbr.rel $0x88, $3  }
0x1: {  	(tag) =	ssettag $0x0;
	lr =	simm.s32 $0x1  }
0x2: {  	[smem:$0x3F97] =	sst lr;
	_ =	strace $0xD0000000  }
0x3: {  	_ = 	snop  }
0x4: {  	_ = 	snop  }
0x5: {  	_ = 	snop  }
0x6: {  	_ = 	snop  }
0x7: {  	_ = 	snop  }
__scs_overlays_trampoline_lowered:
0x8: {  	[smem:$0x3FA6] =	sst s0  }
0x9: {  	[smem:$0x3FA7] =	sst s1  }
0xa: {  	[smem:$0x3FA8] =	sst s2  }
0xb: {  	[smem:$0x3FA9] =	sst s3  }
0xc: {  	[smem:$0x3FAA] =	sst s4  }
0xd: {  	[smem:$0x3FAB] =	sst s5  }
0xe: {  	[smem:$0x3FAC] =	sst s6  }
0xf: {  	[smem:$0x3FAD] =	sst s7  }
0x10: {  	[smem:$0x3FAE] =	sst s8  }
0x11: {  	[smem:$0x3FAF] =	sst s9;
	s0 =	simm.s32 @!p0 $0x0  }
0x12: {  	s1 =	sld [smem:$0x3F95];
	s0 =	simm.s32 @p0 $0x1  }
0x13: {  	[smem:$0x3FB0] =	sst s0;
	s0 =	simm.s32 @!p1 $0x0  }
0x14: {  	s2 =	sld [smem:$0x3F94];
	s0 =	simm.s32 @p1 $0x1  }
0x15: {  	[smem:$0x3FB1] =	sst s0;
	s0 =	simm.s32 @!p2 $0x0  }
0x16: {  	s3 =	sld [smem:$0x3FDB];
	s0 =	simm.s32 @p2 $0x1  }
0x17: {  	s4 =	simm.s32 $0x1BF5;
	[smem:$0x3FB3] =	sst s0  }
0x18: {  	s0 =	sld [smem:$0x3F96];
	_ =	swait.ge [sflag:s4], $0x0  }
0x19: {  	s7 =	sld [smem:$0x3F97]  }
0x1a: {  	s8 =	sadd.s32 $0xFFFFE003, lr  }
0x1b: {  	s9 =	sadd.s32 $0xFFFFFEF7, lr;
	s5 =	simm.s32 $0xFFFFFFFF;
	p2 =	slt.u32 s8, $0xFFFFF086  }
0x1c: {  	p1 =	slt.u32 s9, $0xF7A;
	s5 =	simm.s32 @!p2 $0x0  }
0x1d: {  	s5 =	simm.s32 @p1 $0x1;
	p0 =	seq.s32 s7, s2  }
0x1e: {  	s7 =	smul.u32 @!p0 $0xF7A, s2;
	p2 =	seq.s32 @!p0 s5, $0x0  }
0x1f: {  	s9 =	smul.u32 $0xF7A, s1;
	s8 =	simm.s32 @!p0 $0x1BF5;
	p2 =	por !p2, p0  }
0x20: {  	[sflag:s8] =	ssyncset.s32 @!p0 $0xFFFFF086;
	s6 =	sadd.s32 @!p0 s3, s7;
	s7 =	simm.s32 @!p0 $0x108  }
0x21: {  	s3 =	sadd.s32 s3, s9;
	s6 =	sadd.s32 @!p0 $0x88, s6;
	s7 =	simm.s32 @p2 $0x1082  }
0x22: {  	[simem:s7], [sflag:s8] =	dma.local @!p0 [hbm:s6], $0xF7A  }
0x23: {  	s9 =	sor.u32 $0xD0000000, s2;
	s6 =	simm.s32 $0x108;
	_ =	swait.ge @!p0 [sflag:s8], $0x0  }
0x24: {  	s3 =	sadd.s32 $0x88, s3;
	s6 =	simm.s32 @!p1 $0x1082;
	[sflag:s4] =	ssyncset.s32 $0xFFFFF086  }
0x25: {  	[simem:s6], [sflag:s4] =	dma.local [hbm:s3], $0xF7A  }
0x26: {  	[smem:$0x3F97] =	sst s1;
	(tag) =	ssettag s2;
	_ =	strace s9  }
0x27: {  	s1 =	sld [smem:$0x3FA7]  }
0x28: {  	s2 =	sld [smem:$0x3FA8]  }
0x29: {  	s4 =	sld [smem:$0x3FAA]  }
0x2a: {  	p0 =	seq.s32 s5, $0x0;
	s5 =	sld [smem:$0x3FAB]  }
0x2b: {  	s6 =	sld [smem:$0x3FAC]  }
0x2c: {  	s7 =	sld [smem:$0x3FAD]  }
0x2d: {  	s3 =	simm.s32 $0x108;
	s8 =	sld [smem:$0x3FAE]  }
0x2e: {  	s3 =	simm.s32 @!p0 $0x1082;
	s9 =	sld [smem:$0x3FAF]  }
0x2f: {  	lr =	sadd.s32 s0, s3;
	s0 =	sld [smem:$0x3FA6]  }
0x30: {  	s3 =	sld [smem:$0x3FA9]  }
0x31: {  	[smem:$0x3FB2] =	sst s10  }
0x32: {  	s10 =	sld [smem:$0x3FB0];
	_ =	sdelay $0x3  }
0x33: {  	p0 =	seq.s32 s10, $0x1;
	s10 =	sld [smem:$0x3FB2];
	_ =	sdelay $0x3  }
0x34: {  	[smem:$0x3FB2] =	sst s10  }
0x35: {  	s10 =	sld [smem:$0x3FB1];
	_ =	sdelay $0x3  }
0x36: {  	p1 =	seq.s32 s10, $0x1;
	s10 =	sld [smem:$0x3FB2];
	_ =	sdelay $0x3  }
0x37: {  	[smem:$0x3FB2] =	sst s10  }
0x38: {  	s10 =	sld [smem:$0x3FB3]  }
0x39: {  	_ = 	snop;
	(pc) =	sbr.ind lr, $3  }
0x3a: {  	_ = 	snop  }
0x3b: {  	_ = 	snop  }
0x3c: {  	p2 =	seq.s32 s10, $0x1;
	s10 =	sld [smem:$0x3FB2]  }
0x3d: {  	_ =	shalt  }
0x3e: {  	_ =	shalt  }
0x3f: {  	_ =	shalt  }
0x40: {  	_ =	shalt  }
0x41: {  	_ =	shalt  }
0x42: {  	_ =	shalt  }
0x43: {  	_ =	shalt  }
0x44: {  	_ =	shalt  }
0x45: {  	_ =	shalt  }
0x46: {  	_ =	shalt  }
0x47: {  	_ =	shalt  }
0x48: {  	_ =	shalt  }
0x49: {  	_ =	shalt  }
0x4a: {  	_ =	shalt  }
0x4b: {  	_ =	shalt  }
0x4c: {  	_ =	shalt  }
0x4d: {  	_ =	shalt  }
0x4e: {  	_ =	shalt  }
0x4f: {  	_ =	shalt  }
0x50: {  	_ =	shalt  }
0x51: {  	_ =	shalt  }
0x52: {  	_ =	shalt  }
0x53: {  	_ =	shalt  }
0x54: {  	_ =	shalt  }
0x55: {  	_ =	shalt  }
0x56: {  	_ =	shalt  }
0x57: {  	_ =	shalt  }
0x58: {  	_ =	shalt  }
0x59: {  	_ =	shalt  }
0x5a: {  	_ =	shalt  }
0x5b: {  	_ =	shalt  }
0x5c: {  	_ =	shalt  }
0x5d: {  	_ =	shalt  }
0x5e: {  	_ =	shalt  }
0x5f: {  	_ =	shalt  }
0x60: {  	_ =	shalt  }
0x61: {  	_ =	shalt  }
0x62: {  	_ =	shalt  }
0x63: {  	_ =	shalt  }
0x64: {  	_ =	shalt  }
0x65: {  	_ =	shalt  }
0x66: {  	_ =	shalt  }
0x67: {  	_ =	shalt  }
0x68: {  	_ =	shalt  }
0x69: {  	_ =	shalt  }
0x6a: {  	_ =	shalt  }
0x6b: {  	_ =	shalt  }
0x6c: {  	_ =	shalt  }
0x6d: {  	_ =	shalt  }
0x6e: {  	_ =	shalt  }
0x6f: {  	_ =	shalt  }
0x70: {  	_ =	shalt  }
0x71: {  	_ =	shalt  }
0x72: {  	_ =	shalt  }
0x73: {  	_ =	shalt  }
0x74: {  	_ =	shalt  }
0x75: {  	_ =	shalt  }
0x76: {  	_ =	shalt  }
0x77: {  	_ =	shalt  }
0x78: {  	_ =	shalt  }
0x79: {  	_ =	shalt  }
0x7a: {  	_ =	shalt  }
0x7b: {  	_ =	shalt  }
0x7c: {  	_ =	shalt  }
0x7d: {  	_ =	shalt  }
0x7e: {  	_ =	shalt  }
0x7f: {  	_ =	shalt  }
0x80: {  	_ =	shalt  }
0x81: {  	_ =	shalt  }
0x82: {  	_ =	shalt  }
0x83: {  	_ =	shalt  }
0x84: {  	_ =	shalt  }
0x85: {  	_ =	shalt  }
0x86: {  	_ =	shalt  }
0x87: {  	_ =	shalt  }
.Lfunc_end0:
.L_simem_size_0:
called_computation.1_lowered:
.L_overlay_start_0:
0x88: {  	s2 =	sld [smem:$0x3FD9]  }
0x89: {  	s3 =	sld [smem:$0x3FFE];
	_ =	sdelay $0x1  }
0x8a: {  	s1 =	srdreg.scid  }
0x8b: {  	s0 =	sand.u32 $0x1, s1  }
0x8c: {  	s16 =	sshll.u32 s0, $0xA;
	s2 =	sadd.s32 s3, s2  }
0x8d: {  	s2 =	sadd.s32 s2, s16  }
0x8e: {  	[smem:$0x3FBE] =	sst s2  }
0x8f: {  	_ = 	snop  }
0x90: {  	(tm) =	ssettm $0x1  }
0x91: {  	s17 =	sld [smem:$0x3FFB];
	_ =	sdelay $0x3  }
0x92: {  	_ =	strace s17  }
0x93: {  	s2 =	sld [smem:$0x3FFC];
	_ =	sdelay $0x3  }
0x94: {  	_ =	strace s2  }
0x95: {  	s2 =	sld [smem:$0x3FFD];
	_ =	sdelay $0x3  }
0x96: {  	_ =	strace s2  }
0x97: {  	_ =	strace $0x8FFFFFFF  }
0x98: {  	s18 =	sld [smem:$0x3FDB];
	_ =	sdelay $0x1  }
0x99: {  	s19 =	simm.s32 $_scs_section_size  }
0x9a: {  	s4 =	simm.s32 $_size__tile_overlayer_lowered;
	s5 =	simm.s32 $_tile_overlayer_lowered  }
0x9b: {  	s22 =	simm.s32 $0x1BFF;
	s21 =	sshll.u32 s5, $0x1;
	s2 =	sadd.s32 s19, s18  }
0x9c: {  	s6 =	simm.s32 $0x0;
	s20 =	sshll.u32 s4, $0x1;
	s4 =	sadd.s32 s21, s2  }
0x9d: {  	[timem:s6], [sflag:s22] =	dma.local [hbm:s4], s20  }
0x9e: {  	_ =	swait.ge [sflag:s22], s20  }
0x9f: {  	s3 =	ssub.s32 $0x0, s20;
	[sflag:s22] =	ssyncset.done $0x0  }
0xa0: {  	[sflag:s22] =	ssyncadd.s32 s3;
	_ =	sdelay $0x1  }
0xa1: {  	s23 =	simm.s32 $0x1B8B  }
0xa2: {  	_ =	swait.ge [sflag:s23], $0x1  }
0xa3: {  	[sflag:s23] =	ssyncset.done $0x0  }
0xa4: {  	s25 =	simm.s32 $0x1B8E;
	s24 =	sld [smem:$0x3FFE];
	[sflag:s23] =	ssyncadd.s32 $0xFFFFFFFF  }
0xa5: {  	s26 =	simm.s32 $execute0_lowered;
	[smem:$0x3FD2] =	sst s25  }
0xa6: {  	s4 =	sshll.u32 s26, $0x1;
	_ =	strace $0x80000049;
	[dreg:$0x1] =	wrdreg $0xFFFFFFFF  }
0xa7: {  	s28 =	simm.s32 $_size_execute0_lowered;
	s2 =	sadd.s32 s2, s4;
	[dreg:$0x0] =	wrdreg $0x0  }
0xa8: {  	s4 =	sshll.u32 s28, $0x1;
	[dreg:$0x2] =	wrdreg s2  }
0xa9: {  	[dreg:$0x3] =	wrdreg s4  }
0xaa: {  	[dreg:$0x4] =	wrdreg $0xC0  }
0xab: {  	_ =	task [dreg:s6], $0x5FFFF  }
0xac: {  	[dreg:$0x1] =	wrdreg $0xFFFFFFFF  }
0xad: {  	[dreg:$0x0] =	wrdreg $0x60  }
0xae: {  	[dreg:$0x2] =	wrdreg s24  }
0xaf: {  	[dreg:$0x3] =	wrdreg $0x158000  }
0xb0: {  	[dreg:$0x4] =	wrdreg $0x9  }
0xb1: {  	_ =	task.clear_ibuf [dreg:s6], $0x5FFFF;
	_ =	strace $0x90000049  }
0xb2: {  	s29 =	simm.s32 $0x9;
	_ =	strace $0x8000004B  }
0xb3: {  	_ =	swait.ge [sflag:s29], $0x1  }
0xb4: {  	[sflag:s29] =	ssyncadd.s32 $0xFFFFFFFF  }
0xb5: {  	_ =	strace $0x9000004B  }
0xb6: {  	_ =	sfence  }
0xb7: {  	s30 =	sld [smem:$0x0];
	_ =	sdelay $0x2  }
0xb8: {  	s31 =	sshll.u32 s1, $0xD;
	s1 =	sshrl.u32 s1, $0x2  }
0xb9: {  	s3 =	sand.u32 $0x4000, s31;
	s1 =	sadd.s32 s1, s30  }
0xba: {  	s0 =	sor.u32 s3, s0;
	s1 =	sshll.u32 s1, $0x11  }
0xbb: {  	s0 =	sor.u32 s1, s0  }
0xbc: {  	s0 =	sadd.s32 $0x8F2B, s0  }
0xbd: {  	[sflag:s0] =	ssyncadd.remote.s32 $0x1  }
0xbe: {  	_ =	sfence.sel $0xFFFF  }
0xbf: {  	[dreg:$0x0] =	wrdreg $0xFFFFFFFF;
	(pc) =	sbr.abs _section_cstart, $3  }
0xc0: {  	[dreg:$0x1] =	wrdreg $0xFFFFFFFF  }
0xc1: {  	_ =	task.clear_ibuf [dreg:s6], $0x2FFFF;
	_ =	strace $0x9FFFFFFF  }
0xc2: {  	(tm) =	ssettm $0x7FFFFFFF  }
0xc3: {  	_ =	shalt  }
tec
execute0_lowered:
.L_overlay_start_1:
0x0: {  	(tag) =	ssettag $0x1  }
0x1: {  	s0 =	rddreg [dreg:$0x0]  }
0x2: {  	s1 =	rddreg [dreg:$0x1];
	s3 =	simm.s32 $0x0;
	s2 =	stileid.u32  }
0x3: {  	s7 =	srdreg.scid;
	s16 =	simm.s32 $0x60;
	s17 =	simm.s32 $0xA800  }
0x4: {  	s18 =	simm.s32 $0xC000;
	s19 =	simm.s32 $0xD800;
	s20 =	simm.s32 $0xF000  }
0x5: {  	s21 =	simm.s32 $0x1;
	s22 =	simm.s32 $0x2;
	s23 =	simm.s32 $0xA680  }
0x6: {  	s24 =	simm.s32 $0xA6E0;
	s28 =	simm.s32 $0xA740;
	s29 =	simm.s32 $0xA7A0  }
0x7: {  	s30 =	simm.s32 $0x0;
	[smem:$0x7FF] =	sst s3;
	s4 =	sadd.s32 $0x35400, s0  }
0x8: {  	s6 =	smul.u32 $0xA80, s2;
	s5 =	sadd.s32 $0x21400, s0;
	s10 =	sand.u32 $0x1, s7  }
0x9: {  	s9 =	smul.u32 $0xA000, s2;
	_ =	strace $0x8000004A;
	s25 =	ssub.s32 $0x2, s10  }
0xa: {  	s13 =	smul.u32 $0xA0000, s10;
	p0 =	seq.s32 s10, $0x1;
	s11 =	sadd.s32 s6, s0  }
0xb: {  	s0 =	sadd.s32 $0x49400, s0;
	s26 =	sshrl.u32 s25, $0x1;
	s12 =	sadd.s32 $0x5000, s9  }
0xc: {  	s6 =	sadd.s32 s9, s1;
	s14 =	ssub.s32 s25, s26;
	s7 =	sadd.s32 s12, s1  }
.Ltmp0:
0xd: {  	s8 =	sadd.s32 $0x16C00, s11;
	s15 =	sadd.s32 s9, s13;
	(pc) =	sbr.rel .LBB2_1-.Ltmp0, $4  }
0xe: {  	s12 =	sadd.s32 s13, s12;
	s9 =	sadd.s32 $0x2400, s11;
	s13 =	simm.s32 $0x10800  }
0xf: {  	s25 =	simm.s32 $0x5340;
	s26 =	simm.s32 $0x53A0;
	s31 =	sshrl.u32 s15, $0x3  }
0x10: {  	s12 =	sshrl.u32 s12, $0x3;
	s15 =	simm.s32 $0x5400;
	s10 =	sadd.s32 s0, s31  }
0x11: {  	v0 =	vimm.f32 $0.0e+00;
	s11 =	sadd.s32 s0, s12;
	s12 =	smax.u32 s14, $0x1;
	s14 =	simm.s32 $0x3  }
.LBB2_9:
0x12: {  	[tilespmem:s18], [sflag:$0x1] =	stream.indirect.gather [hbm4b:s4+s16], $0x40, s0, s16, $0xb8;
	[tilespmem:$0x1F800] =	vst v63  }
0x13: {  	_ =	swait.ge [sflag:s21], $0x1800  }
0x14: {  	[sflag:s21] =	ssyncset.done $0x0  }
0x15: {  	[sflag:s21] =	ssyncadd.s32 $0xFFFFE800  }
0x16: {  	[spmem:s1] =	stream.indirect.scatter.add.f32 [tilespmem:s17], [sflag:$0x2], $0x40, s23, s16, $0xb8;
	[tilespmem:$0x1F800] =	vst v63  }
0x17: {  	_ =	swait.ge [sflag:s21], $0x1800  }
0x18: {  	[sflag:s21] =	ssyncset.done $0x0  }
0x19: {  	[sflag:s21] =	ssyncadd.s32 $0xFFFFE800  }
0x1a: {  	[spmem:s1] =	stream.indirect.scatter.add.f32 [tilespmem:s18], [sflag:$0x2], $0x40, s24, s16, $0xb8;
	[tilespmem:$0x1F800] =	vst v63  }
0x1b: {  	_ =	swait.ge [sflag:s22], $0x1800  }
0x1c: {  	[sflag:s22] =	ssyncset.done $0x0  }
0x1d: {  	[sflag:s22] =	ssyncadd.s32 $0xFFFFE800  }
0x1e: {  	_ =	swait.ge [sflag:s22], $0x1800  }
0x1f: {  	[sflag:s22] =	ssyncset.done $0x0  }
0x20: {  	[sflag:s22] =	ssyncadd.s32 $0xFFFFE800  }
0x21: {  	[tilespmem:s19], [sflag:$0x1] =	stream.indirect.gather [hbm4b:s4+s16], $0x40, s25, s16, $0xb8;
	[tilespmem:$0x1F800] =	vst v63  }
0x22: {  	_ = 	snop  }
0x23: {  	[tilespmem:s20], [sflag:$0x1] =	stream.indirect.gather [hbm4b:s4+s16], $0x40, s26, s16, $0xb8;
	[tilespmem:$0x1F800] =	vst v63  }
0x24: {  	_ =	swait.ge [sflag:s21], $0x1800  }
0x25: {  	[sflag:s21] =	ssyncset.done $0x0  }
0x26: {  	[sflag:s21] =	ssyncadd.s32 $0xFFFFE800  }
0x27: {  	[spmem:s1] =	stream.indirect.scatter.add.f32 [tilespmem:s19], [sflag:$0x2], $0x40, s28, s16, $0xb8;
	[tilespmem:$0x1F800] =	vst v63  }
0x28: {  	_ =	swait.ge [sflag:s21], $0x1800  }
0x29: {  	[sflag:s21] =	ssyncset.done $0x0  }
0x2a: {  	[sflag:s21] =	ssyncadd.s32 $0xFFFFE800  }
0x2b: {  	[spmem:s1] =	stream.indirect.scatter.add.f32 [tilespmem:s20], [sflag:$0x2], $0x40, s29, s16, $0xb8;
	[tilespmem:$0x1F800] =	vst v63  }
0x2c: {  	_ =	swait.ge [sflag:s22], $0x1800  }
0x2d: {  	[sflag:s22] =	ssyncset.done $0x0  }
0x2e: {  	[sflag:s22] =	ssyncadd.s32 $0xFFFFE800  }
0x2f: {  	_ =	swait.ge [sflag:s22], $0x1800  }
0x30: {  	[sflag:s22] =	ssyncset.done $0x0  }
0x31: {  	[sflag:s22] =	ssyncadd.s32 $0xFFFFE800  }
0x32: {  	[tilespmem:s17], [sflag:$0x1] =	stream.indirect.gather [hbm4b:s4+s16], $0x40, s26, s16, $0xb8;
	[tilespmem:$0x1F800] =	vst v63  }
0x33: {  	_ = 	snop  }
0x34: {  	[tilespmem:s18], [sflag:$0x1] =	stream.indirect.gather [hbm4b:s4+s16], $0x40, s26, s16, $0xb8;
	[tilespmem:$0x1F800] =	vst v63  }
.LBB2_16:
0x35: {  	_ =	swait.ge [sflag:s21], $0x1800  }
0x36: {  	[sflag:s21] =	ssyncset.done $0x0  }
0x37: {  	[sflag:s21] =	ssyncadd.s32 $0xFFFFE800  }
0x38: {  	_ =	swait.ge [sflag:s22], $0x1800  }
0x39: {  	[sflag:s22] =	ssyncset.done $0x0  }
0x3a: {  	[sflag:s22] =	ssyncadd.s32 $0xFFFFE800  }
0x3b: {  	_ =	swait.ge [sflag:s21], $0x1800  }
0x3c: {  	[sflag:s21] =	ssyncset.done $0x0  }
0x3d: {  	[sflag:s21] =	ssyncadd.s32 $0xFFFFE800  }
0x3e: {  	_ =	swait.ge [sflag:s22], $0x1800  }
0x3f: {  	[sflag:s22] =	ssyncset.done $0x0  }
0x40: {  	[sflag:s22] =	ssyncadd.s32 $0xFFFFE800  }
0x41: {  	[bflag:$0x0] =	sbarrier.arrive $0xFFFF  }
0x42: {  	[tilespmem:s13], [sflag:$0x3] =	stream.linear.gather [spmem:s6], $0x5000, $0x38;
	[tilespmem:$0x1F800] =	vst v63  }
0x43: {  	_ =	swait.ge [sflag:s14], $0x5000  }
0x44: {  	[sflag:s14] =	ssyncset.done $0x0  }
0x45: {  	[sflag:s14] =	ssyncadd.s32 $0xFFFFB000  }
0x46: {  	[hbm4b:s10+s3] =	stream.linear.scatter [tilespmem:s13], [sflag:$0x3], $0x5000, $0x38;
	[tilespmem:$0x1F800] =	vst v63  }
0x47: {  	_ =	swait.ge [sflag:s14], $0x5000  }
0x48: {  	[sflag:s14] =	ssyncset.done $0x0  }
0x49: {  	[sflag:s14] =	ssyncadd.s32 $0xFFFFB000  }
0x4a: {  	[tilespmem:s13], [sflag:$0x3] =	stream.linear.gather [spmem:s7], $0x5000, $0x38;
	[tilespmem:$0x1F800] =	vst v63  }
0x4b: {  	s30 =	sadd.s32 $0x1, s30;
	_ =	swait.ge [sflag:s14], $0x5000  }
0x4c: {  	p1 =	sne.s32 s30, s12;
	[sflag:s14] =	ssyncset.done $0x0  }
.Ltmp1:
0x4d: {  	[sflag:s14] =	ssyncadd.s32 $0xFFFFB000;
	(pc) =	sbr.rel @!p1 .LBB2_17-.Ltmp1, $4  }
0x4e: {  	[hbm4b:s11+s3] =	stream.linear.scatter [tilespmem:s13], [sflag:$0x3], $0x5000, $0x38;
	[tilespmem:$0x1F800] =	vst v63  }
0x4f: {  	_ =	swait.ge [sflag:s14], $0x5000  }
0x50: {  	[sflag:s14] =	ssyncset.done $0x0  }
0x51: {  	[sflag:s14] =	ssyncadd.s32 $0xFFFFB000  }
.LBB2_1:
0x52: {  	s31 =	simm.s32 $0x100;
	s0 =	simm.s32 $0x0  }
.LBB2_2:
0x53: {  	p1 =	sne.s32 s31, $0x13F00;
	[tilespmem:s0+$0x10830] =	vst v0;
	s2 =	smov.u32 s31;
	s31 =	sadd.s32 $0x100, s31  }
.Ltmp2:
0x54: {  	[tilespmem:s0+$0x10820] =	vst v0;
	(pc) =	sbr.rel @p1 .LBB2_2-.Ltmp2, $3  }
0x55: {  	[tilespmem:s0+$0x10800] =	vst v0  }
0x56: {  	[tilespmem:s0+$0x10810] =	vst v0;
	_ =	sdelay $0x1  }
0x57: {  	s0 =	sshra.s32 s2, $0x2  }
0x58: {  	[tilespmem:s0+$0x10830] =	vst v0  }
0x59: {  	[tilespmem:s0+$0x10820] =	vst v0  }
0x5a: {  	[tilespmem:s0+$0x10800] =	vst v0  }
0x5b: {  	[tilespmem:s0+$0x10810] =	vst v0  }
0x5c: {  	[spmem:s6] =	stream.linear.scatter [tilespmem:s13], [sflag:$0x3], $0x5000, $0x38;
	[tilespmem:$0x1F800] =	vst v63  }
0x5d: {  	_ =	swait.ge [sflag:s14], $0x5000  }
0x5e: {  	[sflag:s14] =	ssyncset.done $0x0  }
0x5f: {  	[sflag:s14] =	ssyncadd.s32 $0xFFFFB000  }
0x60: {  	[spmem:s7] =	stream.linear.scatter [tilespmem:s13], [sflag:$0x3], $0x5000, $0x38;
	[tilespmem:$0x1F800] =	vst v63  }
0x61: {  	_ =	swait.ge [sflag:s14], $0x5000  }
0x62: {  	[sflag:s14] =	ssyncset.done $0x0  }
0x63: {  	s2 =	simm.s32 $0x0;
	[sflag:s14] =	ssyncadd.s32 $0xFFFFB000  }
0x64: {  	[tilespmem:s2], [sflag:$0x3] =	stream.linear.gather [hbm4b:s8+s2], $0x5400, $0x38;
	[tilespmem:$0x1F800] =	vst v63  }
0x65: {  	_ =	swait.ge [sflag:s14], $0x5400  }
0x66: {  	[sflag:s14] =	ssyncset.done $0x0  }
0x67: {  	[sflag:s14] =	ssyncadd.s32 $0xFFFFAC00  }
0x68: {  	[tilespmem:s15], [sflag:$0x3] =	stream.linear.gather [hbm4b:s9+s2], $0x5400, $0x38;
	[tilespmem:$0x1F800] =	vst v63  }
.Ltmp3:
0x69: {  	_ =	swait.ge [sflag:s14], $0x5400;
	(pc) =	sbr.rel @!p0 .LBB2_4-.Ltmp3, $4  }
0x6a: {  	[sflag:s14] =	ssyncset.done $0x0  }
0x6b: {  	[sflag:s14] =	ssyncadd.s32 $0xFFFFAC00  }
0x6c: {  	[bflag:$0x0] =	sbarrier.arrive $0xFFFF  }
0x6d: {  	s31 =	simm.s32 $0x100;
	s0 =	simm.s32 $0x0  }
.LBB2_10:
0x6e: {  	p1 =	sne.s32 s31, $0x5F00;
	[tilespmem:s0+$0xD830] =	vst v0;
	s2 =	smov.u32 s31;
	s31 =	sadd.s32 $0x100, s31  }
.Ltmp4:
0x6f: {  	[tilespmem:s0+$0xD820] =	vst v0;
	(pc) =	sbr.rel @p1 .LBB2_10-.Ltmp4, $3  }
0x70: {  	[tilespmem:s0+$0xD800] =	vst v0  }
0x71: {  	[tilespmem:s0+$0xD810] =	vst v0;
	_ =	sdelay $0x1  }
0x72: {  	s0 =	sshra.s32 s2, $0x2  }
0x73: {  	[tilespmem:s0+$0xD830] =	vst v0  }
0x74: {  	[tilespmem:s0+$0xD820] =	vst v0  }
0x75: {  	[tilespmem:s0+$0xD800] =	vst v0  }
0x76: {  	[tilespmem:s0+$0xD810] =	vst v0;
	s31 =	simm.s32 $0x100;
	s0 =	simm.s32 $0x0  }
.LBB2_12:
0x77: {  	p1 =	sne.s32 s31, $0x5F00;
	[tilespmem:s0+$0xF030] =	vst v0;
	s2 =	smov.u32 s31;
	s31 =	sadd.s32 $0x100, s31  }
.Ltmp5:
0x78: {  	[tilespmem:s0+$0xF020] =	vst v0;
	(pc) =	sbr.rel @p1 .LBB2_12-.Ltmp5, $3  }
0x79: {  	[tilespmem:s0+$0xF000] =	vst v0  }
0x7a: {  	[tilespmem:s0+$0xF010] =	vst v0;
	_ =	sdelay $0x1  }
0x7b: {  	s0 =	sshra.s32 s2, $0x2  }
0x7c: {  	[tilespmem:s0+$0xF030] =	vst v0  }
0x7d: {  	[tilespmem:s0+$0xF020] =	vst v0  }
0x7e: {  	[tilespmem:s0+$0xF000] =	vst v0  }
0x7f: {  	[tilespmem:s0+$0xF010] =	vst v0;
	s2 =	simm.s32 $0x0  }
0x80: {  	[tilespmem:s17], [sflag:$0x1] =	stream.indirect.gather [hbm4b:s5+s16], $0x40, s2, s16, $0xb8;
	[tilespmem:$0x1F800] =	vst v63  }
0x81: {  	_ = 	snop  }
0x82: {  	[tilespmem:s18], [sflag:$0x1] =	stream.indirect.gather [hbm4b:s5+s16], $0x40, s16, s16, $0xb8;
	[tilespmem:$0x1F800] =	vst v63  }
0x83: {  	_ = 	snop  }
0x84: {  	[spmem:s1] =	stream.indirect.scatter.add.f32 [tilespmem:s19], [sflag:$0x2], $0x40, s15, s16, $0xb8;
	[tilespmem:$0x1F800] =	vst v63  }
0x85: {  	_ = 	snop  }
0x86: {  	[spmem:s1] =	stream.indirect.scatter.add.f32 [tilespmem:s20], [sflag:$0x2], $0x40, s15, s16, $0xb8;
	[tilespmem:$0x1F800] =	vst v63  }
0x87: {  	_ =	swait.ge [sflag:s21], $0x1800  }
0x88: {  	[sflag:s21] =	ssyncset.done $0x0  }
0x89: {  	s2 =	simm.s32 $0x5400;
	[sflag:s21] =	ssyncadd.s32 $0xFFFFE800  }
0x8a: {  	[spmem:s1] =	stream.indirect.scatter.add.f32 [tilespmem:s17], [sflag:$0x2], $0x40, s2, s16, $0xb8;
	[tilespmem:$0x1F800] =	vst v63  }
0x8b: {  	_ =	swait.ge [sflag:s21], $0x1800  }
0x8c: {  	[sflag:s21] =	ssyncset.done $0x0  }
0x8d: {  	s2 =	simm.s32 $0x5460;
	[sflag:s21] =	ssyncadd.s32 $0xFFFFE800  }
0x8e: {  	[spmem:s1] =	stream.indirect.scatter.add.f32 [tilespmem:s18], [sflag:$0x2], $0x40, s2, s16, $0xb8;
	[tilespmem:$0x1F800] =	vst v63  }
0x8f: {  	_ =	swait.ge [sflag:s22], $0x1800  }
0x90: {  	[sflag:s22] =	ssyncset.done $0x0  }
0x91: {  	[sflag:s22] =	ssyncadd.s32 $0xFFFFE800  }
0x92: {  	_ =	swait.ge [sflag:s22], $0x1800  }
0x93: {  	[sflag:s22] =	ssyncset.done $0x0  }
0x94: {  	s2 =	simm.s32 $0xC0;
	[sflag:s22] =	ssyncadd.s32 $0xFFFFE800  }
0x95: {  	[tilespmem:s19], [sflag:$0x1] =	stream.indirect.gather [hbm4b:s5+s16], $0x40, s2, s16, $0xb8;
	[tilespmem:$0x1F800] =	vst v63  }
0x96: {  	s2 =	simm.s32 $0x120  }
0x97: {  	[tilespmem:s20], [sflag:$0x1] =	stream.indirect.gather [hbm4b:s5+s16], $0x40, s2, s16, $0xb8;
	[tilespmem:$0x1F800] =	vst v63  }
0x98: {  	_ =	swait.ge [sflag:s21], $0x1800  }
0x99: {  	[sflag:s21] =	ssyncset.done $0x0  }
0x9a: {  	s2 =	simm.s32 $0x54C0;
	[sflag:s21] =	ssyncadd.s32 $0xFFFFE800  }
0x9b: {  	[spmem:s1] =	stream.indirect.scatter.add.f32 [tilespmem:s19], [sflag:$0x2], $0x40, s2, s16, $0xb8;
	[tilespmem:$0x1F800] =	vst v63  }
0x9c: {  	_ =	swait.ge [sflag:s21], $0x1800  }
0x9d: {  	[sflag:s21] =	ssyncset.done $0x0  }
0x9e: {  	s2 =	simm.s32 $0x5520;
	[sflag:s21] =	ssyncadd.s32 $0xFFFFE800  }
0x9f: {  	[spmem:s1] =	stream.indirect.scatter.add.f32 [tilespmem:s20], [sflag:$0x2], $0x40, s2, s16, $0xb8;
	[tilespmem:$0x1F800] =	vst v63  }
0xa0: {  	_ =	swait.ge [sflag:s22], $0x1800  }
0xa1: {  	[sflag:s22] =	ssyncset.done $0x0  }
0xa2: {  	[sflag:s22] =	ssyncadd.s32 $0xFFFFE800  }
0xa3: {  	_ =	swait.ge [sflag:s22], $0x1800  }
0xa4: {  	s31 =	simm.s32 $0x600;
	[sflag:s22] =	ssyncset.done $0x0  }
0xa5: {  	s0 =	simm.s32 $0x1E0;
	s2 =	simm.s32 $0x180;
	[sflag:s22] =	ssyncadd.s32 $0xFFFFE800  }
0xa6: {  	[tilespmem:s17], [sflag:$0x1] =	stream.indirect.gather [hbm4b:s5+s16], $0x40, s2, s16, $0xb8;
	[tilespmem:$0x1F800] =	vst v63  }
.LBB2_14:
0xa7: {  	[tilespmem:s18], [sflag:$0x1] =	stream.indirect.gather [hbm4b:s5+s16], $0x40, s0, s16, $0xb8;
	[tilespmem:$0x1F800] =	vst v63  }
0xa8: {  	s0 =	smov.u32 s31  }
0xa9: {  	p1 =	sne.s32 s31, $0x14400;
	s31 =	sadd.s32 $0x600, s31;
	_ =	swait.ge [sflag:s21], $0x1800  }
0xaa: {  	s0 =	sshra.s32 s0, $0x2;
	[sflag:s21] =	ssyncset.done $0x0  }
0xab: {  	s2 =	sadd.s32 $0x5400, s0;
	[sflag:s21] =	ssyncadd.s32 $0xFFFFE800  }
0xac: {  	[spmem:s1] =	stream.indirect.scatter.add.f32 [tilespmem:s17], [sflag:$0x2], $0x40, s2, s16, $0xb8;
	[tilespmem:$0x1F800] =	vst v63  }
0xad: {  	_ =	swait.ge [sflag:s21], $0x1800  }
0xae: {  	[sflag:s21] =	ssyncset.done $0x0  }
0xaf: {  	s2 =	sadd.s32 $0x5460, s0;
	[sflag:s21] =	ssyncadd.s32 $0xFFFFE800  }
0xb0: {  	[spmem:s1] =	stream.indirect.scatter.add.f32 [tilespmem:s18], [sflag:$0x2], $0x40, s2, s16, $0xb8;
	[tilespmem:$0x1F800] =	vst v63  }
0xb1: {  	_ =	swait.ge [sflag:s22], $0x1800  }
0xb2: {  	[sflag:s22] =	ssyncset.done $0x0  }
0xb3: {  	[sflag:s22] =	ssyncadd.s32 $0xFFFFE800  }
0xb4: {  	_ =	swait.ge [sflag:s22], $0x1800  }
0xb5: {  	[sflag:s22] =	ssyncset.done $0x0  }
0xb6: {  	s2 =	sadd.s32 $0xC0, s0;
	[sflag:s22] =	ssyncadd.s32 $0xFFFFE800  }
0xb7: {  	[tilespmem:s19], [sflag:$0x1] =	stream.indirect.gather [hbm4b:s5+s16], $0x40, s2, s16, $0xb8;
	[tilespmem:$0x1F800] =	vst v63  }
0xb8: {  	s2 =	sadd.s32 $0x120, s0  }
0xb9: {  	[tilespmem:s20], [sflag:$0x1] =	stream.indirect.gather [hbm4b:s5+s16], $0x40, s2, s16, $0xb8;
	[tilespmem:$0x1F800] =	vst v63  }
0xba: {  	_ =	swait.ge [sflag:s21], $0x1800  }
0xbb: {  	[sflag:s21] =	ssyncset.done $0x0  }
0xbc: {  	s2 =	sadd.s32 $0x54C0, s0;
	[sflag:s21] =	ssyncadd.s32 $0xFFFFE800  }
0xbd: {  	[spmem:s1] =	stream.indirect.scatter.add.f32 [tilespmem:s19], [sflag:$0x2], $0x40, s2, s16, $0xb8;
	[tilespmem:$0x1F800] =	vst v63  }
0xbe: {  	_ =	swait.ge [sflag:s21], $0x1800  }
0xbf: {  	[sflag:s21] =	ssyncset.done $0x0  }
0xc0: {  	s2 =	sadd.s32 $0x5520, s0;
	[sflag:s21] =	ssyncadd.s32 $0xFFFFE800  }
0xc1: {  	[spmem:s1] =	stream.indirect.scatter.add.f32 [tilespmem:s20], [sflag:$0x2], $0x40, s2, s16, $0xb8;
	[tilespmem:$0x1F800] =	vst v63  }
0xc2: {  	_ =	swait.ge [sflag:s22], $0x1800  }
0xc3: {  	[sflag:s22] =	ssyncset.done $0x0  }
0xc4: {  	[sflag:s22] =	ssyncadd.s32 $0xFFFFE800  }
.Ltmp6:
0xc5: {  	_ =	swait.ge [sflag:s22], $0x1800;
	(pc) =	sbr.rel @p1 .LBB2_14-.Ltmp6, $4  }
0xc6: {  	[sflag:s22] =	ssyncset.done $0x0  }
0xc7: {  	s2 =	sadd.s32 $0x180, s0;
	[sflag:s22] =	ssyncadd.s32 $0xFFFFE800  }
0xc8: {  	[tilespmem:s17], [sflag:$0x1] =	stream.indirect.gather [hbm4b:s5+s16], $0x40, s2, s16, $0xb8;
	[tilespmem:$0x1F800] =	vst v63  }
0xc9: {  	s0 =	sadd.s32 $0x1E0, s0  }
0xca: {  	[tilespmem:s18], [sflag:$0x1] =	stream.indirect.gather [hbm4b:s5+s16], $0x40, s0, s16, $0xb8;
	[tilespmem:$0x1F800] =	vst v63  }
0xcb: {  	_ =	swait.ge [sflag:s21], $0x1800  }
0xcc: {  	[sflag:s21] =	ssyncset.done $0x0  }
0xcd: {  	[sflag:s21] =	ssyncadd.s32 $0xFFFFE800  }
0xce: {  	[spmem:s1] =	stream.indirect.scatter.add.f32 [tilespmem:s17], [sflag:$0x2], $0x40, s23, s16, $0xb8;
	[tilespmem:$0x1F800] =	vst v63  }
0xcf: {  	_ =	swait.ge [sflag:s21], $0x1800  }
0xd0: {  	[sflag:s21] =	ssyncset.done $0x0  }
0xd1: {  	[sflag:s21] =	ssyncadd.s32 $0xFFFFE800  }
0xd2: {  	[spmem:s1] =	stream.indirect.scatter.add.f32 [tilespmem:s18], [sflag:$0x2], $0x40, s24, s16, $0xb8;
	[tilespmem:$0x1F800] =	vst v63  }
0xd3: {  	_ =	swait.ge [sflag:s22], $0x1800  }
0xd4: {  	[sflag:s22] =	ssyncset.done $0x0  }
0xd5: {  	[sflag:s22] =	ssyncadd.s32 $0xFFFFE800  }
0xd6: {  	_ =	swait.ge [sflag:s22], $0x1800  }
0xd7: {  	[sflag:s22] =	ssyncset.done $0x0  }
0xd8: {  	[sflag:s22] =	ssyncadd.s32 $0xFFFFE800  }
0xd9: {  	[tilespmem:s19], [sflag:$0x1] =	stream.indirect.gather [hbm4b:s5+s16], $0x40, s25, s16, $0xb8;
	[tilespmem:$0x1F800] =	vst v63  }
0xda: {  	_ = 	snop  }
0xdb: {  	[tilespmem:s20], [sflag:$0x1] =	stream.indirect.gather [hbm4b:s5+s16], $0x40, s26, s16, $0xb8;
	[tilespmem:$0x1F800] =	vst v63  }
0xdc: {  	_ =	swait.ge [sflag:s21], $0x1800  }
0xdd: {  	[sflag:s21] =	ssyncset.done $0x0  }
0xde: {  	[sflag:s21] =	ssyncadd.s32 $0xFFFFE800  }
0xdf: {  	[spmem:s1] =	stream.indirect.scatter.add.f32 [tilespmem:s19], [sflag:$0x2], $0x40, s28, s16, $0xb8;
	[tilespmem:$0x1F800] =	vst v63  }
0xe0: {  	_ =	swait.ge [sflag:s21], $0x1800  }
0xe1: {  	[sflag:s21] =	ssyncset.done $0x0  }
0xe2: {  	[sflag:s21] =	ssyncadd.s32 $0xFFFFE800  }
0xe3: {  	[spmem:s1] =	stream.indirect.scatter.add.f32 [tilespmem:s20], [sflag:$0x2], $0x40, s29, s16, $0xb8;
	[tilespmem:$0x1F800] =	vst v63  }
0xe4: {  	_ =	swait.ge [sflag:s22], $0x1800  }
0xe5: {  	[sflag:s22] =	ssyncset.done $0x0  }
0xe6: {  	[sflag:s22] =	ssyncadd.s32 $0xFFFFE800  }
0xe7: {  	_ =	swait.ge [sflag:s22], $0x1800  }
.Ltmp7:
0xe8: {  	[sflag:s22] =	ssyncset.done $0x0;
	(pc) =	sbr.rel .LBB2_16-.Ltmp7, $4  }
0xe9: {  	[sflag:s22] =	ssyncadd.s32 $0xFFFFE800  }
0xea: {  	[tilespmem:s17], [sflag:$0x1] =	stream.indirect.gather [hbm4b:s5+s16], $0x40, s26, s16, $0xb8;
	[tilespmem:$0x1F800] =	vst v63  }
0xeb: {  	_ = 	snop  }
0xec: {  	[tilespmem:s18], [sflag:$0x1] =	stream.indirect.gather [hbm4b:s5+s16], $0x40, s26, s16, $0xb8;
	[tilespmem:$0x1F800] =	vst v63  }
.LBB2_4:
0xed: {  	p1 =	sne.s32 s31, $0x5F00;
	[tilespmem:s0+$0xD830] =	vst v0;
	s2 =	smov.u32 s31;
	s31 =	sadd.s32 $0x100, s31  }
.Ltmp8:
0xee: {  	[tilespmem:s0+$0xD820] =	vst v0;
	(pc) =	sbr.rel @p1 .LBB2_4-.Ltmp8, $3  }
0xef: {  	[tilespmem:s0+$0xD800] =	vst v0  }
0xf0: {  	[tilespmem:s0+$0xD810] =	vst v0;
	_ =	sdelay $0x1  }
0xf1: {  	s0 =	sshra.s32 s2, $0x2  }
0xf2: {  	[tilespmem:s0+$0xD830] =	vst v0  }
0xf3: {  	[tilespmem:s0+$0xD820] =	vst v0  }
0xf4: {  	[tilespmem:s0+$0xD800] =	vst v0  }
0xf5: {  	[tilespmem:s0+$0xD810] =	vst v0;
	s31 =	simm.s32 $0x100;
	s0 =	simm.s32 $0x0  }
.LBB2_6:
0xf6: {  	p1 =	sne.s32 s31, $0x5F00;
	[tilespmem:s0+$0xF030] =	vst v0;
	s2 =	smov.u32 s31;
	s31 =	sadd.s32 $0x100, s31  }
.Ltmp9:
0xf7: {  	[tilespmem:s0+$0xF020] =	vst v0;
	(pc) =	sbr.rel @p1 .LBB2_6-.Ltmp9, $3  }
0xf8: {  	[tilespmem:s0+$0xF000] =	vst v0  }
0xf9: {  	[tilespmem:s0+$0xF010] =	vst v0;
	_ =	sdelay $0x1  }
0xfa: {  	s0 =	sshra.s32 s2, $0x2  }
0xfb: {  	[tilespmem:s0+$0xF030] =	vst v0  }
0xfc: {  	[tilespmem:s0+$0xF020] =	vst v0  }
0xfd: {  	[tilespmem:s0+$0xF000] =	vst v0  }
0xfe: {  	[tilespmem:s0+$0xF010] =	vst v0;
	s2 =	simm.s32 $0x0  }
0xff: {  	[tilespmem:s17], [sflag:$0x1] =	stream.indirect.gather [hbm4b:s4+s16], $0x40, s2, s16, $0xb8;
	[tilespmem:$0x1F800] =	vst v63  }
0x100: {  	_ = 	snop  }
0x101: {  	[tilespmem:s18], [sflag:$0x1] =	stream.indirect.gather [hbm4b:s4+s16], $0x40, s16, s16, $0xb8;
	[tilespmem:$0x1F800] =	vst v63  }
0x102: {  	_ = 	snop  }
0x103: {  	[spmem:s1] =	stream.indirect.scatter.add.f32 [tilespmem:s19], [sflag:$0x2], $0x40, s15, s16, $0xb8;
	[tilespmem:$0x1F800] =	vst v63  }
0x104: {  	_ = 	snop  }
0x105: {  	[spmem:s1] =	stream.indirect.scatter.add.f32 [tilespmem:s20], [sflag:$0x2], $0x40, s15, s16, $0xb8;
	[tilespmem:$0x1F800] =	vst v63  }
0x106: {  	_ =	swait.ge [sflag:s21], $0x1800  }
0x107: {  	[sflag:s21] =	ssyncset.done $0x0  }
0x108: {  	s2 =	simm.s32 $0x5400;
	[sflag:s21] =	ssyncadd.s32 $0xFFFFE800  }
0x109: {  	[spmem:s1] =	stream.indirect.scatter.add.f32 [tilespmem:s17], [sflag:$0x2], $0x40, s2, s16, $0xb8;
	[tilespmem:$0x1F800] =	vst v63  }
0x10a: {  	_ =	swait.ge [sflag:s21], $0x1800  }
0x10b: {  	[sflag:s21] =	ssyncset.done $0x0  }
0x10c: {  	s2 =	simm.s32 $0x5460;
	[sflag:s21] =	ssyncadd.s32 $0xFFFFE800  }
0x10d: {  	[spmem:s1] =	stream.indirect.scatter.add.f32 [tilespmem:s18], [sflag:$0x2], $0x40, s2, s16, $0xb8;
	[tilespmem:$0x1F800] =	vst v63  }
0x10e: {  	_ =	swait.ge [sflag:s22], $0x1800  }
0x10f: {  	[sflag:s22] =	ssyncset.done $0x0  }
0x110: {  	[sflag:s22] =	ssyncadd.s32 $0xFFFFE800  }
0x111: {  	_ =	swait.ge [sflag:s22], $0x1800  }
0x112: {  	[sflag:s22] =	ssyncset.done $0x0  }
0x113: {  	s2 =	simm.s32 $0xC0;
	[sflag:s22] =	ssyncadd.s32 $0xFFFFE800  }
0x114: {  	[tilespmem:s19], [sflag:$0x1] =	stream.indirect.gather [hbm4b:s4+s16], $0x40, s2, s16, $0xb8;
	[tilespmem:$0x1F800] =	vst v63  }
0x115: {  	s2 =	simm.s32 $0x120  }
0x116: {  	[tilespmem:s20], [sflag:$0x1] =	stream.indirect.gather [hbm4b:s4+s16], $0x40, s2, s16, $0xb8;
	[tilespmem:$0x1F800] =	vst v63  }
0x117: {  	_ =	swait.ge [sflag:s21], $0x1800  }
0x118: {  	[sflag:s21] =	ssyncset.done $0x0  }
0x119: {  	s2 =	simm.s32 $0x54C0;
	[sflag:s21] =	ssyncadd.s32 $0xFFFFE800  }
0x11a: {  	[spmem:s1] =	stream.indirect.scatter.add.f32 [tilespmem:s19], [sflag:$0x2], $0x40, s2, s16, $0xb8;
	[tilespmem:$0x1F800] =	vst v63  }
0x11b: {  	_ =	swait.ge [sflag:s21], $0x1800  }
0x11c: {  	[sflag:s21] =	ssyncset.done $0x0  }
0x11d: {  	s2 =	simm.s32 $0x5520;
	[sflag:s21] =	ssyncadd.s32 $0xFFFFE800  }
0x11e: {  	[spmem:s1] =	stream.indirect.scatter.add.f32 [tilespmem:s20], [sflag:$0x2], $0x40, s2, s16, $0xb8;
	[tilespmem:$0x1F800] =	vst v63  }
0x11f: {  	_ =	swait.ge [sflag:s22], $0x1800  }
0x120: {  	[sflag:s22] =	ssyncset.done $0x0  }
0x121: {  	[sflag:s22] =	ssyncadd.s32 $0xFFFFE800  }
0x122: {  	_ =	swait.ge [sflag:s22], $0x1800  }
0x123: {  	s31 =	simm.s32 $0x600;
	[sflag:s22] =	ssyncset.done $0x0  }
0x124: {  	s0 =	simm.s32 $0x1E0;
	s2 =	simm.s32 $0x180;
	[sflag:s22] =	ssyncadd.s32 $0xFFFFE800  }
0x125: {  	[tilespmem:s17], [sflag:$0x1] =	stream.indirect.gather [hbm4b:s4+s16], $0x40, s2, s16, $0xb8;
	[tilespmem:$0x1F800] =	vst v63  }
.LBB2_8:
0x126: {  	[tilespmem:s18], [sflag:$0x1] =	stream.indirect.gather [hbm4b:s4+s16], $0x40, s0, s16, $0xb8;
	[tilespmem:$0x1F800] =	vst v63  }
0x127: {  	s0 =	smov.u32 s31  }
0x128: {  	p1 =	sne.s32 s31, $0x14400;
	s31 =	sadd.s32 $0x600, s31;
	_ =	swait.ge [sflag:s21], $0x1800  }
0x129: {  	s0 =	sshra.s32 s0, $0x2;
	[sflag:s21] =	ssyncset.done $0x0  }
0x12a: {  	s2 =	sadd.s32 $0x5400, s0;
	[sflag:s21] =	ssyncadd.s32 $0xFFFFE800  }
0x12b: {  	[spmem:s1] =	stream.indirect.scatter.add.f32 [tilespmem:s17], [sflag:$0x2], $0x40, s2, s16, $0xb8;
	[tilespmem:$0x1F800] =	vst v63  }
0x12c: {  	_ =	swait.ge [sflag:s21], $0x1800  }
0x12d: {  	[sflag:s21] =	ssyncset.done $0x0  }
0x12e: {  	s2 =	sadd.s32 $0x5460, s0;
	[sflag:s21] =	ssyncadd.s32 $0xFFFFE800  }
0x12f: {  	[spmem:s1] =	stream.indirect.scatter.add.f32 [tilespmem:s18], [sflag:$0x2], $0x40, s2, s16, $0xb8;
	[tilespmem:$0x1F800] =	vst v63  }
0x130: {  	_ =	swait.ge [sflag:s22], $0x1800  }
0x131: {  	[sflag:s22] =	ssyncset.done $0x0  }
0x132: {  	[sflag:s22] =	ssyncadd.s32 $0xFFFFE800  }
0x133: {  	_ =	swait.ge [sflag:s22], $0x1800  }
0x134: {  	[sflag:s22] =	ssyncset.done $0x0  }
0x135: {  	s2 =	sadd.s32 $0xC0, s0;
	[sflag:s22] =	ssyncadd.s32 $0xFFFFE800  }
0x136: {  	[tilespmem:s19], [sflag:$0x1] =	stream.indirect.gather [hbm4b:s4+s16], $0x40, s2, s16, $0xb8;
	[tilespmem:$0x1F800] =	vst v63  }
0x137: {  	s2 =	sadd.s32 $0x120, s0  }
0x138: {  	[tilespmem:s20], [sflag:$0x1] =	stream.indirect.gather [hbm4b:s4+s16], $0x40, s2, s16, $0xb8;
	[tilespmem:$0x1F800] =	vst v63  }
0x139: {  	_ =	swait.ge [sflag:s21], $0x1800  }
0x13a: {  	[sflag:s21] =	ssyncset.done $0x0  }
0x13b: {  	s2 =	sadd.s32 $0x54C0, s0;
	[sflag:s21] =	ssyncadd.s32 $0xFFFFE800  }
0x13c: {  	[spmem:s1] =	stream.indirect.scatter.add.f32 [tilespmem:s19], [sflag:$0x2], $0x40, s2, s16, $0xb8;
	[tilespmem:$0x1F800] =	vst v63  }
0x13d: {  	_ =	swait.ge [sflag:s21], $0x1800  }
0x13e: {  	[sflag:s21] =	ssyncset.done $0x0  }
0x13f: {  	s2 =	sadd.s32 $0x5520, s0;
	[sflag:s21] =	ssyncadd.s32 $0xFFFFE800  }
0x140: {  	[spmem:s1] =	stream.indirect.scatter.add.f32 [tilespmem:s20], [sflag:$0x2], $0x40, s2, s16, $0xb8;
	[tilespmem:$0x1F800] =	vst v63  }
0x141: {  	_ =	swait.ge [sflag:s22], $0x1800  }
0x142: {  	[sflag:s22] =	ssyncset.done $0x0  }
0x143: {  	[sflag:s22] =	ssyncadd.s32 $0xFFFFE800  }
.Ltmp10:
0x144: {  	_ =	swait.ge [sflag:s22], $0x1800;
	(pc) =	sbr.rel @p1 .LBB2_8-.Ltmp10, $4  }
0x145: {  	[sflag:s22] =	ssyncset.done $0x0  }
0x146: {  	s2 =	sadd.s32 $0x180, s0;
	[sflag:s22] =	ssyncadd.s32 $0xFFFFE800  }
0x147: {  	[tilespmem:s17], [sflag:$0x1] =	stream.indirect.gather [hbm4b:s4+s16], $0x40, s2, s16, $0xb8;
	[tilespmem:$0x1F800] =	vst v63  }
0x148: {  	s0 =	sadd.s32 $0x1E0, s0  }
.Ltmp11:
0x149: {  	_ = 	snop;
	(pc) =	sbr.rel .LBB2_9-.Ltmp11, $1  }
0x14a: {  	_ =	sdelay $0x3  }
.LBB2_17:
0x14b: {  	_ =	sfence.sel $0x180000  }
0x14c: {  	[bflag:$0x0] =	sbarrier.arrive $0xFFFF  }
0x14d: {  	_ =	strace $0x9000004A  }
0x14e: {  	s0 =	stileid.u32;
	[bflag:$0x2] =	sbarrier.arrive $0xFFFF  }
0x14f: {  	p0 =	sne.s32 s0, $0x0;
	s0 =	rddreg [dreg:$0x2]  }
0x150: {  	s0 =	sadd.s32 @!p0 $0x100000, s0  }
0x151: {  	[sflag:s0] =	ssyncadd.tile.s32 @!p0 $0x1;
	_ =	shalt  }
.Lfunc_end2:
_tile_overlayer_lowered:
.L_overlay_start_2:
0x152: {  	(tag) =	ssettag $0x2  }
0x153: {  	s0 =	rddreg [dreg:$0x0];
	s2 =	stileid.u32  }
0x154: {  	s1 =	rddreg [dreg:$0x1];
	p0 =	sne.s32 s2, $0x0  }
0x155: {  	s3 =	rddreg [dreg:$0x2];
	[bflag:$0x3] =	sbarrier.arrive $0xFFFF;
	s2 =	simm.s32 @!p0 $0x1C03  }
0x156: {  	[timem:s3], [sflag:s2] =	dma.local @!p0 [hbm:s0], s1  }
0x157: {  	s0 =	simm.s32 @!p0 $0x3  }
0x158: {  	_ =	swait.ge @!p0 [sflag:s0], s1  }
0x159: {  	s1 =	ssub.s32 @!p0 $0x0, s1;
	[sflag:s0] =	ssyncset.done @!p0 $0x0  }
0x15a: {  	[sflag:s0] =	ssyncadd.s32 @!p0 s1  }
0x15b: {  	[bflag:$0x3] =	sbarrier.arrive $0xFFFF  }
0x15c: {  	_ =	shalt  }

// kernel: kernel.16.cloned.1.call-start
scs
__scs_entry_jumppad:
0x0: {  	(pc) =	sbr.rel $0x88, $3  }
0x1: {  	(tag) =	ssettag $0x0;
	lr =	simm.s32 $0x1  }
0x2: {  	[smem:$0x3F97] =	sst lr;
	_ =	strace $0xD0000000  }
0x3: {  	_ = 	snop  }
0x4: {  	_ = 	snop  }
0x5: {  	_ = 	snop  }
0x6: {  	_ = 	snop  }
0x7: {  	_ = 	snop  }
__scs_overlays_trampoline_lowered:
0x8: {  	[smem:$0x3FA6] =	sst s0  }
0x9: {  	[smem:$0x3FA7] =	sst s1  }
0xa: {  	[smem:$0x3FA8] =	sst s2  }
0xb: {  	[smem:$0x3FA9] =	sst s3  }
0xc: {  	[smem:$0x3FAA] =	sst s4  }
0xd: {  	[smem:$0x3FAB] =	sst s5  }
0xe: {  	[smem:$0x3FAC] =	sst s6  }
0xf: {  	[smem:$0x3FAD] =	sst s7  }
0x10: {  	[smem:$0x3FAE] =	sst s8  }
0x11: {  	[smem:$0x3FAF] =	sst s9;
	s0 =	simm.s32 @!p0 $0x0  }
0x12: {  	s1 =	sld [smem:$0x3F95];
	s0 =	simm.s32 @p0 $0x1  }
0x13: {  	[smem:$0x3FB0] =	sst s0;
	s0 =	simm.s32 @!p1 $0x0  }
0x14: {  	s2 =	sld [smem:$0x3F94];
	s0 =	simm.s32 @p1 $0x1  }
0x15: {  	[smem:$0x3FB1] =	sst s0;
	s0 =	simm.s32 @!p2 $0x0  }
0x16: {  	s3 =	sld [smem:$0x3FDB];
	s0 =	simm.s32 @p2 $0x1  }
0x17: {  	s4 =	simm.s32 $0x1BF5;
	[smem:$0x3FB3] =	sst s0  }
0x18: {  	s0 =	sld [smem:$0x3F96];
	_ =	swait.ge [sflag:s4], $0x0  }
0x19: {  	s7 =	sld [smem:$0x3F97]  }
0x1a: {  	s8 =	sadd.s32 $0xFFFFE003, lr  }
0x1b: {  	s9 =	sadd.s32 $0xFFFFFEF7, lr;
	s5 =	simm.s32 $0xFFFFFFFF;
	p2 =	slt.u32 s8, $0xFFFFF086  }
0x1c: {  	p1 =	slt.u32 s9, $0xF7A;
	s5 =	simm.s32 @!p2 $0x0  }
0x1d: {  	s5 =	simm.s32 @p1 $0x1;
	p0 =	seq.s32 s7, s2  }
0x1e: {  	s7 =	smul.u32 @!p0 $0xF7A, s2;
	p2 =	seq.s32 @!p0 s5, $0x0  }
0x1f: {  	s9 =	smul.u32 $0xF7A, s1;
	s8 =	simm.s32 @!p0 $0x1BF5;
	p2 =	por !p2, p0  }
0x20: {  	[sflag:s8] =	ssyncset.s32 @!p0 $0xFFFFF086;
	s6 =	sadd.s32 @!p0 s3, s7;
	s7 =	simm.s32 @!p0 $0x108  }
0x21: {  	s3 =	sadd.s32 s3, s9;
	s6 =	sadd.s32 @!p0 $0x88, s6;
	s7 =	simm.s32 @p2 $0x1082  }
0x22: {  	[simem:s7], [sflag:s8] =	dma.local @!p0 [hbm:s6], $0xF7A  }
0x23: {  	s9 =	sor.u32 $0xD0000000, s2;
	s6 =	simm.s32 $0x108;
	_ =	swait.ge @!p0 [sflag:s8], $0x0  }
0x24: {  	s3 =	sadd.s32 $0x88, s3;
	s6 =	simm.s32 @!p1 $0x1082;
	[sflag:s4] =	ssyncset.s32 $0xFFFFF086  }
0x25: {  	[simem:s6], [sflag:s4] =	dma.local [hbm:s3], $0xF7A  }
0x26: {  	[smem:$0x3F97] =	sst s1;
	(tag) =	ssettag s2;
	_ =	strace s9  }
0x27: {  	s1 =	sld [smem:$0x3FA7]  }
0x28: {  	s2 =	sld [smem:$0x3FA8]  }
0x29: {  	s4 =	sld [smem:$0x3FAA]  }
0x2a: {  	p0 =	seq.s32 s5, $0x0;
	s5 =	sld [smem:$0x3FAB]  }
0x2b: {  	s6 =	sld [smem:$0x3FAC]  }
0x2c: {  	s7 =	sld [smem:$0x3FAD]  }
0x2d: {  	s3 =	simm.s32 $0x108;
	s8 =	sld [smem:$0x3FAE]  }
0x2e: {  	s3 =	simm.s32 @!p0 $0x1082;
	s9 =	sld [smem:$0x3FAF]  }
0x2f: {  	lr =	sadd.s32 s0, s3;
	s0 =	sld [smem:$0x3FA6]  }
0x30: {  	s3 =	sld [smem:$0x3FA9]  }
0x31: {  	[smem:$0x3FB2] =	sst s10  }
0x32: {  	s10 =	sld [smem:$0x3FB0];
	_ =	sdelay $0x3  }
0x33: {  	p0 =	seq.s32 s10, $0x1;
	s10 =	sld [smem:$0x3FB2];
	_ =	sdelay $0x3  }
0x34: {  	[smem:$0x3FB2] =	sst s10  }
0x35: {  	s10 =	sld [smem:$0x3FB1];
	_ =	sdelay $0x3  }
0x36: {  	p1 =	seq.s32 s10, $0x1;
	s10 =	sld [smem:$0x3FB2];
	_ =	sdelay $0x3  }
0x37: {  	[smem:$0x3FB2] =	sst s10  }
0x38: {  	s10 =	sld [smem:$0x3FB3]  }
0x39: {  	_ = 	snop;
	(pc) =	sbr.ind lr, $3  }
0x3a: {  	_ = 	snop  }
0x3b: {  	_ = 	snop  }
0x3c: {  	p2 =	seq.s32 s10, $0x1;
	s10 =	sld [smem:$0x3FB2]  }
0x3d: {  	_ =	shalt  }
0x3e: {  	_ =	shalt  }
0x3f: {  	_ =	shalt  }
0x40: {  	_ =	shalt  }
0x41: {  	_ =	shalt  }
0x42: {  	_ =	shalt  }
0x43: {  	_ =	shalt  }
0x44: {  	_ =	shalt  }
0x45: {  	_ =	shalt  }
0x46: {  	_ =	shalt  }
0x47: {  	_ =	shalt  }
0x48: {  	_ =	shalt  }
0x49: {  	_ =	shalt  }
0x4a: {  	_ =	shalt  }
0x4b: {  	_ =	shalt  }
0x4c: {  	_ =	shalt  }
0x4d: {  	_ =	shalt  }
0x4e: {  	_ =	shalt  }
0x4f: {  	_ =	shalt  }
0x50: {  	_ =	shalt  }
0x51: {  	_ =	shalt  }
0x52: {  	_ =	shalt  }
0x53: {  	_ =	shalt  }
0x54: {  	_ =	shalt  }
0x55: {  	_ =	shalt  }
0x56: {  	_ =	shalt  }
0x57: {  	_ =	shalt  }
0x58: {  	_ =	shalt  }
0x59: {  	_ =	shalt  }
0x5a: {  	_ =	shalt  }
0x5b: {  	_ =	shalt  }
0x5c: {  	_ =	shalt  }
0x5d: {  	_ =	shalt  }
0x5e: {  	_ =	shalt  }
0x5f: {  	_ =	shalt  }
0x60: {  	_ =	shalt  }
0x61: {  	_ =	shalt  }
0x62: {  	_ =	shalt  }
0x63: {  	_ =	shalt  }
0x64: {  	_ =	shalt  }
0x65: {  	_ =	shalt  }
0x66: {  	_ =	shalt  }
0x67: {  	_ =	shalt  }
0x68: {  	_ =	shalt  }
0x69: {  	_ =	shalt  }
0x6a: {  	_ =	shalt  }
0x6b: {  	_ =	shalt  }
0x6c: {  	_ =	shalt  }
0x6d: {  	_ =	shalt  }
0x6e: {  	_ =	shalt  }
0x6f: {  	_ =	shalt  }
0x70: {  	_ =	shalt  }
0x71: {  	_ =	shalt  }
0x72: {  	_ =	shalt  }
0x73: {  	_ =	shalt  }
0x74: {  	_ =	shalt  }
0x75: {  	_ =	shalt  }
0x76: {  	_ =	shalt  }
0x77: {  	_ =	shalt  }
0x78: {  	_ =	shalt  }
0x79: {  	_ =	shalt  }
0x7a: {  	_ =	shalt  }
0x7b: {  	_ =	shalt  }
0x7c: {  	_ =	shalt  }
0x7d: {  	_ =	shalt  }
0x7e: {  	_ =	shalt  }
0x7f: {  	_ =	shalt  }
0x80: {  	_ =	shalt  }
0x81: {  	_ =	shalt  }
0x82: {  	_ =	shalt  }
0x83: {  	_ =	shalt  }
0x84: {  	_ =	shalt  }
0x85: {  	_ =	shalt  }
0x86: {  	_ =	shalt  }
0x87: {  	_ =	shalt  }
.Lfunc_end0:
.L_simem_size_0:
called_computation.2_lowered:
.L_overlay_start_0:
0x88: {  	s2 =	sld [smem:$0x3FD9]  }
0x89: {  	s3 =	sld [smem:$0x3FFE];
	_ =	sdelay $0x1  }
0x8a: {  	s1 =	srdreg.scid  }
0x8b: {  	s0 =	sand.u32 $0x1, s1  }
0x8c: {  	s16 =	sshll.u32 s0, $0xA;
	s2 =	sadd.s32 s3, s2  }
0x8d: {  	s2 =	sadd.s32 s2, s16  }
0x8e: {  	[smem:$0x3FBE] =	sst s2  }
0x8f: {  	_ = 	snop  }
0x90: {  	(tm) =	ssettm $0x1  }
0x91: {  	s17 =	sld [smem:$0x3FFB];
	_ =	sdelay $0x3  }
0x92: {  	_ =	strace s17  }
0x93: {  	s2 =	sld [smem:$0x3FFC];
	_ =	sdelay $0x3  }
0x94: {  	_ =	strace s2  }
0x95: {  	s2 =	sld [smem:$0x3FFD];
	_ =	sdelay $0x3  }
0x96: {  	_ =	strace s2  }
0x97: {  	_ =	strace $0x8FFFFFFF  }
0x98: {  	s18 =	sld [smem:$0x3FDB];
	_ =	sdelay $0x1  }
0x99: {  	s19 =	simm.s32 $_scs_section_size  }
0x9a: {  	s4 =	simm.s32 $_size__tile_overlayer_lowered;
	s5 =	simm.s32 $_tile_overlayer_lowered  }
0x9b: {  	s22 =	simm.s32 $0x1BFF;
	s21 =	sshll.u32 s5, $0x1;
	s2 =	sadd.s32 s19, s18  }
0x9c: {  	s6 =	simm.s32 $0x0;
	s20 =	sshll.u32 s4, $0x1;
	s4 =	sadd.s32 s21, s2  }
0x9d: {  	[timem:s6], [sflag:s22] =	dma.local [hbm:s4], s20  }
0x9e: {  	_ =	swait.ge [sflag:s22], s20  }
0x9f: {  	s3 =	ssub.s32 $0x0, s20;
	[sflag:s22] =	ssyncset.done $0x0  }
0xa0: {  	[sflag:s22] =	ssyncadd.s32 s3;
	_ =	sdelay $0x1  }
0xa1: {  	s23 =	simm.s32 $0x1B8B  }
0xa2: {  	_ =	swait.ge [sflag:s23], $0x1  }
0xa3: {  	[sflag:s23] =	ssyncset.done $0x0  }
0xa4: {  	s25 =	simm.s32 $0x1B8E;
	s24 =	sld [smem:$0x3FFE];
	[sflag:s23] =	ssyncadd.s32 $0xFFFFFFFF  }
0xa5: {  	s26 =	simm.s32 $execute0_lowered;
	[smem:$0x3FD2] =	sst s25  }
0xa6: {  	s4 =	sshll.u32 s26, $0x1;
	_ =	strace $0x8000004C;
	[dreg:$0x1] =	wrdreg $0xFFFFFFFF  }
0xa7: {  	s28 =	simm.s32 $_size_execute0_lowered;
	s2 =	sadd.s32 s2, s4;
	[dreg:$0x0] =	wrdreg $0x0  }
0xa8: {  	s4 =	sshll.u32 s28, $0x1;
	[dreg:$0x2] =	wrdreg s2  }
0xa9: {  	[dreg:$0x3] =	wrdreg s4  }
0xaa: {  	[dreg:$0x4] =	wrdreg $0xC0  }
0xab: {  	_ =	task [dreg:s6], $0x5FFFF  }
0xac: {  	[dreg:$0x1] =	wrdreg $0xFFFFFFFF  }
0xad: {  	[dreg:$0x0] =	wrdreg $0x60  }
0xae: {  	[dreg:$0x2] =	wrdreg s24  }
0xaf: {  	[dreg:$0x3] =	wrdreg $0x158000  }
0xb0: {  	[dreg:$0x4] =	wrdreg $0x9  }
0xb1: {  	_ =	task.clear_ibuf [dreg:s6], $0x5FFFF;
	_ =	strace $0x9000004C  }
0xb2: {  	s29 =	simm.s32 $0x9;
	_ =	strace $0x8000004E  }
0xb3: {  	_ =	swait.ge [sflag:s29], $0x1  }
0xb4: {  	[sflag:s29] =	ssyncadd.s32 $0xFFFFFFFF  }
0xb5: {  	_ =	strace $0x9000004E  }
0xb6: {  	_ =	sfence  }
0xb7: {  	s30 =	sld [smem:$0x0];
	_ =	sdelay $0x2  }
0xb8: {  	s31 =	sshll.u32 s1, $0xD;
	s1 =	sshrl.u32 s1, $0x2  }
0xb9: {  	s3 =	sand.u32 $0x4000, s31;
	s1 =	sadd.s32 s1, s30  }
0xba: {  	s0 =	sor.u32 s3, s0;
	s1 =	sshll.u32 s1, $0x11  }
0xbb: {  	s0 =	sor.u32 s1, s0  }
0xbc: {  	s0 =	sadd.s32 $0x8F2B, s0  }
0xbd: {  	[sflag:s0] =	ssyncadd.remote.s32 $0x1  }
0xbe: {  	_ =	sfence.sel $0xFFFF  }
0xbf: {  	[dreg:$0x0] =	wrdreg $0xFFFFFFFF;
	(pc) =	sbr.abs _section_cstart, $3  }
0xc0: {  	[dreg:$0x1] =	wrdreg $0xFFFFFFFF  }
0xc1: {  	_ =	task.clear_ibuf [dreg:s6], $0x2FFFF;
	_ =	strace $0x9FFFFFFF  }
0xc2: {  	(tm) =	ssettm $0x7FFFFFFF  }
0xc3: {  	_ =	shalt  }
tec
execute0_lowered:
.L_overlay_start_1:
0x0: {  	(tag) =	ssettag $0x1  }
0x1: {  	s0 =	rddreg [dreg:$0x0]  }
0x2: {  	s1 =	rddreg [dreg:$0x1];
	s3 =	simm.s32 $0x0;
	s2 =	stileid.u32  }
0x3: {  	s7 =	srdreg.scid;
	s16 =	simm.s32 $0x60;
	s17 =	simm.s32 $0xA800  }
0x4: {  	s18 =	simm.s32 $0xC000;
	s19 =	simm.s32 $0xD800;
	s20 =	simm.s32 $0xF000  }
0x5: {  	s21 =	simm.s32 $0x1;
	s22 =	simm.s32 $0x2;
	s23 =	simm.s32 $0xA680  }
0x6: {  	s24 =	simm.s32 $0xA6E0;
	s28 =	simm.s32 $0xA740;
	s29 =	simm.s32 $0xA7A0  }
0x7: {  	s30 =	simm.s32 $0x0;
	[smem:$0x7FF] =	sst s3;
	s4 =	sadd.s32 $0x35400, s0  }
0x8: {  	s6 =	smul.u32 $0xA80, s2;
	s5 =	sadd.s32 $0x21400, s0;
	s10 =	sand.u32 $0x1, s7  }
0x9: {  	s9 =	smul.u32 $0xA000, s2;
	_ =	strace $0x8000004D;
	s25 =	ssub.s32 $0x2, s10  }
0xa: {  	s13 =	smul.u32 $0xA0000, s10;
	p0 =	seq.s32 s10, $0x1;
	s11 =	sadd.s32 s6, s0  }
0xb: {  	s0 =	sadd.s32 $0x49400, s0;
	s26 =	sshrl.u32 s25, $0x1;
	s12 =	sadd.s32 $0x5000, s9  }
0xc: {  	s6 =	sadd.s32 s9, s1;
	s14 =	ssub.s32 s25, s26;
	s7 =	sadd.s32 s12, s1  }
.Ltmp0:
0xd: {  	s8 =	sadd.s32 $0x16C00, s11;
	s15 =	sadd.s32 s9, s13;
	(pc) =	sbr.rel .LBB2_1-.Ltmp0, $4  }
0xe: {  	s12 =	sadd.s32 s13, s12;
	s9 =	sadd.s32 $0x2400, s11;
	s13 =	simm.s32 $0x10800  }
0xf: {  	s25 =	simm.s32 $0x5340;
	s26 =	simm.s32 $0x53A0;
	s31 =	sshrl.u32 s15, $0x3  }
0x10: {  	s12 =	sshrl.u32 s12, $0x3;
	s15 =	simm.s32 $0x5400;
	s10 =	sadd.s32 s0, s31  }
0x11: {  	v0 =	vimm.f32 $0.0e+00;
	s11 =	sadd.s32 s0, s12;
	s12 =	smax.u32 s14, $0x1;
	s14 =	simm.s32 $0x3  }
.LBB2_9:
0x12: {  	[tilespmem:s18], [sflag:$0x1] =	stream.indirect.gather [hbm4b:s4+s16], $0x40, s0, s16, $0xb8;
	[tilespmem:$0x1F800] =	vst v63  }
0x13: {  	_ =	swait.ge [sflag:s21], $0x1800  }
0x14: {  	[sflag:s21] =	ssyncset.done $0x0  }
0x15: {  	[sflag:s21] =	ssyncadd.s32 $0xFFFFE800  }
0x16: {  	[spmem:s1] =	stream.indirect.scatter.add.f32 [tilespmem:s17], [sflag:$0x2], $0x40, s23, s16, $0xb8;
	[tilespmem:$0x1F800] =	vst v63  }
0x17: {  	_ =	swait.ge [sflag:s21], $0x1800  }
0x18: {  	[sflag:s21] =	ssyncset.done $0x0  }
0x19: {  	[sflag:s21] =	ssyncadd.s32 $0xFFFFE800  }
0x1a: {  	[spmem:s1] =	stream.indirect.scatter.add.f32 [tilespmem:s18], [sflag:$0x2], $0x40, s24, s16, $0xb8;
	[tilespmem:$0x1F800] =	vst v63  }
0x1b: {  	_ =	swait.ge [sflag:s22], $0x1800  }
0x1c: {  	[sflag:s22] =	ssyncset.done $0x0  }
0x1d: {  	[sflag:s22] =	ssyncadd.s32 $0xFFFFE800  }
0x1e: {  	_ =	swait.ge [sflag:s22], $0x1800  }
0x1f: {  	[sflag:s22] =	ssyncset.done $0x0  }
0x20: {  	[sflag:s22] =	ssyncadd.s32 $0xFFFFE800  }
0x21: {  	[tilespmem:s19], [sflag:$0x1] =	stream.indirect.gather [hbm4b:s4+s16], $0x40, s25, s16, $0xb8;
	[tilespmem:$0x1F800] =	vst v63  }
0x22: {  	_ = 	snop  }
0x23: {  	[tilespmem:s20], [sflag:$0x1] =	stream.indirect.gather [hbm4b:s4+s16], $0x40, s26, s16, $0xb8;
	[tilespmem:$0x1F800] =	vst v63  }
0x24: {  	_ =	swait.ge [sflag:s21], $0x1800  }
0x25: {  	[sflag:s21] =	ssyncset.done $0x0  }
0x26: {  	[sflag:s21] =	ssyncadd.s32 $0xFFFFE800  }
0x27: {  	[spmem:s1] =	stream.indirect.scatter.add.f32 [tilespmem:s19], [sflag:$0x2], $0x40, s28, s16, $0xb8;
	[tilespmem:$0x1F800] =	vst v63  }
0x28: {  	_ =	swait.ge [sflag:s21], $0x1800  }
0x29: {  	[sflag:s21] =	ssyncset.done $0x0  }
0x2a: {  	[sflag:s21] =	ssyncadd.s32 $0xFFFFE800  }
0x2b: {  	[spmem:s1] =	stream.indirect.scatter.add.f32 [tilespmem:s20], [sflag:$0x2], $0x40, s29, s16, $0xb8;
	[tilespmem:$0x1F800] =	vst v63  }
0x2c: {  	_ =	swait.ge [sflag:s22], $0x1800  }
0x2d: {  	[sflag:s22] =	ssyncset.done $0x0  }
0x2e: {  	[sflag:s22] =	ssyncadd.s32 $0xFFFFE800  }
0x2f: {  	_ =	swait.ge [sflag:s22], $0x1800  }
0x30: {  	[sflag:s22] =	ssyncset.done $0x0  }
0x31: {  	[sflag:s22] =	ssyncadd.s32 $0xFFFFE800  }
0x32: {  	[tilespmem:s17], [sflag:$0x1] =	stream.indirect.gather [hbm4b:s4+s16], $0x40, s26, s16, $0xb8;
	[tilespmem:$0x1F800] =	vst v63  }
0x33: {  	_ = 	snop  }
0x34: {  	[tilespmem:s18], [sflag:$0x1] =	stream.indirect.gather [hbm4b:s4+s16], $0x40, s26, s16, $0xb8;
	[tilespmem:$0x1F800] =	vst v63  }
.LBB2_16:
0x35: {  	_ =	swait.ge [sflag:s21], $0x1800  }
0x36: {  	[sflag:s21] =	ssyncset.done $0x0  }
0x37: {  	[sflag:s21] =	ssyncadd.s32 $0xFFFFE800  }
0x38: {  	_ =	swait.ge [sflag:s22], $0x1800  }
0x39: {  	[sflag:s22] =	ssyncset.done $0x0  }
0x3a: {  	[sflag:s22] =	ssyncadd.s32 $0xFFFFE800  }
0x3b: {  	_ =	swait.ge [sflag:s21], $0x1800  }
0x3c: {  	[sflag:s21] =	ssyncset.done $0x0  }
0x3d: {  	[sflag:s21] =	ssyncadd.s32 $0xFFFFE800  }
0x3e: {  	_ =	swait.ge [sflag:s22], $0x1800  }
0x3f: {  	[sflag:s22] =	ssyncset.done $0x0  }
0x40: {  	[sflag:s22] =	ssyncadd.s32 $0xFFFFE800  }
0x41: {  	[bflag:$0x0] =	sbarrier.arrive $0xFFFF  }
0x42: {  	[tilespmem:s13], [sflag:$0x3] =	stream.linear.gather [spmem:s6], $0x5000, $0x38;
	[tilespmem:$0x1F800] =	vst v63  }
0x43: {  	_ =	swait.ge [sflag:s14], $0x5000  }
0x44: {  	[sflag:s14] =	ssyncset.done $0x0  }
0x45: {  	[sflag:s14] =	ssyncadd.s32 $0xFFFFB000  }
0x46: {  	[hbm4b:s10+s3] =	stream.linear.scatter [tilespmem:s13], [sflag:$0x3], $0x5000, $0x38;
	[tilespmem:$0x1F800] =	vst v63  }
0x47: {  	_ =	swait.ge [sflag:s14], $0x5000  }
0x48: {  	[sflag:s14] =	ssyncset.done $0x0  }
0x49: {  	[sflag:s14] =	ssyncadd.s32 $0xFFFFB000  }
0x4a: {  	[tilespmem:s13], [sflag:$0x3] =	stream.linear.gather [spmem:s7], $0x5000, $0x38;
	[tilespmem:$0x1F800] =	vst v63  }
0x4b: {  	s30 =	sadd.s32 $0x1, s30;
	_ =	swait.ge [sflag:s14], $0x5000  }
0x4c: {  	p1 =	sne.s32 s30, s12;
	[sflag:s14] =	ssyncset.done $0x0  }
.Ltmp1:
0x4d: {  	[sflag:s14] =	ssyncadd.s32 $0xFFFFB000;
	(pc) =	sbr.rel @!p1 .LBB2_17-.Ltmp1, $4  }
0x4e: {  	[hbm4b:s11+s3] =	stream.linear.scatter [tilespmem:s13], [sflag:$0x3], $0x5000, $0x38;
	[tilespmem:$0x1F800] =	vst v63  }
0x4f: {  	_ =	swait.ge [sflag:s14], $0x5000  }
0x50: {  	[sflag:s14] =	ssyncset.done $0x0  }
0x51: {  	[sflag:s14] =	ssyncadd.s32 $0xFFFFB000  }
.LBB2_1:
0x52: {  	s31 =	simm.s32 $0x100;
	s0 =	simm.s32 $0x0  }
.LBB2_2:
0x53: {  	p1 =	sne.s32 s31, $0x13F00;
	[tilespmem:s0+$0x10830] =	vst v0;
	s2 =	smov.u32 s31;
	s31 =	sadd.s32 $0x100, s31  }
.Ltmp2:
0x54: {  	[tilespmem:s0+$0x10820] =	vst v0;
	(pc) =	sbr.rel @p1 .LBB2_2-.Ltmp2, $3  }
0x55: {  	[tilespmem:s0+$0x10800] =	vst v0  }
0x56: {  	[tilespmem:s0+$0x10810] =	vst v0;
	_ =	sdelay $0x1  }
0x57: {  	s0 =	sshra.s32 s2, $0x2  }
0x58: {  	[tilespmem:s0+$0x10830] =	vst v0  }
0x59: {  	[tilespmem:s0+$0x10820] =	vst v0  }
0x5a: {  	[tilespmem:s0+$0x10800] =	vst v0  }
0x5b: {  	[tilespmem:s0+$0x10810] =	vst v0  }
0x5c: {  	[spmem:s6] =	stream.linear.scatter [tilespmem:s13], [sflag:$0x3], $0x5000, $0x38;
	[tilespmem:$0x1F800] =	vst v63  }
0x5d: {  	_ =	swait.ge [sflag:s14], $0x5000  }
0x5e: {  	[sflag:s14] =	ssyncset.done $0x0  }
0x5f: {  	[sflag:s14] =	ssyncadd.s32 $0xFFFFB000  }
0x60: {  	[spmem:s7] =	stream.linear.scatter [tilespmem:s13], [sflag:$0x3], $0x5000, $0x38;
	[tilespmem:$0x1F800] =	vst v63  }
0x61: {  	_ =	swait.ge [sflag:s14], $0x5000  }
0x62: {  	[sflag:s14] =	ssyncset.done $0x0  }
0x63: {  	s2 =	simm.s32 $0x0;
	[sflag:s14] =	ssyncadd.s32 $0xFFFFB000  }
0x64: {  	[tilespmem:s2], [sflag:$0x3] =	stream.linear.gather [hbm4b:s8+s2], $0x5400, $0x38;
	[tilespmem:$0x1F800] =	vst v63  }
0x65: {  	_ =	swait.ge [sflag:s14], $0x5400  }
0x66: {  	[sflag:s14] =	ssyncset.done $0x0  }
0x67: {  	[sflag:s14] =	ssyncadd.s32 $0xFFFFAC00  }
0x68: {  	[tilespmem:s15], [sflag:$0x3] =	stream.linear.gather [hbm4b:s9+s2], $0x5400, $0x38;
	[tilespmem:$0x1F800] =	vst v63  }
.Ltmp3:
0x69: {  	_ =	swait.ge [sflag:s14], $0x5400;
	(pc) =	sbr.rel @!p0 .LBB2_4-.Ltmp3, $4  }
0x6a: {  	[sflag:s14] =	ssyncset.done $0x0  }
0x6b: {  	[sflag:s14] =	ssyncadd.s32 $0xFFFFAC00  }
0x6c: {  	[bflag:$0x0] =	sbarrier.arrive $0xFFFF  }
0x6d: {  	s31 =	simm.s32 $0x100;
	s0 =	simm.s32 $0x0  }
.LBB2_10:
0x6e: {  	p1 =	sne.s32 s31, $0x5F00;
	[tilespmem:s0+$0xD830] =	vst v0;
	s2 =	smov.u32 s31;
	s31 =	sadd.s32 $0x100, s31  }
.Ltmp4:
0x6f: {  	[tilespmem:s0+$0xD820] =	vst v0;
	(pc) =	sbr.rel @p1 .LBB2_10-.Ltmp4, $3  }
0x70: {  	[tilespmem:s0+$0xD800] =	vst v0  }
0x71: {  	[tilespmem:s0+$0xD810] =	vst v0;
	_ =	sdelay $0x1  }
0x72: {  	s0 =	sshra.s32 s2, $0x2  }
0x73: {  	[tilespmem:s0+$0xD830] =	vst v0  }
0x74: {  	[tilespmem:s0+$0xD820] =	vst v0  }
0x75: {  	[tilespmem:s0+$0xD800] =	vst v0  }
0x76: {  	[tilespmem:s0+$0xD810] =	vst v0;
	s31 =	simm.s32 $0x100;
	s0 =	simm.s32 $0x0  }
.LBB2_12:
0x77: {  	p1 =	sne.s32 s31, $0x5F00;
	[tilespmem:s0+$0xF030] =	vst v0;
	s2 =	smov.u32 s31;
	s31 =	sadd.s32 $0x100, s31  }
.Ltmp5:
0x78: {  	[tilespmem:s0+$0xF020] =	vst v0;
	(pc) =	sbr.rel @p1 .LBB2_12-.Ltmp5, $3  }
0x79: {  	[tilespmem:s0+$0xF000] =	vst v0  }
0x7a: {  	[tilespmem:s0+$0xF010] =	vst v0;
	_ =	sdelay $0x1  }
0x7b: {  	s0 =	sshra.s32 s2, $0x2  }
0x7c: {  	[tilespmem:s0+$0xF030] =	vst v0  }
0x7d: {  	[tilespmem:s0+$0xF020] =	vst v0  }
0x7e: {  	[tilespmem:s0+$0xF000] =	vst v0  }
0x7f: {  	[tilespmem:s0+$0xF010] =	vst v0;
	s2 =	simm.s32 $0x0  }
0x80: {  	[tilespmem:s17], [sflag:$0x1] =	stream.indirect.gather [hbm4b:s5+s16], $0x40, s2, s16, $0xb8;
	[tilespmem:$0x1F800] =	vst v63  }
0x81: {  	_ = 	snop  }
0x82: {  	[tilespmem:s18], [sflag:$0x1] =	stream.indirect.gather [hbm4b:s5+s16], $0x40, s16, s16, $0xb8;
	[tilespmem:$0x1F800] =	vst v63  }
0x83: {  	_ = 	snop  }
0x84: {  	[spmem:s1] =	stream.indirect.scatter.add.f32 [tilespmem:s19], [sflag:$0x2], $0x40, s15, s16, $0xb8;
	[tilespmem:$0x1F800] =	vst v63  }
0x85: {  	_ = 	snop  }
0x86: {  	[spmem:s1] =	stream.indirect.scatter.add.f32 [tilespmem:s20], [sflag:$0x2], $0x40, s15, s16, $0xb8;
	[tilespmem:$0x1F800] =	vst v63  }
0x87: {  	_ =	swait.ge [sflag:s21], $0x1800  }
0x88: {  	[sflag:s21] =	ssyncset.done $0x0  }
0x89: {  	s2 =	simm.s32 $0x5400;
	[sflag:s21] =	ssyncadd.s32 $0xFFFFE800  }
0x8a: {  	[spmem:s1] =	stream.indirect.scatter.add.f32 [tilespmem:s17], [sflag:$0x2], $0x40, s2, s16, $0xb8;
	[tilespmem:$0x1F800] =	vst v63  }
0x8b: {  	_ =	swait.ge [sflag:s21], $0x1800  }
0x8c: {  	[sflag:s21] =	ssyncset.done $0x0  }
0x8d: {  	s2 =	simm.s32 $0x5460;
	[sflag:s21] =	ssyncadd.s32 $0xFFFFE800  }
0x8e: {  	[spmem:s1] =	stream.indirect.scatter.add.f32 [tilespmem:s18], [sflag:$0x2], $0x40, s2, s16, $0xb8;
	[tilespmem:$0x1F800] =	vst v63  }
0x8f: {  	_ =	swait.ge [sflag:s22], $0x1800  }
0x90: {  	[sflag:s22] =	ssyncset.done $0x0  }
0x91: {  	[sflag:s22] =	ssyncadd.s32 $0xFFFFE800  }
0x92: {  	_ =	swait.ge [sflag:s22], $0x1800  }
0x93: {  	[sflag:s22] =	ssyncset.done $0x0  }
0x94: {  	s2 =	simm.s32 $0xC0;
	[sflag:s22] =	ssyncadd.s32 $0xFFFFE800  }
0x95: {  	[tilespmem:s19], [sflag:$0x1] =	stream.indirect.gather [hbm4b:s5+s16], $0x40, s2, s16, $0xb8;
	[tilespmem:$0x1F800] =	vst v63  }
0x96: {  	s2 =	simm.s32 $0x120  }
0x97: {  	[tilespmem:s20], [sflag:$0x1] =	stream.indirect.gather [hbm4b:s5+s16], $0x40, s2, s16, $0xb8;
	[tilespmem:$0x1F800] =	vst v63  }
0x98: {  	_ =	swait.ge [sflag:s21], $0x1800  }
0x99: {  	[sflag:s21] =	ssyncset.done $0x0  }
0x9a: {  	s2 =	simm.s32 $0x54C0;
	[sflag:s21] =	ssyncadd.s32 $0xFFFFE800  }
0x9b: {  	[spmem:s1] =	stream.indirect.scatter.add.f32 [tilespmem:s19], [sflag:$0x2], $0x40, s2, s16, $0xb8;
	[tilespmem:$0x1F800] =	vst v63  }
0x9c: {  	_ =	swait.ge [sflag:s21], $0x1800  }
0x9d: {  	[sflag:s21] =	ssyncset.done $0x0  }
0x9e: {  	s2 =	simm.s32 $0x5520;
	[sflag:s21] =	ssyncadd.s32 $0xFFFFE800  }
0x9f: {  	[spmem:s1] =	stream.indirect.scatter.add.f32 [tilespmem:s20], [sflag:$0x2], $0x40, s2, s16, $0xb8;
	[tilespmem:$0x1F800] =	vst v63  }
0xa0: {  	_ =	swait.ge [sflag:s22], $0x1800  }
0xa1: {  	[sflag:s22] =	ssyncset.done $0x0  }
0xa2: {  	[sflag:s22] =	ssyncadd.s32 $0xFFFFE800  }
0xa3: {  	_ =	swait.ge [sflag:s22], $0x1800  }
0xa4: {  	s31 =	simm.s32 $0x600;
	[sflag:s22] =	ssyncset.done $0x0  }
0xa5: {  	s0 =	simm.s32 $0x1E0;
	s2 =	simm.s32 $0x180;
	[sflag:s22] =	ssyncadd.s32 $0xFFFFE800  }
0xa6: {  	[tilespmem:s17], [sflag:$0x1] =	stream.indirect.gather [hbm4b:s5+s16], $0x40, s2, s16, $0xb8;
	[tilespmem:$0x1F800] =	vst v63  }
.LBB2_14:
0xa7: {  	[tilespmem:s18], [sflag:$0x1] =	stream.indirect.gather [hbm4b:s5+s16], $0x40, s0, s16, $0xb8;
	[tilespmem:$0x1F800] =	vst v63  }
0xa8: {  	s0 =	smov.u32 s31  }
0xa9: {  	p1 =	sne.s32 s31, $0x14400;
	s31 =	sadd.s32 $0x600, s31;
	_ =	swait.ge [sflag:s21], $0x1800  }
0xaa: {  	s0 =	sshra.s32 s0, $0x2;
	[sflag:s21] =	ssyncset.done $0x0  }
0xab: {  	s2 =	sadd.s32 $0x5400, s0;
	[sflag:s21] =	ssyncadd.s32 $0xFFFFE800  }
0xac: {  	[spmem:s1] =	stream.indirect.scatter.add.f32 [tilespmem:s17], [sflag:$0x2], $0x40, s2, s16, $0xb8;
	[tilespmem:$0x1F800] =	vst v63  }
0xad: {  	_ =	swait.ge [sflag:s21], $0x1800  }
0xae: {  	[sflag:s21] =	ssyncset.done $0x0  }
0xaf: {  	s2 =	sadd.s32 $0x5460, s0;
	[sflag:s21] =	ssyncadd.s32 $0xFFFFE800  }
0xb0: {  	[spmem:s1] =	stream.indirect.scatter.add.f32 [tilespmem:s18], [sflag:$0x2], $0x40, s2, s16, $0xb8;
	[tilespmem:$0x1F800] =	vst v63  }
0xb1: {  	_ =	swait.ge [sflag:s22], $0x1800  }
0xb2: {  	[sflag:s22] =	ssyncset.done $0x0  }
0xb3: {  	[sflag:s22] =	ssyncadd.s32 $0xFFFFE800  }
0xb4: {  	_ =	swait.ge [sflag:s22], $0x1800  }
0xb5: {  	[sflag:s22] =	ssyncset.done $0x0  }
0xb6: {  	s2 =	sadd.s32 $0xC0, s0;
	[sflag:s22] =	ssyncadd.s32 $0xFFFFE800  }
0xb7: {  	[tilespmem:s19], [sflag:$0x1] =	stream.indirect.gather [hbm4b:s5+s16], $0x40, s2, s16, $0xb8;
	[tilespmem:$0x1F800] =	vst v63  }
0xb8: {  	s2 =	sadd.s32 $0x120, s0  }
0xb9: {  	[tilespmem:s20], [sflag:$0x1] =	stream.indirect.gather [hbm4b:s5+s16], $0x40, s2, s16, $0xb8;
	[tilespmem:$0x1F800] =	vst v63  }
0xba: {  	_ =	swait.ge [sflag:s21], $0x1800  }
0xbb: {  	[sflag:s21] =	ssyncset.done $0x0  }
0xbc: {  	s2 =	sadd.s32 $0x54C0, s0;
	[sflag:s21] =	ssyncadd.s32 $0xFFFFE800  }
0xbd: {  	[spmem:s1] =	stream.indirect.scatter.add.f32 [tilespmem:s19], [sflag:$0x2], $0x40, s2, s16, $0xb8;
	[tilespmem:$0x1F800] =	vst v63  }
0xbe: {  	_ =	swait.ge [sflag:s21], $0x1800  }
0xbf: {  	[sflag:s21] =	ssyncset.done $0x0  }
0xc0: {  	s2 =	sadd.s32 $0x5520, s0;
	[sflag:s21] =	ssyncadd.s32 $0xFFFFE800  }
0xc1: {  	[spmem:s1] =	stream.indirect.scatter.add.f32 [tilespmem:s20], [sflag:$0x2], $0x40, s2, s16, $0xb8;
	[tilespmem:$0x1F800] =	vst v63  }
0xc2: {  	_ =	swait.ge [sflag:s22], $0x1800  }
0xc3: {  	[sflag:s22] =	ssyncset.done $0x0  }
0xc4: {  	[sflag:s22] =	ssyncadd.s32 $0xFFFFE800  }
.Ltmp6:
0xc5: {  	_ =	swait.ge [sflag:s22], $0x1800;
	(pc) =	sbr.rel @p1 .LBB2_14-.Ltmp6, $4  }
0xc6: {  	[sflag:s22] =	ssyncset.done $0x0  }
0xc7: {  	s2 =	sadd.s32 $0x180, s0;
	[sflag:s22] =	ssyncadd.s32 $0xFFFFE800  }
0xc8: {  	[tilespmem:s17], [sflag:$0x1] =	stream.indirect.gather [hbm4b:s5+s16], $0x40, s2, s16, $0xb8;
	[tilespmem:$0x1F800] =	vst v63  }
0xc9: {  	s0 =	sadd.s32 $0x1E0, s0  }
0xca: {  	[tilespmem:s18], [sflag:$0x1] =	stream.indirect.gather [hbm4b:s5+s16], $0x40, s0, s16, $0xb8;
	[tilespmem:$0x1F800] =	vst v63  }
0xcb: {  	_ =	swait.ge [sflag:s21], $0x1800  }
0xcc: {  	[sflag:s21] =	ssyncset.done $0x0  }
0xcd: {  	[sflag:s21] =	ssyncadd.s32 $0xFFFFE800  }
0xce: {  	[spmem:s1] =	stream.indirect.scatter.add.f32 [tilespmem:s17], [sflag:$0x2], $0x40, s23, s16, $0xb8;
	[tilespmem:$0x1F800] =	vst v63  }
0xcf: {  	_ =	swait.ge [sflag:s21], $0x1800  }
0xd0: {  	[sflag:s21] =	ssyncset.done $0x0  }
0xd1: {  	[sflag:s21] =	ssyncadd.s32 $0xFFFFE800  }
0xd2: {  	[spmem:s1] =	stream.indirect.scatter.add.f32 [tilespmem:s18], [sflag:$0x2], $0x40, s24, s16, $0xb8;
	[tilespmem:$0x1F800] =	vst v63  }
0xd3: {  	_ =	swait.ge [sflag:s22], $0x1800  }
0xd4: {  	[sflag:s22] =	ssyncset.done $0x0  }
0xd5: {  	[sflag:s22] =	ssyncadd.s32 $0xFFFFE800  }
0xd6: {  	_ =	swait.ge [sflag:s22], $0x1800  }
0xd7: {  	[sflag:s22] =	ssyncset.done $0x0  }
0xd8: {  	[sflag:s22] =	ssyncadd.s32 $0xFFFFE800  }
0xd9: {  	[tilespmem:s19], [sflag:$0x1] =	stream.indirect.gather [hbm4b:s5+s16], $0x40, s25, s16, $0xb8;
	[tilespmem:$0x1F800] =	vst v63  }
0xda: {  	_ = 	snop  }
0xdb: {  	[tilespmem:s20], [sflag:$0x1] =	stream.indirect.gather [hbm4b:s5+s16], $0x40, s26, s16, $0xb8;
	[tilespmem:$0x1F800] =	vst v63  }
0xdc: {  	_ =	swait.ge [sflag:s21], $0x1800  }
0xdd: {  	[sflag:s21] =	ssyncset.done $0x0  }
0xde: {  	[sflag:s21] =	ssyncadd.s32 $0xFFFFE800  }
0xdf: {  	[spmem:s1] =	stream.indirect.scatter.add.f32 [tilespmem:s19], [sflag:$0x2], $0x40, s28, s16, $0xb8;
	[tilespmem:$0x1F800] =	vst v63  }
0xe0: {  	_ =	swait.ge [sflag:s21], $0x1800  }
0xe1: {  	[sflag:s21] =	ssyncset.done $0x0  }
0xe2: {  	[sflag:s21] =	ssyncadd.s32 $0xFFFFE800  }
0xe3: {  	[spmem:s1] =	stream.indirect.scatter.add.f32 [tilespmem:s20], [sflag:$0x2], $0x40, s29, s16, $0xb8;
	[tilespmem:$0x1F800] =	vst v63  }
0xe4: {  	_ =	swait.ge [sflag:s22], $0x1800  }
0xe5: {  	[sflag:s22] =	ssyncset.done $0x0  }
0xe6: {  	[sflag:s22] =	ssyncadd.s32 $0xFFFFE800  }
0xe7: {  	_ =	swait.ge [sflag:s22], $0x1800  }
.Ltmp7:
0xe8: {  	[sflag:s22] =	ssyncset.done $0x0;
	(pc) =	sbr.rel .LBB2_16-.Ltmp7, $4  }
0xe9: {  	[sflag:s22] =	ssyncadd.s32 $0xFFFFE800  }
0xea: {  	[tilespmem:s17], [sflag:$0x1] =	stream.indirect.gather [hbm4b:s5+s16], $0x40, s26, s16, $0xb8;
	[tilespmem:$0x1F800] =	vst v63  }
0xeb: {  	_ = 	snop  }
0xec: {  	[tilespmem:s18], [sflag:$0x1] =	stream.indirect.gather [hbm4b:s5+s16], $0x40, s26, s16, $0xb8;
	[tilespmem:$0x1F800] =	vst v63  }
.LBB2_4:
0xed: {  	p1 =	sne.s32 s31, $0x5F00;
	[tilespmem:s0+$0xD830] =	vst v0;
	s2 =	smov.u32 s31;
	s31 =	sadd.s32 $0x100, s31  }
.Ltmp8:
0xee: {  	[tilespmem:s0+$0xD820] =	vst v0;
	(pc) =	sbr.rel @p1 .LBB2_4-.Ltmp8, $3  }
0xef: {  	[tilespmem:s0+$0xD800] =	vst v0  }
0xf0: {  	[tilespmem:s0+$0xD810] =	vst v0;
	_ =	sdelay $0x1  }
0xf1: {  	s0 =	sshra.s32 s2, $0x2  }
0xf2: {  	[tilespmem:s0+$0xD830] =	vst v0  }
0xf3: {  	[tilespmem:s0+$0xD820] =	vst v0  }
0xf4: {  	[tilespmem:s0+$0xD800] =	vst v0  }
0xf5: {  	[tilespmem:s0+$0xD810] =	vst v0;
	s31 =	simm.s32 $0x100;
	s0 =	simm.s32 $0x0  }
.LBB2_6:
0xf6: {  	p1 =	sne.s32 s31, $0x5F00;
	[tilespmem:s0+$0xF030] =	vst v0;
	s2 =	smov.u32 s31;
	s31 =	sadd.s32 $0x100, s31  }
.Ltmp9:
0xf7: {  	[tilespmem:s0+$0xF020] =	vst v0;
	(pc) =	sbr.rel @p1 .LBB2_6-.Ltmp9, $3  }
0xf8: {  	[tilespmem:s0+$0xF000] =	vst v0  }
0xf9: {  	[tilespmem:s0+$0xF010] =	vst v0;
	_ =	sdelay $0x1  }
0xfa: {  	s0 =	sshra.s32 s2, $0x2  }
0xfb: {  	[tilespmem:s0+$0xF030] =	vst v0  }
0xfc: {  	[tilespmem:s0+$0xF020] =	vst v0  }
0xfd: {  	[tilespmem:s0+$0xF000] =	vst v0  }
0xfe: {  	[tilespmem:s0+$0xF010] =	vst v0;
	s2 =	simm.s32 $0x0  }
0xff: {  	[tilespmem:s17], [sflag:$0x1] =	stream.indirect.gather [hbm4b:s4+s16], $0x40, s2, s16, $0xb8;
	[tilespmem:$0x1F800] =	vst v63  }
0x100: {  	_ = 	snop  }
0x101: {  	[tilespmem:s18], [sflag:$0x1] =	stream.indirect.gather [hbm4b:s4+s16], $0x40, s16, s16, $0xb8;
	[tilespmem:$0x1F800] =	vst v63  }
0x102: {  	_ = 	snop  }
0x103: {  	[spmem:s1] =	stream.indirect.scatter.add.f32 [tilespmem:s19], [sflag:$0x2], $0x40, s15, s16, $0xb8;
	[tilespmem:$0x1F800] =	vst v63  }
0x104: {  	_ = 	snop  }
0x105: {  	[spmem:s1] =	stream.indirect.scatter.add.f32 [tilespmem:s20], [sflag:$0x2], $0x40, s15, s16, $0xb8;
	[tilespmem:$0x1F800] =	vst v63  }
0x106: {  	_ =	swait.ge [sflag:s21], $0x1800  }
0x107: {  	[sflag:s21] =	ssyncset.done $0x0  }
0x108: {  	s2 =	simm.s32 $0x5400;
	[sflag:s21] =	ssyncadd.s32 $0xFFFFE800  }
0x109: {  	[spmem:s1] =	stream.indirect.scatter.add.f32 [tilespmem:s17], [sflag:$0x2], $0x40, s2, s16, $0xb8;
	[tilespmem:$0x1F800] =	vst v63  }
0x10a: {  	_ =	swait.ge [sflag:s21], $0x1800  }
0x10b: {  	[sflag:s21] =	ssyncset.done $0x0  }
0x10c: {  	s2 =	simm.s32 $0x5460;
	[sflag:s21] =	ssyncadd.s32 $0xFFFFE800  }
0x10d: {  	[spmem:s1] =	stream.indirect.scatter.add.f32 [tilespmem:s18], [sflag:$0x2], $0x40, s2, s16, $0xb8;
	[tilespmem:$0x1F800] =	vst v63  }
0x10e: {  	_ =	swait.ge [sflag:s22], $0x1800  }
0x10f: {  	[sflag:s22] =	ssyncset.done $0x0  }
0x110: {  	[sflag:s22] =	ssyncadd.s32 $0xFFFFE800  }
0x111: {  	_ =	swait.ge [sflag:s22], $0x1800  }
0x112: {  	[sflag:s22] =	ssyncset.done $0x0  }
0x113: {  	s2 =	simm.s32 $0xC0;
	[sflag:s22] =	ssyncadd.s32 $0xFFFFE800  }
0x114: {  	[tilespmem:s19], [sflag:$0x1] =	stream.indirect.gather [hbm4b:s4+s16], $0x40, s2, s16, $0xb8;
	[tilespmem:$0x1F800] =	vst v63  }
0x115: {  	s2 =	simm.s32 $0x120  }
0x116: {  	[tilespmem:s20], [sflag:$0x1] =	stream.indirect.gather [hbm4b:s4+s16], $0x40, s2, s16, $0xb8;
	[tilespmem:$0x1F800] =	vst v63  }
0x117: {  	_ =	swait.ge [sflag:s21], $0x1800  }
0x118: {  	[sflag:s21] =	ssyncset.done $0x0  }
0x119: {  	s2 =	simm.s32 $0x54C0;
	[sflag:s21] =	ssyncadd.s32 $0xFFFFE800  }
0x11a: {  	[spmem:s1] =	stream.indirect.scatter.add.f32 [tilespmem:s19], [sflag:$0x2], $0x40, s2, s16, $0xb8;
	[tilespmem:$0x1F800] =	vst v63  }
0x11b: {  	_ =	swait.ge [sflag:s21], $0x1800  }
0x11c: {  	[sflag:s21] =	ssyncset.done $0x0  }
0x11d: {  	s2 =	simm.s32 $0x5520;
	[sflag:s21] =	ssyncadd.s32 $0xFFFFE800  }
0x11e: {  	[spmem:s1] =	stream.indirect.scatter.add.f32 [tilespmem:s20], [sflag:$0x2], $0x40, s2, s16, $0xb8;
	[tilespmem:$0x1F800] =	vst v63  }
0x11f: {  	_ =	swait.ge [sflag:s22], $0x1800  }
0x120: {  	[sflag:s22] =	ssyncset.done $0x0  }
0x121: {  	[sflag:s22] =	ssyncadd.s32 $0xFFFFE800  }
0x122: {  	_ =	swait.ge [sflag:s22], $0x1800  }
0x123: {  	s31 =	simm.s32 $0x600;
	[sflag:s22] =	ssyncset.done $0x0  }
0x124: {  	s0 =	simm.s32 $0x1E0;
	s2 =	simm.s32 $0x180;
	[sflag:s22] =	ssyncadd.s32 $0xFFFFE800  }
0x125: {  	[tilespmem:s17], [sflag:$0x1] =	stream.indirect.gather [hbm4b:s4+s16], $0x40, s2, s16, $0xb8;
	[tilespmem:$0x1F800] =	vst v63  }
.LBB2_8:
0x126: {  	[tilespmem:s18], [sflag:$0x1] =	stream.indirect.gather [hbm4b:s4+s16], $0x40, s0, s16, $0xb8;
	[tilespmem:$0x1F800] =	vst v63  }
0x127: {  	s0 =	smov.u32 s31  }
0x128: {  	p1 =	sne.s32 s31, $0x14400;
	s31 =	sadd.s32 $0x600, s31;
	_ =	swait.ge [sflag:s21], $0x1800  }
0x129: {  	s0 =	sshra.s32 s0, $0x2;
	[sflag:s21] =	ssyncset.done $0x0  }
0x12a: {  	s2 =	sadd.s32 $0x5400, s0;
	[sflag:s21] =	ssyncadd.s32 $0xFFFFE800  }
0x12b: {  	[spmem:s1] =	stream.indirect.scatter.add.f32 [tilespmem:s17], [sflag:$0x2], $0x40, s2, s16, $0xb8;
	[tilespmem:$0x1F800] =	vst v63  }
0x12c: {  	_ =	swait.ge [sflag:s21], $0x1800  }
0x12d: {  	[sflag:s21] =	ssyncset.done $0x0  }
0x12e: {  	s2 =	sadd.s32 $0x5460, s0;
	[sflag:s21] =	ssyncadd.s32 $0xFFFFE800  }
0x12f: {  	[spmem:s1] =	stream.indirect.scatter.add.f32 [tilespmem:s18], [sflag:$0x2], $0x40, s2, s16, $0xb8;
	[tilespmem:$0x1F800] =	vst v63  }
0x130: {  	_ =	swait.ge [sflag:s22], $0x1800  }
0x131: {  	[sflag:s22] =	ssyncset.done $0x0  }
0x132: {  	[sflag:s22] =	ssyncadd.s32 $0xFFFFE800  }
0x133: {  	_ =	swait.ge [sflag:s22], $0x1800  }
0x134: {  	[sflag:s22] =	ssyncset.done $0x0  }
0x135: {  	s2 =	sadd.s32 $0xC0, s0;
	[sflag:s22] =	ssyncadd.s32 $0xFFFFE800  }
0x136: {  	[tilespmem:s19], [sflag:$0x1] =	stream.indirect.gather [hbm4b:s4+s16], $0x40, s2, s16, $0xb8;
	[tilespmem:$0x1F800] =	vst v63  }
0x137: {  	s2 =	sadd.s32 $0x120, s0  }
0x138: {  	[tilespmem:s20], [sflag:$0x1] =	stream.indirect.gather [hbm4b:s4+s16], $0x40, s2, s16, $0xb8;
	[tilespmem:$0x1F800] =	vst v63  }
0x139: {  	_ =	swait.ge [sflag:s21], $0x1800  }
0x13a: {  	[sflag:s21] =	ssyncset.done $0x0  }
0x13b: {  	s2 =	sadd.s32 $0x54C0, s0;
	[sflag:s21] =	ssyncadd.s32 $0xFFFFE800  }
0x13c: {  	[spmem:s1] =	stream.indirect.scatter.add.f32 [tilespmem:s19], [sflag:$0x2], $0x40, s2, s16, $0xb8;
	[tilespmem:$0x1F800] =	vst v63  }
0x13d: {  	_ =	swait.ge [sflag:s21], $0x1800  }
0x13e: {  	[sflag:s21] =	ssyncset.done $0x0  }
0x13f: {  	s2 =	sadd.s32 $0x5520, s0;
	[sflag:s21] =	ssyncadd.s32 $0xFFFFE800  }
0x140: {  	[spmem:s1] =	stream.indirect.scatter.add.f32 [tilespmem:s20], [sflag:$0x2], $0x40, s2, s16, $0xb8;
	[tilespmem:$0x1F800] =	vst v63  }
0x141: {  	_ =	swait.ge [sflag:s22], $0x1800  }
0x142: {  	[sflag:s22] =	ssyncset.done $0x0  }
0x143: {  	[sflag:s22] =	ssyncadd.s32 $0xFFFFE800  }
.Ltmp10:
0x144: {  	_ =	swait.ge [sflag:s22], $0x1800;
	(pc) =	sbr.rel @p1 .LBB2_8-.Ltmp10, $4  }
0x145: {  	[sflag:s22] =	ssyncset.done $0x0  }
0x146: {  	s2 =	sadd.s32 $0x180, s0;
	[sflag:s22] =	ssyncadd.s32 $0xFFFFE800  }
0x147: {  	[tilespmem:s17], [sflag:$0x1] =	stream.indirect.gather [hbm4b:s4+s16], $0x40, s2, s16, $0xb8;
	[tilespmem:$0x1F800] =	vst v63  }
0x148: {  	s0 =	sadd.s32 $0x1E0, s0  }
.Ltmp11:
0x149: {  	_ = 	snop;
	(pc) =	sbr.rel .LBB2_9-.Ltmp11, $1  }
0x14a: {  	_ =	sdelay $0x3  }
.LBB2_17:
0x14b: {  	_ =	sfence.sel $0x180000  }
0x14c: {  	[bflag:$0x0] =	sbarrier.arrive $0xFFFF  }
0x14d: {  	_ =	strace $0x9000004D  }
0x14e: {  	s0 =	stileid.u32;
	[bflag:$0x2] =	sbarrier.arrive $0xFFFF  }
0x14f: {  	p0 =	sne.s32 s0, $0x0;
	s0 =	rddreg [dreg:$0x2]  }
0x150: {  	s0 =	sadd.s32 @!p0 $0x100000, s0  }
0x151: {  	[sflag:s0] =	ssyncadd.tile.s32 @!p0 $0x1;
	_ =	shalt  }
.Lfunc_end2:
_tile_overlayer_lowered:
.L_overlay_start_2:
0x152: {  	(tag) =	ssettag $0x2  }
0x153: {  	s0 =	rddreg [dreg:$0x0];
	s2 =	stileid.u32  }
0x154: {  	s1 =	rddreg [dreg:$0x1];
	p0 =	sne.s32 s2, $0x0  }
0x155: {  	s3 =	rddreg [dreg:$0x2];
	[bflag:$0x3] =	sbarrier.arrive $0xFFFF;
	s2 =	simm.s32 @!p0 $0x1C03  }
0x156: {  	[timem:s3], [sflag:s2] =	dma.local @!p0 [hbm:s0], s1  }
0x157: {  	s0 =	simm.s32 @!p0 $0x3  }
0x158: {  	_ =	swait.ge @!p0 [sflag:s0], s1  }
0x159: {  	s1 =	ssub.s32 @!p0 $0x0, s1;
	[sflag:s0] =	ssyncset.done @!p0 $0x0  }
0x15a: {  	[sflag:s0] =	ssyncadd.s32 @!p0 s1  }
0x15b: {  	[bflag:$0x3] =	sbarrier.arrive $0xFFFF  }
0x15c: {  	_ =	shalt  }

// kernel: kernel.19.cloned.1.call-start
scs
__scs_entry_jumppad:
0x0: {  	(pc) =	sbr.rel $0x88, $3  }
0x1: {  	(tag) =	ssettag $0x0;
	lr =	simm.s32 $0x1  }
0x2: {  	[smem:$0x3F97] =	sst lr;
	_ =	strace $0xD0000000  }
0x3: {  	_ = 	snop  }
0x4: {  	_ = 	snop  }
0x5: {  	_ = 	snop  }
0x6: {  	_ = 	snop  }
0x7: {  	_ = 	snop  }
__scs_overlays_trampoline_lowered:
0x8: {  	[smem:$0x3FA6] =	sst s0  }
0x9: {  	[smem:$0x3FA7] =	sst s1  }
0xa: {  	[smem:$0x3FA8] =	sst s2  }
0xb: {  	[smem:$0x3FA9] =	sst s3  }
0xc: {  	[smem:$0x3FAA] =	sst s4  }
0xd: {  	[smem:$0x3FAB] =	sst s5  }
0xe: {  	[smem:$0x3FAC] =	sst s6  }
0xf: {  	[smem:$0x3FAD] =	sst s7  }
0x10: {  	[smem:$0x3FAE] =	sst s8  }
0x11: {  	[smem:$0x3FAF] =	sst s9;
	s0 =	simm.s32 @!p0 $0x0  }
0x12: {  	s1 =	sld [smem:$0x3F95];
	s0 =	simm.s32 @p0 $0x1  }
0x13: {  	[smem:$0x3FB0] =	sst s0;
	s0 =	simm.s32 @!p1 $0x0  }
0x14: {  	s2 =	sld [smem:$0x3F94];
	s0 =	simm.s32 @p1 $0x1  }
0x15: {  	[smem:$0x3FB1] =	sst s0;
	s0 =	simm.s32 @!p2 $0x0  }
0x16: {  	s3 =	sld [smem:$0x3FDB];
	s0 =	simm.s32 @p2 $0x1  }
0x17: {  	s4 =	simm.s32 $0x1BF5;
	[smem:$0x3FB3] =	sst s0  }
0x18: {  	s0 =	sld [smem:$0x3F96];
	_ =	swait.ge [sflag:s4], $0x0  }
0x19: {  	s7 =	sld [smem:$0x3F97]  }
0x1a: {  	s8 =	sadd.s32 $0xFFFFE003, lr  }
0x1b: {  	s9 =	sadd.s32 $0xFFFFFEF7, lr;
	s5 =	simm.s32 $0xFFFFFFFF;
	p2 =	slt.u32 s8, $0xFFFFF086  }
0x1c: {  	p1 =	slt.u32 s9, $0xF7A;
	s5 =	simm.s32 @!p2 $0x0  }
0x1d: {  	s5 =	simm.s32 @p1 $0x1;
	p0 =	seq.s32 s7, s2  }
0x1e: {  	s7 =	smul.u32 @!p0 $0xF7A, s2;
	p2 =	seq.s32 @!p0 s5, $0x0  }
0x1f: {  	s9 =	smul.u32 $0xF7A, s1;
	s8 =	simm.s32 @!p0 $0x1BF5;
	p2 =	por !p2, p0  }
0x20: {  	[sflag:s8] =	ssyncset.s32 @!p0 $0xFFFFF086;
	s6 =	sadd.s32 @!p0 s3, s7;
	s7 =	simm.s32 @!p0 $0x108  }
0x21: {  	s3 =	sadd.s32 s3, s9;
	s6 =	sadd.s32 @!p0 $0x88, s6;
	s7 =	simm.s32 @p2 $0x1082  }
0x22: {  	[simem:s7], [sflag:s8] =	dma.local @!p0 [hbm:s6], $0xF7A  }
0x23: {  	s9 =	sor.u32 $0xD0000000, s2;
	s6 =	simm.s32 $0x108;
	_ =	swait.ge @!p0 [sflag:s8], $0x0  }
0x24: {  	s3 =	sadd.s32 $0x88, s3;
	s6 =	simm.s32 @!p1 $0x1082;
	[sflag:s4] =	ssyncset.s32 $0xFFFFF086  }
0x25: {  	[simem:s6], [sflag:s4] =	dma.local [hbm:s3], $0xF7A  }
0x26: {  	[smem:$0x3F97] =	sst s1;
	(tag) =	ssettag s2;
	_ =	strace s9  }
0x27: {  	s1 =	sld [smem:$0x3FA7]  }
0x28: {  	s2 =	sld [smem:$0x3FA8]  }
0x29: {  	s4 =	sld [smem:$0x3FAA]  }
0x2a: {  	p0 =	seq.s32 s5, $0x0;
	s5 =	sld [smem:$0x3FAB]  }
0x2b: {  	s6 =	sld [smem:$0x3FAC]  }
0x2c: {  	s7 =	sld [smem:$0x3FAD]  }
0x2d: {  	s3 =	simm.s32 $0x108;
	s8 =	sld [smem:$0x3FAE]  }
0x2e: {  	s3 =	simm.s32 @!p0 $0x1082;
	s9 =	sld [smem:$0x3FAF]  }
0x2f: {  	lr =	sadd.s32 s0, s3;
	s0 =	sld [smem:$0x3FA6]  }
0x30: {  	s3 =	sld [smem:$0x3FA9]  }
0x31: {  	[smem:$0x3FB2] =	sst s10  }
0x32: {  	s10 =	sld [smem:$0x3FB0];
	_ =	sdelay $0x3  }
0x33: {  	p0 =	seq.s32 s10, $0x1;
	s10 =	sld [smem:$0x3FB2];
	_ =	sdelay $0x3  }
0x34: {  	[smem:$0x3FB2] =	sst s10  }
0x35: {  	s10 =	sld [smem:$0x3FB1];
	_ =	sdelay $0x3  }
0x36: {  	p1 =	seq.s32 s10, $0x1;
	s10 =	sld [smem:$0x3FB2];
	_ =	sdelay $0x3  }
0x37: {  	[smem:$0x3FB2] =	sst s10  }
0x38: {  	s10 =	sld [smem:$0x3FB3]  }
0x39: {  	_ = 	snop;
	(pc) =	sbr.ind lr, $3  }
0x3a: {  	_ = 	snop  }
0x3b: {  	_ = 	snop  }
0x3c: {  	p2 =	seq.s32 s10, $0x1;
	s10 =	sld [smem:$0x3FB2]  }
0x3d: {  	_ =	shalt  }
0x3e: {  	_ =	shalt  }
0x3f: {  	_ =	shalt  }
0x40: {  	_ =	shalt  }
0x41: {  	_ =	shalt  }
0x42: {  	_ =	shalt  }
0x43: {  	_ =	shalt  }
0x44: {  	_ =	shalt  }
0x45: {  	_ =	shalt  }
0x46: {  	_ =	shalt  }
0x47: {  	_ =	shalt  }
0x48: {  	_ =	shalt  }
0x49: {  	_ =	shalt  }
0x4a: {  	_ =	shalt  }
0x4b: {  	_ =	shalt  }
0x4c: {  	_ =	shalt  }
0x4d: {  	_ =	shalt  }
0x4e: {  	_ =	shalt  }
0x4f: {  	_ =	shalt  }
0x50: {  	_ =	shalt  }
0x51: {  	_ =	shalt  }
0x52: {  	_ =	shalt  }
0x53: {  	_ =	shalt  }
0x54: {  	_ =	shalt  }
0x55: {  	_ =	shalt  }
0x56: {  	_ =	shalt  }
0x57: {  	_ =	shalt  }
0x58: {  	_ =	shalt  }
0x59: {  	_ =	shalt  }
0x5a: {  	_ =	shalt  }
0x5b: {  	_ =	shalt  }
0x5c: {  	_ =	shalt  }
0x5d: {  	_ =	shalt  }
0x5e: {  	_ =	shalt  }
0x5f: {  	_ =	shalt  }
0x60: {  	_ =	shalt  }
0x61: {  	_ =	shalt  }
0x62: {  	_ =	shalt  }
0x63: {  	_ =	shalt  }
0x64: {  	_ =	shalt  }
0x65: {  	_ =	shalt  }
0x66: {  	_ =	shalt  }
0x67: {  	_ =	shalt  }
0x68: {  	_ =	shalt  }
0x69: {  	_ =	shalt  }
0x6a: {  	_ =	shalt  }
0x6b: {  	_ =	shalt  }
0x6c: {  	_ =	shalt  }
0x6d: {  	_ =	shalt  }
0x6e: {  	_ =	shalt  }
0x6f: {  	_ =	shalt  }
0x70: {  	_ =	shalt  }
0x71: {  	_ =	shalt  }
0x72: {  	_ =	shalt  }
0x73: {  	_ =	shalt  }
0x74: {  	_ =	shalt  }
0x75: {  	_ =	shalt  }
0x76: {  	_ =	shalt  }
0x77: {  	_ =	shalt  }
0x78: {  	_ =	shalt  }
0x79: {  	_ =	shalt  }
0x7a: {  	_ =	shalt  }
0x7b: {  	_ =	shalt  }
0x7c: {  	_ =	shalt  }
0x7d: {  	_ =	shalt  }
0x7e: {  	_ =	shalt  }
0x7f: {  	_ =	shalt  }
0x80: {  	_ =	shalt  }
0x81: {  	_ =	shalt  }
0x82: {  	_ =	shalt  }
0x83: {  	_ =	shalt  }
0x84: {  	_ =	shalt  }
0x85: {  	_ =	shalt  }
0x86: {  	_ =	shalt  }
0x87: {  	_ =	shalt  }
.Lfunc_end0:
.L_simem_size_0:
called_computation.3_lowered:
.L_overlay_start_0:
0x88: {  	s2 =	sld [smem:$0x3FD9]  }
0x89: {  	s3 =	sld [smem:$0x3FFE];
	_ =	sdelay $0x1  }
0x8a: {  	s1 =	srdreg.scid  }
0x8b: {  	s0 =	sand.u32 $0x1, s1  }
0x8c: {  	s16 =	sshll.u32 s0, $0xA;
	s2 =	sadd.s32 s3, s2  }
0x8d: {  	s2 =	sadd.s32 s2, s16  }
0x8e: {  	[smem:$0x3FBE] =	sst s2  }
0x8f: {  	_ = 	snop  }
0x90: {  	(tm) =	ssettm $0x1  }
0x91: {  	s17 =	sld [smem:$0x3FFB];
	_ =	sdelay $0x3  }
0x92: {  	_ =	strace s17  }
0x93: {  	s2 =	sld [smem:$0x3FFC];
	_ =	sdelay $0x3  }
0x94: {  	_ =	strace s2  }
0x95: {  	s2 =	sld [smem:$0x3FFD];
	_ =	sdelay $0x3  }
0x96: {  	_ =	strace s2  }
0x97: {  	_ =	strace $0x8FFFFFFF  }
0x98: {  	s18 =	sld [smem:$0x3FDB];
	_ =	sdelay $0x1  }
0x99: {  	s19 =	simm.s32 $_scs_section_size  }
0x9a: {  	s4 =	simm.s32 $_size__tile_overlayer_lowered;
	s5 =	simm.s32 $_tile_overlayer_lowered  }
0x9b: {  	s22 =	simm.s32 $0x1BFF;
	s21 =	sshll.u32 s5, $0x1;
	s2 =	sadd.s32 s19, s18  }
0x9c: {  	s6 =	simm.s32 $0x0;
	s20 =	sshll.u32 s4, $0x1;
	s4 =	sadd.s32 s21, s2  }
0x9d: {  	[timem:s6], [sflag:s22] =	dma.local [hbm:s4], s20  }
0x9e: {  	_ =	swait.ge [sflag:s22], s20  }
0x9f: {  	s3 =	ssub.s32 $0x0, s20;
	[sflag:s22] =	ssyncset.done $0x0  }
0xa0: {  	[sflag:s22] =	ssyncadd.s32 s3;
	_ =	sdelay $0x1  }
0xa1: {  	s23 =	simm.s32 $0x1B8B  }
0xa2: {  	_ =	swait.ge [sflag:s23], $0x1  }
0xa3: {  	[sflag:s23] =	ssyncset.done $0x0  }
0xa4: {  	s25 =	simm.s32 $0x1B8E;
	s24 =	sld [smem:$0x3FFE];
	[sflag:s23] =	ssyncadd.s32 $0xFFFFFFFF  }
0xa5: {  	s26 =	simm.s32 $execute0_lowered;
	[smem:$0x3FD2] =	sst s25  }
0xa6: {  	s4 =	sshll.u32 s26, $0x1;
	_ =	strace $0x8000004F;
	[dreg:$0x1] =	wrdreg $0xFFFFFFFF  }
0xa7: {  	s28 =	simm.s32 $_size_execute0_lowered;
	s2 =	sadd.s32 s2, s4;
	[dreg:$0x0] =	wrdreg $0x0  }
0xa8: {  	s4 =	sshll.u32 s28, $0x1;
	[dreg:$0x2] =	wrdreg s2  }
0xa9: {  	[dreg:$0x3] =	wrdreg s4  }
0xaa: {  	[dreg:$0x4] =	wrdreg $0xC0  }
0xab: {  	_ =	task [dreg:s6], $0x5FFFF  }
0xac: {  	[dreg:$0x1] =	wrdreg $0xFFFFFFFF  }
0xad: {  	[dreg:$0x0] =	wrdreg $0x60  }
0xae: {  	[dreg:$0x2] =	wrdreg s24  }
0xaf: {  	[dreg:$0x3] =	wrdreg $0x88000  }
0xb0: {  	[dreg:$0x4] =	wrdreg $0x9  }
0xb1: {  	_ =	task.clear_ibuf [dreg:s6], $0x5FFFF;
	_ =	strace $0x9000004F  }
0xb2: {  	s29 =	simm.s32 $0x9;
	_ =	strace $0x80000051  }
0xb3: {  	_ =	swait.ge [sflag:s29], $0x1  }
0xb4: {  	[sflag:s29] =	ssyncadd.s32 $0xFFFFFFFF  }
0xb5: {  	_ =	strace $0x90000051  }
0xb6: {  	_ =	sfence  }
0xb7: {  	s30 =	sld [smem:$0x0];
	_ =	sdelay $0x2  }
0xb8: {  	s31 =	sshll.u32 s1, $0xD;
	s1 =	sshrl.u32 s1, $0x2  }
0xb9: {  	s3 =	sand.u32 $0x4000, s31;
	s1 =	sadd.s32 s1, s30  }
0xba: {  	s0 =	sor.u32 s3, s0;
	s1 =	sshll.u32 s1, $0x11  }
0xbb: {  	s0 =	sor.u32 s1, s0  }
0xbc: {  	s0 =	sadd.s32 $0x8F2B, s0  }
0xbd: {  	[sflag:s0] =	ssyncadd.remote.s32 $0x1  }
0xbe: {  	_ =	sfence.sel $0xFFFF  }
0xbf: {  	[dreg:$0x0] =	wrdreg $0xFFFFFFFF;
	(pc) =	sbr.abs _section_cstart, $3  }
0xc0: {  	[dreg:$0x1] =	wrdreg $0xFFFFFFFF  }
0xc1: {  	_ =	task.clear_ibuf [dreg:s6], $0x2FFFF;
	_ =	strace $0x9FFFFFFF  }
0xc2: {  	(tm) =	ssettm $0x7FFFFFFF  }
0xc3: {  	_ =	shalt  }
tec
execute0_lowered:
.L_overlay_start_1:
0x0: {  	(tag) =	ssettag $0x1  }
0x1: {  	s5 =	rddreg [dreg:$0x0]  }
0x2: {  	s0 =	srdreg.scid;
	s2 =	rddreg [dreg:$0x1]  }
0x3: {  	s1 =	stileid.u32;
	s3 =	simm.s32 $0x0;
	s13 =	simm.s32 $0x3  }
0x4: {  	s14 =	simm.s32 $0x2A00;
	s15 =	simm.s32 $0x80;
	s16 =	simm.s32 $0x5400  }
0x5: {  	s17 =	simm.s32 $0x5C00;
	s18 =	simm.s32 $0x6400;
	s19 =	simm.s32 $0x6C00  }
0x6: {  	s20 =	simm.s32 $0x1;
	s21 =	simm.s32 $0x2;
	s22 =	simm.s32 $0x5200  }
0x7: {  	s23 =	simm.s32 $0x5280;
	s24 =	simm.s32 $0x2900;
	s25 =	simm.s32 $0x2980  }
0x8: {  	s28 =	simm.s32 $0x5380;
	s29 =	simm.s32 $0x0;
	s6 =	sand.u32 $0x1, s0  }
0x9: {  	[smem:$0x7FF] =	sst s3;
	s9 =	smul.u32 $0x2800, s1;
	s10 =	sadd.s32 $0x21400, s5  }
0xa: {  	s4 =	sshll.u32 s6, $0x4;
	_ =	strace $0x80000050;
	s26 =	ssub.s32 $0x2, s6  }
0xb: {  	s11 =	smul.u32 $0x28000, s6;
	s4 =	sor.u32 s1, s4;
	s30 =	sshrl.u32 s26, $0x1  }
0xc: {  	s31 =	sadd.s32 $0x1400, s9;
	s7 =	smul.u32 $0x540, s4;
	s4 =	sadd.s32 $0xCC00, s5  }
0xd: {  	s12 =	ssub.s32 s26, s30;
	s6 =	sadd.s32 s31, s2;
	s26 =	simm.s32 $0x5300  }
0xe: {  	s8 =	sadd.s32 s7, s5;
	s5 =	sadd.s32 s9, s2;
	s9 =	sadd.s32 s9, s11  }
0xf: {  	s11 =	sadd.s32 s11, s31;
	s7 =	sadd.s32 $0x16C00, s8;
	s9 =	sshrl.u32 s9, $0x3  }
0x10: {  	s11 =	sshrl.u32 s11, $0x3;
	s8 =	sadd.s32 $0x2400, s8;
	s9 =	sadd.s32 s10, s9  }
0x11: {  	v0 =	vimm.f32 $0.0e+00;
	s10 =	sadd.s32 s10, s11;
	s11 =	smax.u32 s12, $0x1;
	s12 =	simm.s32 $0x7400  }
.LBB2_1:
0x12: {  	s30 =	simm.s32 $0x40;
	s31 =	simm.s32 $0x0  }
.LBB2_2:
0x13: {  	p0 =	sne.s32 s30, $0x4FC0;
	[tilespmem:s31+$0x7400] =	vst v0;
	s31 =	smov.u32 s30;
	s30 =	sadd.s32 $0x40, s30  }
.Ltmp0:
0x14: {  	(pc) =	sbr.rel @p0 .LBB2_2-.Ltmp0, $2  }
0x15: {  	_ =	sdelay $0x2  }
0x16: {  	s31 =	sshra.s32 s31, $0x2  }
0x17: {  	[tilespmem:s31+$0x7400] =	vst v0  }
0x18: {  	[spmem:s5] =	stream.linear.scatter [tilespmem:s12], [sflag:$0x3], $0x1400, $0x38;
	[tilespmem:$0xB000] =	vst v63  }
0x19: {  	_ =	swait.ge [sflag:s13], $0x1400  }
0x1a: {  	[sflag:s13] =	ssyncset.done $0x0  }
0x1b: {  	[sflag:s13] =	ssyncadd.s32 $0xFFFFEC00  }
0x1c: {  	[spmem:s6] =	stream.linear.scatter [tilespmem:s12], [sflag:$0x3], $0x1400, $0x38;
	[tilespmem:$0xB000] =	vst v63  }
0x1d: {  	_ =	swait.ge [sflag:s13], $0x1400  }
0x1e: {  	[sflag:s13] =	ssyncset.done $0x0  }
0x1f: {  	s30 =	simm.s32 $0x0;
	[sflag:s13] =	ssyncadd.s32 $0xFFFFEC00  }
0x20: {  	[tilespmem:s30], [sflag:$0x3] =	stream.linear.gather [hbm4b:s7+s30], $0x2A00, $0x38;
	[tilespmem:$0xB000] =	vst v63  }
0x21: {  	_ =	swait.ge [sflag:s13], $0x2A00  }
0x22: {  	[sflag:s13] =	ssyncset.done $0x0  }
0x23: {  	[sflag:s13] =	ssyncadd.s32 $0xFFFFD600  }
0x24: {  	[tilespmem:s14], [sflag:$0x3] =	stream.linear.gather [hbm4b:s8+s30], $0x2A00, $0x38;
	[tilespmem:$0xB000] =	vst v63  }
0x25: {  	_ =	swait.ge [sflag:s13], $0x2A00  }
0x26: {  	[sflag:s13] =	ssyncset.done $0x0  }
0x27: {  	[sflag:s13] =	ssyncadd.s32 $0xFFFFD600  }
0x28: {  	s31 =	simm.s32 $0x0;
	s30 =	simm.s32 $0x40;
	[bflag:$0x0] =	sbarrier.arrive $0xFFFF  }
.LBB2_4:
0x29: {  	p0 =	sne.s32 s30, $0x1FC0;
	[tilespmem:s31+$0x6400] =	vst v0;
	s31 =	smov.u32 s30;
	s30 =	sadd.s32 $0x40, s30  }
.Ltmp1:
0x2a: {  	(pc) =	sbr.rel @p0 .LBB2_4-.Ltmp1, $2  }
0x2b: {  	_ =	sdelay $0x2  }
0x2c: {  	s31 =	sshra.s32 s31, $0x2  }
0x2d: {  	[tilespmem:s31+$0x6400] =	vst v0;
	s30 =	simm.s32 $0x40;
	s31 =	simm.s32 $0x0  }
.LBB2_6:
0x2e: {  	p0 =	sne.s32 s30, $0x1FC0;
	[tilespmem:s31+$0x6C00] =	vst v0;
	s31 =	smov.u32 s30;
	s30 =	sadd.s32 $0x40, s30  }
.Ltmp2:
0x2f: {  	(pc) =	sbr.rel @p0 .LBB2_6-.Ltmp2, $2  }
0x30: {  	_ =	sdelay $0x2  }
0x31: {  	s31 =	sshra.s32 s31, $0x2  }
0x32: {  	[tilespmem:s31+$0x6C00] =	vst v0;
	s30 =	simm.s32 $0x0  }
0x33: {  	[tilespmem:s16], [sflag:$0x1] =	stream.indirect.gather [hbm4b:s4+s15], $0x10, s30, s15, $0xb8;
	[tilespmem:$0xB000] =	vst v63  }
0x34: {  	_ = 	snop  }
0x35: {  	[tilespmem:s17], [sflag:$0x1] =	stream.indirect.gather [hbm4b:s4+s15], $0x10, s15, s15, $0xb8;
	[tilespmem:$0xB000] =	vst v63  }
0x36: {  	_ = 	snop  }
0x37: {  	[spmem:s2] =	stream.indirect.scatter.add.f32 [tilespmem:s18], [sflag:$0x2], $0x10, s14, s15, $0xb8;
	[tilespmem:$0xB000] =	vst v63  }
0x38: {  	_ = 	snop  }
0x39: {  	[spmem:s2] =	stream.indirect.scatter.add.f32 [tilespmem:s19], [sflag:$0x2], $0x10, s14, s15, $0xb8;
	[tilespmem:$0xB000] =	vst v63  }
0x3a: {  	_ =	swait.ge [sflag:s20], $0x800  }
0x3b: {  	[sflag:s20] =	ssyncset.done $0x0  }
0x3c: {  	s30 =	simm.s32 $0x2A00;
	[sflag:s20] =	ssyncadd.s32 $0xFFFFF800  }
0x3d: {  	[spmem:s2] =	stream.indirect.scatter.add.f32 [tilespmem:s16], [sflag:$0x2], $0x10, s30, s15, $0xb8;
	[tilespmem:$0xB000] =	vst v63  }
0x3e: {  	_ =	swait.ge [sflag:s20], $0x800  }
0x3f: {  	[sflag:s20] =	ssyncset.done $0x0  }
0x40: {  	s30 =	simm.s32 $0x2A80;
	[sflag:s20] =	ssyncadd.s32 $0xFFFFF800  }
0x41: {  	[spmem:s2] =	stream.indirect.scatter.add.f32 [tilespmem:s17], [sflag:$0x2], $0x10, s30, s15, $0xb8;
	[tilespmem:$0xB000] =	vst v63  }
0x42: {  	_ =	swait.ge [sflag:s21], $0x800  }
0x43: {  	[sflag:s21] =	ssyncset.done $0x0  }
0x44: {  	[sflag:s21] =	ssyncadd.s32 $0xFFFFF800  }
0x45: {  	_ =	swait.ge [sflag:s21], $0x800  }
0x46: {  	[sflag:s21] =	ssyncset.done $0x0  }
0x47: {  	s30 =	simm.s32 $0x100;
	[sflag:s21] =	ssyncadd.s32 $0xFFFFF800  }
0x48: {  	[tilespmem:s18], [sflag:$0x1] =	stream.indirect.gather [hbm4b:s4+s15], $0x10, s30, s15, $0xb8;
	[tilespmem:$0xB000] =	vst v63  }
0x49: {  	s30 =	simm.s32 $0x180  }
0x4a: {  	[tilespmem:s19], [sflag:$0x1] =	stream.indirect.gather [hbm4b:s4+s15], $0x10, s30, s15, $0xb8;
	[tilespmem:$0xB000] =	vst v63  }
0x4b: {  	_ =	swait.ge [sflag:s20], $0x800  }
0x4c: {  	[sflag:s20] =	ssyncset.done $0x0  }
0x4d: {  	s30 =	simm.s32 $0x2B00;
	[sflag:s20] =	ssyncadd.s32 $0xFFFFF800  }
0x4e: {  	[spmem:s2] =	stream.indirect.scatter.add.f32 [tilespmem:s18], [sflag:$0x2], $0x10, s30, s15, $0xb8;
	[tilespmem:$0xB000] =	vst v63  }
0x4f: {  	_ =	swait.ge [sflag:s20], $0x800  }
0x50: {  	[sflag:s20] =	ssyncset.done $0x0  }
0x51: {  	s30 =	simm.s32 $0x2B80;
	[sflag:s20] =	ssyncadd.s32 $0xFFFFF800  }
0x52: {  	[spmem:s2] =	stream.indirect.scatter.add.f32 [tilespmem:s19], [sflag:$0x2], $0x10, s30, s15, $0xb8;
	[tilespmem:$0xB000] =	vst v63  }
0x53: {  	_ =	swait.ge [sflag:s21], $0x800  }
0x54: {  	[sflag:s21] =	ssyncset.done $0x0  }
0x55: {  	[sflag:s21] =	ssyncadd.s32 $0xFFFFF800  }
0x56: {  	_ =	swait.ge [sflag:s21], $0x800  }
0x57: {  	[sflag:s21] =	ssyncset.done $0x0  }
0x58: {  	s30 =	simm.s32 $0x200;
	[sflag:s21] =	ssyncadd.s32 $0xFFFFF800  }
0x59: {  	[tilespmem:s16], [sflag:$0x1] =	stream.indirect.gather [hbm4b:s4+s15], $0x10, s30, s15, $0xb8;
	[tilespmem:$0xB000] =	vst v63  }
0x5a: {  	s31 =	simm.s32 $0x280;
	s30 =	simm.s32 $0x800  }
.LBB2_8:
0x5b: {  	[tilespmem:s17], [sflag:$0x1] =	stream.indirect.gather [hbm4b:s4+s15], $0x10, s31, s15, $0xb8;
	[tilespmem:$0xB000] =	vst v63  }
0x5c: {  	s31 =	smov.u32 s30  }
0x5d: {  	p0 =	sne.s32 s30, $0x9800;
	s30 =	sadd.s32 $0x800, s30;
	_ =	swait.ge [sflag:s20], $0x800  }
0x5e: {  	s31 =	sshra.s32 s31, $0x2;
	[sflag:s20] =	ssyncset.done $0x0  }
0x5f: {  	s0 =	sadd.s32 $0x2A00, s31;
	[sflag:s20] =	ssyncadd.s32 $0xFFFFF800  }
0x60: {  	[spmem:s2] =	stream.indirect.scatter.add.f32 [tilespmem:s16], [sflag:$0x2], $0x10, s0, s15, $0xb8;
	[tilespmem:$0xB000] =	vst v63  }
0x61: {  	_ =	swait.ge [sflag:s20], $0x800  }
0x62: {  	[sflag:s20] =	ssyncset.done $0x0  }
0x63: {  	s0 =	sadd.s32 $0x2A80, s31;
	[sflag:s20] =	ssyncadd.s32 $0xFFFFF800  }
0x64: {  	[spmem:s2] =	stream.indirect.scatter.add.f32 [tilespmem:s17], [sflag:$0x2], $0x10, s0, s15, $0xb8;
	[tilespmem:$0xB000] =	vst v63  }
0x65: {  	_ =	swait.ge [sflag:s21], $0x800  }
0x66: {  	[sflag:s21] =	ssyncset.done $0x0  }
0x67: {  	[sflag:s21] =	ssyncadd.s32 $0xFFFFF800  }
0x68: {  	_ =	swait.ge [sflag:s21], $0x800  }
0x69: {  	[sflag:s21] =	ssyncset.done $0x0  }
0x6a: {  	s0 =	sadd.s32 $0x100, s31;
	[sflag:s21] =	ssyncadd.s32 $0xFFFFF800  }
0x6b: {  	[tilespmem:s18], [sflag:$0x1] =	stream.indirect.gather [hbm4b:s4+s15], $0x10, s0, s15, $0xb8;
	[tilespmem:$0xB000] =	vst v63  }
0x6c: {  	s0 =	sadd.s32 $0x180, s31  }
0x6d: {  	[tilespmem:s19], [sflag:$0x1] =	stream.indirect.gather [hbm4b:s4+s15], $0x10, s0, s15, $0xb8;
	[tilespmem:$0xB000] =	vst v63  }
0x6e: {  	_ =	swait.ge [sflag:s20], $0x800  }
0x6f: {  	[sflag:s20] =	ssyncset.done $0x0  }
0x70: {  	s0 =	sadd.s32 $0x2B00, s31;
	[sflag:s20] =	ssyncadd.s32 $0xFFFFF800  }
0x71: {  	[spmem:s2] =	stream.indirect.scatter.add.f32 [tilespmem:s18], [sflag:$0x2], $0x10, s0, s15, $0xb8;
	[tilespmem:$0xB000] =	vst v63  }
0x72: {  	_ =	swait.ge [sflag:s20], $0x800  }
0x73: {  	[sflag:s20] =	ssyncset.done $0x0  }
0x74: {  	s0 =	sadd.s32 $0x2B80, s31;
	[sflag:s20] =	ssyncadd.s32 $0xFFFFF800  }
0x75: {  	[spmem:s2] =	stream.indirect.scatter.add.f32 [tilespmem:s19], [sflag:$0x2], $0x10, s0, s15, $0xb8;
	[tilespmem:$0xB000] =	vst v63  }
0x76: {  	_ =	swait.ge [sflag:s21], $0x800  }
0x77: {  	[sflag:s21] =	ssyncset.done $0x0  }
0x78: {  	[sflag:s21] =	ssyncadd.s32 $0xFFFFF800  }
.Ltmp3:
0x79: {  	_ =	swait.ge [sflag:s21], $0x800;
	(pc) =	sbr.rel @p0 .LBB2_8-.Ltmp3, $4  }
0x7a: {  	[sflag:s21] =	ssyncset.done $0x0  }
0x7b: {  	s0 =	sadd.s32 $0x200, s31;
	[sflag:s21] =	ssyncadd.s32 $0xFFFFF800  }
0x7c: {  	[tilespmem:s16], [sflag:$0x1] =	stream.indirect.gather [hbm4b:s4+s15], $0x10, s0, s15, $0xb8;
	[tilespmem:$0xB000] =	vst v63  }
0x7d: {  	s31 =	sadd.s32 $0x280, s31  }
0x7e: {  	[tilespmem:s17], [sflag:$0x1] =	stream.indirect.gather [hbm4b:s4+s15], $0x10, s31, s15, $0xb8;
	[tilespmem:$0xB000] =	vst v63  }
0x7f: {  	_ =	swait.ge [sflag:s20], $0x800  }
0x80: {  	[sflag:s20] =	ssyncset.done $0x0  }
0x81: {  	[sflag:s20] =	ssyncadd.s32 $0xFFFFF800  }
0x82: {  	[spmem:s2] =	stream.indirect.scatter.add.f32 [tilespmem:s16], [sflag:$0x2], $0x10, s22, s15, $0xb8;
	[tilespmem:$0xB000] =	vst v63  }
0x83: {  	_ =	swait.ge [sflag:s20], $0x800  }
0x84: {  	[sflag:s20] =	ssyncset.done $0x0  }
0x85: {  	[sflag:s20] =	ssyncadd.s32 $0xFFFFF800  }
0x86: {  	[spmem:s2] =	stream.indirect.scatter.add.f32 [tilespmem:s17], [sflag:$0x2], $0x10, s23, s15, $0xb8;
	[tilespmem:$0xB000] =	vst v63  }
0x87: {  	_ =	swait.ge [sflag:s21], $0x800  }
0x88: {  	[sflag:s21] =	ssyncset.done $0x0  }
0x89: {  	[sflag:s21] =	ssyncadd.s32 $0xFFFFF800  }
0x8a: {  	_ =	swait.ge [sflag:s21], $0x800  }
0x8b: {  	[sflag:s21] =	ssyncset.done $0x0  }
0x8c: {  	[sflag:s21] =	ssyncadd.s32 $0xFFFFF800  }
0x8d: {  	[tilespmem:s18], [sflag:$0x1] =	stream.indirect.gather [hbm4b:s4+s15], $0x10, s24, s15, $0xb8;
	[tilespmem:$0xB000] =	vst v63  }
0x8e: {  	_ = 	snop  }
0x8f: {  	[tilespmem:s19], [sflag:$0x1] =	stream.indirect.gather [hbm4b:s4+s15], $0x10, s25, s15, $0xb8;
	[tilespmem:$0xB000] =	vst v63  }
0x90: {  	_ =	swait.ge [sflag:s20], $0x800  }
0x91: {  	[sflag:s20] =	ssyncset.done $0x0  }
0x92: {  	[sflag:s20] =	ssyncadd.s32 $0xFFFFF800  }
0x93: {  	[spmem:s2] =	stream.indirect.scatter.add.f32 [tilespmem:s18], [sflag:$0x2], $0x10, s26, s15, $0xb8;
	[tilespmem:$0xB000] =	vst v63  }
0x94: {  	_ =	swait.ge [sflag:s20], $0x800  }
0x95: {  	[sflag:s20] =	ssyncset.done $0x0  }
0x96: {  	[sflag:s20] =	ssyncadd.s32 $0xFFFFF800  }
0x97: {  	[spmem:s2] =	stream.indirect.scatter.add.f32 [tilespmem:s19], [sflag:$0x2], $0x10, s28, s15, $0xb8;
	[tilespmem:$0xB000] =	vst v63  }
0x98: {  	_ =	swait.ge [sflag:s21], $0x800  }
0x99: {  	[sflag:s21] =	ssyncset.done $0x0  }
0x9a: {  	[sflag:s21] =	ssyncadd.s32 $0xFFFFF800  }
0x9b: {  	_ =	swait.ge [sflag:s21], $0x800  }
0x9c: {  	[sflag:s21] =	ssyncset.done $0x0  }
0x9d: {  	[sflag:s21] =	ssyncadd.s32 $0xFFFFF800  }
0x9e: {  	[tilespmem:s16], [sflag:$0x1] =	stream.indirect.gather [hbm4b:s4+s15], $0x10, s25, s15, $0xb8;
	[tilespmem:$0xB000] =	vst v63  }
0x9f: {  	_ = 	snop  }
0xa0: {  	[tilespmem:s17], [sflag:$0x1] =	stream.indirect.gather [hbm4b:s4+s15], $0x10, s25, s15, $0xb8;
	[tilespmem:$0xB000] =	vst v63  }
0xa1: {  	_ =	swait.ge [sflag:s20], $0x800  }
0xa2: {  	[sflag:s20] =	ssyncset.done $0x0  }
0xa3: {  	[sflag:s20] =	ssyncadd.s32 $0xFFFFF800  }
0xa4: {  	_ =	swait.ge [sflag:s21], $0x800  }
0xa5: {  	[sflag:s21] =	ssyncset.done $0x0  }
0xa6: {  	[sflag:s21] =	ssyncadd.s32 $0xFFFFF800  }
0xa7: {  	_ =	swait.ge [sflag:s20], $0x800  }
0xa8: {  	[sflag:s20] =	ssyncset.done $0x0  }
0xa9: {  	[sflag:s20] =	ssyncadd.s32 $0xFFFFF800  }
0xaa: {  	_ =	swait.ge [sflag:s21], $0x800  }
0xab: {  	[sflag:s21] =	ssyncset.done $0x0  }
0xac: {  	[sflag:s21] =	ssyncadd.s32 $0xFFFFF800  }
0xad: {  	[bflag:$0x0] =	sbarrier.arrive $0xFFFF  }
0xae: {  	[tilespmem:s12], [sflag:$0x3] =	stream.linear.gather [spmem:s5], $0x1400, $0x38;
	[tilespmem:$0xB000] =	vst v63  }
0xaf: {  	_ =	swait.ge [sflag:s13], $0x1400  }
0xb0: {  	[sflag:s13] =	ssyncset.done $0x0  }
0xb1: {  	[sflag:s13] =	ssyncadd.s32 $0xFFFFEC00  }
0xb2: {  	[hbm4b:s9+s3] =	stream.linear.scatter [tilespmem:s12], [sflag:$0x3], $0x1400, $0x38;
	[tilespmem:$0xB000] =	vst v63  }
0xb3: {  	_ =	swait.ge [sflag:s13], $0x1400  }
0xb4: {  	[sflag:s13] =	ssyncset.done $0x0  }
0xb5: {  	[sflag:s13] =	ssyncadd.s32 $0xFFFFEC00  }
0xb6: {  	[tilespmem:s12], [sflag:$0x3] =	stream.linear.gather [spmem:s6], $0x1400, $0x38;
	[tilespmem:$0xB000] =	vst v63  }
0xb7: {  	s29 =	sadd.s32 $0x1, s29;
	_ =	swait.ge [sflag:s13], $0x1400  }
0xb8: {  	p0 =	sne.s32 s29, s11;
	[sflag:s13] =	ssyncset.done $0x0  }
.Ltmp4:
0xb9: {  	[sflag:s13] =	ssyncadd.s32 $0xFFFFEC00;
	(pc) =	sbr.rel @p0 .LBB2_1-.Ltmp4, $4  }
0xba: {  	[hbm4b:s10+s3] =	stream.linear.scatter [tilespmem:s12], [sflag:$0x3], $0x1400, $0x38;
	[tilespmem:$0xB000] =	vst v63  }
0xbb: {  	_ =	swait.ge [sflag:s13], $0x1400  }
0xbc: {  	[sflag:s13] =	ssyncset.done $0x0  }
0xbd: {  	[sflag:s13] =	ssyncadd.s32 $0xFFFFEC00  }
0xbe: {  	_ =	sfence.sel $0x180000  }
0xbf: {  	[bflag:$0x0] =	sbarrier.arrive $0xFFFF  }
0xc0: {  	_ =	strace $0x90000050  }
0xc1: {  	[bflag:$0x2] =	sbarrier.arrive $0xFFFF  }
0xc2: {  	p0 =	sne.s32 s1, $0x0;
	s0 =	rddreg [dreg:$0x2]  }
0xc3: {  	s0 =	sadd.s32 @!p0 $0x100000, s0  }
0xc4: {  	[sflag:s0] =	ssyncadd.tile.s32 @!p0 $0x1;
	_ =	shalt  }
.Lfunc_end2:
_tile_overlayer_lowered:
.L_overlay_start_2:
0xc5: {  	(tag) =	ssettag $0x2  }
0xc6: {  	s0 =	rddreg [dreg:$0x0];
	s2 =	stileid.u32  }
0xc7: {  	s1 =	rddreg [dreg:$0x1];
	p0 =	sne.s32 s2, $0x0  }
0xc8: {  	s3 =	rddreg [dreg:$0x2];
	[bflag:$0x3] =	sbarrier.arrive $0xFFFF;
	s2 =	simm.s32 @!p0 $0x1C03  }
0xc9: {  	[timem:s3], [sflag:s2] =	dma.local @!p0 [hbm:s0], s1  }
0xca: {  	s0 =	simm.s32 @!p0 $0x3  }
0xcb: {  	_ =	swait.ge @!p0 [sflag:s0], s1  }
0xcc: {  	s1 =	ssub.s32 @!p0 $0x0, s1;
	[sflag:s0] =	ssyncset.done @!p0 $0x0  }
0xcd: {  	[sflag:s0] =	ssyncadd.s32 @!p0 s1  }
0xce: {  	[bflag:$0x3] =	sbarrier.arrive $0xFFFF  }
0xcf: {  	_ =	shalt  }

</sc_bundles>
